<compile_context>
chip_gen: v7x
topology: tpu7x:2x2x1
jax: 0.10.2.dev20260603
libtpu: 0.0.44.dev20260713+nightly
codegen_flags: <defaults>
</compile_context>

<pallas_src>
import functools

import jax
import jax.numpy as jnp
from jax import lax
from jax.experimental import pallas as pl
from jax.experimental.pallas import tpu as pltpu
from jax.experimental.pallas import tpu_sc as plsc

_TOTAL = 16384
_D = 512
_NB = 16
_BLK = 4096
_NW = 16
_CHUNK = _TOTAL // _NW
_NV = _CHUNK // 16


def _tc_body(x_ref, w_ref, benc_ref, waggt_ref, r_ref):
    h = jnp.maximum(
        jnp.dot(x_ref[...], w_ref[...], preferred_element_type=jnp.float32)
        + benc_ref[...], 0.0)
    r_ref[...] = jnp.sum(h * waggt_ref[...], axis=1, keepdims=True)


def _sc_body(r_hbm, starts_hbm, ends_hbm, bagg_hbm, out_hbm,
             r_v, st_v, en_v, bg_v, acc_v, all_v, out_v, shared, sem):
    wid = lax.axis_index("s")
    base = wid * _CHUNK
    pltpu.sync_copy(r_hbm.at[pl.ds(base, _CHUNK)], r_v)
    pltpu.sync_copy(starts_hbm, st_v)
    pltpu.sync_copy(ends_hbm, en_v)

    lane = lax.iota(jnp.int32, 16)
    starts_vec = st_v[...]
    ends_vec = en_v[...]
    out = jnp.zeros((16,), jnp.float32)
    for b in range(_NB):
        sb = starts_vec[b]
        eb = ends_vec[b]
        lo_r = jnp.clip(sb - base, 0, _CHUNK)
        hi_r = jnp.clip(eb - base, 0, _CHUNK)
        lo_v = lo_r // 16
        hi_v = jnp.maximum((hi_r + 15) // 16, lo_v)

        def body(v, a, sb=sb, eb=eb):
            rv = r_v[pl.ds(v * 16, 16)]
            g = base + v * 16 + lane
            return a + jnp.where((g >= sb) & (g < eb), rv, 0.0)

        acc_b = lax.fori_loop(lo_v, hi_v, body,
                              jnp.zeros((16,), jnp.float32))
        tot_b = acc_b[0]
        for l in range(1, 16):
            tot_b = tot_b + acc_b[l]
        out = jnp.where(lane == b, tot_b, out)
    acc_v[...] = out

    pltpu.sync_copy(acc_v, shared.at[pl.ds(wid * 16, 16)])
    plsc.subcore_barrier()

    @pl.when(wid == 0)
    def _fin():
        pltpu.sync_copy(shared, all_v)
        pltpu.sync_copy(bagg_hbm, bg_v)
        tot = jnp.zeros((16,), jnp.float32)
        for w in range(_NW):
            tot = tot + all_v[pl.ds(w * 16, 16)]
        counts = jnp.maximum((en_v[...] - st_v[...]).astype(jnp.float32), 1.0)
        out_v[...] = tot / counts + bg_v[...]
        pltpu.sync_copy(out_v, out_hbm)


def kernel(x, bag_sizes, W_enc, b_enc, W_agg, b_agg):
    starts = bag_sizes[:_NB]
    ends = bag_sizes[1:]
    waggt = W_agg.reshape(1, _D)
    benc = b_enc.reshape(1, _D)
    bagg16 = jnp.broadcast_to(b_agg, (_NB,))

    grid = _TOTAL // _BLK
    r = pl.pallas_call(
        _tc_body,
        grid=(grid,),
        in_specs=[
            pl.BlockSpec((_BLK, _D), lambda i: (i, 0)),
            pl.BlockSpec((_D, _D), lambda i: (0, 0)),
            pl.BlockSpec((1, _D), lambda i: (0, 0)),
            pl.BlockSpec((1, _D), lambda i: (0, 0)),
        ],
        out_specs=pl.BlockSpec((_BLK, 1), lambda i: (i, 0)),
        out_shape=jax.ShapeDtypeStruct((_TOTAL, 1), jnp.float32),
        compiler_params=pltpu.CompilerParams(
            dimension_semantics=("arbitrary",)),
    )(x, W_enc, benc, waggt)

    mesh = plsc.VectorSubcoreMesh(core_axis_name="c", subcore_axis_name="s",
                                  num_cores=1)
    f = pl.kernel(
        _sc_body,
        out_type=jax.ShapeDtypeStruct((_NB,), jnp.float32),
        mesh=mesh,
        scratch_types=[
            pltpu.VMEM((_CHUNK,), jnp.float32),
            pltpu.VMEM((16,), jnp.int32),
            pltpu.VMEM((16,), jnp.int32),
            pltpu.VMEM((16,), jnp.float32),
            pltpu.VMEM((16,), jnp.float32),
            pltpu.VMEM((_NW * 16,), jnp.float32),
            pltpu.VMEM((16,), jnp.float32),
            pltpu.VMEM_SHARED((_NW * 16,), jnp.float32),
            pltpu.SemaphoreType.DMA,
        ],
    )
    out = f(r.reshape(_TOTAL), starts, ends, bagg16)
    return out.reshape(_NB, 1)

# --- scband reference (transcript-rebuilt; emitter-appended) ---
"""Pipeline reference for scband-embedding-bag-model-32212254720241 (READ-ONLY COPY).

The authoritative reference and input builder live on the scoring server;
editing this copy changes nothing except your own understanding.
"""

import jax, jax.numpy as jnp
import numpy as np

B = 16
TOTAL = 16384
D_IN = 512
D_HID = 512
NUM_CLASSES = 1


def setup_inputs(seed: int = 0):
    key = jax.random.key(seed)
    k1, k2, k3, k4 = jax.random.split(key, 4)
    x = jax.random.normal(k1, (TOTAL, D_IN), dtype=jnp.float32)
    interior = jnp.sort(jax.random.randint(k2, (B - 1,), 0, TOTAL, dtype=jnp.int32))
    bag_sizes = jnp.concatenate([jnp.array([0], dtype=jnp.int32), interior, jnp.array([TOTAL], dtype=jnp.int32)])
    W_enc = jax.random.normal(k3, (D_IN, D_HID), dtype=jnp.float32) * 0.02
    b_enc = jnp.zeros((D_HID,), dtype=jnp.float32)
    W_agg = jax.random.normal(k4, (D_HID, NUM_CLASSES), dtype=jnp.float32) * 0.02
    b_agg = jnp.zeros((NUM_CLASSES,), dtype=jnp.float32)
    return {"x": x, "bag_sizes": bag_sizes, "W_enc": W_enc, "b_enc": b_enc, "W_agg": W_agg, "b_agg": b_agg}


def reference(x, bag_sizes, W_enc, b_enc, W_agg, b_agg):
    # encoder: per-instance Linear + ReLU
    h = jax.nn.relu(x @ W_enc + b_enc)
    # h.view(h.size(0), -1, h.size(1)) -> (N, 1, d_hid)
    h = h.reshape(h.shape[0], -1, h.shape[1])
    inst = h.reshape(h.shape[0], -1)  # (N, d_hid)
    num_bags = int(bag_sizes.shape[0]) - 1
    # bag_sizes are cumulative offsets; per-bag slice h[start:end] == segment reduce
    counts = bag_sizes[1:] - bag_sizes[:-1]
    seg_ids = jnp.searchsorted(bag_sizes[1:], jnp.arange(inst.shape[0], dtype=jnp.int32), side="right").astype(jnp.int32)
    sums = jax.ops.segment_sum(inst, seg_ids, num_segments=num_bags)
    counts_f = jnp.maximum(counts.astype(jnp.float32), 1.0)
    means = sums / counts_f[:, None]
    # aggregator: mean-pool over bag + Linear(d_hid -> num_classes)
    logits = means @ W_agg + b_agg
    return logits

if __name__ == "__main__":
    import jax
    _d = setup_inputs()
    print(jax.jit(kernel)(*tuple(_d.values())))

</pallas_src>

<mosaic_0001>
#map = affine_map<(d0, d1) -> (0)>
module attributes {stable_mosaic.version = 14 : i64} {
  func.func @_sc_body(%arg0: i32, %arg1: i32, %arg2: memref<16384xf32, #tpu.memory_space<hbm>>, %arg3: memref<16xi32, #tpu.memory_space<hbm>>, %arg4: memref<16xi32, #tpu.memory_space<hbm>>, %arg5: memref<16xf32, #tpu.memory_space<hbm>>, %arg6: memref<16xf32, #tpu.memory_space<hbm>>, %arg7: memref<1024xf32, #tpu.memory_space<vmem>>, %arg8: memref<16xi32, #tpu.memory_space<vmem>>, %arg9: memref<16xi32, #tpu.memory_space<vmem>>, %arg10: memref<16xf32, #tpu.memory_space<vmem>>, %arg11: memref<16xf32, #tpu.memory_space<vmem>>, %arg12: memref<256xf32, #tpu.memory_space<vmem>>, %arg13: memref<16xf32, #tpu.memory_space<vmem>>, %arg14: memref<256xf32, #tpu.memory_space<vmem_shared>>, %arg15: memref<!tpu.dma_semaphore, #tpu.memory_space<semaphore_mem>>) attributes {dimension_semantics = [#tpu.dimension_semantics<core_parallel>, #tpu.dimension_semantics<subcore_parallel>], iteration_bounds = array<i64: 1, 16>, scalar_prefetch = 0 : i64, scratch_operands = 9 : i64, tpu.core_type = #tpu.core_type<sc_vector_subcore>, window_params = [{transform_indices = #map}, {transform_indices = #map}, {transform_indices = #map}, {transform_indices = #map}, {transform_indices = #map}]} {
    %mul3A = arith.constant 1024 : i32
    %mul3A_0 = arith.muli %arg1, %mul3A : i32
    "tpu.region"() ({
      %run_scoped3A = tpu.sem_alloc : memref<!tpu.dma_semaphore, #tpu.memory_space<semaphore_mem>>
      %dma_start3A = tpu.memref_slice %arg2[%mul3A_0] : memref<16384xf32, #tpu.memory_space<hbm>> -> memref<1024xf32, #tpu.memory_space<hbm>>
      %dma_start3A_2064 = tpu.memref_slice %arg2[%mul3A_0] : memref<16384xf32, #tpu.memory_space<hbm>> -> memref<1024xf32, #tpu.memory_space<hbm>>
      tpu.enqueue_dma source(%dma_start3A_2064 : memref<1024xf32, #tpu.memory_space<hbm>>) target(%arg7 : memref<1024xf32, #tpu.memory_space<vmem>>) target_semaphore(%run_scoped3A : memref<!tpu.dma_semaphore, #tpu.memory_space<semaphore_mem>>)
      %dma_wait3A = tpu.memref_slice %arg2[%mul3A_0] : memref<16384xf32, #tpu.memory_space<hbm>> -> memref<1024xf32, #tpu.memory_space<hbm>>
      %dma_wait3A_2065 = tpu.memref_slice %arg2[%mul3A_0] : memref<16384xf32, #tpu.memory_space<hbm>> -> memref<1024xf32, #tpu.memory_space<hbm>>
      tpu.wait_dma2 semaphore(%run_scoped3A : memref<!tpu.dma_semaphore, #tpu.memory_space<semaphore_mem>>) src(%dma_wait3A_2065 : memref<1024xf32, #tpu.memory_space<hbm>>) dst(%arg7 : memref<1024xf32, #tpu.memory_space<vmem>>)
      tpu.yield
    }) : () -> ()
    "tpu.region"() ({
      %run_scoped3A = tpu.sem_alloc : memref<!tpu.dma_semaphore, #tpu.memory_space<semaphore_mem>>
      tpu.enqueue_dma source(%arg3 : memref<16xi32, #tpu.memory_space<hbm>>) target(%arg8 : memref<16xi32, #tpu.memory_space<vmem>>) target_semaphore(%run_scoped3A : memref<!tpu.dma_semaphore, #tpu.memory_space<semaphore_mem>>)
      tpu.wait_dma2 semaphore(%run_scoped3A : memref<!tpu.dma_semaphore, #tpu.memory_space<semaphore_mem>>) src(%arg3 : memref<16xi32, #tpu.memory_space<hbm>>) dst(%arg8 : memref<16xi32, #tpu.memory_space<vmem>>)
      tpu.yield
    }) : () -> ()
    "tpu.region"() ({
      %run_scoped3A = tpu.sem_alloc : memref<!tpu.dma_semaphore, #tpu.memory_space<semaphore_mem>>
      tpu.enqueue_dma source(%arg4 : memref<16xi32, #tpu.memory_space<hbm>>) target(%arg9 : memref<16xi32, #tpu.memory_space<vmem>>) target_semaphore(%run_scoped3A : memref<!tpu.dma_semaphore, #tpu.memory_space<semaphore_mem>>)
      tpu.wait_dma2 semaphore(%run_scoped3A : memref<!tpu.dma_semaphore, #tpu.memory_space<semaphore_mem>>) src(%arg4 : memref<16xi32, #tpu.memory_space<hbm>>) dst(%arg9 : memref<16xi32, #tpu.memory_space<vmem>>)
      tpu.yield
    }) : () -> ()
    %iota3A = tpu.iota {dimensions = array<i32: 0>} : vector<16xi32>
    %get3A = arith.constant 0 : index
    %get3A_1 = tpu.vector_load %arg8[%get3A] {strides = array<i32>} : memref<16xi32, #tpu.memory_space<vmem>>, vector<16xi32>,
    %get3A_2 = vector.shape_cast %get3A_1 : vector<16xi32> to vector<16xi32>
    %get3A_3 = arith.constant 0 : index
    %get3A_4 = tpu.vector_load %arg9[%get3A_3] {strides = array<i32>} : memref<16xi32, #tpu.memory_space<vmem>>, vector<16xi32>,
    %get3A_5 = vector.shape_cast %get3A_4 : vector<16xi32> to vector<16xi32>
    %broadcast_in_dim3A = arith.constant 0.000000e+00 : f32
    %broadcast_in_dim3A_6 = vector.broadcast %broadcast_in_dim3A : f32 to vector<16xf32>
    %slice3A = vector.extract_strided_slice %get3A_2 {offsets = [0], sizes = [1], strides = [1]} : vector<16xi32> to vector<1xi32>
    %squeeze3A = vector.extract %slice3A[0] : i32 from vector<1xi32>
    %slice3A_7 = vector.extract_strided_slice %get3A_5 {offsets = [0], sizes = [1], strides = [1]} : vector<16xi32> to vector<1xi32>
    %squeeze3A_8 = vector.extract %slice3A_7[0] : i32 from vector<1xi32>
    %sub3A = arith.subi %squeeze3A, %mul3A_0 : i32
    %jit3A = arith.constant 0 : i32
    %jit3A_9 = arith.constant 1024 : i32
    %max3A = arith.maxsi %jit3A, %sub3A : i32
    %min3A = arith.minsi %jit3A_9, %max3A : i32
    %sub3A_10 = arith.subi %squeeze3A_8, %mul3A_0 : i32
    %jit3A_11 = arith.constant 0 : i32
    %jit3A_12 = arith.constant 1024 : i32
    %max3A_13 = arith.maxsi %jit3A_11, %sub3A_10 : i32
    %min3A_14 = arith.minsi %jit3A_12, %max3A_13 : i32
    %jit3A_15 = arith.constant 16 : i32
    %div3A = arith.divsi %min3A, %jit3A_15 : i32
    %sign3A = arith.constant 0 : i32
    %sign3A_16 = arith.cmpi sgt, %min3A, %sign3A : i32
    %sign3A_17 = arith.extui %sign3A_16 : i1 to i32
    %sign3A_18 = arith.constant 0 : i32
    %sign3A_19 = arith.cmpi slt, %min3A, %sign3A_18 : i32
    %sign3A_20 = arith.extui %sign3A_19 : i1 to i32
    %sign3A_21 = arith.subi %sign3A_17, %sign3A_20 : i32
    %sign3A_22 = arith.constant 0 : i32
    %sign3A_23 = arith.cmpi sgt, %jit3A_15, %sign3A_22 : i32
    %sign3A_24 = arith.extui %sign3A_23 : i1 to i32
    %sign3A_25 = arith.constant 0 : i32
    %sign3A_26 = arith.cmpi slt, %jit3A_15, %sign3A_25 : i32
    %sign3A_27 = arith.extui %sign3A_26 : i1 to i32
    %sign3A_28 = arith.subi %sign3A_24, %sign3A_27 : i32
    %ne3A = arith.cmpi ne, %sign3A_21, %sign3A_28 : i32
    %rem3A = arith.remsi %min3A, %jit3A_15 : i32
    %ne3A_29 = arith.constant 0 : i32
    %ne3A_30 = arith.cmpi ne, %rem3A, %ne3A_29 : i32
    %and3A = arith.andi %ne3A, %ne3A_30 : i1
    %sub3A_31 = arith.constant 1 : i32
    %sub3A_32 = arith.subi %div3A, %sub3A_31 : i32
    %select_n3A = arith.select %and3A, %sub3A_32, %div3A : i32
    %add3A = arith.constant 15 : i32
    %add3A_33 = arith.addi %min3A_14, %add3A : i32
    %jit3A_34 = arith.constant 16 : i32
    %div3A_35 = arith.divsi %add3A_33, %jit3A_34 : i32
    %sign3A_36 = arith.constant 0 : i32
    %sign3A_37 = arith.cmpi sgt, %add3A_33, %sign3A_36 : i32
    %sign3A_38 = arith.extui %sign3A_37 : i1 to i32
    %sign3A_39 = arith.constant 0 : i32
    %sign3A_40 = arith.cmpi slt, %add3A_33, %sign3A_39 : i32
    %sign3A_41 = arith.extui %sign3A_40 : i1 to i32
    %sign3A_42 = arith.subi %sign3A_38, %sign3A_41 : i32
    %sign3A_43 = arith.constant 0 : i32
    %sign3A_44 = arith.cmpi sgt, %jit3A_34, %sign3A_43 : i32
    %sign3A_45 = arith.extui %sign3A_44 : i1 to i32
    %sign3A_46 = arith.constant 0 : i32
    %sign3A_47 = arith.cmpi slt, %jit3A_34, %sign3A_46 : i32
    %sign3A_48 = arith.extui %sign3A_47 : i1 to i32
    %sign3A_49 = arith.subi %sign3A_45, %sign3A_48 : i32
    %ne3A_50 = arith.cmpi ne, %sign3A_42, %sign3A_49 : i32
    %rem3A_51 = arith.remsi %add3A_33, %jit3A_34 : i32
    %ne3A_52 = arith.constant 0 : i32
    %ne3A_53 = arith.cmpi ne, %rem3A_51, %ne3A_52 : i32
    %and3A_54 = arith.andi %ne3A_50, %ne3A_53 : i1
    %sub3A_55 = arith.constant 1 : i32
    %sub3A_56 = arith.subi %div3A_35, %sub3A_55 : i32
    %select_n3A_57 = arith.select %and3A_54, %sub3A_56, %div3A_35 : i32
    %max3A_58 = arith.maxsi %select_n3A_57, %select_n3A : i32
    %broadcast_in_dim3A_59 = arith.constant 0.000000e+00 : f32
    %broadcast_in_dim3A_60 = vector.broadcast %broadcast_in_dim3A_59 : f32 to vector<16xf32>
    %while3A = arith.subi %max3A_58, %select_n3A : i32
    %while3A_61 = arith.addi %select_n3A, %while3A : i32
    %while3A_62 = arith.constant 1 : i32
    %while3A_63 = arith.divsi %while3A, %while3A_62 : i32
    %while3A_64 = arith.muli %while3A_63, %while3A_62 : i32
    %while3A_65 = arith.addi %select_n3A, %while3A_64 : i32
    %while3A_66 = arith.constant 1 : i32
    %while3A_67 = scf.for %while3A_2064 = %select_n3A to %while3A_65 step %while3A_66 iter_args(%while3A_2065 = %broadcast_in_dim3A_60) -> (vector<16xf32>)  : i32 {
      %mul3A_2066 = arith.constant 16 : i32
      %mul3A_2067 = arith.muli %while3A_2064, %mul3A_2066 : i32
      %get3A_2068 = arith.index_cast %mul3A_2067 : i32 to index
      %get3A_2069 = tpu.vector_load %arg7[%get3A_2068] {strides = array<i32>} : memref<1024xf32, #tpu.memory_space<vmem>>, vector<16xf32>,
      %get3A_2070 = vector.shape_cast %get3A_2069 : vector<16xf32> to vector<16xf32>
      %mul3A_2071 = arith.constant 16 : i32
      %mul3A_2072 = arith.muli %while3A_2064, %mul3A_2071 : i32
      %add3A_2073 = arith.addi %mul3A_0, %mul3A_2072 : i32
      %add3A_2074 = vector.broadcast %add3A_2073 : i32 to vector<16xi32>
      %add3A_2075 = arith.addi %add3A_2074, %iota3A : vector<16xi32>
      %ge3A = vector.broadcast %squeeze3A : i32 to vector<16xi32>
      %ge3A_2076 = arith.cmpi sge, %add3A_2075, %ge3A : vector<16xi32>
      %lt3A = vector.broadcast %squeeze3A_8 : i32 to vector<16xi32>
      %lt3A_2077 = arith.cmpi slt, %add3A_2075, %lt3A : vector<16xi32>
      %and3A_2078 = arith.andi %ge3A_2076, %lt3A_2077 : vector<16xi1>
      %jit3A_2079 = arith.constant 0.000000e+00 : f32
      %broadcast_in_dim3A_2080 = vector.broadcast %jit3A_2079 : f32 to vector<16xf32>
      %select_n3A_2081 = arith.select %and3A_2078, %get3A_2070, %broadcast_in_dim3A_2080 : vector<16xi1>, vector<16xf32>
      %add3A_2082 = arith.addf %while3A_2065, %select_n3A_2081 : vector<16xf32>
      scf.yield %add3A_2082 : vector<16xf32>
    }
    %while3A_68 = arith.constant 1 : i32
    %while3A_69 = scf.for %while3A_2064 = %while3A_65 to %while3A_61 step %while3A_68 iter_args(%while3A_2065 = %while3A_67) -> (vector<16xf32>)  : i32 {
      %mul3A_2066 = arith.constant 16 : i32
      %mul3A_2067 = arith.muli %while3A_2064, %mul3A_2066 : i32
      %get3A_2068 = arith.index_cast %mul3A_2067 : i32 to index
      %get3A_2069 = tpu.vector_load %arg7[%get3A_2068] {strides = array<i32>} : memref<1024xf32, #tpu.memory_space<vmem>>, vector<16xf32>,
      %get3A_2070 = vector.shape_cast %get3A_2069 : vector<16xf32> to vector<16xf32>
      %mul3A_2071 = arith.constant 16 : i32
      %mul3A_2072 = arith.muli %while3A_2064, %mul3A_2071 : i32
      %add3A_2073 = arith.addi %mul3A_0, %mul3A_2072 : i32
      %add3A_2074 = vector.broadcast %add3A_2073 : i32 to vector<16xi32>
      %add3A_2075 = arith.addi %add3A_2074, %iota3A : vector<16xi32>
      %ge3A = vector.broadcast %squeeze3A : i32 to vector<16xi32>
      %ge3A_2076 = arith.cmpi sge, %add3A_2075, %ge3A : vector<16xi32>
      %lt3A = vector.broadcast %squeeze3A_8 : i32 to vector<16xi32>
      %lt3A_2077 = arith.cmpi slt, %add3A_2075, %lt3A : vector<16xi32>
      %and3A_2078 = arith.andi %ge3A_2076, %lt3A_2077 : vector<16xi1>
      %jit3A_2079 = arith.constant 0.000000e+00 : f32
      %broadcast_in_dim3A_2080 = vector.broadcast %jit3A_2079 : f32 to vector<16xf32>
      %select_n3A_2081 = arith.select %and3A_2078, %get3A_2070, %broadcast_in_dim3A_2080 : vector<16xi1>, vector<16xf32>
      %add3A_2082 = arith.addf %while3A_2065, %select_n3A_2081 : vector<16xf32>
      scf.yield %add3A_2082 : vector<16xf32>
    }
    %slice3A_70 = vector.extract_strided_slice %while3A_69 {offsets = [0], sizes = [1], strides = [1]} : vector<16xf32> to vector<1xf32>
    %squeeze3A_71 = vector.extract %slice3A_70[0] : f32 from vector<1xf32>
    %slice3A_72 = vector.extract_strided_slice %while3A_69 {offsets = [1], sizes = [1], strides = [1]} : vector<16xf32> to vector<1xf32>
    %squeeze3A_73 = vector.extract %slice3A_72[0] : f32 from vector<1xf32>
    %add3A_74 = arith.addf %squeeze3A_71, %squeeze3A_73 : f32
    %slice3A_75 = vector.extract_strided_slice %while3A_69 {offsets = [2], sizes = [1], strides = [1]} : vector<16xf32> to vector<1xf32>
    %squeeze3A_76 = vector.extract %slice3A_75[0] : f32 from vector<1xf32>
    %add3A_77 = arith.addf %add3A_74, %squeeze3A_76 : f32
    %slice3A_78 = vector.extract_strided_slice %while3A_69 {offsets = [3], sizes = [1], strides = [1]} : vector<16xf32> to vector<1xf32>
    %squeeze3A_79 = vector.extract %slice3A_78[0] : f32 from vector<1xf32>
    %add3A_80 = arith.addf %add3A_77, %squeeze3A_79 : f32
    %slice3A_81 = vector.extract_strided_slice %while3A_69 {offsets = [4], sizes = [1], strides = [1]} : vector<16xf32> to vector<1xf32>
    %squeeze3A_82 = vector.extract %slice3A_81[0] : f32 from vector<1xf32>
    %add3A_83 = arith.addf %add3A_80, %squeeze3A_82 : f32
    %slice3A_84 = vector.extract_strided_slice %while3A_69 {offsets = [5], sizes = [1], strides = [1]} : vector<16xf32> to vector<1xf32>
    %squeeze3A_85 = vector.extract %slice3A_84[0] : f32 from vector<1xf32>
    %add3A_86 = arith.addf %add3A_83, %squeeze3A_85 : f32
    %slice3A_87 = vector.extract_strided_slice %while3A_69 {offsets = [6], sizes = [1], strides = [1]} : vector<16xf32> to vector<1xf32>
    %squeeze3A_88 = vector.extract %slice3A_87[0] : f32 from vector<1xf32>
    %add3A_89 = arith.addf %add3A_86, %squeeze3A_88 : f32
    %slice3A_90 = vector.extract_strided_slice %while3A_69 {offsets = [7], sizes = [1], strides = [1]} : vector<16xf32> to vector<1xf32>
    %squeeze3A_91 = vector.extract %slice3A_90[0] : f32 from vector<1xf32>
    %add3A_92 = arith.addf %add3A_89, %squeeze3A_91 : f32
    %slice3A_93 = vector.extract_strided_slice %while3A_69 {offsets = [8], sizes = [1], strides = [1]} : vector<16xf32> to vector<1xf32>
    %squeeze3A_94 = vector.extract %slice3A_93[0] : f32 from vector<1xf32>
    %add3A_95 = arith.addf %add3A_92, %squeeze3A_94 : f32
    %slice3A_96 = vector.extract_strided_slice %while3A_69 {offsets = [9], sizes = [1], strides = [1]} : vector<16xf32> to vector<1xf32>
    %squeeze3A_97 = vector.extract %slice3A_96[0] : f32 from vector<1xf32>
    %add3A_98 = arith.addf %add3A_95, %squeeze3A_97 : f32
    %slice3A_99 = vector.extract_strided_slice %while3A_69 {offsets = [10], sizes = [1], strides = [1]} : vector<16xf32> to vector<1xf32>
    %squeeze3A_100 = vector.extract %slice3A_99[0] : f32 from vector<1xf32>
    %add3A_101 = arith.addf %add3A_98, %squeeze3A_100 : f32
    %slice3A_102 = vector.extract_strided_slice %while3A_69 {offsets = [11], sizes = [1], strides = [1]} : vector<16xf32> to vector<1xf32>
    %squeeze3A_103 = vector.extract %slice3A_102[0] : f32 from vector<1xf32>
    %add3A_104 = arith.addf %add3A_101, %squeeze3A_103 : f32
    %slice3A_105 = vector.extract_strided_slice %while3A_69 {offsets = [12], sizes = [1], strides = [1]} : vector<16xf32> to vector<1xf32>
    %squeeze3A_106 = vector.extract %slice3A_105[0] : f32 from vector<1xf32>
    %add3A_107 = arith.addf %add3A_104, %squeeze3A_106 : f32
    %slice3A_108 = vector.extract_strided_slice %while3A_69 {offsets = [13], sizes = [1], strides = [1]} : vector<16xf32> to vector<1xf32>
    %squeeze3A_109 = vector.extract %slice3A_108[0] : f32 from vector<1xf32>
    %add3A_110 = arith.addf %add3A_107, %squeeze3A_109 : f32
    %slice3A_111 = vector.extract_strided_slice %while3A_69 {offsets = [14], sizes = [1], strides = [1]} : vector<16xf32> to vector<1xf32>
    %squeeze3A_112 = vector.extract %slice3A_111[0] : f32 from vector<1xf32>
    %add3A_113 = arith.addf %add3A_110, %squeeze3A_112 : f32
    %slice3A_114 = vector.extract_strided_slice %while3A_69 {offsets = [15], sizes = [1], strides = [1]} : vector<16xf32> to vector<1xf32>
    %squeeze3A_115 = vector.extract %slice3A_114[0] : f32 from vector<1xf32>
    %add3A_116 = arith.addf %add3A_113, %squeeze3A_115 : f32
    %eq3A = arith.constant 0 : i32
    %eq3A_117 = vector.broadcast %eq3A : i32 to vector<16xi32>
    %eq3A_118 = arith.cmpi eq, %iota3A, %eq3A_117 : vector<16xi32>
    %broadcast_in_dim3A_119 = vector.broadcast %add3A_116 : f32 to vector<16xf32>
    %select_n3A_120 = arith.select %eq3A_118, %broadcast_in_dim3A_119, %broadcast_in_dim3A_6 : vector<16xi1>, vector<16xf32>
    %slice3A_121 = vector.extract_strided_slice %get3A_2 {offsets = [1], sizes = [1], strides = [1]} : vector<16xi32> to vector<1xi32>
    %squeeze3A_122 = vector.extract %slice3A_121[0] : i32 from vector<1xi32>
    %slice3A_123 = vector.extract_strided_slice %get3A_5 {offsets = [1], sizes = [1], strides = [1]} : vector<16xi32> to vector<1xi32>
    %squeeze3A_124 = vector.extract %slice3A_123[0] : i32 from vector<1xi32>
    %sub3A_125 = arith.subi %squeeze3A_122, %mul3A_0 : i32
    %jit3A_126 = arith.constant 0 : i32
    %jit3A_127 = arith.constant 1024 : i32
    %max3A_128 = arith.maxsi %jit3A_126, %sub3A_125 : i32
    %min3A_129 = arith.minsi %jit3A_127, %max3A_128 : i32
    %sub3A_130 = arith.subi %squeeze3A_124, %mul3A_0 : i32
    %jit3A_131 = arith.constant 0 : i32
    %jit3A_132 = arith.constant 1024 : i32
    %max3A_133 = arith.maxsi %jit3A_131, %sub3A_130 : i32
    %min3A_134 = arith.minsi %jit3A_132, %max3A_133 : i32
    %jit3A_135 = arith.constant 16 : i32
    %div3A_136 = arith.divsi %min3A_129, %jit3A_135 : i32
    %sign3A_137 = arith.constant 0 : i32
    %sign3A_138 = arith.cmpi sgt, %min3A_129, %sign3A_137 : i32
    %sign3A_139 = arith.extui %sign3A_138 : i1 to i32
    %sign3A_140 = arith.constant 0 : i32
    %sign3A_141 = arith.cmpi slt, %min3A_129, %sign3A_140 : i32
    %sign3A_142 = arith.extui %sign3A_141 : i1 to i32
    %sign3A_143 = arith.subi %sign3A_139, %sign3A_142 : i32
    %sign3A_144 = arith.constant 0 : i32
    %sign3A_145 = arith.cmpi sgt, %jit3A_135, %sign3A_144 : i32
    %sign3A_146 = arith.extui %sign3A_145 : i1 to i32
    %sign3A_147 = arith.constant 0 : i32
    %sign3A_148 = arith.cmpi slt, %jit3A_135, %sign3A_147 : i32
    %sign3A_149 = arith.extui %sign3A_148 : i1 to i32
    %sign3A_150 = arith.subi %sign3A_146, %sign3A_149 : i32
    %ne3A_151 = arith.cmpi ne, %sign3A_143, %sign3A_150 : i32
    %rem3A_152 = arith.remsi %min3A_129, %jit3A_135 : i32
    %ne3A_153 = arith.constant 0 : i32
    %ne3A_154 = arith.cmpi ne, %rem3A_152, %ne3A_153 : i32
    %and3A_155 = arith.andi %ne3A_151, %ne3A_154 : i1
    %sub3A_156 = arith.constant 1 : i32
    %sub3A_157 = arith.subi %div3A_136, %sub3A_156 : i32
    %select_n3A_158 = arith.select %and3A_155, %sub3A_157, %div3A_136 : i32
    %add3A_159 = arith.constant 15 : i32
    %add3A_160 = arith.addi %min3A_134, %add3A_159 : i32
    %jit3A_161 = arith.constant 16 : i32
    %div3A_162 = arith.divsi %add3A_160, %jit3A_161 : i32
    %sign3A_163 = arith.constant 0 : i32
    %sign3A_164 = arith.cmpi sgt, %add3A_160, %sign3A_163 : i32
    %sign3A_165 = arith.extui %sign3A_164 : i1 to i32
    %sign3A_166 = arith.constant 0 : i32
    %sign3A_167 = arith.cmpi slt, %add3A_160, %sign3A_166 : i32
    %sign3A_168 = arith.extui %sign3A_167 : i1 to i32
    %sign3A_169 = arith.subi %sign3A_165, %sign3A_168 : i32
    %sign3A_170 = arith.constant 0 : i32
    %sign3A_171 = arith.cmpi sgt, %jit3A_161, %sign3A_170 : i32
    %sign3A_172 = arith.extui %sign3A_171 : i1 to i32
    %sign3A_173 = arith.constant 0 : i32
    %sign3A_174 = arith.cmpi slt, %jit3A_161, %sign3A_173 : i32
    %sign3A_175 = arith.extui %sign3A_174 : i1 to i32
    %sign3A_176 = arith.subi %sign3A_172, %sign3A_175 : i32
    %ne3A_177 = arith.cmpi ne, %sign3A_169, %sign3A_176 : i32
    %rem3A_178 = arith.remsi %add3A_160, %jit3A_161 : i32
    %ne3A_179 = arith.constant 0 : i32
    %ne3A_180 = arith.cmpi ne, %rem3A_178, %ne3A_179 : i32
    %and3A_181 = arith.andi %ne3A_177, %ne3A_180 : i1
    %sub3A_182 = arith.constant 1 : i32
    %sub3A_183 = arith.subi %div3A_162, %sub3A_182 : i32
    %select_n3A_184 = arith.select %and3A_181, %sub3A_183, %div3A_162 : i32
    %max3A_185 = arith.maxsi %select_n3A_184, %select_n3A_158 : i32
    %broadcast_in_dim3A_186 = arith.constant 0.000000e+00 : f32
    %broadcast_in_dim3A_187 = vector.broadcast %broadcast_in_dim3A_186 : f32 to vector<16xf32>
    %while3A_188 = arith.subi %max3A_185, %select_n3A_158 : i32
    %while3A_189 = arith.addi %select_n3A_158, %while3A_188 : i32
    %while3A_190 = arith.constant 1 : i32
    %while3A_191 = arith.divsi %while3A_188, %while3A_190 : i32
    %while3A_192 = arith.muli %while3A_191, %while3A_190 : i32
    %while3A_193 = arith.addi %select_n3A_158, %while3A_192 : i32
    %while3A_194 = arith.constant 1 : i32
    %while3A_195 = scf.for %while3A_2064 = %select_n3A_158 to %while3A_193 step %while3A_194 iter_args(%while3A_2065 = %broadcast_in_dim3A_187) -> (vector<16xf32>)  : i32 {
      %mul3A_2066 = arith.constant 16 : i32
      %mul3A_2067 = arith.muli %while3A_2064, %mul3A_2066 : i32
      %get3A_2068 = arith.index_cast %mul3A_2067 : i32 to index
      %get3A_2069 = tpu.vector_load %arg7[%get3A_2068] {strides = array<i32>} : memref<1024xf32, #tpu.memory_space<vmem>>, vector<16xf32>,
      %get3A_2070 = vector.shape_cast %get3A_2069 : vector<16xf32> to vector<16xf32>
      %mul3A_2071 = arith.constant 16 : i32
      %mul3A_2072 = arith.muli %while3A_2064, %mul3A_2071 : i32
      %add3A_2073 = arith.addi %mul3A_0, %mul3A_2072 : i32
      %add3A_2074 = vector.broadcast %add3A_2073 : i32 to vector<16xi32>
      %add3A_2075 = arith.addi %add3A_2074, %iota3A : vector<16xi32>
      %ge3A = vector.broadcast %squeeze3A_122 : i32 to vector<16xi32>
      %ge3A_2076 = arith.cmpi sge, %add3A_2075, %ge3A : vector<16xi32>
      %lt3A = vector.broadcast %squeeze3A_124 : i32 to vector<16xi32>
      %lt3A_2077 = arith.cmpi slt, %add3A_2075, %lt3A : vector<16xi32>
      %and3A_2078 = arith.andi %ge3A_2076, %lt3A_2077 : vector<16xi1>
      %jit3A_2079 = arith.constant 0.000000e+00 : f32
      %broadcast_in_dim3A_2080 = vector.broadcast %jit3A_2079 : f32 to vector<16xf32>
      %select_n3A_2081 = arith.select %and3A_2078, %get3A_2070, %broadcast_in_dim3A_2080 : vector<16xi1>, vector<16xf32>
      %add3A_2082 = arith.addf %while3A_2065, %select_n3A_2081 : vector<16xf32>
      scf.yield %add3A_2082 : vector<16xf32>
    }
    %while3A_196 = arith.constant 1 : i32
    %while3A_197 = scf.for %while3A_2064 = %while3A_193 to %while3A_189 step %while3A_196 iter_args(%while3A_2065 = %while3A_195) -> (vector<16xf32>)  : i32 {
      %mul3A_2066 = arith.constant 16 : i32
      %mul3A_2067 = arith.muli %while3A_2064, %mul3A_2066 : i32
      %get3A_2068 = arith.index_cast %mul3A_2067 : i32 to index
      %get3A_2069 = tpu.vector_load %arg7[%get3A_2068] {strides = array<i32>} : memref<1024xf32, #tpu.memory_space<vmem>>, vector<16xf32>,
      %get3A_2070 = vector.shape_cast %get3A_2069 : vector<16xf32> to vector<16xf32>
      %mul3A_2071 = arith.constant 16 : i32
      %mul3A_2072 = arith.muli %while3A_2064, %mul3A_2071 : i32
      %add3A_2073 = arith.addi %mul3A_0, %mul3A_2072 : i32
      %add3A_2074 = vector.broadcast %add3A_2073 : i32 to vector<16xi32>
      %add3A_2075 = arith.addi %add3A_2074, %iota3A : vector<16xi32>
      %ge3A = vector.broadcast %squeeze3A_122 : i32 to vector<16xi32>
      %ge3A_2076 = arith.cmpi sge, %add3A_2075, %ge3A : vector<16xi32>
      %lt3A = vector.broadcast %squeeze3A_124 : i32 to vector<16xi32>
      %lt3A_2077 = arith.cmpi slt, %add3A_2075, %lt3A : vector<16xi32>
      %and3A_2078 = arith.andi %ge3A_2076, %lt3A_2077 : vector<16xi1>
      %jit3A_2079 = arith.constant 0.000000e+00 : f32
      %broadcast_in_dim3A_2080 = vector.broadcast %jit3A_2079 : f32 to vector<16xf32>
      %select_n3A_2081 = arith.select %and3A_2078, %get3A_2070, %broadcast_in_dim3A_2080 : vector<16xi1>, vector<16xf32>
      %add3A_2082 = arith.addf %while3A_2065, %select_n3A_2081 : vector<16xf32>
      scf.yield %add3A_2082 : vector<16xf32>
    }
    %slice3A_198 = vector.extract_strided_slice %while3A_197 {offsets = [0], sizes = [1], strides = [1]} : vector<16xf32> to vector<1xf32>
    %squeeze3A_199 = vector.extract %slice3A_198[0] : f32 from vector<1xf32>
    %slice3A_200 = vector.extract_strided_slice %while3A_197 {offsets = [1], sizes = [1], strides = [1]} : vector<16xf32> to vector<1xf32>
    %squeeze3A_201 = vector.extract %slice3A_200[0] : f32 from vector<1xf32>
    %add3A_202 = arith.addf %squeeze3A_199, %squeeze3A_201 : f32
    %slice3A_203 = vector.extract_strided_slice %while3A_197 {offsets = [2], sizes = [1], strides = [1]} : vector<16xf32> to vector<1xf32>
    %squeeze3A_204 = vector.extract %slice3A_203[0] : f32 from vector<1xf32>
    %add3A_205 = arith.addf %add3A_202, %squeeze3A_204 : f32
    %slice3A_206 = vector.extract_strided_slice %while3A_197 {offsets = [3], sizes = [1], strides = [1]} : vector<16xf32> to vector<1xf32>
    %squeeze3A_207 = vector.extract %slice3A_206[0] : f32 from vector<1xf32>
    %add3A_208 = arith.addf %add3A_205, %squeeze3A_207 : f32
    %slice3A_209 = vector.extract_strided_slice %while3A_197 {offsets = [4], sizes = [1], strides = [1]} : vector<16xf32> to vector<1xf32>
    %squeeze3A_210 = vector.extract %slice3A_209[0] : f32 from vector<1xf32>
    %add3A_211 = arith.addf %add3A_208, %squeeze3A_210 : f32
    %slice3A_212 = vector.extract_strided_slice %while3A_197 {offsets = [5], sizes = [1], strides = [1]} : vector<16xf32> to vector<1xf32>
    %squeeze3A_213 = vector.extract %slice3A_212[0] : f32 from vector<1xf32>
    %add3A_214 = arith.addf %add3A_211, %squeeze3A_213 : f32
    %slice3A_215 = vector.extract_strided_slice %while3A_197 {offsets = [6], sizes = [1], strides = [1]} : vector<16xf32> to vector<1xf32>
    %squeeze3A_216 = vector.extract %slice3A_215[0] : f32 from vector<1xf32>
    %add3A_217 = arith.addf %add3A_214, %squeeze3A_216 : f32
    %slice3A_218 = vector.extract_strided_slice %while3A_197 {offsets = [7], sizes = [1], strides = [1]} : vector<16xf32> to vector<1xf32>
    %squeeze3A_219 = vector.extract %slice3A_218[0] : f32 from vector<1xf32>
    %add3A_220 = arith.addf %add3A_217, %squeeze3A_219 : f32
    %slice3A_221 = vector.extract_strided_slice %while3A_197 {offsets = [8], sizes = [1], strides = [1]} : vector<16xf32> to vector<1xf32>
    %squeeze3A_222 = vector.extract %slice3A_221[0] : f32 from vector<1xf32>
    %add3A_223 = arith.addf %add3A_220, %squeeze3A_222 : f32
    %slice3A_224 = vector.extract_strided_slice %while3A_197 {offsets = [9], sizes = [1], strides = [1]} : vector<16xf32> to vector<1xf32>
    %squeeze3A_225 = vector.extract %slice3A_224[0] : f32 from vector<1xf32>
    %add3A_226 = arith.addf %add3A_223, %squeeze3A_225 : f32
    %slice3A_227 = vector.extract_strided_slice %while3A_197 {offsets = [10], sizes = [1], strides = [1]} : vector<16xf32> to vector<1xf32>
    %squeeze3A_228 = vector.extract %slice3A_227[0] : f32 from vector<1xf32>
    %add3A_229 = arith.addf %add3A_226, %squeeze3A_228 : f32
    %slice3A_230 = vector.extract_strided_slice %while3A_197 {offsets = [11], sizes = [1], strides = [1]} : vector<16xf32> to vector<1xf32>
    %squeeze3A_231 = vector.extract %slice3A_230[0] : f32 from vector<1xf32>
    %add3A_232 = arith.addf %add3A_229, %squeeze3A_231 : f32
    %slice3A_233 = vector.extract_strided_slice %while3A_197 {offsets = [12], sizes = [1], strides = [1]} : vector<16xf32> to vector<1xf32>
    %squeeze3A_234 = vector.extract %slice3A_233[0] : f32 from vector<1xf32>
    %add3A_235 = arith.addf %add3A_232, %squeeze3A_234 : f32
    %slice3A_236 = vector.extract_strided_slice %while3A_197 {offsets = [13], sizes = [1], strides = [1]} : vector<16xf32> to vector<1xf32>
    %squeeze3A_237 = vector.extract %slice3A_236[0] : f32 from vector<1xf32>
    %add3A_238 = arith.addf %add3A_235, %squeeze3A_237 : f32
    %slice3A_239 = vector.extract_strided_slice %while3A_197 {offsets = [14], sizes = [1], strides = [1]} : vector<16xf32> to vector<1xf32>
    %squeeze3A_240 = vector.extract %slice3A_239[0] : f32 from vector<1xf32>
    %add3A_241 = arith.addf %add3A_238, %squeeze3A_240 : f32
    %slice3A_242 = vector.extract_strided_slice %while3A_197 {offsets = [15], sizes = [1], strides = [1]} : vector<16xf32> to vector<1xf32>
    %squeeze3A_243 = vector.extract %slice3A_242[0] : f32 from vector<1xf32>
    %add3A_244 = arith.addf %add3A_241, %squeeze3A_243 : f32
    %eq3A_245 = arith.constant 1 : i32
    %eq3A_246 = vector.broadcast %eq3A_245 : i32 to vector<16xi32>
    %eq3A_247 = arith.cmpi eq, %iota3A, %eq3A_246 : vector<16xi32>
    %broadcast_in_dim3A_248 = vector.broadcast %add3A_244 : f32 to vector<16xf32>
    %select_n3A_249 = arith.select %eq3A_247, %broadcast_in_dim3A_248, %select_n3A_120 : vector<16xi1>, vector<16xf32>
    %slice3A_250 = vector.extract_strided_slice %get3A_2 {offsets = [2], sizes = [1], strides = [1]} : vector<16xi32> to vector<1xi32>
    %squeeze3A_251 = vector.extract %slice3A_250[0] : i32 from vector<1xi32>
    %slice3A_252 = vector.extract_strided_slice %get3A_5 {offsets = [2], sizes = [1], strides = [1]} : vector<16xi32> to vector<1xi32>
    %squeeze3A_253 = vector.extract %slice3A_252[0] : i32 from vector<1xi32>
    %sub3A_254 = arith.subi %squeeze3A_251, %mul3A_0 : i32
    %jit3A_255 = arith.constant 0 : i32
    %jit3A_256 = arith.constant 1024 : i32
    %max3A_257 = arith.maxsi %jit3A_255, %sub3A_254 : i32
    %min3A_258 = arith.minsi %jit3A_256, %max3A_257 : i32
    %sub3A_259 = arith.subi %squeeze3A_253, %mul3A_0 : i32
    %jit3A_260 = arith.constant 0 : i32
    %jit3A_261 = arith.constant 1024 : i32
    %max3A_262 = arith.maxsi %jit3A_260, %sub3A_259 : i32
    %min3A_263 = arith.minsi %jit3A_261, %max3A_262 : i32
    %jit3A_264 = arith.constant 16 : i32
    %div3A_265 = arith.divsi %min3A_258, %jit3A_264 : i32
    %sign3A_266 = arith.constant 0 : i32
    %sign3A_267 = arith.cmpi sgt, %min3A_258, %sign3A_266 : i32
    %sign3A_268 = arith.extui %sign3A_267 : i1 to i32
    %sign3A_269 = arith.constant 0 : i32
    %sign3A_270 = arith.cmpi slt, %min3A_258, %sign3A_269 : i32
    %sign3A_271 = arith.extui %sign3A_270 : i1 to i32
    %sign3A_272 = arith.subi %sign3A_268, %sign3A_271 : i32
    %sign3A_273 = arith.constant 0 : i32
    %sign3A_274 = arith.cmpi sgt, %jit3A_264, %sign3A_273 : i32
    %sign3A_275 = arith.extui %sign3A_274 : i1 to i32
    %sign3A_276 = arith.constant 0 : i32
    %sign3A_277 = arith.cmpi slt, %jit3A_264, %sign3A_276 : i32
    %sign3A_278 = arith.extui %sign3A_277 : i1 to i32
    %sign3A_279 = arith.subi %sign3A_275, %sign3A_278 : i32
    %ne3A_280 = arith.cmpi ne, %sign3A_272, %sign3A_279 : i32
    %rem3A_281 = arith.remsi %min3A_258, %jit3A_264 : i32
    %ne3A_282 = arith.constant 0 : i32
    %ne3A_283 = arith.cmpi ne, %rem3A_281, %ne3A_282 : i32
    %and3A_284 = arith.andi %ne3A_280, %ne3A_283 : i1
    %sub3A_285 = arith.constant 1 : i32
    %sub3A_286 = arith.subi %div3A_265, %sub3A_285 : i32
    %select_n3A_287 = arith.select %and3A_284, %sub3A_286, %div3A_265 : i32
    %add3A_288 = arith.constant 15 : i32
    %add3A_289 = arith.addi %min3A_263, %add3A_288 : i32
    %jit3A_290 = arith.constant 16 : i32
    %div3A_291 = arith.divsi %add3A_289, %jit3A_290 : i32
    %sign3A_292 = arith.constant 0 : i32
    %sign3A_293 = arith.cmpi sgt, %add3A_289, %sign3A_292 : i32
    %sign3A_294 = arith.extui %sign3A_293 : i1 to i32
    %sign3A_295 = arith.constant 0 : i32
    %sign3A_296 = arith.cmpi slt, %add3A_289, %sign3A_295 : i32
    %sign3A_297 = arith.extui %sign3A_296 : i1 to i32
    %sign3A_298 = arith.subi %sign3A_294, %sign3A_297 : i32
    %sign3A_299 = arith.constant 0 : i32
    %sign3A_300 = arith.cmpi sgt, %jit3A_290, %sign3A_299 : i32
    %sign3A_301 = arith.extui %sign3A_300 : i1 to i32
    %sign3A_302 = arith.constant 0 : i32
    %sign3A_303 = arith.cmpi slt, %jit3A_290, %sign3A_302 : i32
    %sign3A_304 = arith.extui %sign3A_303 : i1 to i32
    %sign3A_305 = arith.subi %sign3A_301, %sign3A_304 : i32
    %ne3A_306 = arith.cmpi ne, %sign3A_298, %sign3A_305 : i32
    %rem3A_307 = arith.remsi %add3A_289, %jit3A_290 : i32
    %ne3A_308 = arith.constant 0 : i32
    %ne3A_309 = arith.cmpi ne, %rem3A_307, %ne3A_308 : i32
    %and3A_310 = arith.andi %ne3A_306, %ne3A_309 : i1
    %sub3A_311 = arith.constant 1 : i32
    %sub3A_312 = arith.subi %div3A_291, %sub3A_311 : i32
    %select_n3A_313 = arith.select %and3A_310, %sub3A_312, %div3A_291 : i32
    %max3A_314 = arith.maxsi %select_n3A_313, %select_n3A_287 : i32
    %broadcast_in_dim3A_315 = arith.constant 0.000000e+00 : f32
    %broadcast_in_dim3A_316 = vector.broadcast %broadcast_in_dim3A_315 : f32 to vector<16xf32>
    %while3A_317 = arith.subi %max3A_314, %select_n3A_287 : i32
    %while3A_318 = arith.addi %select_n3A_287, %while3A_317 : i32
    %while3A_319 = arith.constant 1 : i32
    %while3A_320 = arith.divsi %while3A_317, %while3A_319 : i32
    %while3A_321 = arith.muli %while3A_320, %while3A_319 : i32
    %while3A_322 = arith.addi %select_n3A_287, %while3A_321 : i32
    %while3A_323 = arith.constant 1 : i32
    %while3A_324 = scf.for %while3A_2064 = %select_n3A_287 to %while3A_322 step %while3A_323 iter_args(%while3A_2065 = %broadcast_in_dim3A_316) -> (vector<16xf32>)  : i32 {
      %mul3A_2066 = arith.constant 16 : i32
      %mul3A_2067 = arith.muli %while3A_2064, %mul3A_2066 : i32
      %get3A_2068 = arith.index_cast %mul3A_2067 : i32 to index
      %get3A_2069 = tpu.vector_load %arg7[%get3A_2068] {strides = array<i32>} : memref<1024xf32, #tpu.memory_space<vmem>>, vector<16xf32>,
      %get3A_2070 = vector.shape_cast %get3A_2069 : vector<16xf32> to vector<16xf32>
      %mul3A_2071 = arith.constant 16 : i32
      %mul3A_2072 = arith.muli %while3A_2064, %mul3A_2071 : i32
      %add3A_2073 = arith.addi %mul3A_0, %mul3A_2072 : i32
      %add3A_2074 = vector.broadcast %add3A_2073 : i32 to vector<16xi32>
      %add3A_2075 = arith.addi %add3A_2074, %iota3A : vector<16xi32>
      %ge3A = vector.broadcast %squeeze3A_251 : i32 to vector<16xi32>
      %ge3A_2076 = arith.cmpi sge, %add3A_2075, %ge3A : vector<16xi32>
      %lt3A = vector.broadcast %squeeze3A_253 : i32 to vector<16xi32>
      %lt3A_2077 = arith.cmpi slt, %add3A_2075, %lt3A : vector<16xi32>
      %and3A_2078 = arith.andi %ge3A_2076, %lt3A_2077 : vector<16xi1>
      %jit3A_2079 = arith.constant 0.000000e+00 : f32
      %broadcast_in_dim3A_2080 = vector.broadcast %jit3A_2079 : f32 to vector<16xf32>
      %select_n3A_2081 = arith.select %and3A_2078, %get3A_2070, %broadcast_in_dim3A_2080 : vector<16xi1>, vector<16xf32>
      %add3A_2082 = arith.addf %while3A_2065, %select_n3A_2081 : vector<16xf32>
      scf.yield %add3A_2082 : vector<16xf32>
    }
    %while3A_325 = arith.constant 1 : i32
    %while3A_326 = scf.for %while3A_2064 = %while3A_322 to %while3A_318 step %while3A_325 iter_args(%while3A_2065 = %while3A_324) -> (vector<16xf32>)  : i32 {
      %mul3A_2066 = arith.constant 16 : i32
      %mul3A_2067 = arith.muli %while3A_2064, %mul3A_2066 : i32
      %get3A_2068 = arith.index_cast %mul3A_2067 : i32 to index
      %get3A_2069 = tpu.vector_load %arg7[%get3A_2068] {strides = array<i32>} : memref<1024xf32, #tpu.memory_space<vmem>>, vector<16xf32>,
      %get3A_2070 = vector.shape_cast %get3A_2069 : vector<16xf32> to vector<16xf32>
      %mul3A_2071 = arith.constant 16 : i32
      %mul3A_2072 = arith.muli %while3A_2064, %mul3A_2071 : i32
      %add3A_2073 = arith.addi %mul3A_0, %mul3A_2072 : i32
      %add3A_2074 = vector.broadcast %add3A_2073 : i32 to vector<16xi32>
      %add3A_2075 = arith.addi %add3A_2074, %iota3A : vector<16xi32>
      %ge3A = vector.broadcast %squeeze3A_251 : i32 to vector<16xi32>
      %ge3A_2076 = arith.cmpi sge, %add3A_2075, %ge3A : vector<16xi32>
      %lt3A = vector.broadcast %squeeze3A_253 : i32 to vector<16xi32>
      %lt3A_2077 = arith.cmpi slt, %add3A_2075, %lt3A : vector<16xi32>
      %and3A_2078 = arith.andi %ge3A_2076, %lt3A_2077 : vector<16xi1>
      %jit3A_2079 = arith.constant 0.000000e+00 : f32
      %broadcast_in_dim3A_2080 = vector.broadcast %jit3A_2079 : f32 to vector<16xf32>
      %select_n3A_2081 = arith.select %and3A_2078, %get3A_2070, %broadcast_in_dim3A_2080 : vector<16xi1>, vector<16xf32>
      %add3A_2082 = arith.addf %while3A_2065, %select_n3A_2081 : vector<16xf32>
      scf.yield %add3A_2082 : vector<16xf32>
    }
    %slice3A_327 = vector.extract_strided_slice %while3A_326 {offsets = [0], sizes = [1], strides = [1]} : vector<16xf32> to vector<1xf32>
    %squeeze3A_328 = vector.extract %slice3A_327[0] : f32 from vector<1xf32>
    %slice3A_329 = vector.extract_strided_slice %while3A_326 {offsets = [1], sizes = [1], strides = [1]} : vector<16xf32> to vector<1xf32>
    %squeeze3A_330 = vector.extract %slice3A_329[0] : f32 from vector<1xf32>
    %add3A_331 = arith.addf %squeeze3A_328, %squeeze3A_330 : f32
    %slice3A_332 = vector.extract_strided_slice %while3A_326 {offsets = [2], sizes = [1], strides = [1]} : vector<16xf32> to vector<1xf32>
    %squeeze3A_333 = vector.extract %slice3A_332[0] : f32 from vector<1xf32>
    %add3A_334 = arith.addf %add3A_331, %squeeze3A_333 : f32
    %slice3A_335 = vector.extract_strided_slice %while3A_326 {offsets = [3], sizes = [1], strides = [1]} : vector<16xf32> to vector<1xf32>
    %squeeze3A_336 = vector.extract %slice3A_335[0] : f32 from vector<1xf32>
    %add3A_337 = arith.addf %add3A_334, %squeeze3A_336 : f32
    %slice3A_338 = vector.extract_strided_slice %while3A_326 {offsets = [4], sizes = [1], strides = [1]} : vector<16xf32> to vector<1xf32>
    %squeeze3A_339 = vector.extract %slice3A_338[0] : f32 from vector<1xf32>
    %add3A_340 = arith.addf %add3A_337, %squeeze3A_339 : f32
    %slice3A_341 = vector.extract_strided_slice %while3A_326 {offsets = [5], sizes = [1], strides = [1]} : vector<16xf32> to vector<1xf32>
    %squeeze3A_342 = vector.extract %slice3A_341[0] : f32 from vector<1xf32>
    %add3A_343 = arith.addf %add3A_340, %squeeze3A_342 : f32
    %slice3A_344 = vector.extract_strided_slice %while3A_326 {offsets = [6], sizes = [1], strides = [1]} : vector<16xf32> to vector<1xf32>
    %squeeze3A_345 = vector.extract %slice3A_344[0] : f32 from vector<1xf32>
    %add3A_346 = arith.addf %add3A_343, %squeeze3A_345 : f32
    %slice3A_347 = vector.extract_strided_slice %while3A_326 {offsets = [7], sizes = [1], strides = [1]} : vector<16xf32> to vector<1xf32>
    %squeeze3A_348 = vector.extract %slice3A_347[0] : f32 from vector<1xf32>
    %add3A_349 = arith.addf %add3A_346, %squeeze3A_348 : f32
    %slice3A_350 = vector.extract_strided_slice %while3A_326 {offsets = [8], sizes = [1], strides = [1]} : vector<16xf32> to vector<1xf32>
    %squeeze3A_351 = vector.extract %slice3A_350[0] : f32 from vector<1xf32>
    %add3A_352 = arith.addf %add3A_349, %squeeze3A_351 : f32
    %slice3A_353 = vector.extract_strided_slice %while3A_326 {offsets = [9], sizes = [1], strides = [1]} : vector<16xf32> to vector<1xf32>
    %squeeze3A_354 = vector.extract %slice3A_353[0] : f32 from vector<1xf32>
    %add3A_355 = arith.addf %add3A_352, %squeeze3A_354 : f32
    %slice3A_356 = vector.extract_strided_slice %while3A_326 {offsets = [10], sizes = [1], strides = [1]} : vector<16xf32> to vector<1xf32>
    %squeeze3A_357 = vector.extract %slice3A_356[0] : f32 from vector<1xf32>
    %add3A_358 = arith.addf %add3A_355, %squeeze3A_357 : f32
    %slice3A_359 = vector.extract_strided_slice %while3A_326 {offsets = [11], sizes = [1], strides = [1]} : vector<16xf32> to vector<1xf32>
    %squeeze3A_360 = vector.extract %slice3A_359[0] : f32 from vector<1xf32>
    %add3A_361 = arith.addf %add3A_358, %squeeze3A_360 : f32
    %slice3A_362 = vector.extract_strided_slice %while3A_326 {offsets = [12], sizes = [1], strides = [1]} : vector<16xf32> to vector<1xf32>
    %squeeze3A_363 = vector.extract %slice3A_362[0] : f32 from vector<1xf32>
    %add3A_364 = arith.addf %add3A_361, %squeeze3A_363 : f32
    %slice3A_365 = vector.extract_strided_slice %while3A_326 {offsets = [13], sizes = [1], strides = [1]} : vector<16xf32> to vector<1xf32>
    %squeeze3A_366 = vector.extract %slice3A_365[0] : f32 from vector<1xf32>
    %add3A_367 = arith.addf %add3A_364, %squeeze3A_366 : f32
    %slice3A_368 = vector.extract_strided_slice %while3A_326 {offsets = [14], sizes = [1], strides = [1]} : vector<16xf32> to vector<1xf32>
    %squeeze3A_369 = vector.extract %slice3A_368[0] : f32 from vector<1xf32>
    %add3A_370 = arith.addf %add3A_367, %squeeze3A_369 : f32
    %slice3A_371 = vector.extract_strided_slice %while3A_326 {offsets = [15], sizes = [1], strides = [1]} : vector<16xf32> to vector<1xf32>
    %squeeze3A_372 = vector.extract %slice3A_371[0] : f32 from vector<1xf32>
    %add3A_373 = arith.addf %add3A_370, %squeeze3A_372 : f32
    %eq3A_374 = arith.constant 2 : i32
    %eq3A_375 = vector.broadcast %eq3A_374 : i32 to vector<16xi32>
    %eq3A_376 = arith.cmpi eq, %iota3A, %eq3A_375 : vector<16xi32>
    %broadcast_in_dim3A_377 = vector.broadcast %add3A_373 : f32 to vector<16xf32>
    %select_n3A_378 = arith.select %eq3A_376, %broadcast_in_dim3A_377, %select_n3A_249 : vector<16xi1>, vector<16xf32>
    %slice3A_379 = vector.extract_strided_slice %get3A_2 {offsets = [3], sizes = [1], strides = [1]} : vector<16xi32> to vector<1xi32>
    %squeeze3A_380 = vector.extract %slice3A_379[0] : i32 from vector<1xi32>
    %slice3A_381 = vector.extract_strided_slice %get3A_5 {offsets = [3], sizes = [1], strides = [1]} : vector<16xi32> to vector<1xi32>
    %squeeze3A_382 = vector.extract %slice3A_381[0] : i32 from vector<1xi32>
    %sub3A_383 = arith.subi %squeeze3A_380, %mul3A_0 : i32
    %jit3A_384 = arith.constant 0 : i32
    %jit3A_385 = arith.constant 1024 : i32
    %max3A_386 = arith.maxsi %jit3A_384, %sub3A_383 : i32
    %min3A_387 = arith.minsi %jit3A_385, %max3A_386 : i32
    %sub3A_388 = arith.subi %squeeze3A_382, %mul3A_0 : i32
    %jit3A_389 = arith.constant 0 : i32
    %jit3A_390 = arith.constant 1024 : i32
    %max3A_391 = arith.maxsi %jit3A_389, %sub3A_388 : i32
    %min3A_392 = arith.minsi %jit3A_390, %max3A_391 : i32
    %jit3A_393 = arith.constant 16 : i32
    %div3A_394 = arith.divsi %min3A_387, %jit3A_393 : i32
    %sign3A_395 = arith.constant 0 : i32
    %sign3A_396 = arith.cmpi sgt, %min3A_387, %sign3A_395 : i32
    %sign3A_397 = arith.extui %sign3A_396 : i1 to i32
    %sign3A_398 = arith.constant 0 : i32
    %sign3A_399 = arith.cmpi slt, %min3A_387, %sign3A_398 : i32
    %sign3A_400 = arith.extui %sign3A_399 : i1 to i32
    %sign3A_401 = arith.subi %sign3A_397, %sign3A_400 : i32
    %sign3A_402 = arith.constant 0 : i32
    %sign3A_403 = arith.cmpi sgt, %jit3A_393, %sign3A_402 : i32
    %sign3A_404 = arith.extui %sign3A_403 : i1 to i32
    %sign3A_405 = arith.constant 0 : i32
    %sign3A_406 = arith.cmpi slt, %jit3A_393, %sign3A_405 : i32
    %sign3A_407 = arith.extui %sign3A_406 : i1 to i32
    %sign3A_408 = arith.subi %sign3A_404, %sign3A_407 : i32
    %ne3A_409 = arith.cmpi ne, %sign3A_401, %sign3A_408 : i32
    %rem3A_410 = arith.remsi %min3A_387, %jit3A_393 : i32
    %ne3A_411 = arith.constant 0 : i32
    %ne3A_412 = arith.cmpi ne, %rem3A_410, %ne3A_411 : i32
    %and3A_413 = arith.andi %ne3A_409, %ne3A_412 : i1
    %sub3A_414 = arith.constant 1 : i32
    %sub3A_415 = arith.subi %div3A_394, %sub3A_414 : i32
    %select_n3A_416 = arith.select %and3A_413, %sub3A_415, %div3A_394 : i32
    %add3A_417 = arith.constant 15 : i32
    %add3A_418 = arith.addi %min3A_392, %add3A_417 : i32
    %jit3A_419 = arith.constant 16 : i32
    %div3A_420 = arith.divsi %add3A_418, %jit3A_419 : i32
    %sign3A_421 = arith.constant 0 : i32
    %sign3A_422 = arith.cmpi sgt, %add3A_418, %sign3A_421 : i32
    %sign3A_423 = arith.extui %sign3A_422 : i1 to i32
    %sign3A_424 = arith.constant 0 : i32
    %sign3A_425 = arith.cmpi slt, %add3A_418, %sign3A_424 : i32
    %sign3A_426 = arith.extui %sign3A_425 : i1 to i32
    %sign3A_427 = arith.subi %sign3A_423, %sign3A_426 : i32
    %sign3A_428 = arith.constant 0 : i32
    %sign3A_429 = arith.cmpi sgt, %jit3A_419, %sign3A_428 : i32
    %sign3A_430 = arith.extui %sign3A_429 : i1 to i32
    %sign3A_431 = arith.constant 0 : i32
    %sign3A_432 = arith.cmpi slt, %jit3A_419, %sign3A_431 : i32
    %sign3A_433 = arith.extui %sign3A_432 : i1 to i32
    %sign3A_434 = arith.subi %sign3A_430, %sign3A_433 : i32
    %ne3A_435 = arith.cmpi ne, %sign3A_427, %sign3A_434 : i32
    %rem3A_436 = arith.remsi %add3A_418, %jit3A_419 : i32
    %ne3A_437 = arith.constant 0 : i32
    %ne3A_438 = arith.cmpi ne, %rem3A_436, %ne3A_437 : i32
    %and3A_439 = arith.andi %ne3A_435, %ne3A_438 : i1
    %sub3A_440 = arith.constant 1 : i32
    %sub3A_441 = arith.subi %div3A_420, %sub3A_440 : i32
    %select_n3A_442 = arith.select %and3A_439, %sub3A_441, %div3A_420 : i32
    %max3A_443 = arith.maxsi %select_n3A_442, %select_n3A_416 : i32
    %broadcast_in_dim3A_444 = arith.constant 0.000000e+00 : f32
    %broadcast_in_dim3A_445 = vector.broadcast %broadcast_in_dim3A_444 : f32 to vector<16xf32>
    %while3A_446 = arith.subi %max3A_443, %select_n3A_416 : i32
    %while3A_447 = arith.addi %select_n3A_416, %while3A_446 : i32
    %while3A_448 = arith.constant 1 : i32
    %while3A_449 = arith.divsi %while3A_446, %while3A_448 : i32
    %while3A_450 = arith.muli %while3A_449, %while3A_448 : i32
    %while3A_451 = arith.addi %select_n3A_416, %while3A_450 : i32
    %while3A_452 = arith.constant 1 : i32
    %while3A_453 = scf.for %while3A_2064 = %select_n3A_416 to %while3A_451 step %while3A_452 iter_args(%while3A_2065 = %broadcast_in_dim3A_445) -> (vector<16xf32>)  : i32 {
      %mul3A_2066 = arith.constant 16 : i32
      %mul3A_2067 = arith.muli %while3A_2064, %mul3A_2066 : i32
      %get3A_2068 = arith.index_cast %mul3A_2067 : i32 to index
      %get3A_2069 = tpu.vector_load %arg7[%get3A_2068] {strides = array<i32>} : memref<1024xf32, #tpu.memory_space<vmem>>, vector<16xf32>,
      %get3A_2070 = vector.shape_cast %get3A_2069 : vector<16xf32> to vector<16xf32>
      %mul3A_2071 = arith.constant 16 : i32
      %mul3A_2072 = arith.muli %while3A_2064, %mul3A_2071 : i32
      %add3A_2073 = arith.addi %mul3A_0, %mul3A_2072 : i32
      %add3A_2074 = vector.broadcast %add3A_2073 : i32 to vector<16xi32>
      %add3A_2075 = arith.addi %add3A_2074, %iota3A : vector<16xi32>
      %ge3A = vector.broadcast %squeeze3A_380 : i32 to vector<16xi32>
      %ge3A_2076 = arith.cmpi sge, %add3A_2075, %ge3A : vector<16xi32>
      %lt3A = vector.broadcast %squeeze3A_382 : i32 to vector<16xi32>
      %lt3A_2077 = arith.cmpi slt, %add3A_2075, %lt3A : vector<16xi32>
      %and3A_2078 = arith.andi %ge3A_2076, %lt3A_2077 : vector<16xi1>
      %jit3A_2079 = arith.constant 0.000000e+00 : f32
      %broadcast_in_dim3A_2080 = vector.broadcast %jit3A_2079 : f32 to vector<16xf32>
      %select_n3A_2081 = arith.select %and3A_2078, %get3A_2070, %broadcast_in_dim3A_2080 : vector<16xi1>, vector<16xf32>
      %add3A_2082 = arith.addf %while3A_2065, %select_n3A_2081 : vector<16xf32>
      scf.yield %add3A_2082 : vector<16xf32>
    }
    %while3A_454 = arith.constant 1 : i32
    %while3A_455 = scf.for %while3A_2064 = %while3A_451 to %while3A_447 step %while3A_454 iter_args(%while3A_2065 = %while3A_453) -> (vector<16xf32>)  : i32 {
      %mul3A_2066 = arith.constant 16 : i32
      %mul3A_2067 = arith.muli %while3A_2064, %mul3A_2066 : i32
      %get3A_2068 = arith.index_cast %mul3A_2067 : i32 to index
      %get3A_2069 = tpu.vector_load %arg7[%get3A_2068] {strides = array<i32>} : memref<1024xf32, #tpu.memory_space<vmem>>, vector<16xf32>,
      %get3A_2070 = vector.shape_cast %get3A_2069 : vector<16xf32> to vector<16xf32>
      %mul3A_2071 = arith.constant 16 : i32
      %mul3A_2072 = arith.muli %while3A_2064, %mul3A_2071 : i32
      %add3A_2073 = arith.addi %mul3A_0, %mul3A_2072 : i32
      %add3A_2074 = vector.broadcast %add3A_2073 : i32 to vector<16xi32>
      %add3A_2075 = arith.addi %add3A_2074, %iota3A : vector<16xi32>
      %ge3A = vector.broadcast %squeeze3A_380 : i32 to vector<16xi32>
      %ge3A_2076 = arith.cmpi sge, %add3A_2075, %ge3A : vector<16xi32>
      %lt3A = vector.broadcast %squeeze3A_382 : i32 to vector<16xi32>
      %lt3A_2077 = arith.cmpi slt, %add3A_2075, %lt3A : vector<16xi32>
      %and3A_2078 = arith.andi %ge3A_2076, %lt3A_2077 : vector<16xi1>
      %jit3A_2079 = arith.constant 0.000000e+00 : f32
      %broadcast_in_dim3A_2080 = vector.broadcast %jit3A_2079 : f32 to vector<16xf32>
      %select_n3A_2081 = arith.select %and3A_2078, %get3A_2070, %broadcast_in_dim3A_2080 : vector<16xi1>, vector<16xf32>
      %add3A_2082 = arith.addf %while3A_2065, %select_n3A_2081 : vector<16xf32>
      scf.yield %add3A_2082 : vector<16xf32>
    }
    %slice3A_456 = vector.extract_strided_slice %while3A_455 {offsets = [0], sizes = [1], strides = [1]} : vector<16xf32> to vector<1xf32>
    %squeeze3A_457 = vector.extract %slice3A_456[0] : f32 from vector<1xf32>
    %slice3A_458 = vector.extract_strided_slice %while3A_455 {offsets = [1], sizes = [1], strides = [1]} : vector<16xf32> to vector<1xf32>
    %squeeze3A_459 = vector.extract %slice3A_458[0] : f32 from vector<1xf32>
    %add3A_460 = arith.addf %squeeze3A_457, %squeeze3A_459 : f32
    %slice3A_461 = vector.extract_strided_slice %while3A_455 {offsets = [2], sizes = [1], strides = [1]} : vector<16xf32> to vector<1xf32>
    %squeeze3A_462 = vector.extract %slice3A_461[0] : f32 from vector<1xf32>
    %add3A_463 = arith.addf %add3A_460, %squeeze3A_462 : f32
    %slice3A_464 = vector.extract_strided_slice %while3A_455 {offsets = [3], sizes = [1], strides = [1]} : vector<16xf32> to vector<1xf32>
    %squeeze3A_465 = vector.extract %slice3A_464[0] : f32 from vector<1xf32>
    %add3A_466 = arith.addf %add3A_463, %squeeze3A_465 : f32
    %slice3A_467 = vector.extract_strided_slice %while3A_455 {offsets = [4], sizes = [1], strides = [1]} : vector<16xf32> to vector<1xf32>
    %squeeze3A_468 = vector.extract %slice3A_467[0] : f32 from vector<1xf32>
    %add3A_469 = arith.addf %add3A_466, %squeeze3A_468 : f32
    %slice3A_470 = vector.extract_strided_slice %while3A_455 {offsets = [5], sizes = [1], strides = [1]} : vector<16xf32> to vector<1xf32>
    %squeeze3A_471 = vector.extract %slice3A_470[0] : f32 from vector<1xf32>
    %add3A_472 = arith.addf %add3A_469, %squeeze3A_471 : f32
    %slice3A_473 = vector.extract_strided_slice %while3A_455 {offsets = [6], sizes = [1], strides = [1]} : vector<16xf32> to vector<1xf32>
    %squeeze3A_474 = vector.extract %slice3A_473[0] : f32 from vector<1xf32>
    %add3A_475 = arith.addf %add3A_472, %squeeze3A_474 : f32
    %slice3A_476 = vector.extract_strided_slice %while3A_455 {offsets = [7], sizes = [1], strides = [1]} : vector<16xf32> to vector<1xf32>
    %squeeze3A_477 = vector.extract %slice3A_476[0] : f32 from vector<1xf32>
    %add3A_478 = arith.addf %add3A_475, %squeeze3A_477 : f32
    %slice3A_479 = vector.extract_strided_slice %while3A_455 {offsets = [8], sizes = [1], strides = [1]} : vector<16xf32> to vector<1xf32>
    %squeeze3A_480 = vector.extract %slice3A_479[0] : f32 from vector<1xf32>
    %add3A_481 = arith.addf %add3A_478, %squeeze3A_480 : f32
    %slice3A_482 = vector.extract_strided_slice %while3A_455 {offsets = [9], sizes = [1], strides = [1]} : vector<16xf32> to vector<1xf32>
    %squeeze3A_483 = vector.extract %slice3A_482[0] : f32 from vector<1xf32>
    %add3A_484 = arith.addf %add3A_481, %squeeze3A_483 : f32
    %slice3A_485 = vector.extract_strided_slice %while3A_455 {offsets = [10], sizes = [1], strides = [1]} : vector<16xf32> to vector<1xf32>
    %squeeze3A_486 = vector.extract %slice3A_485[0] : f32 from vector<1xf32>
    %add3A_487 = arith.addf %add3A_484, %squeeze3A_486 : f32
    %slice3A_488 = vector.extract_strided_slice %while3A_455 {offsets = [11], sizes = [1], strides = [1]} : vector<16xf32> to vector<1xf32>
    %squeeze3A_489 = vector.extract %slice3A_488[0] : f32 from vector<1xf32>
    %add3A_490 = arith.addf %add3A_487, %squeeze3A_489 : f32
    %slice3A_491 = vector.extract_strided_slice %while3A_455 {offsets = [12], sizes = [1], strides = [1]} : vector<16xf32> to vector<1xf32>
    %squeeze3A_492 = vector.extract %slice3A_491[0] : f32 from vector<1xf32>
    %add3A_493 = arith.addf %add3A_490, %squeeze3A_492 : f32
    %slice3A_494 = vector.extract_strided_slice %while3A_455 {offsets = [13], sizes = [1], strides = [1]} : vector<16xf32> to vector<1xf32>
    %squeeze3A_495 = vector.extract %slice3A_494[0] : f32 from vector<1xf32>
    %add3A_496 = arith.addf %add3A_493, %squeeze3A_495 : f32
    %slice3A_497 = vector.extract_strided_slice %while3A_455 {offsets = [14], sizes = [1], strides = [1]} : vector<16xf32> to vector<1xf32>
    %squeeze3A_498 = vector.extract %slice3A_497[0] : f32 from vector<1xf32>
    %add3A_499 = arith.addf %add3A_496, %squeeze3A_498 : f32
    %slice3A_500 = vector.extract_strided_slice %while3A_455 {offsets = [15], sizes = [1], strides = [1]} : vector<16xf32> to vector<1xf32>
    %squeeze3A_501 = vector.extract %slice3A_500[0] : f32 from vector<1xf32>
    %add3A_502 = arith.addf %add3A_499, %squeeze3A_501 : f32
    %eq3A_503 = arith.constant 3 : i32
    %eq3A_504 = vector.broadcast %eq3A_503 : i32 to vector<16xi32>
    %eq3A_505 = arith.cmpi eq, %iota3A, %eq3A_504 : vector<16xi32>
    %broadcast_in_dim3A_506 = vector.broadcast %add3A_502 : f32 to vector<16xf32>
    %select_n3A_507 = arith.select %eq3A_505, %broadcast_in_dim3A_506, %select_n3A_378 : vector<16xi1>, vector<16xf32>
    %slice3A_508 = vector.extract_strided_slice %get3A_2 {offsets = [4], sizes = [1], strides = [1]} : vector<16xi32> to vector<1xi32>
    %squeeze3A_509 = vector.extract %slice3A_508[0] : i32 from vector<1xi32>
    %slice3A_510 = vector.extract_strided_slice %get3A_5 {offsets = [4], sizes = [1], strides = [1]} : vector<16xi32> to vector<1xi32>
    %squeeze3A_511 = vector.extract %slice3A_510[0] : i32 from vector<1xi32>
    %sub3A_512 = arith.subi %squeeze3A_509, %mul3A_0 : i32
    %jit3A_513 = arith.constant 0 : i32
    %jit3A_514 = arith.constant 1024 : i32
    %max3A_515 = arith.maxsi %jit3A_513, %sub3A_512 : i32
    %min3A_516 = arith.minsi %jit3A_514, %max3A_515 : i32
    %sub3A_517 = arith.subi %squeeze3A_511, %mul3A_0 : i32
    %jit3A_518 = arith.constant 0 : i32
    %jit3A_519 = arith.constant 1024 : i32
    %max3A_520 = arith.maxsi %jit3A_518, %sub3A_517 : i32
    %min3A_521 = arith.minsi %jit3A_519, %max3A_520 : i32
    %jit3A_522 = arith.constant 16 : i32
    %div3A_523 = arith.divsi %min3A_516, %jit3A_522 : i32
    %sign3A_524 = arith.constant 0 : i32
    %sign3A_525 = arith.cmpi sgt, %min3A_516, %sign3A_524 : i32
    %sign3A_526 = arith.extui %sign3A_525 : i1 to i32
    %sign3A_527 = arith.constant 0 : i32
    %sign3A_528 = arith.cmpi slt, %min3A_516, %sign3A_527 : i32
    %sign3A_529 = arith.extui %sign3A_528 : i1 to i32
    %sign3A_530 = arith.subi %sign3A_526, %sign3A_529 : i32
    %sign3A_531 = arith.constant 0 : i32
    %sign3A_532 = arith.cmpi sgt, %jit3A_522, %sign3A_531 : i32
    %sign3A_533 = arith.extui %sign3A_532 : i1 to i32
    %sign3A_534 = arith.constant 0 : i32
    %sign3A_535 = arith.cmpi slt, %jit3A_522, %sign3A_534 : i32
    %sign3A_536 = arith.extui %sign3A_535 : i1 to i32
    %sign3A_537 = arith.subi %sign3A_533, %sign3A_536 : i32
    %ne3A_538 = arith.cmpi ne, %sign3A_530, %sign3A_537 : i32
    %rem3A_539 = arith.remsi %min3A_516, %jit3A_522 : i32
    %ne3A_540 = arith.constant 0 : i32
    %ne3A_541 = arith.cmpi ne, %rem3A_539, %ne3A_540 : i32
    %and3A_542 = arith.andi %ne3A_538, %ne3A_541 : i1
    %sub3A_543 = arith.constant 1 : i32
    %sub3A_544 = arith.subi %div3A_523, %sub3A_543 : i32
    %select_n3A_545 = arith.select %and3A_542, %sub3A_544, %div3A_523 : i32
    %add3A_546 = arith.constant 15 : i32
    %add3A_547 = arith.addi %min3A_521, %add3A_546 : i32
    %jit3A_548 = arith.constant 16 : i32
    %div3A_549 = arith.divsi %add3A_547, %jit3A_548 : i32
    %sign3A_550 = arith.constant 0 : i32
    %sign3A_551 = arith.cmpi sgt, %add3A_547, %sign3A_550 : i32
    %sign3A_552 = arith.extui %sign3A_551 : i1 to i32
    %sign3A_553 = arith.constant 0 : i32
    %sign3A_554 = arith.cmpi slt, %add3A_547, %sign3A_553 : i32
    %sign3A_555 = arith.extui %sign3A_554 : i1 to i32
    %sign3A_556 = arith.subi %sign3A_552, %sign3A_555 : i32
    %sign3A_557 = arith.constant 0 : i32
    %sign3A_558 = arith.cmpi sgt, %jit3A_548, %sign3A_557 : i32
    %sign3A_559 = arith.extui %sign3A_558 : i1 to i32
    %sign3A_560 = arith.constant 0 : i32
    %sign3A_561 = arith.cmpi slt, %jit3A_548, %sign3A_560 : i32
    %sign3A_562 = arith.extui %sign3A_561 : i1 to i32
    %sign3A_563 = arith.subi %sign3A_559, %sign3A_562 : i32
    %ne3A_564 = arith.cmpi ne, %sign3A_556, %sign3A_563 : i32
    %rem3A_565 = arith.remsi %add3A_547, %jit3A_548 : i32
    %ne3A_566 = arith.constant 0 : i32
    %ne3A_567 = arith.cmpi ne, %rem3A_565, %ne3A_566 : i32
    %and3A_568 = arith.andi %ne3A_564, %ne3A_567 : i1
    %sub3A_569 = arith.constant 1 : i32
    %sub3A_570 = arith.subi %div3A_549, %sub3A_569 : i32
    %select_n3A_571 = arith.select %and3A_568, %sub3A_570, %div3A_549 : i32
    %max3A_572 = arith.maxsi %select_n3A_571, %select_n3A_545 : i32
    %broadcast_in_dim3A_573 = arith.constant 0.000000e+00 : f32
    %broadcast_in_dim3A_574 = vector.broadcast %broadcast_in_dim3A_573 : f32 to vector<16xf32>
    %while3A_575 = arith.subi %max3A_572, %select_n3A_545 : i32
    %while3A_576 = arith.addi %select_n3A_545, %while3A_575 : i32
    %while3A_577 = arith.constant 1 : i32
    %while3A_578 = arith.divsi %while3A_575, %while3A_577 : i32
    %while3A_579 = arith.muli %while3A_578, %while3A_577 : i32
    %while3A_580 = arith.addi %select_n3A_545, %while3A_579 : i32
    %while3A_581 = arith.constant 1 : i32
    %while3A_582 = scf.for %while3A_2064 = %select_n3A_545 to %while3A_580 step %while3A_581 iter_args(%while3A_2065 = %broadcast_in_dim3A_574) -> (vector<16xf32>)  : i32 {
      %mul3A_2066 = arith.constant 16 : i32
      %mul3A_2067 = arith.muli %while3A_2064, %mul3A_2066 : i32
      %get3A_2068 = arith.index_cast %mul3A_2067 : i32 to index
      %get3A_2069 = tpu.vector_load %arg7[%get3A_2068] {strides = array<i32>} : memref<1024xf32, #tpu.memory_space<vmem>>, vector<16xf32>,
      %get3A_2070 = vector.shape_cast %get3A_2069 : vector<16xf32> to vector<16xf32>
      %mul3A_2071 = arith.constant 16 : i32
      %mul3A_2072 = arith.muli %while3A_2064, %mul3A_2071 : i32
      %add3A_2073 = arith.addi %mul3A_0, %mul3A_2072 : i32
      %add3A_2074 = vector.broadcast %add3A_2073 : i32 to vector<16xi32>
      %add3A_2075 = arith.addi %add3A_2074, %iota3A : vector<16xi32>
      %ge3A = vector.broadcast %squeeze3A_509 : i32 to vector<16xi32>
      %ge3A_2076 = arith.cmpi sge, %add3A_2075, %ge3A : vector<16xi32>
      %lt3A = vector.broadcast %squeeze3A_511 : i32 to vector<16xi32>
      %lt3A_2077 = arith.cmpi slt, %add3A_2075, %lt3A : vector<16xi32>
      %and3A_2078 = arith.andi %ge3A_2076, %lt3A_2077 : vector<16xi1>
      %jit3A_2079 = arith.constant 0.000000e+00 : f32
      %broadcast_in_dim3A_2080 = vector.broadcast %jit3A_2079 : f32 to vector<16xf32>
      %select_n3A_2081 = arith.select %and3A_2078, %get3A_2070, %broadcast_in_dim3A_2080 : vector<16xi1>, vector<16xf32>
      %add3A_2082 = arith.addf %while3A_2065, %select_n3A_2081 : vector<16xf32>
      scf.yield %add3A_2082 : vector<16xf32>
    }
    %while3A_583 = arith.constant 1 : i32
    %while3A_584 = scf.for %while3A_2064 = %while3A_580 to %while3A_576 step %while3A_583 iter_args(%while3A_2065 = %while3A_582) -> (vector<16xf32>)  : i32 {
      %mul3A_2066 = arith.constant 16 : i32
      %mul3A_2067 = arith.muli %while3A_2064, %mul3A_2066 : i32
      %get3A_2068 = arith.index_cast %mul3A_2067 : i32 to index
      %get3A_2069 = tpu.vector_load %arg7[%get3A_2068] {strides = array<i32>} : memref<1024xf32, #tpu.memory_space<vmem>>, vector<16xf32>,
      %get3A_2070 = vector.shape_cast %get3A_2069 : vector<16xf32> to vector<16xf32>
      %mul3A_2071 = arith.constant 16 : i32
      %mul3A_2072 = arith.muli %while3A_2064, %mul3A_2071 : i32
      %add3A_2073 = arith.addi %mul3A_0, %mul3A_2072 : i32
      %add3A_2074 = vector.broadcast %add3A_2073 : i32 to vector<16xi32>
      %add3A_2075 = arith.addi %add3A_2074, %iota3A : vector<16xi32>
      %ge3A = vector.broadcast %squeeze3A_509 : i32 to vector<16xi32>
      %ge3A_2076 = arith.cmpi sge, %add3A_2075, %ge3A : vector<16xi32>
      %lt3A = vector.broadcast %squeeze3A_511 : i32 to vector<16xi32>
      %lt3A_2077 = arith.cmpi slt, %add3A_2075, %lt3A : vector<16xi32>
      %and3A_2078 = arith.andi %ge3A_2076, %lt3A_2077 : vector<16xi1>
      %jit3A_2079 = arith.constant 0.000000e+00 : f32
      %broadcast_in_dim3A_2080 = vector.broadcast %jit3A_2079 : f32 to vector<16xf32>
      %select_n3A_2081 = arith.select %and3A_2078, %get3A_2070, %broadcast_in_dim3A_2080 : vector<16xi1>, vector<16xf32>
      %add3A_2082 = arith.addf %while3A_2065, %select_n3A_2081 : vector<16xf32>
      scf.yield %add3A_2082 : vector<16xf32>
    }
    %slice3A_585 = vector.extract_strided_slice %while3A_584 {offsets = [0], sizes = [1], strides = [1]} : vector<16xf32> to vector<1xf32>
    %squeeze3A_586 = vector.extract %slice3A_585[0] : f32 from vector<1xf32>
    %slice3A_587 = vector.extract_strided_slice %while3A_584 {offsets = [1], sizes = [1], strides = [1]} : vector<16xf32> to vector<1xf32>
    %squeeze3A_588 = vector.extract %slice3A_587[0] : f32 from vector<1xf32>
    %add3A_589 = arith.addf %squeeze3A_586, %squeeze3A_588 : f32
    %slice3A_590 = vector.extract_strided_slice %while3A_584 {offsets = [2], sizes = [1], strides = [1]} : vector<16xf32> to vector<1xf32>
    %squeeze3A_591 = vector.extract %slice3A_590[0] : f32 from vector<1xf32>
    %add3A_592 = arith.addf %add3A_589, %squeeze3A_591 : f32
    %slice3A_593 = vector.extract_strided_slice %while3A_584 {offsets = [3], sizes = [1], strides = [1]} : vector<16xf32> to vector<1xf32>
    %squeeze3A_594 = vector.extract %slice3A_593[0] : f32 from vector<1xf32>
    %add3A_595 = arith.addf %add3A_592, %squeeze3A_594 : f32
    %slice3A_596 = vector.extract_strided_slice %while3A_584 {offsets = [4], sizes = [1], strides = [1]} : vector<16xf32> to vector<1xf32>
    %squeeze3A_597 = vector.extract %slice3A_596[0] : f32 from vector<1xf32>
    %add3A_598 = arith.addf %add3A_595, %squeeze3A_597 : f32
    %slice3A_599 = vector.extract_strided_slice %while3A_584 {offsets = [5], sizes = [1], strides = [1]} : vector<16xf32> to vector<1xf32>
    %squeeze3A_600 = vector.extract %slice3A_599[0] : f32 from vector<1xf32>
    %add3A_601 = arith.addf %add3A_598, %squeeze3A_600 : f32
    %slice3A_602 = vector.extract_strided_slice %while3A_584 {offsets = [6], sizes = [1], strides = [1]} : vector<16xf32> to vector<1xf32>
    %squeeze3A_603 = vector.extract %slice3A_602[0] : f32 from vector<1xf32>
    %add3A_604 = arith.addf %add3A_601, %squeeze3A_603 : f32
    %slice3A_605 = vector.extract_strided_slice %while3A_584 {offsets = [7], sizes = [1], strides = [1]} : vector<16xf32> to vector<1xf32>
    %squeeze3A_606 = vector.extract %slice3A_605[0] : f32 from vector<1xf32>
    %add3A_607 = arith.addf %add3A_604, %squeeze3A_606 : f32
    %slice3A_608 = vector.extract_strided_slice %while3A_584 {offsets = [8], sizes = [1], strides = [1]} : vector<16xf32> to vector<1xf32>
    %squeeze3A_609 = vector.extract %slice3A_608[0] : f32 from vector<1xf32>
    %add3A_610 = arith.addf %add3A_607, %squeeze3A_609 : f32
    %slice3A_611 = vector.extract_strided_slice %while3A_584 {offsets = [9], sizes = [1], strides = [1]} : vector<16xf32> to vector<1xf32>
    %squeeze3A_612 = vector.extract %slice3A_611[0] : f32 from vector<1xf32>
    %add3A_613 = arith.addf %add3A_610, %squeeze3A_612 : f32
    %slice3A_614 = vector.extract_strided_slice %while3A_584 {offsets = [10], sizes = [1], strides = [1]} : vector<16xf32> to vector<1xf32>
    %squeeze3A_615 = vector.extract %slice3A_614[0] : f32 from vector<1xf32>
    %add3A_616 = arith.addf %add3A_613, %squeeze3A_615 : f32
    %slice3A_617 = vector.extract_strided_slice %while3A_584 {offsets = [11], sizes = [1], strides = [1]} : vector<16xf32> to vector<1xf32>
    %squeeze3A_618 = vector.extract %slice3A_617[0] : f32 from vector<1xf32>
    %add3A_619 = arith.addf %add3A_616, %squeeze3A_618 : f32
    %slice3A_620 = vector.extract_strided_slice %while3A_584 {offsets = [12], sizes = [1], strides = [1]} : vector<16xf32> to vector<1xf32>
    %squeeze3A_621 = vector.extract %slice3A_620[0] : f32 from vector<1xf32>
    %add3A_622 = arith.addf %add3A_619, %squeeze3A_621 : f32
    %slice3A_623 = vector.extract_strided_slice %while3A_584 {offsets = [13], sizes = [1], strides = [1]} : vector<16xf32> to vector<1xf32>
    %squeeze3A_624 = vector.extract %slice3A_623[0] : f32 from vector<1xf32>
    %add3A_625 = arith.addf %add3A_622, %squeeze3A_624 : f32
    %slice3A_626 = vector.extract_strided_slice %while3A_584 {offsets = [14], sizes = [1], strides = [1]} : vector<16xf32> to vector<1xf32>
    %squeeze3A_627 = vector.extract %slice3A_626[0] : f32 from vector<1xf32>
    %add3A_628 = arith.addf %add3A_625, %squeeze3A_627 : f32
    %slice3A_629 = vector.extract_strided_slice %while3A_584 {offsets = [15], sizes = [1], strides = [1]} : vector<16xf32> to vector<1xf32>
    %squeeze3A_630 = vector.extract %slice3A_629[0] : f32 from vector<1xf32>
    %add3A_631 = arith.addf %add3A_628, %squeeze3A_630 : f32
    %eq3A_632 = arith.constant 4 : i32
    %eq3A_633 = vector.broadcast %eq3A_632 : i32 to vector<16xi32>
    %eq3A_634 = arith.cmpi eq, %iota3A, %eq3A_633 : vector<16xi32>
    %broadcast_in_dim3A_635 = vector.broadcast %add3A_631 : f32 to vector<16xf32>
    %select_n3A_636 = arith.select %eq3A_634, %broadcast_in_dim3A_635, %select_n3A_507 : vector<16xi1>, vector<16xf32>
    %slice3A_637 = vector.extract_strided_slice %get3A_2 {offsets = [5], sizes = [1], strides = [1]} : vector<16xi32> to vector<1xi32>
    %squeeze3A_638 = vector.extract %slice3A_637[0] : i32 from vector<1xi32>
    %slice3A_639 = vector.extract_strided_slice %get3A_5 {offsets = [5], sizes = [1], strides = [1]} : vector<16xi32> to vector<1xi32>
    %squeeze3A_640 = vector.extract %slice3A_639[0] : i32 from vector<1xi32>
    %sub3A_641 = arith.subi %squeeze3A_638, %mul3A_0 : i32
    %jit3A_642 = arith.constant 0 : i32
    %jit3A_643 = arith.constant 1024 : i32
    %max3A_644 = arith.maxsi %jit3A_642, %sub3A_641 : i32
    %min3A_645 = arith.minsi %jit3A_643, %max3A_644 : i32
    %sub3A_646 = arith.subi %squeeze3A_640, %mul3A_0 : i32
    %jit3A_647 = arith.constant 0 : i32
    %jit3A_648 = arith.constant 1024 : i32
    %max3A_649 = arith.maxsi %jit3A_647, %sub3A_646 : i32
    %min3A_650 = arith.minsi %jit3A_648, %max3A_649 : i32
    %jit3A_651 = arith.constant 16 : i32
    %div3A_652 = arith.divsi %min3A_645, %jit3A_651 : i32
    %sign3A_653 = arith.constant 0 : i32
    %sign3A_654 = arith.cmpi sgt, %min3A_645, %sign3A_653 : i32
    %sign3A_655 = arith.extui %sign3A_654 : i1 to i32
    %sign3A_656 = arith.constant 0 : i32
    %sign3A_657 = arith.cmpi slt, %min3A_645, %sign3A_656 : i32
    %sign3A_658 = arith.extui %sign3A_657 : i1 to i32
    %sign3A_659 = arith.subi %sign3A_655, %sign3A_658 : i32
    %sign3A_660 = arith.constant 0 : i32
    %sign3A_661 = arith.cmpi sgt, %jit3A_651, %sign3A_660 : i32
    %sign3A_662 = arith.extui %sign3A_661 : i1 to i32
    %sign3A_663 = arith.constant 0 : i32
    %sign3A_664 = arith.cmpi slt, %jit3A_651, %sign3A_663 : i32
    %sign3A_665 = arith.extui %sign3A_664 : i1 to i32
    %sign3A_666 = arith.subi %sign3A_662, %sign3A_665 : i32
    %ne3A_667 = arith.cmpi ne, %sign3A_659, %sign3A_666 : i32
    %rem3A_668 = arith.remsi %min3A_645, %jit3A_651 : i32
    %ne3A_669 = arith.constant 0 : i32
    %ne3A_670 = arith.cmpi ne, %rem3A_668, %ne3A_669 : i32
    %and3A_671 = arith.andi %ne3A_667, %ne3A_670 : i1
    %sub3A_672 = arith.constant 1 : i32
    %sub3A_673 = arith.subi %div3A_652, %sub3A_672 : i32
    %select_n3A_674 = arith.select %and3A_671, %sub3A_673, %div3A_652 : i32
    %add3A_675 = arith.constant 15 : i32
    %add3A_676 = arith.addi %min3A_650, %add3A_675 : i32
    %jit3A_677 = arith.constant 16 : i32
    %div3A_678 = arith.divsi %add3A_676, %jit3A_677 : i32
    %sign3A_679 = arith.constant 0 : i32
    %sign3A_680 = arith.cmpi sgt, %add3A_676, %sign3A_679 : i32
    %sign3A_681 = arith.extui %sign3A_680 : i1 to i32
    %sign3A_682 = arith.constant 0 : i32
    %sign3A_683 = arith.cmpi slt, %add3A_676, %sign3A_682 : i32
    %sign3A_684 = arith.extui %sign3A_683 : i1 to i32
    %sign3A_685 = arith.subi %sign3A_681, %sign3A_684 : i32
    %sign3A_686 = arith.constant 0 : i32
    %sign3A_687 = arith.cmpi sgt, %jit3A_677, %sign3A_686 : i32
    %sign3A_688 = arith.extui %sign3A_687 : i1 to i32
    %sign3A_689 = arith.constant 0 : i32
    %sign3A_690 = arith.cmpi slt, %jit3A_677, %sign3A_689 : i32
    %sign3A_691 = arith.extui %sign3A_690 : i1 to i32
    %sign3A_692 = arith.subi %sign3A_688, %sign3A_691 : i32
    %ne3A_693 = arith.cmpi ne, %sign3A_685, %sign3A_692 : i32
    %rem3A_694 = arith.remsi %add3A_676, %jit3A_677 : i32
    %ne3A_695 = arith.constant 0 : i32
    %ne3A_696 = arith.cmpi ne, %rem3A_694, %ne3A_695 : i32
    %and3A_697 = arith.andi %ne3A_693, %ne3A_696 : i1
    %sub3A_698 = arith.constant 1 : i32
    %sub3A_699 = arith.subi %div3A_678, %sub3A_698 : i32
    %select_n3A_700 = arith.select %and3A_697, %sub3A_699, %div3A_678 : i32
    %max3A_701 = arith.maxsi %select_n3A_700, %select_n3A_674 : i32
    %broadcast_in_dim3A_702 = arith.constant 0.000000e+00 : f32
    %broadcast_in_dim3A_703 = vector.broadcast %broadcast_in_dim3A_702 : f32 to vector<16xf32>
    %while3A_704 = arith.subi %max3A_701, %select_n3A_674 : i32
    %while3A_705 = arith.addi %select_n3A_674, %while3A_704 : i32
    %while3A_706 = arith.constant 1 : i32
    %while3A_707 = arith.divsi %while3A_704, %while3A_706 : i32
    %while3A_708 = arith.muli %while3A_707, %while3A_706 : i32
    %while3A_709 = arith.addi %select_n3A_674, %while3A_708 : i32
    %while3A_710 = arith.constant 1 : i32
    %while3A_711 = scf.for %while3A_2064 = %select_n3A_674 to %while3A_709 step %while3A_710 iter_args(%while3A_2065 = %broadcast_in_dim3A_703) -> (vector<16xf32>)  : i32 {
      %mul3A_2066 = arith.constant 16 : i32
      %mul3A_2067 = arith.muli %while3A_2064, %mul3A_2066 : i32
      %get3A_2068 = arith.index_cast %mul3A_2067 : i32 to index
      %get3A_2069 = tpu.vector_load %arg7[%get3A_2068] {strides = array<i32>} : memref<1024xf32, #tpu.memory_space<vmem>>, vector<16xf32>,
      %get3A_2070 = vector.shape_cast %get3A_2069 : vector<16xf32> to vector<16xf32>
      %mul3A_2071 = arith.constant 16 : i32
      %mul3A_2072 = arith.muli %while3A_2064, %mul3A_2071 : i32
      %add3A_2073 = arith.addi %mul3A_0, %mul3A_2072 : i32
      %add3A_2074 = vector.broadcast %add3A_2073 : i32 to vector<16xi32>
      %add3A_2075 = arith.addi %add3A_2074, %iota3A : vector<16xi32>
      %ge3A = vector.broadcast %squeeze3A_638 : i32 to vector<16xi32>
      %ge3A_2076 = arith.cmpi sge, %add3A_2075, %ge3A : vector<16xi32>
      %lt3A = vector.broadcast %squeeze3A_640 : i32 to vector<16xi32>
      %lt3A_2077 = arith.cmpi slt, %add3A_2075, %lt3A : vector<16xi32>
      %and3A_2078 = arith.andi %ge3A_2076, %lt3A_2077 : vector<16xi1>
      %jit3A_2079 = arith.constant 0.000000e+00 : f32
      %broadcast_in_dim3A_2080 = vector.broadcast %jit3A_2079 : f32 to vector<16xf32>
      %select_n3A_2081 = arith.select %and3A_2078, %get3A_2070, %broadcast_in_dim3A_2080 : vector<16xi1>, vector<16xf32>
      %add3A_2082 = arith.addf %while3A_2065, %select_n3A_2081 : vector<16xf32>
      scf.yield %add3A_2082 : vector<16xf32>
    }
    %while3A_712 = arith.constant 1 : i32
    %while3A_713 = scf.for %while3A_2064 = %while3A_709 to %while3A_705 step %while3A_712 iter_args(%while3A_2065 = %while3A_711) -> (vector<16xf32>)  : i32 {
      %mul3A_2066 = arith.constant 16 : i32
      %mul3A_2067 = arith.muli %while3A_2064, %mul3A_2066 : i32
      %get3A_2068 = arith.index_cast %mul3A_2067 : i32 to index
      %get3A_2069 = tpu.vector_load %arg7[%get3A_2068] {strides = array<i32>} : memref<1024xf32, #tpu.memory_space<vmem>>, vector<16xf32>,
      %get3A_2070 = vector.shape_cast %get3A_2069 : vector<16xf32> to vector<16xf32>
      %mul3A_2071 = arith.constant 16 : i32
      %mul3A_2072 = arith.muli %while3A_2064, %mul3A_2071 : i32
      %add3A_2073 = arith.addi %mul3A_0, %mul3A_2072 : i32
      %add3A_2074 = vector.broadcast %add3A_2073 : i32 to vector<16xi32>
      %add3A_2075 = arith.addi %add3A_2074, %iota3A : vector<16xi32>
      %ge3A = vector.broadcast %squeeze3A_638 : i32 to vector<16xi32>
      %ge3A_2076 = arith.cmpi sge, %add3A_2075, %ge3A : vector<16xi32>
      %lt3A = vector.broadcast %squeeze3A_640 : i32 to vector<16xi32>
      %lt3A_2077 = arith.cmpi slt, %add3A_2075, %lt3A : vector<16xi32>
      %and3A_2078 = arith.andi %ge3A_2076, %lt3A_2077 : vector<16xi1>
      %jit3A_2079 = arith.constant 0.000000e+00 : f32
      %broadcast_in_dim3A_2080 = vector.broadcast %jit3A_2079 : f32 to vector<16xf32>
      %select_n3A_2081 = arith.select %and3A_2078, %get3A_2070, %broadcast_in_dim3A_2080 : vector<16xi1>, vector<16xf32>
      %add3A_2082 = arith.addf %while3A_2065, %select_n3A_2081 : vector<16xf32>
      scf.yield %add3A_2082 : vector<16xf32>
    }
    %slice3A_714 = vector.extract_strided_slice %while3A_713 {offsets = [0], sizes = [1], strides = [1]} : vector<16xf32> to vector<1xf32>
    %squeeze3A_715 = vector.extract %slice3A_714[0] : f32 from vector<1xf32>
    %slice3A_716 = vector.extract_strided_slice %while3A_713 {offsets = [1], sizes = [1], strides = [1]} : vector<16xf32> to vector<1xf32>
    %squeeze3A_717 = vector.extract %slice3A_716[0] : f32 from vector<1xf32>
    %add3A_718 = arith.addf %squeeze3A_715, %squeeze3A_717 : f32
    %slice3A_719 = vector.extract_strided_slice %while3A_713 {offsets = [2], sizes = [1], strides = [1]} : vector<16xf32> to vector<1xf32>
    %squeeze3A_720 = vector.extract %slice3A_719[0] : f32 from vector<1xf32>
    %add3A_721 = arith.addf %add3A_718, %squeeze3A_720 : f32
    %slice3A_722 = vector.extract_strided_slice %while3A_713 {offsets = [3], sizes = [1], strides = [1]} : vector<16xf32> to vector<1xf32>
    %squeeze3A_723 = vector.extract %slice3A_722[0] : f32 from vector<1xf32>
    %add3A_724 = arith.addf %add3A_721, %squeeze3A_723 : f32
    %slice3A_725 = vector.extract_strided_slice %while3A_713 {offsets = [4], sizes = [1], strides = [1]} : vector<16xf32> to vector<1xf32>
    %squeeze3A_726 = vector.extract %slice3A_725[0] : f32 from vector<1xf32>
    %add3A_727 = arith.addf %add3A_724, %squeeze3A_726 : f32
    %slice3A_728 = vector.extract_strided_slice %while3A_713 {offsets = [5], sizes = [1], strides = [1]} : vector<16xf32> to vector<1xf32>
    %squeeze3A_729 = vector.extract %slice3A_728[0] : f32 from vector<1xf32>
    %add3A_730 = arith.addf %add3A_727, %squeeze3A_729 : f32
    %slice3A_731 = vector.extract_strided_slice %while3A_713 {offsets = [6], sizes = [1], strides = [1]} : vector<16xf32> to vector<1xf32>
    %squeeze3A_732 = vector.extract %slice3A_731[0] : f32 from vector<1xf32>
    %add3A_733 = arith.addf %add3A_730, %squeeze3A_732 : f32
    %slice3A_734 = vector.extract_strided_slice %while3A_713 {offsets = [7], sizes = [1], strides = [1]} : vector<16xf32> to vector<1xf32>
    %squeeze3A_735 = vector.extract %slice3A_734[0] : f32 from vector<1xf32>
    %add3A_736 = arith.addf %add3A_733, %squeeze3A_735 : f32
    %slice3A_737 = vector.extract_strided_slice %while3A_713 {offsets = [8], sizes = [1], strides = [1]} : vector<16xf32> to vector<1xf32>
    %squeeze3A_738 = vector.extract %slice3A_737[0] : f32 from vector<1xf32>
    %add3A_739 = arith.addf %add3A_736, %squeeze3A_738 : f32
    %slice3A_740 = vector.extract_strided_slice %while3A_713 {offsets = [9], sizes = [1], strides = [1]} : vector<16xf32> to vector<1xf32>
    %squeeze3A_741 = vector.extract %slice3A_740[0] : f32 from vector<1xf32>
    %add3A_742 = arith.addf %add3A_739, %squeeze3A_741 : f32
    %slice3A_743 = vector.extract_strided_slice %while3A_713 {offsets = [10], sizes = [1], strides = [1]} : vector<16xf32> to vector<1xf32>
    %squeeze3A_744 = vector.extract %slice3A_743[0] : f32 from vector<1xf32>
    %add3A_745 = arith.addf %add3A_742, %squeeze3A_744 : f32
    %slice3A_746 = vector.extract_strided_slice %while3A_713 {offsets = [11], sizes = [1], strides = [1]} : vector<16xf32> to vector<1xf32>
    %squeeze3A_747 = vector.extract %slice3A_746[0] : f32 from vector<1xf32>
    %add3A_748 = arith.addf %add3A_745, %squeeze3A_747 : f32
    %slice3A_749 = vector.extract_strided_slice %while3A_713 {offsets = [12], sizes = [1], strides = [1]} : vector<16xf32> to vector<1xf32>
    %squeeze3A_750 = vector.extract %slice3A_749[0] : f32 from vector<1xf32>
    %add3A_751 = arith.addf %add3A_748, %squeeze3A_750 : f32
    %slice3A_752 = vector.extract_strided_slice %while3A_713 {offsets = [13], sizes = [1], strides = [1]} : vector<16xf32> to vector<1xf32>
    %squeeze3A_753 = vector.extract %slice3A_752[0] : f32 from vector<1xf32>
    %add3A_754 = arith.addf %add3A_751, %squeeze3A_753 : f32
    %slice3A_755 = vector.extract_strided_slice %while3A_713 {offsets = [14], sizes = [1], strides = [1]} : vector<16xf32> to vector<1xf32>
    %squeeze3A_756 = vector.extract %slice3A_755[0] : f32 from vector<1xf32>
    %add3A_757 = arith.addf %add3A_754, %squeeze3A_756 : f32
    %slice3A_758 = vector.extract_strided_slice %while3A_713 {offsets = [15], sizes = [1], strides = [1]} : vector<16xf32> to vector<1xf32>
    %squeeze3A_759 = vector.extract %slice3A_758[0] : f32 from vector<1xf32>
    %add3A_760 = arith.addf %add3A_757, %squeeze3A_759 : f32
    %eq3A_761 = arith.constant 5 : i32
    %eq3A_762 = vector.broadcast %eq3A_761 : i32 to vector<16xi32>
    %eq3A_763 = arith.cmpi eq, %iota3A, %eq3A_762 : vector<16xi32>
    %broadcast_in_dim3A_764 = vector.broadcast %add3A_760 : f32 to vector<16xf32>
    %select_n3A_765 = arith.select %eq3A_763, %broadcast_in_dim3A_764, %select_n3A_636 : vector<16xi1>, vector<16xf32>
    %slice3A_766 = vector.extract_strided_slice %get3A_2 {offsets = [6], sizes = [1], strides = [1]} : vector<16xi32> to vector<1xi32>
    %squeeze3A_767 = vector.extract %slice3A_766[0] : i32 from vector<1xi32>
    %slice3A_768 = vector.extract_strided_slice %get3A_5 {offsets = [6], sizes = [1], strides = [1]} : vector<16xi32> to vector<1xi32>
    %squeeze3A_769 = vector.extract %slice3A_768[0] : i32 from vector<1xi32>
    %sub3A_770 = arith.subi %squeeze3A_767, %mul3A_0 : i32
    %jit3A_771 = arith.constant 0 : i32
    %jit3A_772 = arith.constant 1024 : i32
    %max3A_773 = arith.maxsi %jit3A_771, %sub3A_770 : i32
    %min3A_774 = arith.minsi %jit3A_772, %max3A_773 : i32
    %sub3A_775 = arith.subi %squeeze3A_769, %mul3A_0 : i32
    %jit3A_776 = arith.constant 0 : i32
    %jit3A_777 = arith.constant 1024 : i32
    %max3A_778 = arith.maxsi %jit3A_776, %sub3A_775 : i32
    %min3A_779 = arith.minsi %jit3A_777, %max3A_778 : i32
    %jit3A_780 = arith.constant 16 : i32
    %div3A_781 = arith.divsi %min3A_774, %jit3A_780 : i32
    %sign3A_782 = arith.constant 0 : i32
    %sign3A_783 = arith.cmpi sgt, %min3A_774, %sign3A_782 : i32
    %sign3A_784 = arith.extui %sign3A_783 : i1 to i32
    %sign3A_785 = arith.constant 0 : i32
    %sign3A_786 = arith.cmpi slt, %min3A_774, %sign3A_785 : i32
    %sign3A_787 = arith.extui %sign3A_786 : i1 to i32
    %sign3A_788 = arith.subi %sign3A_784, %sign3A_787 : i32
    %sign3A_789 = arith.constant 0 : i32
    %sign3A_790 = arith.cmpi sgt, %jit3A_780, %sign3A_789 : i32
    %sign3A_791 = arith.extui %sign3A_790 : i1 to i32
    %sign3A_792 = arith.constant 0 : i32
    %sign3A_793 = arith.cmpi slt, %jit3A_780, %sign3A_792 : i32
    %sign3A_794 = arith.extui %sign3A_793 : i1 to i32
    %sign3A_795 = arith.subi %sign3A_791, %sign3A_794 : i32
    %ne3A_796 = arith.cmpi ne, %sign3A_788, %sign3A_795 : i32
    %rem3A_797 = arith.remsi %min3A_774, %jit3A_780 : i32
    %ne3A_798 = arith.constant 0 : i32
    %ne3A_799 = arith.cmpi ne, %rem3A_797, %ne3A_798 : i32
    %and3A_800 = arith.andi %ne3A_796, %ne3A_799 : i1
    %sub3A_801 = arith.constant 1 : i32
    %sub3A_802 = arith.subi %div3A_781, %sub3A_801 : i32
    %select_n3A_803 = arith.select %and3A_800, %sub3A_802, %div3A_781 : i32
    %add3A_804 = arith.constant 15 : i32
    %add3A_805 = arith.addi %min3A_779, %add3A_804 : i32
    %jit3A_806 = arith.constant 16 : i32
    %div3A_807 = arith.divsi %add3A_805, %jit3A_806 : i32
    %sign3A_808 = arith.constant 0 : i32
    %sign3A_809 = arith.cmpi sgt, %add3A_805, %sign3A_808 : i32
    %sign3A_810 = arith.extui %sign3A_809 : i1 to i32
    %sign3A_811 = arith.constant 0 : i32
    %sign3A_812 = arith.cmpi slt, %add3A_805, %sign3A_811 : i32
    %sign3A_813 = arith.extui %sign3A_812 : i1 to i32
    %sign3A_814 = arith.subi %sign3A_810, %sign3A_813 : i32
    %sign3A_815 = arith.constant 0 : i32
    %sign3A_816 = arith.cmpi sgt, %jit3A_806, %sign3A_815 : i32
    %sign3A_817 = arith.extui %sign3A_816 : i1 to i32
    %sign3A_818 = arith.constant 0 : i32
    %sign3A_819 = arith.cmpi slt, %jit3A_806, %sign3A_818 : i32
    %sign3A_820 = arith.extui %sign3A_819 : i1 to i32
    %sign3A_821 = arith.subi %sign3A_817, %sign3A_820 : i32
    %ne3A_822 = arith.cmpi ne, %sign3A_814, %sign3A_821 : i32
    %rem3A_823 = arith.remsi %add3A_805, %jit3A_806 : i32
    %ne3A_824 = arith.constant 0 : i32
    %ne3A_825 = arith.cmpi ne, %rem3A_823, %ne3A_824 : i32
    %and3A_826 = arith.andi %ne3A_822, %ne3A_825 : i1
    %sub3A_827 = arith.constant 1 : i32
    %sub3A_828 = arith.subi %div3A_807, %sub3A_827 : i32
    %select_n3A_829 = arith.select %and3A_826, %sub3A_828, %div3A_807 : i32
    %max3A_830 = arith.maxsi %select_n3A_829, %select_n3A_803 : i32
    %broadcast_in_dim3A_831 = arith.constant 0.000000e+00 : f32
    %broadcast_in_dim3A_832 = vector.broadcast %broadcast_in_dim3A_831 : f32 to vector<16xf32>
    %while3A_833 = arith.subi %max3A_830, %select_n3A_803 : i32
    %while3A_834 = arith.addi %select_n3A_803, %while3A_833 : i32
    %while3A_835 = arith.constant 1 : i32
    %while3A_836 = arith.divsi %while3A_833, %while3A_835 : i32
    %while3A_837 = arith.muli %while3A_836, %while3A_835 : i32
    %while3A_838 = arith.addi %select_n3A_803, %while3A_837 : i32
    %while3A_839 = arith.constant 1 : i32
    %while3A_840 = scf.for %while3A_2064 = %select_n3A_803 to %while3A_838 step %while3A_839 iter_args(%while3A_2065 = %broadcast_in_dim3A_832) -> (vector<16xf32>)  : i32 {
      %mul3A_2066 = arith.constant 16 : i32
      %mul3A_2067 = arith.muli %while3A_2064, %mul3A_2066 : i32
      %get3A_2068 = arith.index_cast %mul3A_2067 : i32 to index
      %get3A_2069 = tpu.vector_load %arg7[%get3A_2068] {strides = array<i32>} : memref<1024xf32, #tpu.memory_space<vmem>>, vector<16xf32>,
      %get3A_2070 = vector.shape_cast %get3A_2069 : vector<16xf32> to vector<16xf32>
      %mul3A_2071 = arith.constant 16 : i32
      %mul3A_2072 = arith.muli %while3A_2064, %mul3A_2071 : i32
      %add3A_2073 = arith.addi %mul3A_0, %mul3A_2072 : i32
      %add3A_2074 = vector.broadcast %add3A_2073 : i32 to vector<16xi32>
      %add3A_2075 = arith.addi %add3A_2074, %iota3A : vector<16xi32>
      %ge3A = vector.broadcast %squeeze3A_767 : i32 to vector<16xi32>
      %ge3A_2076 = arith.cmpi sge, %add3A_2075, %ge3A : vector<16xi32>
      %lt3A = vector.broadcast %squeeze3A_769 : i32 to vector<16xi32>
      %lt3A_2077 = arith.cmpi slt, %add3A_2075, %lt3A : vector<16xi32>
      %and3A_2078 = arith.andi %ge3A_2076, %lt3A_2077 : vector<16xi1>
      %jit3A_2079 = arith.constant 0.000000e+00 : f32
      %broadcast_in_dim3A_2080 = vector.broadcast %jit3A_2079 : f32 to vector<16xf32>
      %select_n3A_2081 = arith.select %and3A_2078, %get3A_2070, %broadcast_in_dim3A_2080 : vector<16xi1>, vector<16xf32>
      %add3A_2082 = arith.addf %while3A_2065, %select_n3A_2081 : vector<16xf32>
      scf.yield %add3A_2082 : vector<16xf32>
    }
    %while3A_841 = arith.constant 1 : i32
    %while3A_842 = scf.for %while3A_2064 = %while3A_838 to %while3A_834 step %while3A_841 iter_args(%while3A_2065 = %while3A_840) -> (vector<16xf32>)  : i32 {
      %mul3A_2066 = arith.constant 16 : i32
      %mul3A_2067 = arith.muli %while3A_2064, %mul3A_2066 : i32
      %get3A_2068 = arith.index_cast %mul3A_2067 : i32 to index
      %get3A_2069 = tpu.vector_load %arg7[%get3A_2068] {strides = array<i32>} : memref<1024xf32, #tpu.memory_space<vmem>>, vector<16xf32>,
      %get3A_2070 = vector.shape_cast %get3A_2069 : vector<16xf32> to vector<16xf32>
      %mul3A_2071 = arith.constant 16 : i32
      %mul3A_2072 = arith.muli %while3A_2064, %mul3A_2071 : i32
      %add3A_2073 = arith.addi %mul3A_0, %mul3A_2072 : i32
      %add3A_2074 = vector.broadcast %add3A_2073 : i32 to vector<16xi32>
      %add3A_2075 = arith.addi %add3A_2074, %iota3A : vector<16xi32>
      %ge3A = vector.broadcast %squeeze3A_767 : i32 to vector<16xi32>
      %ge3A_2076 = arith.cmpi sge, %add3A_2075, %ge3A : vector<16xi32>
      %lt3A = vector.broadcast %squeeze3A_769 : i32 to vector<16xi32>
      %lt3A_2077 = arith.cmpi slt, %add3A_2075, %lt3A : vector<16xi32>
      %and3A_2078 = arith.andi %ge3A_2076, %lt3A_2077 : vector<16xi1>
      %jit3A_2079 = arith.constant 0.000000e+00 : f32
      %broadcast_in_dim3A_2080 = vector.broadcast %jit3A_2079 : f32 to vector<16xf32>
      %select_n3A_2081 = arith.select %and3A_2078, %get3A_2070, %broadcast_in_dim3A_2080 : vector<16xi1>, vector<16xf32>
      %add3A_2082 = arith.addf %while3A_2065, %select_n3A_2081 : vector<16xf32>
      scf.yield %add3A_2082 : vector<16xf32>
    }
    %slice3A_843 = vector.extract_strided_slice %while3A_842 {offsets = [0], sizes = [1], strides = [1]} : vector<16xf32> to vector<1xf32>
    %squeeze3A_844 = vector.extract %slice3A_843[0] : f32 from vector<1xf32>
    %slice3A_845 = vector.extract_strided_slice %while3A_842 {offsets = [1], sizes = [1], strides = [1]} : vector<16xf32> to vector<1xf32>
    %squeeze3A_846 = vector.extract %slice3A_845[0] : f32 from vector<1xf32>
    %add3A_847 = arith.addf %squeeze3A_844, %squeeze3A_846 : f32
    %slice3A_848 = vector.extract_strided_slice %while3A_842 {offsets = [2], sizes = [1], strides = [1]} : vector<16xf32> to vector<1xf32>
    %squeeze3A_849 = vector.extract %slice3A_848[0] : f32 from vector<1xf32>
    %add3A_850 = arith.addf %add3A_847, %squeeze3A_849 : f32
    %slice3A_851 = vector.extract_strided_slice %while3A_842 {offsets = [3], sizes = [1], strides = [1]} : vector<16xf32> to vector<1xf32>
    %squeeze3A_852 = vector.extract %slice3A_851[0] : f32 from vector<1xf32>
    %add3A_853 = arith.addf %add3A_850, %squeeze3A_852 : f32
    %slice3A_854 = vector.extract_strided_slice %while3A_842 {offsets = [4], sizes = [1], strides = [1]} : vector<16xf32> to vector<1xf32>
    %squeeze3A_855 = vector.extract %slice3A_854[0] : f32 from vector<1xf32>
    %add3A_856 = arith.addf %add3A_853, %squeeze3A_855 : f32
    %slice3A_857 = vector.extract_strided_slice %while3A_842 {offsets = [5], sizes = [1], strides = [1]} : vector<16xf32> to vector<1xf32>
    %squeeze3A_858 = vector.extract %slice3A_857[0] : f32 from vector<1xf32>
    %add3A_859 = arith.addf %add3A_856, %squeeze3A_858 : f32
    %slice3A_860 = vector.extract_strided_slice %while3A_842 {offsets = [6], sizes = [1], strides = [1]} : vector<16xf32> to vector<1xf32>
    %squeeze3A_861 = vector.extract %slice3A_860[0] : f32 from vector<1xf32>
    %add3A_862 = arith.addf %add3A_859, %squeeze3A_861 : f32
    %slice3A_863 = vector.extract_strided_slice %while3A_842 {offsets = [7], sizes = [1], strides = [1]} : vector<16xf32> to vector<1xf32>
    %squeeze3A_864 = vector.extract %slice3A_863[0] : f32 from vector<1xf32>
    %add3A_865 = arith.addf %add3A_862, %squeeze3A_864 : f32
    %slice3A_866 = vector.extract_strided_slice %while3A_842 {offsets = [8], sizes = [1], strides = [1]} : vector<16xf32> to vector<1xf32>
    %squeeze3A_867 = vector.extract %slice3A_866[0] : f32 from vector<1xf32>
    %add3A_868 = arith.addf %add3A_865, %squeeze3A_867 : f32
    %slice3A_869 = vector.extract_strided_slice %while3A_842 {offsets = [9], sizes = [1], strides = [1]} : vector<16xf32> to vector<1xf32>
    %squeeze3A_870 = vector.extract %slice3A_869[0] : f32 from vector<1xf32>
    %add3A_871 = arith.addf %add3A_868, %squeeze3A_870 : f32
    %slice3A_872 = vector.extract_strided_slice %while3A_842 {offsets = [10], sizes = [1], strides = [1]} : vector<16xf32> to vector<1xf32>
    %squeeze3A_873 = vector.extract %slice3A_872[0] : f32 from vector<1xf32>
    %add3A_874 = arith.addf %add3A_871, %squeeze3A_873 : f32
    %slice3A_875 = vector.extract_strided_slice %while3A_842 {offsets = [11], sizes = [1], strides = [1]} : vector<16xf32> to vector<1xf32>
    %squeeze3A_876 = vector.extract %slice3A_875[0] : f32 from vector<1xf32>
    %add3A_877 = arith.addf %add3A_874, %squeeze3A_876 : f32
    %slice3A_878 = vector.extract_strided_slice %while3A_842 {offsets = [12], sizes = [1], strides = [1]} : vector<16xf32> to vector<1xf32>
    %squeeze3A_879 = vector.extract %slice3A_878[0] : f32 from vector<1xf32>
    %add3A_880 = arith.addf %add3A_877, %squeeze3A_879 : f32
    %slice3A_881 = vector.extract_strided_slice %while3A_842 {offsets = [13], sizes = [1], strides = [1]} : vector<16xf32> to vector<1xf32>
    %squeeze3A_882 = vector.extract %slice3A_881[0] : f32 from vector<1xf32>
    %add3A_883 = arith.addf %add3A_880, %squeeze3A_882 : f32
    %slice3A_884 = vector.extract_strided_slice %while3A_842 {offsets = [14], sizes = [1], strides = [1]} : vector<16xf32> to vector<1xf32>
    %squeeze3A_885 = vector.extract %slice3A_884[0] : f32 from vector<1xf32>
    %add3A_886 = arith.addf %add3A_883, %squeeze3A_885 : f32
    %slice3A_887 = vector.extract_strided_slice %while3A_842 {offsets = [15], sizes = [1], strides = [1]} : vector<16xf32> to vector<1xf32>
    %squeeze3A_888 = vector.extract %slice3A_887[0] : f32 from vector<1xf32>
    %add3A_889 = arith.addf %add3A_886, %squeeze3A_888 : f32
    %eq3A_890 = arith.constant 6 : i32
    %eq3A_891 = vector.broadcast %eq3A_890 : i32 to vector<16xi32>
    %eq3A_892 = arith.cmpi eq, %iota3A, %eq3A_891 : vector<16xi32>
    %broadcast_in_dim3A_893 = vector.broadcast %add3A_889 : f32 to vector<16xf32>
    %select_n3A_894 = arith.select %eq3A_892, %broadcast_in_dim3A_893, %select_n3A_765 : vector<16xi1>, vector<16xf32>
    %slice3A_895 = vector.extract_strided_slice %get3A_2 {offsets = [7], sizes = [1], strides = [1]} : vector<16xi32> to vector<1xi32>
    %squeeze3A_896 = vector.extract %slice3A_895[0] : i32 from vector<1xi32>
    %slice3A_897 = vector.extract_strided_slice %get3A_5 {offsets = [7], sizes = [1], strides = [1]} : vector<16xi32> to vector<1xi32>
    %squeeze3A_898 = vector.extract %slice3A_897[0] : i32 from vector<1xi32>
    %sub3A_899 = arith.subi %squeeze3A_896, %mul3A_0 : i32
    %jit3A_900 = arith.constant 0 : i32
    %jit3A_901 = arith.constant 1024 : i32
    %max3A_902 = arith.maxsi %jit3A_900, %sub3A_899 : i32
    %min3A_903 = arith.minsi %jit3A_901, %max3A_902 : i32
    %sub3A_904 = arith.subi %squeeze3A_898, %mul3A_0 : i32
    %jit3A_905 = arith.constant 0 : i32
    %jit3A_906 = arith.constant 1024 : i32
    %max3A_907 = arith.maxsi %jit3A_905, %sub3A_904 : i32
    %min3A_908 = arith.minsi %jit3A_906, %max3A_907 : i32
    %jit3A_909 = arith.constant 16 : i32
    %div3A_910 = arith.divsi %min3A_903, %jit3A_909 : i32
    %sign3A_911 = arith.constant 0 : i32
    %sign3A_912 = arith.cmpi sgt, %min3A_903, %sign3A_911 : i32
    %sign3A_913 = arith.extui %sign3A_912 : i1 to i32
    %sign3A_914 = arith.constant 0 : i32
    %sign3A_915 = arith.cmpi slt, %min3A_903, %sign3A_914 : i32
    %sign3A_916 = arith.extui %sign3A_915 : i1 to i32
    %sign3A_917 = arith.subi %sign3A_913, %sign3A_916 : i32
    %sign3A_918 = arith.constant 0 : i32
    %sign3A_919 = arith.cmpi sgt, %jit3A_909, %sign3A_918 : i32
    %sign3A_920 = arith.extui %sign3A_919 : i1 to i32
    %sign3A_921 = arith.constant 0 : i32
    %sign3A_922 = arith.cmpi slt, %jit3A_909, %sign3A_921 : i32
    %sign3A_923 = arith.extui %sign3A_922 : i1 to i32
    %sign3A_924 = arith.subi %sign3A_920, %sign3A_923 : i32
    %ne3A_925 = arith.cmpi ne, %sign3A_917, %sign3A_924 : i32
    %rem3A_926 = arith.remsi %min3A_903, %jit3A_909 : i32
    %ne3A_927 = arith.constant 0 : i32
    %ne3A_928 = arith.cmpi ne, %rem3A_926, %ne3A_927 : i32
    %and3A_929 = arith.andi %ne3A_925, %ne3A_928 : i1
    %sub3A_930 = arith.constant 1 : i32
    %sub3A_931 = arith.subi %div3A_910, %sub3A_930 : i32
    %select_n3A_932 = arith.select %and3A_929, %sub3A_931, %div3A_910 : i32
    %add3A_933 = arith.constant 15 : i32
    %add3A_934 = arith.addi %min3A_908, %add3A_933 : i32
    %jit3A_935 = arith.constant 16 : i32
    %div3A_936 = arith.divsi %add3A_934, %jit3A_935 : i32
    %sign3A_937 = arith.constant 0 : i32
    %sign3A_938 = arith.cmpi sgt, %add3A_934, %sign3A_937 : i32
    %sign3A_939 = arith.extui %sign3A_938 : i1 to i32
    %sign3A_940 = arith.constant 0 : i32
    %sign3A_941 = arith.cmpi slt, %add3A_934, %sign3A_940 : i32
    %sign3A_942 = arith.extui %sign3A_941 : i1 to i32
    %sign3A_943 = arith.subi %sign3A_939, %sign3A_942 : i32
    %sign3A_944 = arith.constant 0 : i32
    %sign3A_945 = arith.cmpi sgt, %jit3A_935, %sign3A_944 : i32
    %sign3A_946 = arith.extui %sign3A_945 : i1 to i32
    %sign3A_947 = arith.constant 0 : i32
    %sign3A_948 = arith.cmpi slt, %jit3A_935, %sign3A_947 : i32
    %sign3A_949 = arith.extui %sign3A_948 : i1 to i32
    %sign3A_950 = arith.subi %sign3A_946, %sign3A_949 : i32
    %ne3A_951 = arith.cmpi ne, %sign3A_943, %sign3A_950 : i32
    %rem3A_952 = arith.remsi %add3A_934, %jit3A_935 : i32
    %ne3A_953 = arith.constant 0 : i32
    %ne3A_954 = arith.cmpi ne, %rem3A_952, %ne3A_953 : i32
    %and3A_955 = arith.andi %ne3A_951, %ne3A_954 : i1
    %sub3A_956 = arith.constant 1 : i32
    %sub3A_957 = arith.subi %div3A_936, %sub3A_956 : i32
    %select_n3A_958 = arith.select %and3A_955, %sub3A_957, %div3A_936 : i32
    %max3A_959 = arith.maxsi %select_n3A_958, %select_n3A_932 : i32
    %broadcast_in_dim3A_960 = arith.constant 0.000000e+00 : f32
    %broadcast_in_dim3A_961 = vector.broadcast %broadcast_in_dim3A_960 : f32 to vector<16xf32>
    %while3A_962 = arith.subi %max3A_959, %select_n3A_932 : i32
    %while3A_963 = arith.addi %select_n3A_932, %while3A_962 : i32
    %while3A_964 = arith.constant 1 : i32
    %while3A_965 = arith.divsi %while3A_962, %while3A_964 : i32
    %while3A_966 = arith.muli %while3A_965, %while3A_964 : i32
    %while3A_967 = arith.addi %select_n3A_932, %while3A_966 : i32
    %while3A_968 = arith.constant 1 : i32
    %while3A_969 = scf.for %while3A_2064 = %select_n3A_932 to %while3A_967 step %while3A_968 iter_args(%while3A_2065 = %broadcast_in_dim3A_961) -> (vector<16xf32>)  : i32 {
      %mul3A_2066 = arith.constant 16 : i32
      %mul3A_2067 = arith.muli %while3A_2064, %mul3A_2066 : i32
      %get3A_2068 = arith.index_cast %mul3A_2067 : i32 to index
      %get3A_2069 = tpu.vector_load %arg7[%get3A_2068] {strides = array<i32>} : memref<1024xf32, #tpu.memory_space<vmem>>, vector<16xf32>,
      %get3A_2070 = vector.shape_cast %get3A_2069 : vector<16xf32> to vector<16xf32>
      %mul3A_2071 = arith.constant 16 : i32
      %mul3A_2072 = arith.muli %while3A_2064, %mul3A_2071 : i32
      %add3A_2073 = arith.addi %mul3A_0, %mul3A_2072 : i32
      %add3A_2074 = vector.broadcast %add3A_2073 : i32 to vector<16xi32>
      %add3A_2075 = arith.addi %add3A_2074, %iota3A : vector<16xi32>
      %ge3A = vector.broadcast %squeeze3A_896 : i32 to vector<16xi32>
      %ge3A_2076 = arith.cmpi sge, %add3A_2075, %ge3A : vector<16xi32>
      %lt3A = vector.broadcast %squeeze3A_898 : i32 to vector<16xi32>
      %lt3A_2077 = arith.cmpi slt, %add3A_2075, %lt3A : vector<16xi32>
      %and3A_2078 = arith.andi %ge3A_2076, %lt3A_2077 : vector<16xi1>
      %jit3A_2079 = arith.constant 0.000000e+00 : f32
      %broadcast_in_dim3A_2080 = vector.broadcast %jit3A_2079 : f32 to vector<16xf32>
      %select_n3A_2081 = arith.select %and3A_2078, %get3A_2070, %broadcast_in_dim3A_2080 : vector<16xi1>, vector<16xf32>
      %add3A_2082 = arith.addf %while3A_2065, %select_n3A_2081 : vector<16xf32>
      scf.yield %add3A_2082 : vector<16xf32>
    }
    %while3A_970 = arith.constant 1 : i32
    %while3A_971 = scf.for %while3A_2064 = %while3A_967 to %while3A_963 step %while3A_970 iter_args(%while3A_2065 = %while3A_969) -> (vector<16xf32>)  : i32 {
      %mul3A_2066 = arith.constant 16 : i32
      %mul3A_2067 = arith.muli %while3A_2064, %mul3A_2066 : i32
      %get3A_2068 = arith.index_cast %mul3A_2067 : i32 to index
      %get3A_2069 = tpu.vector_load %arg7[%get3A_2068] {strides = array<i32>} : memref<1024xf32, #tpu.memory_space<vmem>>, vector<16xf32>,
      %get3A_2070 = vector.shape_cast %get3A_2069 : vector<16xf32> to vector<16xf32>
      %mul3A_2071 = arith.constant 16 : i32
      %mul3A_2072 = arith.muli %while3A_2064, %mul3A_2071 : i32
      %add3A_2073 = arith.addi %mul3A_0, %mul3A_2072 : i32
      %add3A_2074 = vector.broadcast %add3A_2073 : i32 to vector<16xi32>
      %add3A_2075 = arith.addi %add3A_2074, %iota3A : vector<16xi32>
      %ge3A = vector.broadcast %squeeze3A_896 : i32 to vector<16xi32>
      %ge3A_2076 = arith.cmpi sge, %add3A_2075, %ge3A : vector<16xi32>
      %lt3A = vector.broadcast %squeeze3A_898 : i32 to vector<16xi32>
      %lt3A_2077 = arith.cmpi slt, %add3A_2075, %lt3A : vector<16xi32>
      %and3A_2078 = arith.andi %ge3A_2076, %lt3A_2077 : vector<16xi1>
      %jit3A_2079 = arith.constant 0.000000e+00 : f32
      %broadcast_in_dim3A_2080 = vector.broadcast %jit3A_2079 : f32 to vector<16xf32>
      %select_n3A_2081 = arith.select %and3A_2078, %get3A_2070, %broadcast_in_dim3A_2080 : vector<16xi1>, vector<16xf32>
      %add3A_2082 = arith.addf %while3A_2065, %select_n3A_2081 : vector<16xf32>
      scf.yield %add3A_2082 : vector<16xf32>
    }
    %slice3A_972 = vector.extract_strided_slice %while3A_971 {offsets = [0], sizes = [1], strides = [1]} : vector<16xf32> to vector<1xf32>
    %squeeze3A_973 = vector.extract %slice3A_972[0] : f32 from vector<1xf32>
    %slice3A_974 = vector.extract_strided_slice %while3A_971 {offsets = [1], sizes = [1], strides = [1]} : vector<16xf32> to vector<1xf32>
    %squeeze3A_975 = vector.extract %slice3A_974[0] : f32 from vector<1xf32>
    %add3A_976 = arith.addf %squeeze3A_973, %squeeze3A_975 : f32
    %slice3A_977 = vector.extract_strided_slice %while3A_971 {offsets = [2], sizes = [1], strides = [1]} : vector<16xf32> to vector<1xf32>
    %squeeze3A_978 = vector.extract %slice3A_977[0] : f32 from vector<1xf32>
    %add3A_979 = arith.addf %add3A_976, %squeeze3A_978 : f32
    %slice3A_980 = vector.extract_strided_slice %while3A_971 {offsets = [3], sizes = [1], strides = [1]} : vector<16xf32> to vector<1xf32>
    %squeeze3A_981 = vector.extract %slice3A_980[0] : f32 from vector<1xf32>
    %add3A_982 = arith.addf %add3A_979, %squeeze3A_981 : f32
    %slice3A_983 = vector.extract_strided_slice %while3A_971 {offsets = [4], sizes = [1], strides = [1]} : vector<16xf32> to vector<1xf32>
    %squeeze3A_984 = vector.extract %slice3A_983[0] : f32 from vector<1xf32>
    %add3A_985 = arith.addf %add3A_982, %squeeze3A_984 : f32
    %slice3A_986 = vector.extract_strided_slice %while3A_971 {offsets = [5], sizes = [1], strides = [1]} : vector<16xf32> to vector<1xf32>
    %squeeze3A_987 = vector.extract %slice3A_986[0] : f32 from vector<1xf32>
    %add3A_988 = arith.addf %add3A_985, %squeeze3A_987 : f32
    %slice3A_989 = vector.extract_strided_slice %while3A_971 {offsets = [6], sizes = [1], strides = [1]} : vector<16xf32> to vector<1xf32>
    %squeeze3A_990 = vector.extract %slice3A_989[0] : f32 from vector<1xf32>
    %add3A_991 = arith.addf %add3A_988, %squeeze3A_990 : f32
    %slice3A_992 = vector.extract_strided_slice %while3A_971 {offsets = [7], sizes = [1], strides = [1]} : vector<16xf32> to vector<1xf32>
    %squeeze3A_993 = vector.extract %slice3A_992[0] : f32 from vector<1xf32>
    %add3A_994 = arith.addf %add3A_991, %squeeze3A_993 : f32
    %slice3A_995 = vector.extract_strided_slice %while3A_971 {offsets = [8], sizes = [1], strides = [1]} : vector<16xf32> to vector<1xf32>
    %squeeze3A_996 = vector.extract %slice3A_995[0] : f32 from vector<1xf32>
    %add3A_997 = arith.addf %add3A_994, %squeeze3A_996 : f32
    %slice3A_998 = vector.extract_strided_slice %while3A_971 {offsets = [9], sizes = [1], strides = [1]} : vector<16xf32> to vector<1xf32>
    %squeeze3A_999 = vector.extract %slice3A_998[0] : f32 from vector<1xf32>
    %add3A_1000 = arith.addf %add3A_997, %squeeze3A_999 : f32
    %slice3A_1001 = vector.extract_strided_slice %while3A_971 {offsets = [10], sizes = [1], strides = [1]} : vector<16xf32> to vector<1xf32>
    %squeeze3A_1002 = vector.extract %slice3A_1001[0] : f32 from vector<1xf32>
    %add3A_1003 = arith.addf %add3A_1000, %squeeze3A_1002 : f32
    %slice3A_1004 = vector.extract_strided_slice %while3A_971 {offsets = [11], sizes = [1], strides = [1]} : vector<16xf32> to vector<1xf32>
    %squeeze3A_1005 = vector.extract %slice3A_1004[0] : f32 from vector<1xf32>
    %add3A_1006 = arith.addf %add3A_1003, %squeeze3A_1005 : f32
    %slice3A_1007 = vector.extract_strided_slice %while3A_971 {offsets = [12], sizes = [1], strides = [1]} : vector<16xf32> to vector<1xf32>
    %squeeze3A_1008 = vector.extract %slice3A_1007[0] : f32 from vector<1xf32>
    %add3A_1009 = arith.addf %add3A_1006, %squeeze3A_1008 : f32
    %slice3A_1010 = vector.extract_strided_slice %while3A_971 {offsets = [13], sizes = [1], strides = [1]} : vector<16xf32> to vector<1xf32>
    %squeeze3A_1011 = vector.extract %slice3A_1010[0] : f32 from vector<1xf32>
    %add3A_1012 = arith.addf %add3A_1009, %squeeze3A_1011 : f32
    %slice3A_1013 = vector.extract_strided_slice %while3A_971 {offsets = [14], sizes = [1], strides = [1]} : vector<16xf32> to vector<1xf32>
    %squeeze3A_1014 = vector.extract %slice3A_1013[0] : f32 from vector<1xf32>
    %add3A_1015 = arith.addf %add3A_1012, %squeeze3A_1014 : f32
    %slice3A_1016 = vector.extract_strided_slice %while3A_971 {offsets = [15], sizes = [1], strides = [1]} : vector<16xf32> to vector<1xf32>
    %squeeze3A_1017 = vector.extract %slice3A_1016[0] : f32 from vector<1xf32>
    %add3A_1018 = arith.addf %add3A_1015, %squeeze3A_1017 : f32
    %eq3A_1019 = arith.constant 7 : i32
    %eq3A_1020 = vector.broadcast %eq3A_1019 : i32 to vector<16xi32>
    %eq3A_1021 = arith.cmpi eq, %iota3A, %eq3A_1020 : vector<16xi32>
    %broadcast_in_dim3A_1022 = vector.broadcast %add3A_1018 : f32 to vector<16xf32>
    %select_n3A_1023 = arith.select %eq3A_1021, %broadcast_in_dim3A_1022, %select_n3A_894 : vector<16xi1>, vector<16xf32>
    %slice3A_1024 = vector.extract_strided_slice %get3A_2 {offsets = [8], sizes = [1], strides = [1]} : vector<16xi32> to vector<1xi32>
    %squeeze3A_1025 = vector.extract %slice3A_1024[0] : i32 from vector<1xi32>
    %slice3A_1026 = vector.extract_strided_slice %get3A_5 {offsets = [8], sizes = [1], strides = [1]} : vector<16xi32> to vector<1xi32>
    %squeeze3A_1027 = vector.extract %slice3A_1026[0] : i32 from vector<1xi32>
    %sub3A_1028 = arith.subi %squeeze3A_1025, %mul3A_0 : i32
    %jit3A_1029 = arith.constant 0 : i32
    %jit3A_1030 = arith.constant 1024 : i32
    %max3A_1031 = arith.maxsi %jit3A_1029, %sub3A_1028 : i32
    %min3A_1032 = arith.minsi %jit3A_1030, %max3A_1031 : i32
    %sub3A_1033 = arith.subi %squeeze3A_1027, %mul3A_0 : i32
    %jit3A_1034 = arith.constant 0 : i32
    %jit3A_1035 = arith.constant 1024 : i32
    %max3A_1036 = arith.maxsi %jit3A_1034, %sub3A_1033 : i32
    %min3A_1037 = arith.minsi %jit3A_1035, %max3A_1036 : i32
    %jit3A_1038 = arith.constant 16 : i32
    %div3A_1039 = arith.divsi %min3A_1032, %jit3A_1038 : i32
    %sign3A_1040 = arith.constant 0 : i32
    %sign3A_1041 = arith.cmpi sgt, %min3A_1032, %sign3A_1040 : i32
    %sign3A_1042 = arith.extui %sign3A_1041 : i1 to i32
    %sign3A_1043 = arith.constant 0 : i32
    %sign3A_1044 = arith.cmpi slt, %min3A_1032, %sign3A_1043 : i32
    %sign3A_1045 = arith.extui %sign3A_1044 : i1 to i32
    %sign3A_1046 = arith.subi %sign3A_1042, %sign3A_1045 : i32
    %sign3A_1047 = arith.constant 0 : i32
    %sign3A_1048 = arith.cmpi sgt, %jit3A_1038, %sign3A_1047 : i32
    %sign3A_1049 = arith.extui %sign3A_1048 : i1 to i32
    %sign3A_1050 = arith.constant 0 : i32
    %sign3A_1051 = arith.cmpi slt, %jit3A_1038, %sign3A_1050 : i32
    %sign3A_1052 = arith.extui %sign3A_1051 : i1 to i32
    %sign3A_1053 = arith.subi %sign3A_1049, %sign3A_1052 : i32
    %ne3A_1054 = arith.cmpi ne, %sign3A_1046, %sign3A_1053 : i32
    %rem3A_1055 = arith.remsi %min3A_1032, %jit3A_1038 : i32
    %ne3A_1056 = arith.constant 0 : i32
    %ne3A_1057 = arith.cmpi ne, %rem3A_1055, %ne3A_1056 : i32
    %and3A_1058 = arith.andi %ne3A_1054, %ne3A_1057 : i1
    %sub3A_1059 = arith.constant 1 : i32
    %sub3A_1060 = arith.subi %div3A_1039, %sub3A_1059 : i32
    %select_n3A_1061 = arith.select %and3A_1058, %sub3A_1060, %div3A_1039 : i32
    %add3A_1062 = arith.constant 15 : i32
    %add3A_1063 = arith.addi %min3A_1037, %add3A_1062 : i32
    %jit3A_1064 = arith.constant 16 : i32
    %div3A_1065 = arith.divsi %add3A_1063, %jit3A_1064 : i32
    %sign3A_1066 = arith.constant 0 : i32
    %sign3A_1067 = arith.cmpi sgt, %add3A_1063, %sign3A_1066 : i32
    %sign3A_1068 = arith.extui %sign3A_1067 : i1 to i32
    %sign3A_1069 = arith.constant 0 : i32
    %sign3A_1070 = arith.cmpi slt, %add3A_1063, %sign3A_1069 : i32
    %sign3A_1071 = arith.extui %sign3A_1070 : i1 to i32
    %sign3A_1072 = arith.subi %sign3A_1068, %sign3A_1071 : i32
    %sign3A_1073 = arith.constant 0 : i32
    %sign3A_1074 = arith.cmpi sgt, %jit3A_1064, %sign3A_1073 : i32
    %sign3A_1075 = arith.extui %sign3A_1074 : i1 to i32
    %sign3A_1076 = arith.constant 0 : i32
    %sign3A_1077 = arith.cmpi slt, %jit3A_1064, %sign3A_1076 : i32
    %sign3A_1078 = arith.extui %sign3A_1077 : i1 to i32
    %sign3A_1079 = arith.subi %sign3A_1075, %sign3A_1078 : i32
    %ne3A_1080 = arith.cmpi ne, %sign3A_1072, %sign3A_1079 : i32
    %rem3A_1081 = arith.remsi %add3A_1063, %jit3A_1064 : i32
    %ne3A_1082 = arith.constant 0 : i32
    %ne3A_1083 = arith.cmpi ne, %rem3A_1081, %ne3A_1082 : i32
    %and3A_1084 = arith.andi %ne3A_1080, %ne3A_1083 : i1
    %sub3A_1085 = arith.constant 1 : i32
    %sub3A_1086 = arith.subi %div3A_1065, %sub3A_1085 : i32
    %select_n3A_1087 = arith.select %and3A_1084, %sub3A_1086, %div3A_1065 : i32
    %max3A_1088 = arith.maxsi %select_n3A_1087, %select_n3A_1061 : i32
    %broadcast_in_dim3A_1089 = arith.constant 0.000000e+00 : f32
    %broadcast_in_dim3A_1090 = vector.broadcast %broadcast_in_dim3A_1089 : f32 to vector<16xf32>
    %while3A_1091 = arith.subi %max3A_1088, %select_n3A_1061 : i32
    %while3A_1092 = arith.addi %select_n3A_1061, %while3A_1091 : i32
    %while3A_1093 = arith.constant 1 : i32
    %while3A_1094 = arith.divsi %while3A_1091, %while3A_1093 : i32
    %while3A_1095 = arith.muli %while3A_1094, %while3A_1093 : i32
    %while3A_1096 = arith.addi %select_n3A_1061, %while3A_1095 : i32
    %while3A_1097 = arith.constant 1 : i32
    %while3A_1098 = scf.for %while3A_2064 = %select_n3A_1061 to %while3A_1096 step %while3A_1097 iter_args(%while3A_2065 = %broadcast_in_dim3A_1090) -> (vector<16xf32>)  : i32 {
      %mul3A_2066 = arith.constant 16 : i32
      %mul3A_2067 = arith.muli %while3A_2064, %mul3A_2066 : i32
      %get3A_2068 = arith.index_cast %mul3A_2067 : i32 to index
      %get3A_2069 = tpu.vector_load %arg7[%get3A_2068] {strides = array<i32>} : memref<1024xf32, #tpu.memory_space<vmem>>, vector<16xf32>,
      %get3A_2070 = vector.shape_cast %get3A_2069 : vector<16xf32> to vector<16xf32>
      %mul3A_2071 = arith.constant 16 : i32
      %mul3A_2072 = arith.muli %while3A_2064, %mul3A_2071 : i32
      %add3A_2073 = arith.addi %mul3A_0, %mul3A_2072 : i32
      %add3A_2074 = vector.broadcast %add3A_2073 : i32 to vector<16xi32>
      %add3A_2075 = arith.addi %add3A_2074, %iota3A : vector<16xi32>
      %ge3A = vector.broadcast %squeeze3A_1025 : i32 to vector<16xi32>
      %ge3A_2076 = arith.cmpi sge, %add3A_2075, %ge3A : vector<16xi32>
      %lt3A = vector.broadcast %squeeze3A_1027 : i32 to vector<16xi32>
      %lt3A_2077 = arith.cmpi slt, %add3A_2075, %lt3A : vector<16xi32>
      %and3A_2078 = arith.andi %ge3A_2076, %lt3A_2077 : vector<16xi1>
      %jit3A_2079 = arith.constant 0.000000e+00 : f32
      %broadcast_in_dim3A_2080 = vector.broadcast %jit3A_2079 : f32 to vector<16xf32>
      %select_n3A_2081 = arith.select %and3A_2078, %get3A_2070, %broadcast_in_dim3A_2080 : vector<16xi1>, vector<16xf32>
      %add3A_2082 = arith.addf %while3A_2065, %select_n3A_2081 : vector<16xf32>
      scf.yield %add3A_2082 : vector<16xf32>
    }
    %while3A_1099 = arith.constant 1 : i32
    %while3A_1100 = scf.for %while3A_2064 = %while3A_1096 to %while3A_1092 step %while3A_1099 iter_args(%while3A_2065 = %while3A_1098) -> (vector<16xf32>)  : i32 {
      %mul3A_2066 = arith.constant 16 : i32
      %mul3A_2067 = arith.muli %while3A_2064, %mul3A_2066 : i32
      %get3A_2068 = arith.index_cast %mul3A_2067 : i32 to index
      %get3A_2069 = tpu.vector_load %arg7[%get3A_2068] {strides = array<i32>} : memref<1024xf32, #tpu.memory_space<vmem>>, vector<16xf32>,
      %get3A_2070 = vector.shape_cast %get3A_2069 : vector<16xf32> to vector<16xf32>
      %mul3A_2071 = arith.constant 16 : i32
      %mul3A_2072 = arith.muli %while3A_2064, %mul3A_2071 : i32
      %add3A_2073 = arith.addi %mul3A_0, %mul3A_2072 : i32
      %add3A_2074 = vector.broadcast %add3A_2073 : i32 to vector<16xi32>
      %add3A_2075 = arith.addi %add3A_2074, %iota3A : vector<16xi32>
      %ge3A = vector.broadcast %squeeze3A_1025 : i32 to vector<16xi32>
      %ge3A_2076 = arith.cmpi sge, %add3A_2075, %ge3A : vector<16xi32>
      %lt3A = vector.broadcast %squeeze3A_1027 : i32 to vector<16xi32>
      %lt3A_2077 = arith.cmpi slt, %add3A_2075, %lt3A : vector<16xi32>
      %and3A_2078 = arith.andi %ge3A_2076, %lt3A_2077 : vector<16xi1>
      %jit3A_2079 = arith.constant 0.000000e+00 : f32
      %broadcast_in_dim3A_2080 = vector.broadcast %jit3A_2079 : f32 to vector<16xf32>
      %select_n3A_2081 = arith.select %and3A_2078, %get3A_2070, %broadcast_in_dim3A_2080 : vector<16xi1>, vector<16xf32>
      %add3A_2082 = arith.addf %while3A_2065, %select_n3A_2081 : vector<16xf32>
      scf.yield %add3A_2082 : vector<16xf32>
    }
    %slice3A_1101 = vector.extract_strided_slice %while3A_1100 {offsets = [0], sizes = [1], strides = [1]} : vector<16xf32> to vector<1xf32>
    %squeeze3A_1102 = vector.extract %slice3A_1101[0] : f32 from vector<1xf32>
    %slice3A_1103 = vector.extract_strided_slice %while3A_1100 {offsets = [1], sizes = [1], strides = [1]} : vector<16xf32> to vector<1xf32>
    %squeeze3A_1104 = vector.extract %slice3A_1103[0] : f32 from vector<1xf32>
    %add3A_1105 = arith.addf %squeeze3A_1102, %squeeze3A_1104 : f32
    %slice3A_1106 = vector.extract_strided_slice %while3A_1100 {offsets = [2], sizes = [1], strides = [1]} : vector<16xf32> to vector<1xf32>
    %squeeze3A_1107 = vector.extract %slice3A_1106[0] : f32 from vector<1xf32>
    %add3A_1108 = arith.addf %add3A_1105, %squeeze3A_1107 : f32
    %slice3A_1109 = vector.extract_strided_slice %while3A_1100 {offsets = [3], sizes = [1], strides = [1]} : vector<16xf32> to vector<1xf32>
    %squeeze3A_1110 = vector.extract %slice3A_1109[0] : f32 from vector<1xf32>
    %add3A_1111 = arith.addf %add3A_1108, %squeeze3A_1110 : f32
    %slice3A_1112 = vector.extract_strided_slice %while3A_1100 {offsets = [4], sizes = [1], strides = [1]} : vector<16xf32> to vector<1xf32>
    %squeeze3A_1113 = vector.extract %slice3A_1112[0] : f32 from vector<1xf32>
    %add3A_1114 = arith.addf %add3A_1111, %squeeze3A_1113 : f32
    %slice3A_1115 = vector.extract_strided_slice %while3A_1100 {offsets = [5], sizes = [1], strides = [1]} : vector<16xf32> to vector<1xf32>
    %squeeze3A_1116 = vector.extract %slice3A_1115[0] : f32 from vector<1xf32>
    %add3A_1117 = arith.addf %add3A_1114, %squeeze3A_1116 : f32
    %slice3A_1118 = vector.extract_strided_slice %while3A_1100 {offsets = [6], sizes = [1], strides = [1]} : vector<16xf32> to vector<1xf32>
    %squeeze3A_1119 = vector.extract %slice3A_1118[0] : f32 from vector<1xf32>
    %add3A_1120 = arith.addf %add3A_1117, %squeeze3A_1119 : f32
    %slice3A_1121 = vector.extract_strided_slice %while3A_1100 {offsets = [7], sizes = [1], strides = [1]} : vector<16xf32> to vector<1xf32>
    %squeeze3A_1122 = vector.extract %slice3A_1121[0] : f32 from vector<1xf32>
    %add3A_1123 = arith.addf %add3A_1120, %squeeze3A_1122 : f32
    %slice3A_1124 = vector.extract_strided_slice %while3A_1100 {offsets = [8], sizes = [1], strides = [1]} : vector<16xf32> to vector<1xf32>
    %squeeze3A_1125 = vector.extract %slice3A_1124[0] : f32 from vector<1xf32>
    %add3A_1126 = arith.addf %add3A_1123, %squeeze3A_1125 : f32
    %slice3A_1127 = vector.extract_strided_slice %while3A_1100 {offsets = [9], sizes = [1], strides = [1]} : vector<16xf32> to vector<1xf32>
    %squeeze3A_1128 = vector.extract %slice3A_1127[0] : f32 from vector<1xf32>
    %add3A_1129 = arith.addf %add3A_1126, %squeeze3A_1128 : f32
    %slice3A_1130 = vector.extract_strided_slice %while3A_1100 {offsets = [10], sizes = [1], strides = [1]} : vector<16xf32> to vector<1xf32>
    %squeeze3A_1131 = vector.extract %slice3A_1130[0] : f32 from vector<1xf32>
    %add3A_1132 = arith.addf %add3A_1129, %squeeze3A_1131 : f32
    %slice3A_1133 = vector.extract_strided_slice %while3A_1100 {offsets = [11], sizes = [1], strides = [1]} : vector<16xf32> to vector<1xf32>
    %squeeze3A_1134 = vector.extract %slice3A_1133[0] : f32 from vector<1xf32>
    %add3A_1135 = arith.addf %add3A_1132, %squeeze3A_1134 : f32
    %slice3A_1136 = vector.extract_strided_slice %while3A_1100 {offsets = [12], sizes = [1], strides = [1]} : vector<16xf32> to vector<1xf32>
    %squeeze3A_1137 = vector.extract %slice3A_1136[0] : f32 from vector<1xf32>
    %add3A_1138 = arith.addf %add3A_1135, %squeeze3A_1137 : f32
    %slice3A_1139 = vector.extract_strided_slice %while3A_1100 {offsets = [13], sizes = [1], strides = [1]} : vector<16xf32> to vector<1xf32>
    %squeeze3A_1140 = vector.extract %slice3A_1139[0] : f32 from vector<1xf32>
    %add3A_1141 = arith.addf %add3A_1138, %squeeze3A_1140 : f32
    %slice3A_1142 = vector.extract_strided_slice %while3A_1100 {offsets = [14], sizes = [1], strides = [1]} : vector<16xf32> to vector<1xf32>
    %squeeze3A_1143 = vector.extract %slice3A_1142[0] : f32 from vector<1xf32>
    %add3A_1144 = arith.addf %add3A_1141, %squeeze3A_1143 : f32
    %slice3A_1145 = vector.extract_strided_slice %while3A_1100 {offsets = [15], sizes = [1], strides = [1]} : vector<16xf32> to vector<1xf32>
    %squeeze3A_1146 = vector.extract %slice3A_1145[0] : f32 from vector<1xf32>
    %add3A_1147 = arith.addf %add3A_1144, %squeeze3A_1146 : f32
    %eq3A_1148 = arith.constant 8 : i32
    %eq3A_1149 = vector.broadcast %eq3A_1148 : i32 to vector<16xi32>
    %eq3A_1150 = arith.cmpi eq, %iota3A, %eq3A_1149 : vector<16xi32>
    %broadcast_in_dim3A_1151 = vector.broadcast %add3A_1147 : f32 to vector<16xf32>
    %select_n3A_1152 = arith.select %eq3A_1150, %broadcast_in_dim3A_1151, %select_n3A_1023 : vector<16xi1>, vector<16xf32>
    %slice3A_1153 = vector.extract_strided_slice %get3A_2 {offsets = [9], sizes = [1], strides = [1]} : vector<16xi32> to vector<1xi32>
    %squeeze3A_1154 = vector.extract %slice3A_1153[0] : i32 from vector<1xi32>
    %slice3A_1155 = vector.extract_strided_slice %get3A_5 {offsets = [9], sizes = [1], strides = [1]} : vector<16xi32> to vector<1xi32>
    %squeeze3A_1156 = vector.extract %slice3A_1155[0] : i32 from vector<1xi32>
    %sub3A_1157 = arith.subi %squeeze3A_1154, %mul3A_0 : i32
    %jit3A_1158 = arith.constant 0 : i32
    %jit3A_1159 = arith.constant 1024 : i32
    %max3A_1160 = arith.maxsi %jit3A_1158, %sub3A_1157 : i32
    %min3A_1161 = arith.minsi %jit3A_1159, %max3A_1160 : i32
    %sub3A_1162 = arith.subi %squeeze3A_1156, %mul3A_0 : i32
    %jit3A_1163 = arith.constant 0 : i32
    %jit3A_1164 = arith.constant 1024 : i32
    %max3A_1165 = arith.maxsi %jit3A_1163, %sub3A_1162 : i32
    %min3A_1166 = arith.minsi %jit3A_1164, %max3A_1165 : i32
    %jit3A_1167 = arith.constant 16 : i32
    %div3A_1168 = arith.divsi %min3A_1161, %jit3A_1167 : i32
    %sign3A_1169 = arith.constant 0 : i32
    %sign3A_1170 = arith.cmpi sgt, %min3A_1161, %sign3A_1169 : i32
    %sign3A_1171 = arith.extui %sign3A_1170 : i1 to i32
    %sign3A_1172 = arith.constant 0 : i32
    %sign3A_1173 = arith.cmpi slt, %min3A_1161, %sign3A_1172 : i32
    %sign3A_1174 = arith.extui %sign3A_1173 : i1 to i32
    %sign3A_1175 = arith.subi %sign3A_1171, %sign3A_1174 : i32
    %sign3A_1176 = arith.constant 0 : i32
    %sign3A_1177 = arith.cmpi sgt, %jit3A_1167, %sign3A_1176 : i32
    %sign3A_1178 = arith.extui %sign3A_1177 : i1 to i32
    %sign3A_1179 = arith.constant 0 : i32
    %sign3A_1180 = arith.cmpi slt, %jit3A_1167, %sign3A_1179 : i32
    %sign3A_1181 = arith.extui %sign3A_1180 : i1 to i32
    %sign3A_1182 = arith.subi %sign3A_1178, %sign3A_1181 : i32
    %ne3A_1183 = arith.cmpi ne, %sign3A_1175, %sign3A_1182 : i32
    %rem3A_1184 = arith.remsi %min3A_1161, %jit3A_1167 : i32
    %ne3A_1185 = arith.constant 0 : i32
    %ne3A_1186 = arith.cmpi ne, %rem3A_1184, %ne3A_1185 : i32
    %and3A_1187 = arith.andi %ne3A_1183, %ne3A_1186 : i1
    %sub3A_1188 = arith.constant 1 : i32
    %sub3A_1189 = arith.subi %div3A_1168, %sub3A_1188 : i32
    %select_n3A_1190 = arith.select %and3A_1187, %sub3A_1189, %div3A_1168 : i32
    %add3A_1191 = arith.constant 15 : i32
    %add3A_1192 = arith.addi %min3A_1166, %add3A_1191 : i32
    %jit3A_1193 = arith.constant 16 : i32
    %div3A_1194 = arith.divsi %add3A_1192, %jit3A_1193 : i32
    %sign3A_1195 = arith.constant 0 : i32
    %sign3A_1196 = arith.cmpi sgt, %add3A_1192, %sign3A_1195 : i32
    %sign3A_1197 = arith.extui %sign3A_1196 : i1 to i32
    %sign3A_1198 = arith.constant 0 : i32
    %sign3A_1199 = arith.cmpi slt, %add3A_1192, %sign3A_1198 : i32
    %sign3A_1200 = arith.extui %sign3A_1199 : i1 to i32
    %sign3A_1201 = arith.subi %sign3A_1197, %sign3A_1200 : i32
    %sign3A_1202 = arith.constant 0 : i32
    %sign3A_1203 = arith.cmpi sgt, %jit3A_1193, %sign3A_1202 : i32
    %sign3A_1204 = arith.extui %sign3A_1203 : i1 to i32
    %sign3A_1205 = arith.constant 0 : i32
    %sign3A_1206 = arith.cmpi slt, %jit3A_1193, %sign3A_1205 : i32
    %sign3A_1207 = arith.extui %sign3A_1206 : i1 to i32
    %sign3A_1208 = arith.subi %sign3A_1204, %sign3A_1207 : i32
    %ne3A_1209 = arith.cmpi ne, %sign3A_1201, %sign3A_1208 : i32
    %rem3A_1210 = arith.remsi %add3A_1192, %jit3A_1193 : i32
    %ne3A_1211 = arith.constant 0 : i32
    %ne3A_1212 = arith.cmpi ne, %rem3A_1210, %ne3A_1211 : i32
    %and3A_1213 = arith.andi %ne3A_1209, %ne3A_1212 : i1
    %sub3A_1214 = arith.constant 1 : i32
    %sub3A_1215 = arith.subi %div3A_1194, %sub3A_1214 : i32
    %select_n3A_1216 = arith.select %and3A_1213, %sub3A_1215, %div3A_1194 : i32
    %max3A_1217 = arith.maxsi %select_n3A_1216, %select_n3A_1190 : i32
    %broadcast_in_dim3A_1218 = arith.constant 0.000000e+00 : f32
    %broadcast_in_dim3A_1219 = vector.broadcast %broadcast_in_dim3A_1218 : f32 to vector<16xf32>
    %while3A_1220 = arith.subi %max3A_1217, %select_n3A_1190 : i32
    %while3A_1221 = arith.addi %select_n3A_1190, %while3A_1220 : i32
    %while3A_1222 = arith.constant 1 : i32
    %while3A_1223 = arith.divsi %while3A_1220, %while3A_1222 : i32
    %while3A_1224 = arith.muli %while3A_1223, %while3A_1222 : i32
    %while3A_1225 = arith.addi %select_n3A_1190, %while3A_1224 : i32
    %while3A_1226 = arith.constant 1 : i32
    %while3A_1227 = scf.for %while3A_2064 = %select_n3A_1190 to %while3A_1225 step %while3A_1226 iter_args(%while3A_2065 = %broadcast_in_dim3A_1219) -> (vector<16xf32>)  : i32 {
      %mul3A_2066 = arith.constant 16 : i32
      %mul3A_2067 = arith.muli %while3A_2064, %mul3A_2066 : i32
      %get3A_2068 = arith.index_cast %mul3A_2067 : i32 to index
      %get3A_2069 = tpu.vector_load %arg7[%get3A_2068] {strides = array<i32>} : memref<1024xf32, #tpu.memory_space<vmem>>, vector<16xf32>,
      %get3A_2070 = vector.shape_cast %get3A_2069 : vector<16xf32> to vector<16xf32>
      %mul3A_2071 = arith.constant 16 : i32
      %mul3A_2072 = arith.muli %while3A_2064, %mul3A_2071 : i32
      %add3A_2073 = arith.addi %mul3A_0, %mul3A_2072 : i32
      %add3A_2074 = vector.broadcast %add3A_2073 : i32 to vector<16xi32>
      %add3A_2075 = arith.addi %add3A_2074, %iota3A : vector<16xi32>
      %ge3A = vector.broadcast %squeeze3A_1154 : i32 to vector<16xi32>
      %ge3A_2076 = arith.cmpi sge, %add3A_2075, %ge3A : vector<16xi32>
      %lt3A = vector.broadcast %squeeze3A_1156 : i32 to vector<16xi32>
      %lt3A_2077 = arith.cmpi slt, %add3A_2075, %lt3A : vector<16xi32>
      %and3A_2078 = arith.andi %ge3A_2076, %lt3A_2077 : vector<16xi1>
      %jit3A_2079 = arith.constant 0.000000e+00 : f32
      %broadcast_in_dim3A_2080 = vector.broadcast %jit3A_2079 : f32 to vector<16xf32>
      %select_n3A_2081 = arith.select %and3A_2078, %get3A_2070, %broadcast_in_dim3A_2080 : vector<16xi1>, vector<16xf32>
      %add3A_2082 = arith.addf %while3A_2065, %select_n3A_2081 : vector<16xf32>
      scf.yield %add3A_2082 : vector<16xf32>
    }
    %while3A_1228 = arith.constant 1 : i32
    %while3A_1229 = scf.for %while3A_2064 = %while3A_1225 to %while3A_1221 step %while3A_1228 iter_args(%while3A_2065 = %while3A_1227) -> (vector<16xf32>)  : i32 {
      %mul3A_2066 = arith.constant 16 : i32
      %mul3A_2067 = arith.muli %while3A_2064, %mul3A_2066 : i32
      %get3A_2068 = arith.index_cast %mul3A_2067 : i32 to index
      %get3A_2069 = tpu.vector_load %arg7[%get3A_2068] {strides = array<i32>} : memref<1024xf32, #tpu.memory_space<vmem>>, vector<16xf32>,
      %get3A_2070 = vector.shape_cast %get3A_2069 : vector<16xf32> to vector<16xf32>
      %mul3A_2071 = arith.constant 16 : i32
      %mul3A_2072 = arith.muli %while3A_2064, %mul3A_2071 : i32
      %add3A_2073 = arith.addi %mul3A_0, %mul3A_2072 : i32
      %add3A_2074 = vector.broadcast %add3A_2073 : i32 to vector<16xi32>
      %add3A_2075 = arith.addi %add3A_2074, %iota3A : vector<16xi32>
      %ge3A = vector.broadcast %squeeze3A_1154 : i32 to vector<16xi32>
      %ge3A_2076 = arith.cmpi sge, %add3A_2075, %ge3A : vector<16xi32>
      %lt3A = vector.broadcast %squeeze3A_1156 : i32 to vector<16xi32>
      %lt3A_2077 = arith.cmpi slt, %add3A_2075, %lt3A : vector<16xi32>
      %and3A_2078 = arith.andi %ge3A_2076, %lt3A_2077 : vector<16xi1>
      %jit3A_2079 = arith.constant 0.000000e+00 : f32
      %broadcast_in_dim3A_2080 = vector.broadcast %jit3A_2079 : f32 to vector<16xf32>
      %select_n3A_2081 = arith.select %and3A_2078, %get3A_2070, %broadcast_in_dim3A_2080 : vector<16xi1>, vector<16xf32>
      %add3A_2082 = arith.addf %while3A_2065, %select_n3A_2081 : vector<16xf32>
      scf.yield %add3A_2082 : vector<16xf32>
    }
    %slice3A_1230 = vector.extract_strided_slice %while3A_1229 {offsets = [0], sizes = [1], strides = [1]} : vector<16xf32> to vector<1xf32>
    %squeeze3A_1231 = vector.extract %slice3A_1230[0] : f32 from vector<1xf32>
    %slice3A_1232 = vector.extract_strided_slice %while3A_1229 {offsets = [1], sizes = [1], strides = [1]} : vector<16xf32> to vector<1xf32>
    %squeeze3A_1233 = vector.extract %slice3A_1232[0] : f32 from vector<1xf32>
    %add3A_1234 = arith.addf %squeeze3A_1231, %squeeze3A_1233 : f32
    %slice3A_1235 = vector.extract_strided_slice %while3A_1229 {offsets = [2], sizes = [1], strides = [1]} : vector<16xf32> to vector<1xf32>
    %squeeze3A_1236 = vector.extract %slice3A_1235[0] : f32 from vector<1xf32>
    %add3A_1237 = arith.addf %add3A_1234, %squeeze3A_1236 : f32
    %slice3A_1238 = vector.extract_strided_slice %while3A_1229 {offsets = [3], sizes = [1], strides = [1]} : vector<16xf32> to vector<1xf32>
    %squeeze3A_1239 = vector.extract %slice3A_1238[0] : f32 from vector<1xf32>
    %add3A_1240 = arith.addf %add3A_1237, %squeeze3A_1239 : f32
    %slice3A_1241 = vector.extract_strided_slice %while3A_1229 {offsets = [4], sizes = [1], strides = [1]} : vector<16xf32> to vector<1xf32>
    %squeeze3A_1242 = vector.extract %slice3A_1241[0] : f32 from vector<1xf32>
    %add3A_1243 = arith.addf %add3A_1240, %squeeze3A_1242 : f32
    %slice3A_1244 = vector.extract_strided_slice %while3A_1229 {offsets = [5], sizes = [1], strides = [1]} : vector<16xf32> to vector<1xf32>
    %squeeze3A_1245 = vector.extract %slice3A_1244[0] : f32 from vector<1xf32>
    %add3A_1246 = arith.addf %add3A_1243, %squeeze3A_1245 : f32
    %slice3A_1247 = vector.extract_strided_slice %while3A_1229 {offsets = [6], sizes = [1], strides = [1]} : vector<16xf32> to vector<1xf32>
    %squeeze3A_1248 = vector.extract %slice3A_1247[0] : f32 from vector<1xf32>
    %add3A_1249 = arith.addf %add3A_1246, %squeeze3A_1248 : f32
    %slice3A_1250 = vector.extract_strided_slice %while3A_1229 {offsets = [7], sizes = [1], strides = [1]} : vector<16xf32> to vector<1xf32>
    %squeeze3A_1251 = vector.extract %slice3A_1250[0] : f32 from vector<1xf32>
    %add3A_1252 = arith.addf %add3A_1249, %squeeze3A_1251 : f32
    %slice3A_1253 = vector.extract_strided_slice %while3A_1229 {offsets = [8], sizes = [1], strides = [1]} : vector<16xf32> to vector<1xf32>
    %squeeze3A_1254 = vector.extract %slice3A_1253[0] : f32 from vector<1xf32>
    %add3A_1255 = arith.addf %add3A_1252, %squeeze3A_1254 : f32
    %slice3A_1256 = vector.extract_strided_slice %while3A_1229 {offsets = [9], sizes = [1], strides = [1]} : vector<16xf32> to vector<1xf32>
    %squeeze3A_1257 = vector.extract %slice3A_1256[0] : f32 from vector<1xf32>
    %add3A_1258 = arith.addf %add3A_1255, %squeeze3A_1257 : f32
    %slice3A_1259 = vector.extract_strided_slice %while3A_1229 {offsets = [10], sizes = [1], strides = [1]} : vector<16xf32> to vector<1xf32>
    %squeeze3A_1260 = vector.extract %slice3A_1259[0] : f32 from vector<1xf32>
    %add3A_1261 = arith.addf %add3A_1258, %squeeze3A_1260 : f32
    %slice3A_1262 = vector.extract_strided_slice %while3A_1229 {offsets = [11], sizes = [1], strides = [1]} : vector<16xf32> to vector<1xf32>
    %squeeze3A_1263 = vector.extract %slice3A_1262[0] : f32 from vector<1xf32>
    %add3A_1264 = arith.addf %add3A_1261, %squeeze3A_1263 : f32
    %slice3A_1265 = vector.extract_strided_slice %while3A_1229 {offsets = [12], sizes = [1], strides = [1]} : vector<16xf32> to vector<1xf32>
    %squeeze3A_1266 = vector.extract %slice3A_1265[0] : f32 from vector<1xf32>
    %add3A_1267 = arith.addf %add3A_1264, %squeeze3A_1266 : f32
    %slice3A_1268 = vector.extract_strided_slice %while3A_1229 {offsets = [13], sizes = [1], strides = [1]} : vector<16xf32> to vector<1xf32>
    %squeeze3A_1269 = vector.extract %slice3A_1268[0] : f32 from vector<1xf32>
    %add3A_1270 = arith.addf %add3A_1267, %squeeze3A_1269 : f32
    %slice3A_1271 = vector.extract_strided_slice %while3A_1229 {offsets = [14], sizes = [1], strides = [1]} : vector<16xf32> to vector<1xf32>
    %squeeze3A_1272 = vector.extract %slice3A_1271[0] : f32 from vector<1xf32>
    %add3A_1273 = arith.addf %add3A_1270, %squeeze3A_1272 : f32
    %slice3A_1274 = vector.extract_strided_slice %while3A_1229 {offsets = [15], sizes = [1], strides = [1]} : vector<16xf32> to vector<1xf32>
    %squeeze3A_1275 = vector.extract %slice3A_1274[0] : f32 from vector<1xf32>
    %add3A_1276 = arith.addf %add3A_1273, %squeeze3A_1275 : f32
    %eq3A_1277 = arith.constant 9 : i32
    %eq3A_1278 = vector.broadcast %eq3A_1277 : i32 to vector<16xi32>
    %eq3A_1279 = arith.cmpi eq, %iota3A, %eq3A_1278 : vector<16xi32>
    %broadcast_in_dim3A_1280 = vector.broadcast %add3A_1276 : f32 to vector<16xf32>
    %select_n3A_1281 = arith.select %eq3A_1279, %broadcast_in_dim3A_1280, %select_n3A_1152 : vector<16xi1>, vector<16xf32>
    %slice3A_1282 = vector.extract_strided_slice %get3A_2 {offsets = [10], sizes = [1], strides = [1]} : vector<16xi32> to vector<1xi32>
    %squeeze3A_1283 = vector.extract %slice3A_1282[0] : i32 from vector<1xi32>
    %slice3A_1284 = vector.extract_strided_slice %get3A_5 {offsets = [10], sizes = [1], strides = [1]} : vector<16xi32> to vector<1xi32>
    %squeeze3A_1285 = vector.extract %slice3A_1284[0] : i32 from vector<1xi32>
    %sub3A_1286 = arith.subi %squeeze3A_1283, %mul3A_0 : i32
    %jit3A_1287 = arith.constant 0 : i32
    %jit3A_1288 = arith.constant 1024 : i32
    %max3A_1289 = arith.maxsi %jit3A_1287, %sub3A_1286 : i32
    %min3A_1290 = arith.minsi %jit3A_1288, %max3A_1289 : i32
    %sub3A_1291 = arith.subi %squeeze3A_1285, %mul3A_0 : i32
    %jit3A_1292 = arith.constant 0 : i32
    %jit3A_1293 = arith.constant 1024 : i32
    %max3A_1294 = arith.maxsi %jit3A_1292, %sub3A_1291 : i32
    %min3A_1295 = arith.minsi %jit3A_1293, %max3A_1294 : i32
    %jit3A_1296 = arith.constant 16 : i32
    %div3A_1297 = arith.divsi %min3A_1290, %jit3A_1296 : i32
    %sign3A_1298 = arith.constant 0 : i32
    %sign3A_1299 = arith.cmpi sgt, %min3A_1290, %sign3A_1298 : i32
    %sign3A_1300 = arith.extui %sign3A_1299 : i1 to i32
    %sign3A_1301 = arith.constant 0 : i32
    %sign3A_1302 = arith.cmpi slt, %min3A_1290, %sign3A_1301 : i32
    %sign3A_1303 = arith.extui %sign3A_1302 : i1 to i32
    %sign3A_1304 = arith.subi %sign3A_1300, %sign3A_1303 : i32
    %sign3A_1305 = arith.constant 0 : i32
    %sign3A_1306 = arith.cmpi sgt, %jit3A_1296, %sign3A_1305 : i32
    %sign3A_1307 = arith.extui %sign3A_1306 : i1 to i32
    %sign3A_1308 = arith.constant 0 : i32
    %sign3A_1309 = arith.cmpi slt, %jit3A_1296, %sign3A_1308 : i32
    %sign3A_1310 = arith.extui %sign3A_1309 : i1 to i32
    %sign3A_1311 = arith.subi %sign3A_1307, %sign3A_1310 : i32
    %ne3A_1312 = arith.cmpi ne, %sign3A_1304, %sign3A_1311 : i32
    %rem3A_1313 = arith.remsi %min3A_1290, %jit3A_1296 : i32
    %ne3A_1314 = arith.constant 0 : i32
    %ne3A_1315 = arith.cmpi ne, %rem3A_1313, %ne3A_1314 : i32
    %and3A_1316 = arith.andi %ne3A_1312, %ne3A_1315 : i1
    %sub3A_1317 = arith.constant 1 : i32
    %sub3A_1318 = arith.subi %div3A_1297, %sub3A_1317 : i32
    %select_n3A_1319 = arith.select %and3A_1316, %sub3A_1318, %div3A_1297 : i32
    %add3A_1320 = arith.constant 15 : i32
    %add3A_1321 = arith.addi %min3A_1295, %add3A_1320 : i32
    %jit3A_1322 = arith.constant 16 : i32
    %div3A_1323 = arith.divsi %add3A_1321, %jit3A_1322 : i32
    %sign3A_1324 = arith.constant 0 : i32
    %sign3A_1325 = arith.cmpi sgt, %add3A_1321, %sign3A_1324 : i32
    %sign3A_1326 = arith.extui %sign3A_1325 : i1 to i32
    %sign3A_1327 = arith.constant 0 : i32
    %sign3A_1328 = arith.cmpi slt, %add3A_1321, %sign3A_1327 : i32
    %sign3A_1329 = arith.extui %sign3A_1328 : i1 to i32
    %sign3A_1330 = arith.subi %sign3A_1326, %sign3A_1329 : i32
    %sign3A_1331 = arith.constant 0 : i32
    %sign3A_1332 = arith.cmpi sgt, %jit3A_1322, %sign3A_1331 : i32
    %sign3A_1333 = arith.extui %sign3A_1332 : i1 to i32
    %sign3A_1334 = arith.constant 0 : i32
    %sign3A_1335 = arith.cmpi slt, %jit3A_1322, %sign3A_1334 : i32
    %sign3A_1336 = arith.extui %sign3A_1335 : i1 to i32
    %sign3A_1337 = arith.subi %sign3A_1333, %sign3A_1336 : i32
    %ne3A_1338 = arith.cmpi ne, %sign3A_1330, %sign3A_1337 : i32
    %rem3A_1339 = arith.remsi %add3A_1321, %jit3A_1322 : i32
    %ne3A_1340 = arith.constant 0 : i32
    %ne3A_1341 = arith.cmpi ne, %rem3A_1339, %ne3A_1340 : i32
    %and3A_1342 = arith.andi %ne3A_1338, %ne3A_1341 : i1
    %sub3A_1343 = arith.constant 1 : i32
    %sub3A_1344 = arith.subi %div3A_1323, %sub3A_1343 : i32
    %select_n3A_1345 = arith.select %and3A_1342, %sub3A_1344, %div3A_1323 : i32
    %max3A_1346 = arith.maxsi %select_n3A_1345, %select_n3A_1319 : i32
    %broadcast_in_dim3A_1347 = arith.constant 0.000000e+00 : f32
    %broadcast_in_dim3A_1348 = vector.broadcast %broadcast_in_dim3A_1347 : f32 to vector<16xf32>
    %while3A_1349 = arith.subi %max3A_1346, %select_n3A_1319 : i32
    %while3A_1350 = arith.addi %select_n3A_1319, %while3A_1349 : i32
    %while3A_1351 = arith.constant 1 : i32
    %while3A_1352 = arith.divsi %while3A_1349, %while3A_1351 : i32
    %while3A_1353 = arith.muli %while3A_1352, %while3A_1351 : i32
    %while3A_1354 = arith.addi %select_n3A_1319, %while3A_1353 : i32
    %while3A_1355 = arith.constant 1 : i32
    %while3A_1356 = scf.for %while3A_2064 = %select_n3A_1319 to %while3A_1354 step %while3A_1355 iter_args(%while3A_2065 = %broadcast_in_dim3A_1348) -> (vector<16xf32>)  : i32 {
      %mul3A_2066 = arith.constant 16 : i32
      %mul3A_2067 = arith.muli %while3A_2064, %mul3A_2066 : i32
      %get3A_2068 = arith.index_cast %mul3A_2067 : i32 to index
      %get3A_2069 = tpu.vector_load %arg7[%get3A_2068] {strides = array<i32>} : memref<1024xf32, #tpu.memory_space<vmem>>, vector<16xf32>,
      %get3A_2070 = vector.shape_cast %get3A_2069 : vector<16xf32> to vector<16xf32>
      %mul3A_2071 = arith.constant 16 : i32
      %mul3A_2072 = arith.muli %while3A_2064, %mul3A_2071 : i32
      %add3A_2073 = arith.addi %mul3A_0, %mul3A_2072 : i32
      %add3A_2074 = vector.broadcast %add3A_2073 : i32 to vector<16xi32>
      %add3A_2075 = arith.addi %add3A_2074, %iota3A : vector<16xi32>
      %ge3A = vector.broadcast %squeeze3A_1283 : i32 to vector<16xi32>
      %ge3A_2076 = arith.cmpi sge, %add3A_2075, %ge3A : vector<16xi32>
      %lt3A = vector.broadcast %squeeze3A_1285 : i32 to vector<16xi32>
      %lt3A_2077 = arith.cmpi slt, %add3A_2075, %lt3A : vector<16xi32>
      %and3A_2078 = arith.andi %ge3A_2076, %lt3A_2077 : vector<16xi1>
      %jit3A_2079 = arith.constant 0.000000e+00 : f32
      %broadcast_in_dim3A_2080 = vector.broadcast %jit3A_2079 : f32 to vector<16xf32>
      %select_n3A_2081 = arith.select %and3A_2078, %get3A_2070, %broadcast_in_dim3A_2080 : vector<16xi1>, vector<16xf32>
      %add3A_2082 = arith.addf %while3A_2065, %select_n3A_2081 : vector<16xf32>
      scf.yield %add3A_2082 : vector<16xf32>
    }
    %while3A_1357 = arith.constant 1 : i32
    %while3A_1358 = scf.for %while3A_2064 = %while3A_1354 to %while3A_1350 step %while3A_1357 iter_args(%while3A_2065 = %while3A_1356) -> (vector<16xf32>)  : i32 {
      %mul3A_2066 = arith.constant 16 : i32
      %mul3A_2067 = arith.muli %while3A_2064, %mul3A_2066 : i32
      %get3A_2068 = arith.index_cast %mul3A_2067 : i32 to index
      %get3A_2069 = tpu.vector_load %arg7[%get3A_2068] {strides = array<i32>} : memref<1024xf32, #tpu.memory_space<vmem>>, vector<16xf32>,
      %get3A_2070 = vector.shape_cast %get3A_2069 : vector<16xf32> to vector<16xf32>
      %mul3A_2071 = arith.constant 16 : i32
      %mul3A_2072 = arith.muli %while3A_2064, %mul3A_2071 : i32
      %add3A_2073 = arith.addi %mul3A_0, %mul3A_2072 : i32
      %add3A_2074 = vector.broadcast %add3A_2073 : i32 to vector<16xi32>
      %add3A_2075 = arith.addi %add3A_2074, %iota3A : vector<16xi32>
      %ge3A = vector.broadcast %squeeze3A_1283 : i32 to vector<16xi32>
      %ge3A_2076 = arith.cmpi sge, %add3A_2075, %ge3A : vector<16xi32>
      %lt3A = vector.broadcast %squeeze3A_1285 : i32 to vector<16xi32>
      %lt3A_2077 = arith.cmpi slt, %add3A_2075, %lt3A : vector<16xi32>
      %and3A_2078 = arith.andi %ge3A_2076, %lt3A_2077 : vector<16xi1>
      %jit3A_2079 = arith.constant 0.000000e+00 : f32
      %broadcast_in_dim3A_2080 = vector.broadcast %jit3A_2079 : f32 to vector<16xf32>
      %select_n3A_2081 = arith.select %and3A_2078, %get3A_2070, %broadcast_in_dim3A_2080 : vector<16xi1>, vector<16xf32>
      %add3A_2082 = arith.addf %while3A_2065, %select_n3A_2081 : vector<16xf32>
      scf.yield %add3A_2082 : vector<16xf32>
    }
    %slice3A_1359 = vector.extract_strided_slice %while3A_1358 {offsets = [0], sizes = [1], strides = [1]} : vector<16xf32> to vector<1xf32>
    %squeeze3A_1360 = vector.extract %slice3A_1359[0] : f32 from vector<1xf32>
    %slice3A_1361 = vector.extract_strided_slice %while3A_1358 {offsets = [1], sizes = [1], strides = [1]} : vector<16xf32> to vector<1xf32>
    %squeeze3A_1362 = vector.extract %slice3A_1361[0] : f32 from vector<1xf32>
    %add3A_1363 = arith.addf %squeeze3A_1360, %squeeze3A_1362 : f32
    %slice3A_1364 = vector.extract_strided_slice %while3A_1358 {offsets = [2], sizes = [1], strides = [1]} : vector<16xf32> to vector<1xf32>
    %squeeze3A_1365 = vector.extract %slice3A_1364[0] : f32 from vector<1xf32>
    %add3A_1366 = arith.addf %add3A_1363, %squeeze3A_1365 : f32
    %slice3A_1367 = vector.extract_strided_slice %while3A_1358 {offsets = [3], sizes = [1], strides = [1]} : vector<16xf32> to vector<1xf32>
    %squeeze3A_1368 = vector.extract %slice3A_1367[0] : f32 from vector<1xf32>
    %add3A_1369 = arith.addf %add3A_1366, %squeeze3A_1368 : f32
    %slice3A_1370 = vector.extract_strided_slice %while3A_1358 {offsets = [4], sizes = [1], strides = [1]} : vector<16xf32> to vector<1xf32>
    %squeeze3A_1371 = vector.extract %slice3A_1370[0] : f32 from vector<1xf32>
    %add3A_1372 = arith.addf %add3A_1369, %squeeze3A_1371 : f32
    %slice3A_1373 = vector.extract_strided_slice %while3A_1358 {offsets = [5], sizes = [1], strides = [1]} : vector<16xf32> to vector<1xf32>
    %squeeze3A_1374 = vector.extract %slice3A_1373[0] : f32 from vector<1xf32>
    %add3A_1375 = arith.addf %add3A_1372, %squeeze3A_1374 : f32
    %slice3A_1376 = vector.extract_strided_slice %while3A_1358 {offsets = [6], sizes = [1], strides = [1]} : vector<16xf32> to vector<1xf32>
    %squeeze3A_1377 = vector.extract %slice3A_1376[0] : f32 from vector<1xf32>
    %add3A_1378 = arith.addf %add3A_1375, %squeeze3A_1377 : f32
    %slice3A_1379 = vector.extract_strided_slice %while3A_1358 {offsets = [7], sizes = [1], strides = [1]} : vector<16xf32> to vector<1xf32>
    %squeeze3A_1380 = vector.extract %slice3A_1379[0] : f32 from vector<1xf32>
    %add3A_1381 = arith.addf %add3A_1378, %squeeze3A_1380 : f32
    %slice3A_1382 = vector.extract_strided_slice %while3A_1358 {offsets = [8], sizes = [1], strides = [1]} : vector<16xf32> to vector<1xf32>
    %squeeze3A_1383 = vector.extract %slice3A_1382[0] : f32 from vector<1xf32>
    %add3A_1384 = arith.addf %add3A_1381, %squeeze3A_1383 : f32
    %slice3A_1385 = vector.extract_strided_slice %while3A_1358 {offsets = [9], sizes = [1], strides = [1]} : vector<16xf32> to vector<1xf32>
    %squeeze3A_1386 = vector.extract %slice3A_1385[0] : f32 from vector<1xf32>
    %add3A_1387 = arith.addf %add3A_1384, %squeeze3A_1386 : f32
    %slice3A_1388 = vector.extract_strided_slice %while3A_1358 {offsets = [10], sizes = [1], strides = [1]} : vector<16xf32> to vector<1xf32>
    %squeeze3A_1389 = vector.extract %slice3A_1388[0] : f32 from vector<1xf32>
    %add3A_1390 = arith.addf %add3A_1387, %squeeze3A_1389 : f32
    %slice3A_1391 = vector.extract_strided_slice %while3A_1358 {offsets = [11], sizes = [1], strides = [1]} : vector<16xf32> to vector<1xf32>
    %squeeze3A_1392 = vector.extract %slice3A_1391[0] : f32 from vector<1xf32>
    %add3A_1393 = arith.addf %add3A_1390, %squeeze3A_1392 : f32
    %slice3A_1394 = vector.extract_strided_slice %while3A_1358 {offsets = [12], sizes = [1], strides = [1]} : vector<16xf32> to vector<1xf32>
    %squeeze3A_1395 = vector.extract %slice3A_1394[0] : f32 from vector<1xf32>
    %add3A_1396 = arith.addf %add3A_1393, %squeeze3A_1395 : f32
    %slice3A_1397 = vector.extract_strided_slice %while3A_1358 {offsets = [13], sizes = [1], strides = [1]} : vector<16xf32> to vector<1xf32>
    %squeeze3A_1398 = vector.extract %slice3A_1397[0] : f32 from vector<1xf32>
    %add3A_1399 = arith.addf %add3A_1396, %squeeze3A_1398 : f32
    %slice3A_1400 = vector.extract_strided_slice %while3A_1358 {offsets = [14], sizes = [1], strides = [1]} : vector<16xf32> to vector<1xf32>
    %squeeze3A_1401 = vector.extract %slice3A_1400[0] : f32 from vector<1xf32>
    %add3A_1402 = arith.addf %add3A_1399, %squeeze3A_1401 : f32
    %slice3A_1403 = vector.extract_strided_slice %while3A_1358 {offsets = [15], sizes = [1], strides = [1]} : vector<16xf32> to vector<1xf32>
    %squeeze3A_1404 = vector.extract %slice3A_1403[0] : f32 from vector<1xf32>
    %add3A_1405 = arith.addf %add3A_1402, %squeeze3A_1404 : f32
    %eq3A_1406 = arith.constant 10 : i32
    %eq3A_1407 = vector.broadcast %eq3A_1406 : i32 to vector<16xi32>
    %eq3A_1408 = arith.cmpi eq, %iota3A, %eq3A_1407 : vector<16xi32>
    %broadcast_in_dim3A_1409 = vector.broadcast %add3A_1405 : f32 to vector<16xf32>
    %select_n3A_1410 = arith.select %eq3A_1408, %broadcast_in_dim3A_1409, %select_n3A_1281 : vector<16xi1>, vector<16xf32>
    %slice3A_1411 = vector.extract_strided_slice %get3A_2 {offsets = [11], sizes = [1], strides = [1]} : vector<16xi32> to vector<1xi32>
    %squeeze3A_1412 = vector.extract %slice3A_1411[0] : i32 from vector<1xi32>
    %slice3A_1413 = vector.extract_strided_slice %get3A_5 {offsets = [11], sizes = [1], strides = [1]} : vector<16xi32> to vector<1xi32>
    %squeeze3A_1414 = vector.extract %slice3A_1413[0] : i32 from vector<1xi32>
    %sub3A_1415 = arith.subi %squeeze3A_1412, %mul3A_0 : i32
    %jit3A_1416 = arith.constant 0 : i32
    %jit3A_1417 = arith.constant 1024 : i32
    %max3A_1418 = arith.maxsi %jit3A_1416, %sub3A_1415 : i32
    %min3A_1419 = arith.minsi %jit3A_1417, %max3A_1418 : i32
    %sub3A_1420 = arith.subi %squeeze3A_1414, %mul3A_0 : i32
    %jit3A_1421 = arith.constant 0 : i32
    %jit3A_1422 = arith.constant 1024 : i32
    %max3A_1423 = arith.maxsi %jit3A_1421, %sub3A_1420 : i32
    %min3A_1424 = arith.minsi %jit3A_1422, %max3A_1423 : i32
    %jit3A_1425 = arith.constant 16 : i32
    %div3A_1426 = arith.divsi %min3A_1419, %jit3A_1425 : i32
    %sign3A_1427 = arith.constant 0 : i32
    %sign3A_1428 = arith.cmpi sgt, %min3A_1419, %sign3A_1427 : i32
    %sign3A_1429 = arith.extui %sign3A_1428 : i1 to i32
    %sign3A_1430 = arith.constant 0 : i32
    %sign3A_1431 = arith.cmpi slt, %min3A_1419, %sign3A_1430 : i32
    %sign3A_1432 = arith.extui %sign3A_1431 : i1 to i32
    %sign3A_1433 = arith.subi %sign3A_1429, %sign3A_1432 : i32
    %sign3A_1434 = arith.constant 0 : i32
    %sign3A_1435 = arith.cmpi sgt, %jit3A_1425, %sign3A_1434 : i32
    %sign3A_1436 = arith.extui %sign3A_1435 : i1 to i32
    %sign3A_1437 = arith.constant 0 : i32
    %sign3A_1438 = arith.cmpi slt, %jit3A_1425, %sign3A_1437 : i32
    %sign3A_1439 = arith.extui %sign3A_1438 : i1 to i32
    %sign3A_1440 = arith.subi %sign3A_1436, %sign3A_1439 : i32
    %ne3A_1441 = arith.cmpi ne, %sign3A_1433, %sign3A_1440 : i32
    %rem3A_1442 = arith.remsi %min3A_1419, %jit3A_1425 : i32
    %ne3A_1443 = arith.constant 0 : i32
    %ne3A_1444 = arith.cmpi ne, %rem3A_1442, %ne3A_1443 : i32
    %and3A_1445 = arith.andi %ne3A_1441, %ne3A_1444 : i1
    %sub3A_1446 = arith.constant 1 : i32
    %sub3A_1447 = arith.subi %div3A_1426, %sub3A_1446 : i32
    %select_n3A_1448 = arith.select %and3A_1445, %sub3A_1447, %div3A_1426 : i32
    %add3A_1449 = arith.constant 15 : i32
    %add3A_1450 = arith.addi %min3A_1424, %add3A_1449 : i32
    %jit3A_1451 = arith.constant 16 : i32
    %div3A_1452 = arith.divsi %add3A_1450, %jit3A_1451 : i32
    %sign3A_1453 = arith.constant 0 : i32
    %sign3A_1454 = arith.cmpi sgt, %add3A_1450, %sign3A_1453 : i32
    %sign3A_1455 = arith.extui %sign3A_1454 : i1 to i32
    %sign3A_1456 = arith.constant 0 : i32
    %sign3A_1457 = arith.cmpi slt, %add3A_1450, %sign3A_1456 : i32
    %sign3A_1458 = arith.extui %sign3A_1457 : i1 to i32
    %sign3A_1459 = arith.subi %sign3A_1455, %sign3A_1458 : i32
    %sign3A_1460 = arith.constant 0 : i32
    %sign3A_1461 = arith.cmpi sgt, %jit3A_1451, %sign3A_1460 : i32
    %sign3A_1462 = arith.extui %sign3A_1461 : i1 to i32
    %sign3A_1463 = arith.constant 0 : i32
    %sign3A_1464 = arith.cmpi slt, %jit3A_1451, %sign3A_1463 : i32
    %sign3A_1465 = arith.extui %sign3A_1464 : i1 to i32
    %sign3A_1466 = arith.subi %sign3A_1462, %sign3A_1465 : i32
    %ne3A_1467 = arith.cmpi ne, %sign3A_1459, %sign3A_1466 : i32
    %rem3A_1468 = arith.remsi %add3A_1450, %jit3A_1451 : i32
    %ne3A_1469 = arith.constant 0 : i32
    %ne3A_1470 = arith.cmpi ne, %rem3A_1468, %ne3A_1469 : i32
    %and3A_1471 = arith.andi %ne3A_1467, %ne3A_1470 : i1
    %sub3A_1472 = arith.constant 1 : i32
    %sub3A_1473 = arith.subi %div3A_1452, %sub3A_1472 : i32
    %select_n3A_1474 = arith.select %and3A_1471, %sub3A_1473, %div3A_1452 : i32
    %max3A_1475 = arith.maxsi %select_n3A_1474, %select_n3A_1448 : i32
    %broadcast_in_dim3A_1476 = arith.constant 0.000000e+00 : f32
    %broadcast_in_dim3A_1477 = vector.broadcast %broadcast_in_dim3A_1476 : f32 to vector<16xf32>
    %while3A_1478 = arith.subi %max3A_1475, %select_n3A_1448 : i32
    %while3A_1479 = arith.addi %select_n3A_1448, %while3A_1478 : i32
    %while3A_1480 = arith.constant 1 : i32
    %while3A_1481 = arith.divsi %while3A_1478, %while3A_1480 : i32
    %while3A_1482 = arith.muli %while3A_1481, %while3A_1480 : i32
    %while3A_1483 = arith.addi %select_n3A_1448, %while3A_1482 : i32
    %while3A_1484 = arith.constant 1 : i32
    %while3A_1485 = scf.for %while3A_2064 = %select_n3A_1448 to %while3A_1483 step %while3A_1484 iter_args(%while3A_2065 = %broadcast_in_dim3A_1477) -> (vector<16xf32>)  : i32 {
      %mul3A_2066 = arith.constant 16 : i32
      %mul3A_2067 = arith.muli %while3A_2064, %mul3A_2066 : i32
      %get3A_2068 = arith.index_cast %mul3A_2067 : i32 to index
      %get3A_2069 = tpu.vector_load %arg7[%get3A_2068] {strides = array<i32>} : memref<1024xf32, #tpu.memory_space<vmem>>, vector<16xf32>,
      %get3A_2070 = vector.shape_cast %get3A_2069 : vector<16xf32> to vector<16xf32>
      %mul3A_2071 = arith.constant 16 : i32
      %mul3A_2072 = arith.muli %while3A_2064, %mul3A_2071 : i32
      %add3A_2073 = arith.addi %mul3A_0, %mul3A_2072 : i32
      %add3A_2074 = vector.broadcast %add3A_2073 : i32 to vector<16xi32>
      %add3A_2075 = arith.addi %add3A_2074, %iota3A : vector<16xi32>
      %ge3A = vector.broadcast %squeeze3A_1412 : i32 to vector<16xi32>
      %ge3A_2076 = arith.cmpi sge, %add3A_2075, %ge3A : vector<16xi32>
      %lt3A = vector.broadcast %squeeze3A_1414 : i32 to vector<16xi32>
      %lt3A_2077 = arith.cmpi slt, %add3A_2075, %lt3A : vector<16xi32>
      %and3A_2078 = arith.andi %ge3A_2076, %lt3A_2077 : vector<16xi1>
      %jit3A_2079 = arith.constant 0.000000e+00 : f32
      %broadcast_in_dim3A_2080 = vector.broadcast %jit3A_2079 : f32 to vector<16xf32>
      %select_n3A_2081 = arith.select %and3A_2078, %get3A_2070, %broadcast_in_dim3A_2080 : vector<16xi1>, vector<16xf32>
      %add3A_2082 = arith.addf %while3A_2065, %select_n3A_2081 : vector<16xf32>
      scf.yield %add3A_2082 : vector<16xf32>
    }
    %while3A_1486 = arith.constant 1 : i32
    %while3A_1487 = scf.for %while3A_2064 = %while3A_1483 to %while3A_1479 step %while3A_1486 iter_args(%while3A_2065 = %while3A_1485) -> (vector<16xf32>)  : i32 {
      %mul3A_2066 = arith.constant 16 : i32
      %mul3A_2067 = arith.muli %while3A_2064, %mul3A_2066 : i32
      %get3A_2068 = arith.index_cast %mul3A_2067 : i32 to index
      %get3A_2069 = tpu.vector_load %arg7[%get3A_2068] {strides = array<i32>} : memref<1024xf32, #tpu.memory_space<vmem>>, vector<16xf32>,
      %get3A_2070 = vector.shape_cast %get3A_2069 : vector<16xf32> to vector<16xf32>
      %mul3A_2071 = arith.constant 16 : i32
      %mul3A_2072 = arith.muli %while3A_2064, %mul3A_2071 : i32
      %add3A_2073 = arith.addi %mul3A_0, %mul3A_2072 : i32
      %add3A_2074 = vector.broadcast %add3A_2073 : i32 to vector<16xi32>
      %add3A_2075 = arith.addi %add3A_2074, %iota3A : vector<16xi32>
      %ge3A = vector.broadcast %squeeze3A_1412 : i32 to vector<16xi32>
      %ge3A_2076 = arith.cmpi sge, %add3A_2075, %ge3A : vector<16xi32>
      %lt3A = vector.broadcast %squeeze3A_1414 : i32 to vector<16xi32>
      %lt3A_2077 = arith.cmpi slt, %add3A_2075, %lt3A : vector<16xi32>
      %and3A_2078 = arith.andi %ge3A_2076, %lt3A_2077 : vector<16xi1>
      %jit3A_2079 = arith.constant 0.000000e+00 : f32
      %broadcast_in_dim3A_2080 = vector.broadcast %jit3A_2079 : f32 to vector<16xf32>
      %select_n3A_2081 = arith.select %and3A_2078, %get3A_2070, %broadcast_in_dim3A_2080 : vector<16xi1>, vector<16xf32>
      %add3A_2082 = arith.addf %while3A_2065, %select_n3A_2081 : vector<16xf32>
      scf.yield %add3A_2082 : vector<16xf32>
    }
    %slice3A_1488 = vector.extract_strided_slice %while3A_1487 {offsets = [0], sizes = [1], strides = [1]} : vector<16xf32> to vector<1xf32>
    %squeeze3A_1489 = vector.extract %slice3A_1488[0] : f32 from vector<1xf32>
    %slice3A_1490 = vector.extract_strided_slice %while3A_1487 {offsets = [1], sizes = [1], strides = [1]} : vector<16xf32> to vector<1xf32>
    %squeeze3A_1491 = vector.extract %slice3A_1490[0] : f32 from vector<1xf32>
    %add3A_1492 = arith.addf %squeeze3A_1489, %squeeze3A_1491 : f32
    %slice3A_1493 = vector.extract_strided_slice %while3A_1487 {offsets = [2], sizes = [1], strides = [1]} : vector<16xf32> to vector<1xf32>
    %squeeze3A_1494 = vector.extract %slice3A_1493[0] : f32 from vector<1xf32>
    %add3A_1495 = arith.addf %add3A_1492, %squeeze3A_1494 : f32
    %slice3A_1496 = vector.extract_strided_slice %while3A_1487 {offsets = [3], sizes = [1], strides = [1]} : vector<16xf32> to vector<1xf32>
    %squeeze3A_1497 = vector.extract %slice3A_1496[0] : f32 from vector<1xf32>
    %add3A_1498 = arith.addf %add3A_1495, %squeeze3A_1497 : f32
    %slice3A_1499 = vector.extract_strided_slice %while3A_1487 {offsets = [4], sizes = [1], strides = [1]} : vector<16xf32> to vector<1xf32>
    %squeeze3A_1500 = vector.extract %slice3A_1499[0] : f32 from vector<1xf32>
    %add3A_1501 = arith.addf %add3A_1498, %squeeze3A_1500 : f32
    %slice3A_1502 = vector.extract_strided_slice %while3A_1487 {offsets = [5], sizes = [1], strides = [1]} : vector<16xf32> to vector<1xf32>
    %squeeze3A_1503 = vector.extract %slice3A_1502[0] : f32 from vector<1xf32>
    %add3A_1504 = arith.addf %add3A_1501, %squeeze3A_1503 : f32
    %slice3A_1505 = vector.extract_strided_slice %while3A_1487 {offsets = [6], sizes = [1], strides = [1]} : vector<16xf32> to vector<1xf32>
    %squeeze3A_1506 = vector.extract %slice3A_1505[0] : f32 from vector<1xf32>
    %add3A_1507 = arith.addf %add3A_1504, %squeeze3A_1506 : f32
    %slice3A_1508 = vector.extract_strided_slice %while3A_1487 {offsets = [7], sizes = [1], strides = [1]} : vector<16xf32> to vector<1xf32>
    %squeeze3A_1509 = vector.extract %slice3A_1508[0] : f32 from vector<1xf32>
    %add3A_1510 = arith.addf %add3A_1507, %squeeze3A_1509 : f32
    %slice3A_1511 = vector.extract_strided_slice %while3A_1487 {offsets = [8], sizes = [1], strides = [1]} : vector<16xf32> to vector<1xf32>
    %squeeze3A_1512 = vector.extract %slice3A_1511[0] : f32 from vector<1xf32>
    %add3A_1513 = arith.addf %add3A_1510, %squeeze3A_1512 : f32
    %slice3A_1514 = vector.extract_strided_slice %while3A_1487 {offsets = [9], sizes = [1], strides = [1]} : vector<16xf32> to vector<1xf32>
    %squeeze3A_1515 = vector.extract %slice3A_1514[0] : f32 from vector<1xf32>
    %add3A_1516 = arith.addf %add3A_1513, %squeeze3A_1515 : f32
    %slice3A_1517 = vector.extract_strided_slice %while3A_1487 {offsets = [10], sizes = [1], strides = [1]} : vector<16xf32> to vector<1xf32>
    %squeeze3A_1518 = vector.extract %slice3A_1517[0] : f32 from vector<1xf32>
    %add3A_1519 = arith.addf %add3A_1516, %squeeze3A_1518 : f32
    %slice3A_1520 = vector.extract_strided_slice %while3A_1487 {offsets = [11], sizes = [1], strides = [1]} : vector<16xf32> to vector<1xf32>
    %squeeze3A_1521 = vector.extract %slice3A_1520[0] : f32 from vector<1xf32>
    %add3A_1522 = arith.addf %add3A_1519, %squeeze3A_1521 : f32
    %slice3A_1523 = vector.extract_strided_slice %while3A_1487 {offsets = [12], sizes = [1], strides = [1]} : vector<16xf32> to vector<1xf32>
    %squeeze3A_1524 = vector.extract %slice3A_1523[0] : f32 from vector<1xf32>
    %add3A_1525 = arith.addf %add3A_1522, %squeeze3A_1524 : f32
    %slice3A_1526 = vector.extract_strided_slice %while3A_1487 {offsets = [13], sizes = [1], strides = [1]} : vector<16xf32> to vector<1xf32>
    %squeeze3A_1527 = vector.extract %slice3A_1526[0] : f32 from vector<1xf32>
    %add3A_1528 = arith.addf %add3A_1525, %squeeze3A_1527 : f32
    %slice3A_1529 = vector.extract_strided_slice %while3A_1487 {offsets = [14], sizes = [1], strides = [1]} : vector<16xf32> to vector<1xf32>
    %squeeze3A_1530 = vector.extract %slice3A_1529[0] : f32 from vector<1xf32>
    %add3A_1531 = arith.addf %add3A_1528, %squeeze3A_1530 : f32
    %slice3A_1532 = vector.extract_strided_slice %while3A_1487 {offsets = [15], sizes = [1], strides = [1]} : vector<16xf32> to vector<1xf32>
    %squeeze3A_1533 = vector.extract %slice3A_1532[0] : f32 from vector<1xf32>
    %add3A_1534 = arith.addf %add3A_1531, %squeeze3A_1533 : f32
    %eq3A_1535 = arith.constant 11 : i32
    %eq3A_1536 = vector.broadcast %eq3A_1535 : i32 to vector<16xi32>
    %eq3A_1537 = arith.cmpi eq, %iota3A, %eq3A_1536 : vector<16xi32>
    %broadcast_in_dim3A_1538 = vector.broadcast %add3A_1534 : f32 to vector<16xf32>
    %select_n3A_1539 = arith.select %eq3A_1537, %broadcast_in_dim3A_1538, %select_n3A_1410 : vector<16xi1>, vector<16xf32>
    %slice3A_1540 = vector.extract_strided_slice %get3A_2 {offsets = [12], sizes = [1], strides = [1]} : vector<16xi32> to vector<1xi32>
    %squeeze3A_1541 = vector.extract %slice3A_1540[0] : i32 from vector<1xi32>
    %slice3A_1542 = vector.extract_strided_slice %get3A_5 {offsets = [12], sizes = [1], strides = [1]} : vector<16xi32> to vector<1xi32>
    %squeeze3A_1543 = vector.extract %slice3A_1542[0] : i32 from vector<1xi32>
    %sub3A_1544 = arith.subi %squeeze3A_1541, %mul3A_0 : i32
    %jit3A_1545 = arith.constant 0 : i32
    %jit3A_1546 = arith.constant 1024 : i32
    %max3A_1547 = arith.maxsi %jit3A_1545, %sub3A_1544 : i32
    %min3A_1548 = arith.minsi %jit3A_1546, %max3A_1547 : i32
    %sub3A_1549 = arith.subi %squeeze3A_1543, %mul3A_0 : i32
    %jit3A_1550 = arith.constant 0 : i32
    %jit3A_1551 = arith.constant 1024 : i32
    %max3A_1552 = arith.maxsi %jit3A_1550, %sub3A_1549 : i32
    %min3A_1553 = arith.minsi %jit3A_1551, %max3A_1552 : i32
    %jit3A_1554 = arith.constant 16 : i32
    %div3A_1555 = arith.divsi %min3A_1548, %jit3A_1554 : i32
    %sign3A_1556 = arith.constant 0 : i32
    %sign3A_1557 = arith.cmpi sgt, %min3A_1548, %sign3A_1556 : i32
    %sign3A_1558 = arith.extui %sign3A_1557 : i1 to i32
    %sign3A_1559 = arith.constant 0 : i32
    %sign3A_1560 = arith.cmpi slt, %min3A_1548, %sign3A_1559 : i32
    %sign3A_1561 = arith.extui %sign3A_1560 : i1 to i32
    %sign3A_1562 = arith.subi %sign3A_1558, %sign3A_1561 : i32
    %sign3A_1563 = arith.constant 0 : i32
    %sign3A_1564 = arith.cmpi sgt, %jit3A_1554, %sign3A_1563 : i32
    %sign3A_1565 = arith.extui %sign3A_1564 : i1 to i32
    %sign3A_1566 = arith.constant 0 : i32
    %sign3A_1567 = arith.cmpi slt, %jit3A_1554, %sign3A_1566 : i32
    %sign3A_1568 = arith.extui %sign3A_1567 : i1 to i32
    %sign3A_1569 = arith.subi %sign3A_1565, %sign3A_1568 : i32
    %ne3A_1570 = arith.cmpi ne, %sign3A_1562, %sign3A_1569 : i32
    %rem3A_1571 = arith.remsi %min3A_1548, %jit3A_1554 : i32
    %ne3A_1572 = arith.constant 0 : i32
    %ne3A_1573 = arith.cmpi ne, %rem3A_1571, %ne3A_1572 : i32
    %and3A_1574 = arith.andi %ne3A_1570, %ne3A_1573 : i1
    %sub3A_1575 = arith.constant 1 : i32
    %sub3A_1576 = arith.subi %div3A_1555, %sub3A_1575 : i32
    %select_n3A_1577 = arith.select %and3A_1574, %sub3A_1576, %div3A_1555 : i32
    %add3A_1578 = arith.constant 15 : i32
    %add3A_1579 = arith.addi %min3A_1553, %add3A_1578 : i32
    %jit3A_1580 = arith.constant 16 : i32
    %div3A_1581 = arith.divsi %add3A_1579, %jit3A_1580 : i32
    %sign3A_1582 = arith.constant 0 : i32
    %sign3A_1583 = arith.cmpi sgt, %add3A_1579, %sign3A_1582 : i32
    %sign3A_1584 = arith.extui %sign3A_1583 : i1 to i32
    %sign3A_1585 = arith.constant 0 : i32
    %sign3A_1586 = arith.cmpi slt, %add3A_1579, %sign3A_1585 : i32
    %sign3A_1587 = arith.extui %sign3A_1586 : i1 to i32
    %sign3A_1588 = arith.subi %sign3A_1584, %sign3A_1587 : i32
    %sign3A_1589 = arith.constant 0 : i32
    %sign3A_1590 = arith.cmpi sgt, %jit3A_1580, %sign3A_1589 : i32
    %sign3A_1591 = arith.extui %sign3A_1590 : i1 to i32
    %sign3A_1592 = arith.constant 0 : i32
    %sign3A_1593 = arith.cmpi slt, %jit3A_1580, %sign3A_1592 : i32
    %sign3A_1594 = arith.extui %sign3A_1593 : i1 to i32
    %sign3A_1595 = arith.subi %sign3A_1591, %sign3A_1594 : i32
    %ne3A_1596 = arith.cmpi ne, %sign3A_1588, %sign3A_1595 : i32
    %rem3A_1597 = arith.remsi %add3A_1579, %jit3A_1580 : i32
    %ne3A_1598 = arith.constant 0 : i32
    %ne3A_1599 = arith.cmpi ne, %rem3A_1597, %ne3A_1598 : i32
    %and3A_1600 = arith.andi %ne3A_1596, %ne3A_1599 : i1
    %sub3A_1601 = arith.constant 1 : i32
    %sub3A_1602 = arith.subi %div3A_1581, %sub3A_1601 : i32
    %select_n3A_1603 = arith.select %and3A_1600, %sub3A_1602, %div3A_1581 : i32
    %max3A_1604 = arith.maxsi %select_n3A_1603, %select_n3A_1577 : i32
    %broadcast_in_dim3A_1605 = arith.constant 0.000000e+00 : f32
    %broadcast_in_dim3A_1606 = vector.broadcast %broadcast_in_dim3A_1605 : f32 to vector<16xf32>
    %while3A_1607 = arith.subi %max3A_1604, %select_n3A_1577 : i32
    %while3A_1608 = arith.addi %select_n3A_1577, %while3A_1607 : i32
    %while3A_1609 = arith.constant 1 : i32
    %while3A_1610 = arith.divsi %while3A_1607, %while3A_1609 : i32
    %while3A_1611 = arith.muli %while3A_1610, %while3A_1609 : i32
    %while3A_1612 = arith.addi %select_n3A_1577, %while3A_1611 : i32
    %while3A_1613 = arith.constant 1 : i32
    %while3A_1614 = scf.for %while3A_2064 = %select_n3A_1577 to %while3A_1612 step %while3A_1613 iter_args(%while3A_2065 = %broadcast_in_dim3A_1606) -> (vector<16xf32>)  : i32 {
      %mul3A_2066 = arith.constant 16 : i32
      %mul3A_2067 = arith.muli %while3A_2064, %mul3A_2066 : i32
      %get3A_2068 = arith.index_cast %mul3A_2067 : i32 to index
      %get3A_2069 = tpu.vector_load %arg7[%get3A_2068] {strides = array<i32>} : memref<1024xf32, #tpu.memory_space<vmem>>, vector<16xf32>,
      %get3A_2070 = vector.shape_cast %get3A_2069 : vector<16xf32> to vector<16xf32>
      %mul3A_2071 = arith.constant 16 : i32
      %mul3A_2072 = arith.muli %while3A_2064, %mul3A_2071 : i32
      %add3A_2073 = arith.addi %mul3A_0, %mul3A_2072 : i32
      %add3A_2074 = vector.broadcast %add3A_2073 : i32 to vector<16xi32>
      %add3A_2075 = arith.addi %add3A_2074, %iota3A : vector<16xi32>
      %ge3A = vector.broadcast %squeeze3A_1541 : i32 to vector<16xi32>
      %ge3A_2076 = arith.cmpi sge, %add3A_2075, %ge3A : vector<16xi32>
      %lt3A = vector.broadcast %squeeze3A_1543 : i32 to vector<16xi32>
      %lt3A_2077 = arith.cmpi slt, %add3A_2075, %lt3A : vector<16xi32>
      %and3A_2078 = arith.andi %ge3A_2076, %lt3A_2077 : vector<16xi1>
      %jit3A_2079 = arith.constant 0.000000e+00 : f32
      %broadcast_in_dim3A_2080 = vector.broadcast %jit3A_2079 : f32 to vector<16xf32>
      %select_n3A_2081 = arith.select %and3A_2078, %get3A_2070, %broadcast_in_dim3A_2080 : vector<16xi1>, vector<16xf32>
      %add3A_2082 = arith.addf %while3A_2065, %select_n3A_2081 : vector<16xf32>
      scf.yield %add3A_2082 : vector<16xf32>
    }
    %while3A_1615 = arith.constant 1 : i32
    %while3A_1616 = scf.for %while3A_2064 = %while3A_1612 to %while3A_1608 step %while3A_1615 iter_args(%while3A_2065 = %while3A_1614) -> (vector<16xf32>)  : i32 {
      %mul3A_2066 = arith.constant 16 : i32
      %mul3A_2067 = arith.muli %while3A_2064, %mul3A_2066 : i32
      %get3A_2068 = arith.index_cast %mul3A_2067 : i32 to index
      %get3A_2069 = tpu.vector_load %arg7[%get3A_2068] {strides = array<i32>} : memref<1024xf32, #tpu.memory_space<vmem>>, vector<16xf32>,
      %get3A_2070 = vector.shape_cast %get3A_2069 : vector<16xf32> to vector<16xf32>
      %mul3A_2071 = arith.constant 16 : i32
      %mul3A_2072 = arith.muli %while3A_2064, %mul3A_2071 : i32
      %add3A_2073 = arith.addi %mul3A_0, %mul3A_2072 : i32
      %add3A_2074 = vector.broadcast %add3A_2073 : i32 to vector<16xi32>
      %add3A_2075 = arith.addi %add3A_2074, %iota3A : vector<16xi32>
      %ge3A = vector.broadcast %squeeze3A_1541 : i32 to vector<16xi32>
      %ge3A_2076 = arith.cmpi sge, %add3A_2075, %ge3A : vector<16xi32>
      %lt3A = vector.broadcast %squeeze3A_1543 : i32 to vector<16xi32>
      %lt3A_2077 = arith.cmpi slt, %add3A_2075, %lt3A : vector<16xi32>
      %and3A_2078 = arith.andi %ge3A_2076, %lt3A_2077 : vector<16xi1>
      %jit3A_2079 = arith.constant 0.000000e+00 : f32
      %broadcast_in_dim3A_2080 = vector.broadcast %jit3A_2079 : f32 to vector<16xf32>
      %select_n3A_2081 = arith.select %and3A_2078, %get3A_2070, %broadcast_in_dim3A_2080 : vector<16xi1>, vector<16xf32>
      %add3A_2082 = arith.addf %while3A_2065, %select_n3A_2081 : vector<16xf32>
      scf.yield %add3A_2082 : vector<16xf32>
    }
    %slice3A_1617 = vector.extract_strided_slice %while3A_1616 {offsets = [0], sizes = [1], strides = [1]} : vector<16xf32> to vector<1xf32>
    %squeeze3A_1618 = vector.extract %slice3A_1617[0] : f32 from vector<1xf32>
    %slice3A_1619 = vector.extract_strided_slice %while3A_1616 {offsets = [1], sizes = [1], strides = [1]} : vector<16xf32> to vector<1xf32>
    %squeeze3A_1620 = vector.extract %slice3A_1619[0] : f32 from vector<1xf32>
    %add3A_1621 = arith.addf %squeeze3A_1618, %squeeze3A_1620 : f32
    %slice3A_1622 = vector.extract_strided_slice %while3A_1616 {offsets = [2], sizes = [1], strides = [1]} : vector<16xf32> to vector<1xf32>
    %squeeze3A_1623 = vector.extract %slice3A_1622[0] : f32 from vector<1xf32>
    %add3A_1624 = arith.addf %add3A_1621, %squeeze3A_1623 : f32
    %slice3A_1625 = vector.extract_strided_slice %while3A_1616 {offsets = [3], sizes = [1], strides = [1]} : vector<16xf32> to vector<1xf32>
    %squeeze3A_1626 = vector.extract %slice3A_1625[0] : f32 from vector<1xf32>
    %add3A_1627 = arith.addf %add3A_1624, %squeeze3A_1626 : f32
    %slice3A_1628 = vector.extract_strided_slice %while3A_1616 {offsets = [4], sizes = [1], strides = [1]} : vector<16xf32> to vector<1xf32>
    %squeeze3A_1629 = vector.extract %slice3A_1628[0] : f32 from vector<1xf32>
    %add3A_1630 = arith.addf %add3A_1627, %squeeze3A_1629 : f32
    %slice3A_1631 = vector.extract_strided_slice %while3A_1616 {offsets = [5], sizes = [1], strides = [1]} : vector<16xf32> to vector<1xf32>
    %squeeze3A_1632 = vector.extract %slice3A_1631[0] : f32 from vector<1xf32>
    %add3A_1633 = arith.addf %add3A_1630, %squeeze3A_1632 : f32
    %slice3A_1634 = vector.extract_strided_slice %while3A_1616 {offsets = [6], sizes = [1], strides = [1]} : vector<16xf32> to vector<1xf32>
    %squeeze3A_1635 = vector.extract %slice3A_1634[0] : f32 from vector<1xf32>
    %add3A_1636 = arith.addf %add3A_1633, %squeeze3A_1635 : f32
    %slice3A_1637 = vector.extract_strided_slice %while3A_1616 {offsets = [7], sizes = [1], strides = [1]} : vector<16xf32> to vector<1xf32>
    %squeeze3A_1638 = vector.extract %slice3A_1637[0] : f32 from vector<1xf32>
    %add3A_1639 = arith.addf %add3A_1636, %squeeze3A_1638 : f32
    %slice3A_1640 = vector.extract_strided_slice %while3A_1616 {offsets = [8], sizes = [1], strides = [1]} : vector<16xf32> to vector<1xf32>
    %squeeze3A_1641 = vector.extract %slice3A_1640[0] : f32 from vector<1xf32>
    %add3A_1642 = arith.addf %add3A_1639, %squeeze3A_1641 : f32
    %slice3A_1643 = vector.extract_strided_slice %while3A_1616 {offsets = [9], sizes = [1], strides = [1]} : vector<16xf32> to vector<1xf32>
    %squeeze3A_1644 = vector.extract %slice3A_1643[0] : f32 from vector<1xf32>
    %add3A_1645 = arith.addf %add3A_1642, %squeeze3A_1644 : f32
    %slice3A_1646 = vector.extract_strided_slice %while3A_1616 {offsets = [10], sizes = [1], strides = [1]} : vector<16xf32> to vector<1xf32>
    %squeeze3A_1647 = vector.extract %slice3A_1646[0] : f32 from vector<1xf32>
    %add3A_1648 = arith.addf %add3A_1645, %squeeze3A_1647 : f32
    %slice3A_1649 = vector.extract_strided_slice %while3A_1616 {offsets = [11], sizes = [1], strides = [1]} : vector<16xf32> to vector<1xf32>
    %squeeze3A_1650 = vector.extract %slice3A_1649[0] : f32 from vector<1xf32>
    %add3A_1651 = arith.addf %add3A_1648, %squeeze3A_1650 : f32
    %slice3A_1652 = vector.extract_strided_slice %while3A_1616 {offsets = [12], sizes = [1], strides = [1]} : vector<16xf32> to vector<1xf32>
    %squeeze3A_1653 = vector.extract %slice3A_1652[0] : f32 from vector<1xf32>
    %add3A_1654 = arith.addf %add3A_1651, %squeeze3A_1653 : f32
    %slice3A_1655 = vector.extract_strided_slice %while3A_1616 {offsets = [13], sizes = [1], strides = [1]} : vector<16xf32> to vector<1xf32>
    %squeeze3A_1656 = vector.extract %slice3A_1655[0] : f32 from vector<1xf32>
    %add3A_1657 = arith.addf %add3A_1654, %squeeze3A_1656 : f32
    %slice3A_1658 = vector.extract_strided_slice %while3A_1616 {offsets = [14], sizes = [1], strides = [1]} : vector<16xf32> to vector<1xf32>
    %squeeze3A_1659 = vector.extract %slice3A_1658[0] : f32 from vector<1xf32>
    %add3A_1660 = arith.addf %add3A_1657, %squeeze3A_1659 : f32
    %slice3A_1661 = vector.extract_strided_slice %while3A_1616 {offsets = [15], sizes = [1], strides = [1]} : vector<16xf32> to vector<1xf32>
    %squeeze3A_1662 = vector.extract %slice3A_1661[0] : f32 from vector<1xf32>
    %add3A_1663 = arith.addf %add3A_1660, %squeeze3A_1662 : f32
    %eq3A_1664 = arith.constant 12 : i32
    %eq3A_1665 = vector.broadcast %eq3A_1664 : i32 to vector<16xi32>
    %eq3A_1666 = arith.cmpi eq, %iota3A, %eq3A_1665 : vector<16xi32>
    %broadcast_in_dim3A_1667 = vector.broadcast %add3A_1663 : f32 to vector<16xf32>
    %select_n3A_1668 = arith.select %eq3A_1666, %broadcast_in_dim3A_1667, %select_n3A_1539 : vector<16xi1>, vector<16xf32>
    %slice3A_1669 = vector.extract_strided_slice %get3A_2 {offsets = [13], sizes = [1], strides = [1]} : vector<16xi32> to vector<1xi32>
    %squeeze3A_1670 = vector.extract %slice3A_1669[0] : i32 from vector<1xi32>
    %slice3A_1671 = vector.extract_strided_slice %get3A_5 {offsets = [13], sizes = [1], strides = [1]} : vector<16xi32> to vector<1xi32>
    %squeeze3A_1672 = vector.extract %slice3A_1671[0] : i32 from vector<1xi32>
    %sub3A_1673 = arith.subi %squeeze3A_1670, %mul3A_0 : i32
    %jit3A_1674 = arith.constant 0 : i32
    %jit3A_1675 = arith.constant 1024 : i32
    %max3A_1676 = arith.maxsi %jit3A_1674, %sub3A_1673 : i32
    %min3A_1677 = arith.minsi %jit3A_1675, %max3A_1676 : i32
    %sub3A_1678 = arith.subi %squeeze3A_1672, %mul3A_0 : i32
    %jit3A_1679 = arith.constant 0 : i32
    %jit3A_1680 = arith.constant 1024 : i32
    %max3A_1681 = arith.maxsi %jit3A_1679, %sub3A_1678 : i32
    %min3A_1682 = arith.minsi %jit3A_1680, %max3A_1681 : i32
    %jit3A_1683 = arith.constant 16 : i32
    %div3A_1684 = arith.divsi %min3A_1677, %jit3A_1683 : i32
    %sign3A_1685 = arith.constant 0 : i32
    %sign3A_1686 = arith.cmpi sgt, %min3A_1677, %sign3A_1685 : i32
    %sign3A_1687 = arith.extui %sign3A_1686 : i1 to i32
    %sign3A_1688 = arith.constant 0 : i32
    %sign3A_1689 = arith.cmpi slt, %min3A_1677, %sign3A_1688 : i32
    %sign3A_1690 = arith.extui %sign3A_1689 : i1 to i32
    %sign3A_1691 = arith.subi %sign3A_1687, %sign3A_1690 : i32
    %sign3A_1692 = arith.constant 0 : i32
    %sign3A_1693 = arith.cmpi sgt, %jit3A_1683, %sign3A_1692 : i32
    %sign3A_1694 = arith.extui %sign3A_1693 : i1 to i32
    %sign3A_1695 = arith.constant 0 : i32
    %sign3A_1696 = arith.cmpi slt, %jit3A_1683, %sign3A_1695 : i32
    %sign3A_1697 = arith.extui %sign3A_1696 : i1 to i32
    %sign3A_1698 = arith.subi %sign3A_1694, %sign3A_1697 : i32
    %ne3A_1699 = arith.cmpi ne, %sign3A_1691, %sign3A_1698 : i32
    %rem3A_1700 = arith.remsi %min3A_1677, %jit3A_1683 : i32
    %ne3A_1701 = arith.constant 0 : i32
    %ne3A_1702 = arith.cmpi ne, %rem3A_1700, %ne3A_1701 : i32
    %and3A_1703 = arith.andi %ne3A_1699, %ne3A_1702 : i1
    %sub3A_1704 = arith.constant 1 : i32
    %sub3A_1705 = arith.subi %div3A_1684, %sub3A_1704 : i32
    %select_n3A_1706 = arith.select %and3A_1703, %sub3A_1705, %div3A_1684 : i32
    %add3A_1707 = arith.constant 15 : i32
    %add3A_1708 = arith.addi %min3A_1682, %add3A_1707 : i32
    %jit3A_1709 = arith.constant 16 : i32
    %div3A_1710 = arith.divsi %add3A_1708, %jit3A_1709 : i32
    %sign3A_1711 = arith.constant 0 : i32
    %sign3A_1712 = arith.cmpi sgt, %add3A_1708, %sign3A_1711 : i32
    %sign3A_1713 = arith.extui %sign3A_1712 : i1 to i32
    %sign3A_1714 = arith.constant 0 : i32
    %sign3A_1715 = arith.cmpi slt, %add3A_1708, %sign3A_1714 : i32
    %sign3A_1716 = arith.extui %sign3A_1715 : i1 to i32
    %sign3A_1717 = arith.subi %sign3A_1713, %sign3A_1716 : i32
    %sign3A_1718 = arith.constant 0 : i32
    %sign3A_1719 = arith.cmpi sgt, %jit3A_1709, %sign3A_1718 : i32
    %sign3A_1720 = arith.extui %sign3A_1719 : i1 to i32
    %sign3A_1721 = arith.constant 0 : i32
    %sign3A_1722 = arith.cmpi slt, %jit3A_1709, %sign3A_1721 : i32
    %sign3A_1723 = arith.extui %sign3A_1722 : i1 to i32
    %sign3A_1724 = arith.subi %sign3A_1720, %sign3A_1723 : i32
    %ne3A_1725 = arith.cmpi ne, %sign3A_1717, %sign3A_1724 : i32
    %rem3A_1726 = arith.remsi %add3A_1708, %jit3A_1709 : i32
    %ne3A_1727 = arith.constant 0 : i32
    %ne3A_1728 = arith.cmpi ne, %rem3A_1726, %ne3A_1727 : i32
    %and3A_1729 = arith.andi %ne3A_1725, %ne3A_1728 : i1
    %sub3A_1730 = arith.constant 1 : i32
    %sub3A_1731 = arith.subi %div3A_1710, %sub3A_1730 : i32
    %select_n3A_1732 = arith.select %and3A_1729, %sub3A_1731, %div3A_1710 : i32
    %max3A_1733 = arith.maxsi %select_n3A_1732, %select_n3A_1706 : i32
    %broadcast_in_dim3A_1734 = arith.constant 0.000000e+00 : f32
    %broadcast_in_dim3A_1735 = vector.broadcast %broadcast_in_dim3A_1734 : f32 to vector<16xf32>
    %while3A_1736 = arith.subi %max3A_1733, %select_n3A_1706 : i32
    %while3A_1737 = arith.addi %select_n3A_1706, %while3A_1736 : i32
    %while3A_1738 = arith.constant 1 : i32
    %while3A_1739 = arith.divsi %while3A_1736, %while3A_1738 : i32
    %while3A_1740 = arith.muli %while3A_1739, %while3A_1738 : i32
    %while3A_1741 = arith.addi %select_n3A_1706, %while3A_1740 : i32
    %while3A_1742 = arith.constant 1 : i32
    %while3A_1743 = scf.for %while3A_2064 = %select_n3A_1706 to %while3A_1741 step %while3A_1742 iter_args(%while3A_2065 = %broadcast_in_dim3A_1735) -> (vector<16xf32>)  : i32 {
      %mul3A_2066 = arith.constant 16 : i32
      %mul3A_2067 = arith.muli %while3A_2064, %mul3A_2066 : i32
      %get3A_2068 = arith.index_cast %mul3A_2067 : i32 to index
      %get3A_2069 = tpu.vector_load %arg7[%get3A_2068] {strides = array<i32>} : memref<1024xf32, #tpu.memory_space<vmem>>, vector<16xf32>,
      %get3A_2070 = vector.shape_cast %get3A_2069 : vector<16xf32> to vector<16xf32>
      %mul3A_2071 = arith.constant 16 : i32
      %mul3A_2072 = arith.muli %while3A_2064, %mul3A_2071 : i32
      %add3A_2073 = arith.addi %mul3A_0, %mul3A_2072 : i32
      %add3A_2074 = vector.broadcast %add3A_2073 : i32 to vector<16xi32>
      %add3A_2075 = arith.addi %add3A_2074, %iota3A : vector<16xi32>
      %ge3A = vector.broadcast %squeeze3A_1670 : i32 to vector<16xi32>
      %ge3A_2076 = arith.cmpi sge, %add3A_2075, %ge3A : vector<16xi32>
      %lt3A = vector.broadcast %squeeze3A_1672 : i32 to vector<16xi32>
      %lt3A_2077 = arith.cmpi slt, %add3A_2075, %lt3A : vector<16xi32>
      %and3A_2078 = arith.andi %ge3A_2076, %lt3A_2077 : vector<16xi1>
      %jit3A_2079 = arith.constant 0.000000e+00 : f32
      %broadcast_in_dim3A_2080 = vector.broadcast %jit3A_2079 : f32 to vector<16xf32>
      %select_n3A_2081 = arith.select %and3A_2078, %get3A_2070, %broadcast_in_dim3A_2080 : vector<16xi1>, vector<16xf32>
      %add3A_2082 = arith.addf %while3A_2065, %select_n3A_2081 : vector<16xf32>
      scf.yield %add3A_2082 : vector<16xf32>
    }
    %while3A_1744 = arith.constant 1 : i32
    %while3A_1745 = scf.for %while3A_2064 = %while3A_1741 to %while3A_1737 step %while3A_1744 iter_args(%while3A_2065 = %while3A_1743) -> (vector<16xf32>)  : i32 {
      %mul3A_2066 = arith.constant 16 : i32
      %mul3A_2067 = arith.muli %while3A_2064, %mul3A_2066 : i32
      %get3A_2068 = arith.index_cast %mul3A_2067 : i32 to index
      %get3A_2069 = tpu.vector_load %arg7[%get3A_2068] {strides = array<i32>} : memref<1024xf32, #tpu.memory_space<vmem>>, vector<16xf32>,
      %get3A_2070 = vector.shape_cast %get3A_2069 : vector<16xf32> to vector<16xf32>
      %mul3A_2071 = arith.constant 16 : i32
      %mul3A_2072 = arith.muli %while3A_2064, %mul3A_2071 : i32
      %add3A_2073 = arith.addi %mul3A_0, %mul3A_2072 : i32
      %add3A_2074 = vector.broadcast %add3A_2073 : i32 to vector<16xi32>
      %add3A_2075 = arith.addi %add3A_2074, %iota3A : vector<16xi32>
      %ge3A = vector.broadcast %squeeze3A_1670 : i32 to vector<16xi32>
      %ge3A_2076 = arith.cmpi sge, %add3A_2075, %ge3A : vector<16xi32>
      %lt3A = vector.broadcast %squeeze3A_1672 : i32 to vector<16xi32>
      %lt3A_2077 = arith.cmpi slt, %add3A_2075, %lt3A : vector<16xi32>
      %and3A_2078 = arith.andi %ge3A_2076, %lt3A_2077 : vector<16xi1>
      %jit3A_2079 = arith.constant 0.000000e+00 : f32
      %broadcast_in_dim3A_2080 = vector.broadcast %jit3A_2079 : f32 to vector<16xf32>
      %select_n3A_2081 = arith.select %and3A_2078, %get3A_2070, %broadcast_in_dim3A_2080 : vector<16xi1>, vector<16xf32>
      %add3A_2082 = arith.addf %while3A_2065, %select_n3A_2081 : vector<16xf32>
      scf.yield %add3A_2082 : vector<16xf32>
    }
    %slice3A_1746 = vector.extract_strided_slice %while3A_1745 {offsets = [0], sizes = [1], strides = [1]} : vector<16xf32> to vector<1xf32>
    %squeeze3A_1747 = vector.extract %slice3A_1746[0] : f32 from vector<1xf32>
    %slice3A_1748 = vector.extract_strided_slice %while3A_1745 {offsets = [1], sizes = [1], strides = [1]} : vector<16xf32> to vector<1xf32>
    %squeeze3A_1749 = vector.extract %slice3A_1748[0] : f32 from vector<1xf32>
    %add3A_1750 = arith.addf %squeeze3A_1747, %squeeze3A_1749 : f32
    %slice3A_1751 = vector.extract_strided_slice %while3A_1745 {offsets = [2], sizes = [1], strides = [1]} : vector<16xf32> to vector<1xf32>
    %squeeze3A_1752 = vector.extract %slice3A_1751[0] : f32 from vector<1xf32>
    %add3A_1753 = arith.addf %add3A_1750, %squeeze3A_1752 : f32
    %slice3A_1754 = vector.extract_strided_slice %while3A_1745 {offsets = [3], sizes = [1], strides = [1]} : vector<16xf32> to vector<1xf32>
    %squeeze3A_1755 = vector.extract %slice3A_1754[0] : f32 from vector<1xf32>
    %add3A_1756 = arith.addf %add3A_1753, %squeeze3A_1755 : f32
    %slice3A_1757 = vector.extract_strided_slice %while3A_1745 {offsets = [4], sizes = [1], strides = [1]} : vector<16xf32> to vector<1xf32>
    %squeeze3A_1758 = vector.extract %slice3A_1757[0] : f32 from vector<1xf32>
    %add3A_1759 = arith.addf %add3A_1756, %squeeze3A_1758 : f32
    %slice3A_1760 = vector.extract_strided_slice %while3A_1745 {offsets = [5], sizes = [1], strides = [1]} : vector<16xf32> to vector<1xf32>
    %squeeze3A_1761 = vector.extract %slice3A_1760[0] : f32 from vector<1xf32>
    %add3A_1762 = arith.addf %add3A_1759, %squeeze3A_1761 : f32
    %slice3A_1763 = vector.extract_strided_slice %while3A_1745 {offsets = [6], sizes = [1], strides = [1]} : vector<16xf32> to vector<1xf32>
    %squeeze3A_1764 = vector.extract %slice3A_1763[0] : f32 from vector<1xf32>
    %add3A_1765 = arith.addf %add3A_1762, %squeeze3A_1764 : f32
    %slice3A_1766 = vector.extract_strided_slice %while3A_1745 {offsets = [7], sizes = [1], strides = [1]} : vector<16xf32> to vector<1xf32>
    %squeeze3A_1767 = vector.extract %slice3A_1766[0] : f32 from vector<1xf32>
    %add3A_1768 = arith.addf %add3A_1765, %squeeze3A_1767 : f32
    %slice3A_1769 = vector.extract_strided_slice %while3A_1745 {offsets = [8], sizes = [1], strides = [1]} : vector<16xf32> to vector<1xf32>
    %squeeze3A_1770 = vector.extract %slice3A_1769[0] : f32 from vector<1xf32>
    %add3A_1771 = arith.addf %add3A_1768, %squeeze3A_1770 : f32
    %slice3A_1772 = vector.extract_strided_slice %while3A_1745 {offsets = [9], sizes = [1], strides = [1]} : vector<16xf32> to vector<1xf32>
    %squeeze3A_1773 = vector.extract %slice3A_1772[0] : f32 from vector<1xf32>
    %add3A_1774 = arith.addf %add3A_1771, %squeeze3A_1773 : f32
    %slice3A_1775 = vector.extract_strided_slice %while3A_1745 {offsets = [10], sizes = [1], strides = [1]} : vector<16xf32> to vector<1xf32>
    %squeeze3A_1776 = vector.extract %slice3A_1775[0] : f32 from vector<1xf32>
    %add3A_1777 = arith.addf %add3A_1774, %squeeze3A_1776 : f32
    %slice3A_1778 = vector.extract_strided_slice %while3A_1745 {offsets = [11], sizes = [1], strides = [1]} : vector<16xf32> to vector<1xf32>
    %squeeze3A_1779 = vector.extract %slice3A_1778[0] : f32 from vector<1xf32>
    %add3A_1780 = arith.addf %add3A_1777, %squeeze3A_1779 : f32
    %slice3A_1781 = vector.extract_strided_slice %while3A_1745 {offsets = [12], sizes = [1], strides = [1]} : vector<16xf32> to vector<1xf32>
    %squeeze3A_1782 = vector.extract %slice3A_1781[0] : f32 from vector<1xf32>
    %add3A_1783 = arith.addf %add3A_1780, %squeeze3A_1782 : f32
    %slice3A_1784 = vector.extract_strided_slice %while3A_1745 {offsets = [13], sizes = [1], strides = [1]} : vector<16xf32> to vector<1xf32>
    %squeeze3A_1785 = vector.extract %slice3A_1784[0] : f32 from vector<1xf32>
    %add3A_1786 = arith.addf %add3A_1783, %squeeze3A_1785 : f32
    %slice3A_1787 = vector.extract_strided_slice %while3A_1745 {offsets = [14], sizes = [1], strides = [1]} : vector<16xf32> to vector<1xf32>
    %squeeze3A_1788 = vector.extract %slice3A_1787[0] : f32 from vector<1xf32>
    %add3A_1789 = arith.addf %add3A_1786, %squeeze3A_1788 : f32
    %slice3A_1790 = vector.extract_strided_slice %while3A_1745 {offsets = [15], sizes = [1], strides = [1]} : vector<16xf32> to vector<1xf32>
    %squeeze3A_1791 = vector.extract %slice3A_1790[0] : f32 from vector<1xf32>
    %add3A_1792 = arith.addf %add3A_1789, %squeeze3A_1791 : f32
    %eq3A_1793 = arith.constant 13 : i32
    %eq3A_1794 = vector.broadcast %eq3A_1793 : i32 to vector<16xi32>
    %eq3A_1795 = arith.cmpi eq, %iota3A, %eq3A_1794 : vector<16xi32>
    %broadcast_in_dim3A_1796 = vector.broadcast %add3A_1792 : f32 to vector<16xf32>
    %select_n3A_1797 = arith.select %eq3A_1795, %broadcast_in_dim3A_1796, %select_n3A_1668 : vector<16xi1>, vector<16xf32>
    %slice3A_1798 = vector.extract_strided_slice %get3A_2 {offsets = [14], sizes = [1], strides = [1]} : vector<16xi32> to vector<1xi32>
    %squeeze3A_1799 = vector.extract %slice3A_1798[0] : i32 from vector<1xi32>
    %slice3A_1800 = vector.extract_strided_slice %get3A_5 {offsets = [14], sizes = [1], strides = [1]} : vector<16xi32> to vector<1xi32>
    %squeeze3A_1801 = vector.extract %slice3A_1800[0] : i32 from vector<1xi32>
    %sub3A_1802 = arith.subi %squeeze3A_1799, %mul3A_0 : i32
    %jit3A_1803 = arith.constant 0 : i32
    %jit3A_1804 = arith.constant 1024 : i32
    %max3A_1805 = arith.maxsi %jit3A_1803, %sub3A_1802 : i32
    %min3A_1806 = arith.minsi %jit3A_1804, %max3A_1805 : i32
    %sub3A_1807 = arith.subi %squeeze3A_1801, %mul3A_0 : i32
    %jit3A_1808 = arith.constant 0 : i32
    %jit3A_1809 = arith.constant 1024 : i32
    %max3A_1810 = arith.maxsi %jit3A_1808, %sub3A_1807 : i32
    %min3A_1811 = arith.minsi %jit3A_1809, %max3A_1810 : i32
    %jit3A_1812 = arith.constant 16 : i32
    %div3A_1813 = arith.divsi %min3A_1806, %jit3A_1812 : i32
    %sign3A_1814 = arith.constant 0 : i32
    %sign3A_1815 = arith.cmpi sgt, %min3A_1806, %sign3A_1814 : i32
    %sign3A_1816 = arith.extui %sign3A_1815 : i1 to i32
    %sign3A_1817 = arith.constant 0 : i32
    %sign3A_1818 = arith.cmpi slt, %min3A_1806, %sign3A_1817 : i32
    %sign3A_1819 = arith.extui %sign3A_1818 : i1 to i32
    %sign3A_1820 = arith.subi %sign3A_1816, %sign3A_1819 : i32
    %sign3A_1821 = arith.constant 0 : i32
    %sign3A_1822 = arith.cmpi sgt, %jit3A_1812, %sign3A_1821 : i32
    %sign3A_1823 = arith.extui %sign3A_1822 : i1 to i32
    %sign3A_1824 = arith.constant 0 : i32
    %sign3A_1825 = arith.cmpi slt, %jit3A_1812, %sign3A_1824 : i32
    %sign3A_1826 = arith.extui %sign3A_1825 : i1 to i32
    %sign3A_1827 = arith.subi %sign3A_1823, %sign3A_1826 : i32
    %ne3A_1828 = arith.cmpi ne, %sign3A_1820, %sign3A_1827 : i32
    %rem3A_1829 = arith.remsi %min3A_1806, %jit3A_1812 : i32
    %ne3A_1830 = arith.constant 0 : i32
    %ne3A_1831 = arith.cmpi ne, %rem3A_1829, %ne3A_1830 : i32
    %and3A_1832 = arith.andi %ne3A_1828, %ne3A_1831 : i1
    %sub3A_1833 = arith.constant 1 : i32
    %sub3A_1834 = arith.subi %div3A_1813, %sub3A_1833 : i32
    %select_n3A_1835 = arith.select %and3A_1832, %sub3A_1834, %div3A_1813 : i32
    %add3A_1836 = arith.constant 15 : i32
    %add3A_1837 = arith.addi %min3A_1811, %add3A_1836 : i32
    %jit3A_1838 = arith.constant 16 : i32
    %div3A_1839 = arith.divsi %add3A_1837, %jit3A_1838 : i32
    %sign3A_1840 = arith.constant 0 : i32
    %sign3A_1841 = arith.cmpi sgt, %add3A_1837, %sign3A_1840 : i32
    %sign3A_1842 = arith.extui %sign3A_1841 : i1 to i32
    %sign3A_1843 = arith.constant 0 : i32
    %sign3A_1844 = arith.cmpi slt, %add3A_1837, %sign3A_1843 : i32
    %sign3A_1845 = arith.extui %sign3A_1844 : i1 to i32
    %sign3A_1846 = arith.subi %sign3A_1842, %sign3A_1845 : i32
    %sign3A_1847 = arith.constant 0 : i32
    %sign3A_1848 = arith.cmpi sgt, %jit3A_1838, %sign3A_1847 : i32
    %sign3A_1849 = arith.extui %sign3A_1848 : i1 to i32
    %sign3A_1850 = arith.constant 0 : i32
    %sign3A_1851 = arith.cmpi slt, %jit3A_1838, %sign3A_1850 : i32
    %sign3A_1852 = arith.extui %sign3A_1851 : i1 to i32
    %sign3A_1853 = arith.subi %sign3A_1849, %sign3A_1852 : i32
    %ne3A_1854 = arith.cmpi ne, %sign3A_1846, %sign3A_1853 : i32
    %rem3A_1855 = arith.remsi %add3A_1837, %jit3A_1838 : i32
    %ne3A_1856 = arith.constant 0 : i32
    %ne3A_1857 = arith.cmpi ne, %rem3A_1855, %ne3A_1856 : i32
    %and3A_1858 = arith.andi %ne3A_1854, %ne3A_1857 : i1
    %sub3A_1859 = arith.constant 1 : i32
    %sub3A_1860 = arith.subi %div3A_1839, %sub3A_1859 : i32
    %select_n3A_1861 = arith.select %and3A_1858, %sub3A_1860, %div3A_1839 : i32
    %max3A_1862 = arith.maxsi %select_n3A_1861, %select_n3A_1835 : i32
    %broadcast_in_dim3A_1863 = arith.constant 0.000000e+00 : f32
    %broadcast_in_dim3A_1864 = vector.broadcast %broadcast_in_dim3A_1863 : f32 to vector<16xf32>
    %while3A_1865 = arith.subi %max3A_1862, %select_n3A_1835 : i32
    %while3A_1866 = arith.addi %select_n3A_1835, %while3A_1865 : i32
    %while3A_1867 = arith.constant 1 : i32
    %while3A_1868 = arith.divsi %while3A_1865, %while3A_1867 : i32
    %while3A_1869 = arith.muli %while3A_1868, %while3A_1867 : i32
    %while3A_1870 = arith.addi %select_n3A_1835, %while3A_1869 : i32
    %while3A_1871 = arith.constant 1 : i32
    %while3A_1872 = scf.for %while3A_2064 = %select_n3A_1835 to %while3A_1870 step %while3A_1871 iter_args(%while3A_2065 = %broadcast_in_dim3A_1864) -> (vector<16xf32>)  : i32 {
      %mul3A_2066 = arith.constant 16 : i32
      %mul3A_2067 = arith.muli %while3A_2064, %mul3A_2066 : i32
      %get3A_2068 = arith.index_cast %mul3A_2067 : i32 to index
      %get3A_2069 = tpu.vector_load %arg7[%get3A_2068] {strides = array<i32>} : memref<1024xf32, #tpu.memory_space<vmem>>, vector<16xf32>,
      %get3A_2070 = vector.shape_cast %get3A_2069 : vector<16xf32> to vector<16xf32>
      %mul3A_2071 = arith.constant 16 : i32
      %mul3A_2072 = arith.muli %while3A_2064, %mul3A_2071 : i32
      %add3A_2073 = arith.addi %mul3A_0, %mul3A_2072 : i32
      %add3A_2074 = vector.broadcast %add3A_2073 : i32 to vector<16xi32>
      %add3A_2075 = arith.addi %add3A_2074, %iota3A : vector<16xi32>
      %ge3A = vector.broadcast %squeeze3A_1799 : i32 to vector<16xi32>
      %ge3A_2076 = arith.cmpi sge, %add3A_2075, %ge3A : vector<16xi32>
      %lt3A = vector.broadcast %squeeze3A_1801 : i32 to vector<16xi32>
      %lt3A_2077 = arith.cmpi slt, %add3A_2075, %lt3A : vector<16xi32>
      %and3A_2078 = arith.andi %ge3A_2076, %lt3A_2077 : vector<16xi1>
      %jit3A_2079 = arith.constant 0.000000e+00 : f32
      %broadcast_in_dim3A_2080 = vector.broadcast %jit3A_2079 : f32 to vector<16xf32>
      %select_n3A_2081 = arith.select %and3A_2078, %get3A_2070, %broadcast_in_dim3A_2080 : vector<16xi1>, vector<16xf32>
      %add3A_2082 = arith.addf %while3A_2065, %select_n3A_2081 : vector<16xf32>
      scf.yield %add3A_2082 : vector<16xf32>
    }
    %while3A_1873 = arith.constant 1 : i32
    %while3A_1874 = scf.for %while3A_2064 = %while3A_1870 to %while3A_1866 step %while3A_1873 iter_args(%while3A_2065 = %while3A_1872) -> (vector<16xf32>)  : i32 {
      %mul3A_2066 = arith.constant 16 : i32
      %mul3A_2067 = arith.muli %while3A_2064, %mul3A_2066 : i32
      %get3A_2068 = arith.index_cast %mul3A_2067 : i32 to index
      %get3A_2069 = tpu.vector_load %arg7[%get3A_2068] {strides = array<i32>} : memref<1024xf32, #tpu.memory_space<vmem>>, vector<16xf32>,
      %get3A_2070 = vector.shape_cast %get3A_2069 : vector<16xf32> to vector<16xf32>
      %mul3A_2071 = arith.constant 16 : i32
      %mul3A_2072 = arith.muli %while3A_2064, %mul3A_2071 : i32
      %add3A_2073 = arith.addi %mul3A_0, %mul3A_2072 : i32
      %add3A_2074 = vector.broadcast %add3A_2073 : i32 to vector<16xi32>
      %add3A_2075 = arith.addi %add3A_2074, %iota3A : vector<16xi32>
      %ge3A = vector.broadcast %squeeze3A_1799 : i32 to vector<16xi32>
      %ge3A_2076 = arith.cmpi sge, %add3A_2075, %ge3A : vector<16xi32>
      %lt3A = vector.broadcast %squeeze3A_1801 : i32 to vector<16xi32>
      %lt3A_2077 = arith.cmpi slt, %add3A_2075, %lt3A : vector<16xi32>
      %and3A_2078 = arith.andi %ge3A_2076, %lt3A_2077 : vector<16xi1>
      %jit3A_2079 = arith.constant 0.000000e+00 : f32
      %broadcast_in_dim3A_2080 = vector.broadcast %jit3A_2079 : f32 to vector<16xf32>
      %select_n3A_2081 = arith.select %and3A_2078, %get3A_2070, %broadcast_in_dim3A_2080 : vector<16xi1>, vector<16xf32>
      %add3A_2082 = arith.addf %while3A_2065, %select_n3A_2081 : vector<16xf32>
      scf.yield %add3A_2082 : vector<16xf32>
    }
    %slice3A_1875 = vector.extract_strided_slice %while3A_1874 {offsets = [0], sizes = [1], strides = [1]} : vector<16xf32> to vector<1xf32>
    %squeeze3A_1876 = vector.extract %slice3A_1875[0] : f32 from vector<1xf32>
    %slice3A_1877 = vector.extract_strided_slice %while3A_1874 {offsets = [1], sizes = [1], strides = [1]} : vector<16xf32> to vector<1xf32>
    %squeeze3A_1878 = vector.extract %slice3A_1877[0] : f32 from vector<1xf32>
    %add3A_1879 = arith.addf %squeeze3A_1876, %squeeze3A_1878 : f32
    %slice3A_1880 = vector.extract_strided_slice %while3A_1874 {offsets = [2], sizes = [1], strides = [1]} : vector<16xf32> to vector<1xf32>
    %squeeze3A_1881 = vector.extract %slice3A_1880[0] : f32 from vector<1xf32>
    %add3A_1882 = arith.addf %add3A_1879, %squeeze3A_1881 : f32
    %slice3A_1883 = vector.extract_strided_slice %while3A_1874 {offsets = [3], sizes = [1], strides = [1]} : vector<16xf32> to vector<1xf32>
    %squeeze3A_1884 = vector.extract %slice3A_1883[0] : f32 from vector<1xf32>
    %add3A_1885 = arith.addf %add3A_1882, %squeeze3A_1884 : f32
    %slice3A_1886 = vector.extract_strided_slice %while3A_1874 {offsets = [4], sizes = [1], strides = [1]} : vector<16xf32> to vector<1xf32>
    %squeeze3A_1887 = vector.extract %slice3A_1886[0] : f32 from vector<1xf32>
    %add3A_1888 = arith.addf %add3A_1885, %squeeze3A_1887 : f32
    %slice3A_1889 = vector.extract_strided_slice %while3A_1874 {offsets = [5], sizes = [1], strides = [1]} : vector<16xf32> to vector<1xf32>
    %squeeze3A_1890 = vector.extract %slice3A_1889[0] : f32 from vector<1xf32>
    %add3A_1891 = arith.addf %add3A_1888, %squeeze3A_1890 : f32
    %slice3A_1892 = vector.extract_strided_slice %while3A_1874 {offsets = [6], sizes = [1], strides = [1]} : vector<16xf32> to vector<1xf32>
    %squeeze3A_1893 = vector.extract %slice3A_1892[0] : f32 from vector<1xf32>
    %add3A_1894 = arith.addf %add3A_1891, %squeeze3A_1893 : f32
    %slice3A_1895 = vector.extract_strided_slice %while3A_1874 {offsets = [7], sizes = [1], strides = [1]} : vector<16xf32> to vector<1xf32>
    %squeeze3A_1896 = vector.extract %slice3A_1895[0] : f32 from vector<1xf32>
    %add3A_1897 = arith.addf %add3A_1894, %squeeze3A_1896 : f32
    %slice3A_1898 = vector.extract_strided_slice %while3A_1874 {offsets = [8], sizes = [1], strides = [1]} : vector<16xf32> to vector<1xf32>
    %squeeze3A_1899 = vector.extract %slice3A_1898[0] : f32 from vector<1xf32>
    %add3A_1900 = arith.addf %add3A_1897, %squeeze3A_1899 : f32
    %slice3A_1901 = vector.extract_strided_slice %while3A_1874 {offsets = [9], sizes = [1], strides = [1]} : vector<16xf32> to vector<1xf32>
    %squeeze3A_1902 = vector.extract %slice3A_1901[0] : f32 from vector<1xf32>
    %add3A_1903 = arith.addf %add3A_1900, %squeeze3A_1902 : f32
    %slice3A_1904 = vector.extract_strided_slice %while3A_1874 {offsets = [10], sizes = [1], strides = [1]} : vector<16xf32> to vector<1xf32>
    %squeeze3A_1905 = vector.extract %slice3A_1904[0] : f32 from vector<1xf32>
    %add3A_1906 = arith.addf %add3A_1903, %squeeze3A_1905 : f32
    %slice3A_1907 = vector.extract_strided_slice %while3A_1874 {offsets = [11], sizes = [1], strides = [1]} : vector<16xf32> to vector<1xf32>
    %squeeze3A_1908 = vector.extract %slice3A_1907[0] : f32 from vector<1xf32>
    %add3A_1909 = arith.addf %add3A_1906, %squeeze3A_1908 : f32
    %slice3A_1910 = vector.extract_strided_slice %while3A_1874 {offsets = [12], sizes = [1], strides = [1]} : vector<16xf32> to vector<1xf32>
    %squeeze3A_1911 = vector.extract %slice3A_1910[0] : f32 from vector<1xf32>
    %add3A_1912 = arith.addf %add3A_1909, %squeeze3A_1911 : f32
    %slice3A_1913 = vector.extract_strided_slice %while3A_1874 {offsets = [13], sizes = [1], strides = [1]} : vector<16xf32> to vector<1xf32>
    %squeeze3A_1914 = vector.extract %slice3A_1913[0] : f32 from vector<1xf32>
    %add3A_1915 = arith.addf %add3A_1912, %squeeze3A_1914 : f32
    %slice3A_1916 = vector.extract_strided_slice %while3A_1874 {offsets = [14], sizes = [1], strides = [1]} : vector<16xf32> to vector<1xf32>
    %squeeze3A_1917 = vector.extract %slice3A_1916[0] : f32 from vector<1xf32>
    %add3A_1918 = arith.addf %add3A_1915, %squeeze3A_1917 : f32
    %slice3A_1919 = vector.extract_strided_slice %while3A_1874 {offsets = [15], sizes = [1], strides = [1]} : vector<16xf32> to vector<1xf32>
    %squeeze3A_1920 = vector.extract %slice3A_1919[0] : f32 from vector<1xf32>
    %add3A_1921 = arith.addf %add3A_1918, %squeeze3A_1920 : f32
    %eq3A_1922 = arith.constant 14 : i32
    %eq3A_1923 = vector.broadcast %eq3A_1922 : i32 to vector<16xi32>
    %eq3A_1924 = arith.cmpi eq, %iota3A, %eq3A_1923 : vector<16xi32>
    %broadcast_in_dim3A_1925 = vector.broadcast %add3A_1921 : f32 to vector<16xf32>
    %select_n3A_1926 = arith.select %eq3A_1924, %broadcast_in_dim3A_1925, %select_n3A_1797 : vector<16xi1>, vector<16xf32>
    %slice3A_1927 = vector.extract_strided_slice %get3A_2 {offsets = [15], sizes = [1], strides = [1]} : vector<16xi32> to vector<1xi32>
    %squeeze3A_1928 = vector.extract %slice3A_1927[0] : i32 from vector<1xi32>
    %slice3A_1929 = vector.extract_strided_slice %get3A_5 {offsets = [15], sizes = [1], strides = [1]} : vector<16xi32> to vector<1xi32>
    %squeeze3A_1930 = vector.extract %slice3A_1929[0] : i32 from vector<1xi32>
    %sub3A_1931 = arith.subi %squeeze3A_1928, %mul3A_0 : i32
    %jit3A_1932 = arith.constant 0 : i32
    %jit3A_1933 = arith.constant 1024 : i32
    %max3A_1934 = arith.maxsi %jit3A_1932, %sub3A_1931 : i32
    %min3A_1935 = arith.minsi %jit3A_1933, %max3A_1934 : i32
    %sub3A_1936 = arith.subi %squeeze3A_1930, %mul3A_0 : i32
    %jit3A_1937 = arith.constant 0 : i32
    %jit3A_1938 = arith.constant 1024 : i32
    %max3A_1939 = arith.maxsi %jit3A_1937, %sub3A_1936 : i32
    %min3A_1940 = arith.minsi %jit3A_1938, %max3A_1939 : i32
    %jit3A_1941 = arith.constant 16 : i32
    %div3A_1942 = arith.divsi %min3A_1935, %jit3A_1941 : i32
    %sign3A_1943 = arith.constant 0 : i32
    %sign3A_1944 = arith.cmpi sgt, %min3A_1935, %sign3A_1943 : i32
    %sign3A_1945 = arith.extui %sign3A_1944 : i1 to i32
    %sign3A_1946 = arith.constant 0 : i32
    %sign3A_1947 = arith.cmpi slt, %min3A_1935, %sign3A_1946 : i32
    %sign3A_1948 = arith.extui %sign3A_1947 : i1 to i32
    %sign3A_1949 = arith.subi %sign3A_1945, %sign3A_1948 : i32
    %sign3A_1950 = arith.constant 0 : i32
    %sign3A_1951 = arith.cmpi sgt, %jit3A_1941, %sign3A_1950 : i32
    %sign3A_1952 = arith.extui %sign3A_1951 : i1 to i32
    %sign3A_1953 = arith.constant 0 : i32
    %sign3A_1954 = arith.cmpi slt, %jit3A_1941, %sign3A_1953 : i32
    %sign3A_1955 = arith.extui %sign3A_1954 : i1 to i32
    %sign3A_1956 = arith.subi %sign3A_1952, %sign3A_1955 : i32
    %ne3A_1957 = arith.cmpi ne, %sign3A_1949, %sign3A_1956 : i32
    %rem3A_1958 = arith.remsi %min3A_1935, %jit3A_1941 : i32
    %ne3A_1959 = arith.constant 0 : i32
    %ne3A_1960 = arith.cmpi ne, %rem3A_1958, %ne3A_1959 : i32
    %and3A_1961 = arith.andi %ne3A_1957, %ne3A_1960 : i1
    %sub3A_1962 = arith.constant 1 : i32
    %sub3A_1963 = arith.subi %div3A_1942, %sub3A_1962 : i32
    %select_n3A_1964 = arith.select %and3A_1961, %sub3A_1963, %div3A_1942 : i32
    %add3A_1965 = arith.constant 15 : i32
    %add3A_1966 = arith.addi %min3A_1940, %add3A_1965 : i32
    %jit3A_1967 = arith.constant 16 : i32
    %div3A_1968 = arith.divsi %add3A_1966, %jit3A_1967 : i32
    %sign3A_1969 = arith.constant 0 : i32
    %sign3A_1970 = arith.cmpi sgt, %add3A_1966, %sign3A_1969 : i32
    %sign3A_1971 = arith.extui %sign3A_1970 : i1 to i32
    %sign3A_1972 = arith.constant 0 : i32
    %sign3A_1973 = arith.cmpi slt, %add3A_1966, %sign3A_1972 : i32
    %sign3A_1974 = arith.extui %sign3A_1973 : i1 to i32
    %sign3A_1975 = arith.subi %sign3A_1971, %sign3A_1974 : i32
    %sign3A_1976 = arith.constant 0 : i32
    %sign3A_1977 = arith.cmpi sgt, %jit3A_1967, %sign3A_1976 : i32
    %sign3A_1978 = arith.extui %sign3A_1977 : i1 to i32
    %sign3A_1979 = arith.constant 0 : i32
    %sign3A_1980 = arith.cmpi slt, %jit3A_1967, %sign3A_1979 : i32
    %sign3A_1981 = arith.extui %sign3A_1980 : i1 to i32
    %sign3A_1982 = arith.subi %sign3A_1978, %sign3A_1981 : i32
    %ne3A_1983 = arith.cmpi ne, %sign3A_1975, %sign3A_1982 : i32
    %rem3A_1984 = arith.remsi %add3A_1966, %jit3A_1967 : i32
    %ne3A_1985 = arith.constant 0 : i32
    %ne3A_1986 = arith.cmpi ne, %rem3A_1984, %ne3A_1985 : i32
    %and3A_1987 = arith.andi %ne3A_1983, %ne3A_1986 : i1
    %sub3A_1988 = arith.constant 1 : i32
    %sub3A_1989 = arith.subi %div3A_1968, %sub3A_1988 : i32
    %select_n3A_1990 = arith.select %and3A_1987, %sub3A_1989, %div3A_1968 : i32
    %max3A_1991 = arith.maxsi %select_n3A_1990, %select_n3A_1964 : i32
    %broadcast_in_dim3A_1992 = arith.constant 0.000000e+00 : f32
    %broadcast_in_dim3A_1993 = vector.broadcast %broadcast_in_dim3A_1992 : f32 to vector<16xf32>
    %while3A_1994 = arith.subi %max3A_1991, %select_n3A_1964 : i32
    %while3A_1995 = arith.addi %select_n3A_1964, %while3A_1994 : i32
    %while3A_1996 = arith.constant 1 : i32
    %while3A_1997 = arith.divsi %while3A_1994, %while3A_1996 : i32
    %while3A_1998 = arith.muli %while3A_1997, %while3A_1996 : i32
    %while3A_1999 = arith.addi %select_n3A_1964, %while3A_1998 : i32
    %while3A_2000 = arith.constant 1 : i32
    %while3A_2001 = scf.for %while3A_2064 = %select_n3A_1964 to %while3A_1999 step %while3A_2000 iter_args(%while3A_2065 = %broadcast_in_dim3A_1993) -> (vector<16xf32>)  : i32 {
      %mul3A_2066 = arith.constant 16 : i32
      %mul3A_2067 = arith.muli %while3A_2064, %mul3A_2066 : i32
      %get3A_2068 = arith.index_cast %mul3A_2067 : i32 to index
      %get3A_2069 = tpu.vector_load %arg7[%get3A_2068] {strides = array<i32>} : memref<1024xf32, #tpu.memory_space<vmem>>, vector<16xf32>,
      %get3A_2070 = vector.shape_cast %get3A_2069 : vector<16xf32> to vector<16xf32>
      %mul3A_2071 = arith.constant 16 : i32
      %mul3A_2072 = arith.muli %while3A_2064, %mul3A_2071 : i32
      %add3A_2073 = arith.addi %mul3A_0, %mul3A_2072 : i32
      %add3A_2074 = vector.broadcast %add3A_2073 : i32 to vector<16xi32>
      %add3A_2075 = arith.addi %add3A_2074, %iota3A : vector<16xi32>
      %ge3A = vector.broadcast %squeeze3A_1928 : i32 to vector<16xi32>
      %ge3A_2076 = arith.cmpi sge, %add3A_2075, %ge3A : vector<16xi32>
      %lt3A = vector.broadcast %squeeze3A_1930 : i32 to vector<16xi32>
      %lt3A_2077 = arith.cmpi slt, %add3A_2075, %lt3A : vector<16xi32>
      %and3A_2078 = arith.andi %ge3A_2076, %lt3A_2077 : vector<16xi1>
      %jit3A_2079 = arith.constant 0.000000e+00 : f32
      %broadcast_in_dim3A_2080 = vector.broadcast %jit3A_2079 : f32 to vector<16xf32>
      %select_n3A_2081 = arith.select %and3A_2078, %get3A_2070, %broadcast_in_dim3A_2080 : vector<16xi1>, vector<16xf32>
      %add3A_2082 = arith.addf %while3A_2065, %select_n3A_2081 : vector<16xf32>
      scf.yield %add3A_2082 : vector<16xf32>
    }
    %while3A_2002 = arith.constant 1 : i32
    %while3A_2003 = scf.for %while3A_2064 = %while3A_1999 to %while3A_1995 step %while3A_2002 iter_args(%while3A_2065 = %while3A_2001) -> (vector<16xf32>)  : i32 {
      %mul3A_2066 = arith.constant 16 : i32
      %mul3A_2067 = arith.muli %while3A_2064, %mul3A_2066 : i32
      %get3A_2068 = arith.index_cast %mul3A_2067 : i32 to index
      %get3A_2069 = tpu.vector_load %arg7[%get3A_2068] {strides = array<i32>} : memref<1024xf32, #tpu.memory_space<vmem>>, vector<16xf32>,
      %get3A_2070 = vector.shape_cast %get3A_2069 : vector<16xf32> to vector<16xf32>
      %mul3A_2071 = arith.constant 16 : i32
      %mul3A_2072 = arith.muli %while3A_2064, %mul3A_2071 : i32
      %add3A_2073 = arith.addi %mul3A_0, %mul3A_2072 : i32
      %add3A_2074 = vector.broadcast %add3A_2073 : i32 to vector<16xi32>
      %add3A_2075 = arith.addi %add3A_2074, %iota3A : vector<16xi32>
      %ge3A = vector.broadcast %squeeze3A_1928 : i32 to vector<16xi32>
      %ge3A_2076 = arith.cmpi sge, %add3A_2075, %ge3A : vector<16xi32>
      %lt3A = vector.broadcast %squeeze3A_1930 : i32 to vector<16xi32>
      %lt3A_2077 = arith.cmpi slt, %add3A_2075, %lt3A : vector<16xi32>
      %and3A_2078 = arith.andi %ge3A_2076, %lt3A_2077 : vector<16xi1>
      %jit3A_2079 = arith.constant 0.000000e+00 : f32
      %broadcast_in_dim3A_2080 = vector.broadcast %jit3A_2079 : f32 to vector<16xf32>
      %select_n3A_2081 = arith.select %and3A_2078, %get3A_2070, %broadcast_in_dim3A_2080 : vector<16xi1>, vector<16xf32>
      %add3A_2082 = arith.addf %while3A_2065, %select_n3A_2081 : vector<16xf32>
      scf.yield %add3A_2082 : vector<16xf32>
    }
    %slice3A_2004 = vector.extract_strided_slice %while3A_2003 {offsets = [0], sizes = [1], strides = [1]} : vector<16xf32> to vector<1xf32>
    %squeeze3A_2005 = vector.extract %slice3A_2004[0] : f32 from vector<1xf32>
    %slice3A_2006 = vector.extract_strided_slice %while3A_2003 {offsets = [1], sizes = [1], strides = [1]} : vector<16xf32> to vector<1xf32>
    %squeeze3A_2007 = vector.extract %slice3A_2006[0] : f32 from vector<1xf32>
    %add3A_2008 = arith.addf %squeeze3A_2005, %squeeze3A_2007 : f32
    %slice3A_2009 = vector.extract_strided_slice %while3A_2003 {offsets = [2], sizes = [1], strides = [1]} : vector<16xf32> to vector<1xf32>
    %squeeze3A_2010 = vector.extract %slice3A_2009[0] : f32 from vector<1xf32>
    %add3A_2011 = arith.addf %add3A_2008, %squeeze3A_2010 : f32
    %slice3A_2012 = vector.extract_strided_slice %while3A_2003 {offsets = [3], sizes = [1], strides = [1]} : vector<16xf32> to vector<1xf32>
    %squeeze3A_2013 = vector.extract %slice3A_2012[0] : f32 from vector<1xf32>
    %add3A_2014 = arith.addf %add3A_2011, %squeeze3A_2013 : f32
    %slice3A_2015 = vector.extract_strided_slice %while3A_2003 {offsets = [4], sizes = [1], strides = [1]} : vector<16xf32> to vector<1xf32>
    %squeeze3A_2016 = vector.extract %slice3A_2015[0] : f32 from vector<1xf32>
    %add3A_2017 = arith.addf %add3A_2014, %squeeze3A_2016 : f32
    %slice3A_2018 = vector.extract_strided_slice %while3A_2003 {offsets = [5], sizes = [1], strides = [1]} : vector<16xf32> to vector<1xf32>
    %squeeze3A_2019 = vector.extract %slice3A_2018[0] : f32 from vector<1xf32>
    %add3A_2020 = arith.addf %add3A_2017, %squeeze3A_2019 : f32
    %slice3A_2021 = vector.extract_strided_slice %while3A_2003 {offsets = [6], sizes = [1], strides = [1]} : vector<16xf32> to vector<1xf32>
    %squeeze3A_2022 = vector.extract %slice3A_2021[0] : f32 from vector<1xf32>
    %add3A_2023 = arith.addf %add3A_2020, %squeeze3A_2022 : f32
    %slice3A_2024 = vector.extract_strided_slice %while3A_2003 {offsets = [7], sizes = [1], strides = [1]} : vector<16xf32> to vector<1xf32>
    %squeeze3A_2025 = vector.extract %slice3A_2024[0] : f32 from vector<1xf32>
    %add3A_2026 = arith.addf %add3A_2023, %squeeze3A_2025 : f32
    %slice3A_2027 = vector.extract_strided_slice %while3A_2003 {offsets = [8], sizes = [1], strides = [1]} : vector<16xf32> to vector<1xf32>
    %squeeze3A_2028 = vector.extract %slice3A_2027[0] : f32 from vector<1xf32>
    %add3A_2029 = arith.addf %add3A_2026, %squeeze3A_2028 : f32
    %slice3A_2030 = vector.extract_strided_slice %while3A_2003 {offsets = [9], sizes = [1], strides = [1]} : vector<16xf32> to vector<1xf32>
    %squeeze3A_2031 = vector.extract %slice3A_2030[0] : f32 from vector<1xf32>
    %add3A_2032 = arith.addf %add3A_2029, %squeeze3A_2031 : f32
    %slice3A_2033 = vector.extract_strided_slice %while3A_2003 {offsets = [10], sizes = [1], strides = [1]} : vector<16xf32> to vector<1xf32>
    %squeeze3A_2034 = vector.extract %slice3A_2033[0] : f32 from vector<1xf32>
    %add3A_2035 = arith.addf %add3A_2032, %squeeze3A_2034 : f32
    %slice3A_2036 = vector.extract_strided_slice %while3A_2003 {offsets = [11], sizes = [1], strides = [1]} : vector<16xf32> to vector<1xf32>
    %squeeze3A_2037 = vector.extract %slice3A_2036[0] : f32 from vector<1xf32>
    %add3A_2038 = arith.addf %add3A_2035, %squeeze3A_2037 : f32
    %slice3A_2039 = vector.extract_strided_slice %while3A_2003 {offsets = [12], sizes = [1], strides = [1]} : vector<16xf32> to vector<1xf32>
    %squeeze3A_2040 = vector.extract %slice3A_2039[0] : f32 from vector<1xf32>
    %add3A_2041 = arith.addf %add3A_2038, %squeeze3A_2040 : f32
    %slice3A_2042 = vector.extract_strided_slice %while3A_2003 {offsets = [13], sizes = [1], strides = [1]} : vector<16xf32> to vector<1xf32>
    %squeeze3A_2043 = vector.extract %slice3A_2042[0] : f32 from vector<1xf32>
    %add3A_2044 = arith.addf %add3A_2041, %squeeze3A_2043 : f32
    %slice3A_2045 = vector.extract_strided_slice %while3A_2003 {offsets = [14], sizes = [1], strides = [1]} : vector<16xf32> to vector<1xf32>
    %squeeze3A_2046 = vector.extract %slice3A_2045[0] : f32 from vector<1xf32>
    %add3A_2047 = arith.addf %add3A_2044, %squeeze3A_2046 : f32
    %slice3A_2048 = vector.extract_strided_slice %while3A_2003 {offsets = [15], sizes = [1], strides = [1]} : vector<16xf32> to vector<1xf32>
    %squeeze3A_2049 = vector.extract %slice3A_2048[0] : f32 from vector<1xf32>
    %add3A_2050 = arith.addf %add3A_2047, %squeeze3A_2049 : f32
    %eq3A_2051 = arith.constant 15 : i32
    %eq3A_2052 = vector.broadcast %eq3A_2051 : i32 to vector<16xi32>
    %eq3A_2053 = arith.cmpi eq, %iota3A, %eq3A_2052 : vector<16xi32>
    %broadcast_in_dim3A_2054 = vector.broadcast %add3A_2050 : f32 to vector<16xf32>
    %select_n3A_2055 = arith.select %eq3A_2053, %broadcast_in_dim3A_2054, %select_n3A_1926 : vector<16xi1>, vector<16xf32>
    %swap3A = arith.constant 0 : index
    %swap3A_2056 = tpu.vector_load %arg11[%swap3A] {strides = array<i32>} : memref<16xf32, #tpu.memory_space<vmem>>, vector<16xf32>,
    %swap3A_2057 = vector.shape_cast %swap3A_2056 : vector<16xf32> to vector<16xf32>
    %swap3A_2058 = vector.shape_cast %select_n3A_2055 : vector<16xf32> to vector<16xf32>
    tpu.vector_store %arg11[%swap3A], %swap3A_2058 {strides = array<i32>} : memref<16xf32, #tpu.memory_space<vmem>>, vector<16xf32>,
    %mul3A_2059 = arith.constant 16 : i32
    %mul3A_2060 = arith.muli %arg1, %mul3A_2059 : i32
    "tpu.region"() ({
      %run_scoped3A = tpu.sem_alloc : memref<!tpu.dma_semaphore, #tpu.memory_space<semaphore_mem>>
      %dma_start3A = tpu.memref_slice %arg14[%mul3A_2060] : memref<256xf32, #tpu.memory_space<vmem_shared>> -> memref<16xf32, #tpu.memory_space<vmem_shared>>
      %dma_start3A_2064 = tpu.memref_slice %arg14[%mul3A_2060] : memref<256xf32, #tpu.memory_space<vmem_shared>> -> memref<16xf32, #tpu.memory_space<vmem_shared>>
      tpu.enqueue_dma source(%arg11 : memref<16xf32, #tpu.memory_space<vmem>>) target(%dma_start3A_2064 : memref<16xf32, #tpu.memory_space<vmem_shared>>) target_semaphore(%run_scoped3A : memref<!tpu.dma_semaphore, #tpu.memory_space<semaphore_mem>>)
      %dma_wait3A = tpu.memref_slice %arg14[%mul3A_2060] : memref<256xf32, #tpu.memory_space<vmem_shared>> -> memref<16xf32, #tpu.memory_space<vmem_shared>>
      %dma_wait3A_2065 = tpu.memref_slice %arg14[%mul3A_2060] : memref<256xf32, #tpu.memory_space<vmem_shared>> -> memref<16xf32, #tpu.memory_space<vmem_shared>>
      tpu.wait_dma2 semaphore(%run_scoped3A : memref<!tpu.dma_semaphore, #tpu.memory_space<semaphore_mem>>) src(%arg11 : memref<16xf32, #tpu.memory_space<vmem>>) dst(%dma_wait3A_2065 : memref<16xf32, #tpu.memory_space<vmem_shared>>)
      tpu.yield
    }) : () -> ()
    %barrier3A = arith.constant 0 : index
    tpu.barrier barrier_id(%barrier3A)
    %eq3A_2061 = arith.constant 0 : i32
    %eq3A_2062 = arith.cmpi eq, %arg1, %eq3A_2061 : i32
    %convert_element_type3A = arith.extui %eq3A_2062 : i1 to i32
    %cond3A = arith.constant 0 : i32
    %cond3A_2063 = arith.cmpi ne, %convert_element_type3A, %cond3A : i32
    scf.if %cond3A_2063 {
      "tpu.region"() ({
        %run_scoped3A = tpu.sem_alloc : memref<!tpu.dma_semaphore, #tpu.memory_space<semaphore_mem>>
        tpu.enqueue_dma source(%arg14 : memref<256xf32, #tpu.memory_space<vmem_shared>>) target(%arg12 : memref<256xf32, #tpu.memory_space<vmem>>) target_semaphore(%run_scoped3A : memref<!tpu.dma_semaphore, #tpu.memory_space<semaphore_mem>>)
        tpu.wait_dma2 semaphore(%run_scoped3A : memref<!tpu.dma_semaphore, #tpu.memory_space<semaphore_mem>>) src(%arg14 : memref<256xf32, #tpu.memory_space<vmem_shared>>) dst(%arg12 : memref<256xf32, #tpu.memory_space<vmem>>)
        tpu.yield
      }) : () -> ()
      "tpu.region"() ({
        %run_scoped3A = tpu.sem_alloc : memref<!tpu.dma_semaphore, #tpu.memory_space<semaphore_mem>>
        tpu.enqueue_dma source(%arg5 : memref<16xf32, #tpu.memory_space<hbm>>) target(%arg10 : memref<16xf32, #tpu.memory_space<vmem>>) target_semaphore(%run_scoped3A : memref<!tpu.dma_semaphore, #tpu.memory_space<semaphore_mem>>)
        tpu.wait_dma2 semaphore(%run_scoped3A : memref<!tpu.dma_semaphore, #tpu.memory_space<semaphore_mem>>) src(%arg5 : memref<16xf32, #tpu.memory_space<hbm>>) dst(%arg10 : memref<16xf32, #tpu.memory_space<vmem>>)
        tpu.yield
      }) : () -> ()
      %broadcast_in_dim3A_2064 = arith.constant 0.000000e+00 : f32
      %broadcast_in_dim3A_2065 = vector.broadcast %broadcast_in_dim3A_2064 : f32 to vector<16xf32>
      %get3A_2066 = arith.constant 0 : index
      %get3A_2067 = tpu.vector_load %arg12[%get3A_2066] {strides = array<i32>} : memref<256xf32, #tpu.memory_space<vmem>>, vector<16xf32>,
      %get3A_2068 = vector.shape_cast %get3A_2067 : vector<16xf32> to vector<16xf32>
      %add3A_2069 = arith.addf %broadcast_in_dim3A_2065, %get3A_2068 : vector<16xf32>
      %get3A_2070 = arith.constant 16 : index
      %get3A_2071 = tpu.vector_load %arg12[%get3A_2070] {strides = array<i32>} : memref<256xf32, #tpu.memory_space<vmem>>, vector<16xf32>,
      %get3A_2072 = vector.shape_cast %get3A_2071 : vector<16xf32> to vector<16xf32>
      %add3A_2073 = arith.addf %add3A_2069, %get3A_2072 : vector<16xf32>
      %get3A_2074 = arith.constant 32 : index
      %get3A_2075 = tpu.vector_load %arg12[%get3A_2074] {strides = array<i32>} : memref<256xf32, #tpu.memory_space<vmem>>, vector<16xf32>,
      %get3A_2076 = vector.shape_cast %get3A_2075 : vector<16xf32> to vector<16xf32>
      %add3A_2077 = arith.addf %add3A_2073, %get3A_2076 : vector<16xf32>
      %get3A_2078 = arith.constant 48 : index
      %get3A_2079 = tpu.vector_load %arg12[%get3A_2078] {strides = array<i32>} : memref<256xf32, #tpu.memory_space<vmem>>, vector<16xf32>,
      %get3A_2080 = vector.shape_cast %get3A_2079 : vector<16xf32> to vector<16xf32>
      %add3A_2081 = arith.addf %add3A_2077, %get3A_2080 : vector<16xf32>
      %get3A_2082 = arith.constant 64 : index
      %get3A_2083 = tpu.vector_load %arg12[%get3A_2082] {strides = array<i32>} : memref<256xf32, #tpu.memory_space<vmem>>, vector<16xf32>,
      %get3A_2084 = vector.shape_cast %get3A_2083 : vector<16xf32> to vector<16xf32>
      %add3A_2085 = arith.addf %add3A_2081, %get3A_2084 : vector<16xf32>
      %get3A_2086 = arith.constant 80 : index
      %get3A_2087 = tpu.vector_load %arg12[%get3A_2086] {strides = array<i32>} : memref<256xf32, #tpu.memory_space<vmem>>, vector<16xf32>,
      %get3A_2088 = vector.shape_cast %get3A_2087 : vector<16xf32> to vector<16xf32>
      %add3A_2089 = arith.addf %add3A_2085, %get3A_2088 : vector<16xf32>
      %get3A_2090 = arith.constant 96 : index
      %get3A_2091 = tpu.vector_load %arg12[%get3A_2090] {strides = array<i32>} : memref<256xf32, #tpu.memory_space<vmem>>, vector<16xf32>,
      %get3A_2092 = vector.shape_cast %get3A_2091 : vector<16xf32> to vector<16xf32>
      %add3A_2093 = arith.addf %add3A_2089, %get3A_2092 : vector<16xf32>
      %get3A_2094 = arith.constant 112 : index
      %get3A_2095 = tpu.vector_load %arg12[%get3A_2094] {strides = array<i32>} : memref<256xf32, #tpu.memory_space<vmem>>, vector<16xf32>,
      %get3A_2096 = vector.shape_cast %get3A_2095 : vector<16xf32> to vector<16xf32>
      %add3A_2097 = arith.addf %add3A_2093, %get3A_2096 : vector<16xf32>
      %get3A_2098 = arith.constant 128 : index
      %get3A_2099 = tpu.vector_load %arg12[%get3A_2098] {strides = array<i32>} : memref<256xf32, #tpu.memory_space<vmem>>, vector<16xf32>,
      %get3A_2100 = vector.shape_cast %get3A_2099 : vector<16xf32> to vector<16xf32>
      %add3A_2101 = arith.addf %add3A_2097, %get3A_2100 : vector<16xf32>
      %get3A_2102 = arith.constant 144 : index
      %get3A_2103 = tpu.vector_load %arg12[%get3A_2102] {strides = array<i32>} : memref<256xf32, #tpu.memory_space<vmem>>, vector<16xf32>,
      %get3A_2104 = vector.shape_cast %get3A_2103 : vector<16xf32> to vector<16xf32>
      %add3A_2105 = arith.addf %add3A_2101, %get3A_2104 : vector<16xf32>
      %get3A_2106 = arith.constant 160 : index
      %get3A_2107 = tpu.vector_load %arg12[%get3A_2106] {strides = array<i32>} : memref<256xf32, #tpu.memory_space<vmem>>, vector<16xf32>,
      %get3A_2108 = vector.shape_cast %get3A_2107 : vector<16xf32> to vector<16xf32>
      %add3A_2109 = arith.addf %add3A_2105, %get3A_2108 : vector<16xf32>
      %get3A_2110 = arith.constant 176 : index
      %get3A_2111 = tpu.vector_load %arg12[%get3A_2110] {strides = array<i32>} : memref<256xf32, #tpu.memory_space<vmem>>, vector<16xf32>,
      %get3A_2112 = vector.shape_cast %get3A_2111 : vector<16xf32> to vector<16xf32>
      %add3A_2113 = arith.addf %add3A_2109, %get3A_2112 : vector<16xf32>
      %get3A_2114 = arith.constant 192 : index
      %get3A_2115 = tpu.vector_load %arg12[%get3A_2114] {strides = array<i32>} : memref<256xf32, #tpu.memory_space<vmem>>, vector<16xf32>,
      %get3A_2116 = vector.shape_cast %get3A_2115 : vector<16xf32> to vector<16xf32>
      %add3A_2117 = arith.addf %add3A_2113, %get3A_2116 : vector<16xf32>
      %get3A_2118 = arith.constant 208 : index
      %get3A_2119 = tpu.vector_load %arg12[%get3A_2118] {strides = array<i32>} : memref<256xf32, #tpu.memory_space<vmem>>, vector<16xf32>,
      %get3A_2120 = vector.shape_cast %get3A_2119 : vector<16xf32> to vector<16xf32>
      %add3A_2121 = arith.addf %add3A_2117, %get3A_2120 : vector<16xf32>
      %get3A_2122 = arith.constant 224 : index
      %get3A_2123 = tpu.vector_load %arg12[%get3A_2122] {strides = array<i32>} : memref<256xf32, #tpu.memory_space<vmem>>, vector<16xf32>,
      %get3A_2124 = vector.shape_cast %get3A_2123 : vector<16xf32> to vector<16xf32>
      %add3A_2125 = arith.addf %add3A_2121, %get3A_2124 : vector<16xf32>
      %get3A_2126 = arith.constant 240 : index
      %get3A_2127 = tpu.vector_load %arg12[%get3A_2126] {strides = array<i32>} : memref<256xf32, #tpu.memory_space<vmem>>, vector<16xf32>,
      %get3A_2128 = vector.shape_cast %get3A_2127 : vector<16xf32> to vector<16xf32>
      %add3A_2129 = arith.addf %add3A_2125, %get3A_2128 : vector<16xf32>
      %get3A_2130 = arith.constant 0 : index
      %get3A_2131 = tpu.vector_load %arg9[%get3A_2130] {strides = array<i32>} : memref<16xi32, #tpu.memory_space<vmem>>, vector<16xi32>,
      %get3A_2132 = vector.shape_cast %get3A_2131 : vector<16xi32> to vector<16xi32>
      %get3A_2133 = arith.constant 0 : index
      %get3A_2134 = tpu.vector_load %arg8[%get3A_2133] {strides = array<i32>} : memref<16xi32, #tpu.memory_space<vmem>>, vector<16xi32>,
      %get3A_2135 = vector.shape_cast %get3A_2134 : vector<16xi32> to vector<16xi32>
      %sub3A_2136 = arith.subi %get3A_2132, %get3A_2135 : vector<16xi32>
      %convert_element_type3A_2137 = arith.sitofp %sub3A_2136 : vector<16xi32> to vector<16xf32>
      %max3A_2138 = arith.constant 1.000000e+00 : f32
      %max3A_2139 = vector.broadcast %max3A_2138 : f32 to vector<16xf32>
      %max3A_2140 = arith.maximumf %convert_element_type3A_2137, %max3A_2139 : vector<16xf32>
      %div3A_2141 = arith.divf %add3A_2129, %max3A_2140 : vector<16xf32>
      %get3A_2142 = arith.constant 0 : index
      %get3A_2143 = tpu.vector_load %arg10[%get3A_2142] {strides = array<i32>} : memref<16xf32, #tpu.memory_space<vmem>>, vector<16xf32>,
      %get3A_2144 = vector.shape_cast %get3A_2143 : vector<16xf32> to vector<16xf32>
      %add3A_2145 = arith.addf %div3A_2141, %get3A_2144 : vector<16xf32>
      %swap3A_2146 = arith.constant 0 : index
      %swap3A_2147 = tpu.vector_load %arg13[%swap3A_2146] {strides = array<i32>} : memref<16xf32, #tpu.memory_space<vmem>>, vector<16xf32>,
      %swap3A_2148 = vector.shape_cast %swap3A_2147 : vector<16xf32> to vector<16xf32>
      %swap3A_2149 = vector.shape_cast %add3A_2145 : vector<16xf32> to vector<16xf32>
      tpu.vector_store %arg13[%swap3A_2146], %swap3A_2149 {strides = array<i32>} : memref<16xf32, #tpu.memory_space<vmem>>, vector<16xf32>,
      "tpu.region"() ({
        %run_scoped3A = tpu.sem_alloc : memref<!tpu.dma_semaphore, #tpu.memory_space<semaphore_mem>>
        tpu.enqueue_dma source(%arg13 : memref<16xf32, #tpu.memory_space<vmem>>) target(%arg6 : memref<16xf32, #tpu.memory_space<hbm>>) target_semaphore(%run_scoped3A : memref<!tpu.dma_semaphore, #tpu.memory_space<semaphore_mem>>)
        tpu.wait_dma2 semaphore(%run_scoped3A : memref<!tpu.dma_semaphore, #tpu.memory_space<semaphore_mem>>) src(%arg13 : memref<16xf32, #tpu.memory_space<vmem>>) dst(%arg6 : memref<16xf32, #tpu.memory_space<hbm>>)
        tpu.yield
      }) : () -> ()
    } else {
    }
    return
  }
}

module attributes {stable_mosaic.version = 14 : i64} {
  func.func @_tc_body(%arg0: i32, %arg1: memref<4096x512xf32, #tpu.memory_space<vmem>>, %arg2: memref<512x512xf32, #tpu.memory_space<vmem>>, %arg3: memref<1x512xf32, #tpu.memory_space<vmem>>, %arg4: memref<1x512xf32, #tpu.memory_space<vmem>>, %arg5: memref<4096x1xf32, #tpu.memory_space<vmem>>) attributes {dimension_semantics = [#tpu.dimension_semantics<arbitrary>], iteration_bounds = array<i64: 4>, scalar_prefetch = 0 : i64, scratch_operands = 0 : i64, tpu.core_type = #tpu.core_type<tc>, window_params = [{transform_indices = @transform_0, window_bounds = array<i64: 4096, 512>}, {pipeline_mode = #tpu.pipeline_mode<synchronous>, transform_indices = @transform_1, window_bounds = array<i64: 512, 512>}, {pipeline_mode = #tpu.pipeline_mode<synchronous>, transform_indices = @transform_2, window_bounds = array<i64: 1, 512>}, {pipeline_mode = #tpu.pipeline_mode<synchronous>, transform_indices = @transform_3, window_bounds = array<i64: 1, 512>}, {transform_indices = @transform_4, window_bounds = array<i64: 4096, 1>}]} {
    %get3A = arith.constant 0 : index
    %get3A_0 = arith.constant 0 : index
    %get3A_1 = vector.load %arg1[%get3A, %get3A_0] : memref<4096x512xf32, #tpu.memory_space<vmem>>, vector<4096x512xf32>
    %get3A_2 = arith.constant 0 : index
    %get3A_3 = arith.constant 0 : index
    %get3A_4 = vector.load %arg2[%get3A_2, %get3A_3] : memref<512x512xf32, #tpu.memory_space<vmem>>, vector<512x512xf32>
    %dot_general3A = arith.constant dense<0.000000e+00> : vector<4096x512xf32>
    %dot_general3A_5 = tpu.matmul %get3A_1, %get3A_4, %dot_general3A {dimension_numbers = #tpu.dot_dimension_numbers<[1], [0], [0], [1], [0, 0, 1, 1], [], []>, transpose_lhs_hint = false} : vector<4096x512xf32>, vector<512x512xf32>, vector<4096x512xf32> -> vector<4096x512xf32>
    %get3A_6 = arith.constant 0 : index
    %get3A_7 = arith.constant 0 : index
    %get3A_8 = vector.load %arg3[%get3A_6, %get3A_7] : memref<1x512xf32, #tpu.memory_space<vmem>>, vector<1x512xf32>
    %add3A = vector.broadcast %get3A_8 : vector<1x512xf32> to vector<4096x512xf32>
    %add3A_9 = arith.addf %dot_general3A_5, %add3A : vector<4096x512xf32>
    %max3A = arith.constant 0.000000e+00 : f32
    %max3A_10 = vector.broadcast %max3A : f32 to vector<4096x512xf32>
    %max3A_11 = arith.maximumf %add3A_9, %max3A_10 : vector<4096x512xf32>
    %get3A_12 = arith.constant 0 : index
    %get3A_13 = arith.constant 0 : index
    %get3A_14 = vector.load %arg4[%get3A_12, %get3A_13] : memref<1x512xf32, #tpu.memory_space<vmem>>, vector<1x512xf32>
    %mul3A = vector.broadcast %get3A_14 : vector<1x512xf32> to vector<4096x512xf32>
    %mul3A_15 = arith.mulf %max3A_11, %mul3A : vector<4096x512xf32>
    %reduce_sum3A = arith.constant dense<0.000000e+00> : vector<4096xf32>
    %reduce_sum3A_16 = vector.multi_reduction <add>, %mul3A_15, %reduce_sum3A [1] : vector<4096x512xf32> to vector<4096xf32>
    %broadcast_in_dim3A = vector.shape_cast %reduce_sum3A_16 : vector<4096xf32> to vector<4096x1xf32>
    %swap3A = arith.constant 0 : index
    %swap3A_17 = arith.constant 0 : index
    %swap3A_18 = vector.load %arg5[%swap3A, %swap3A_17] : memref<4096x1xf32, #tpu.memory_space<vmem>>, vector<4096x1xf32>
    tpu.vector_store %arg5[%swap3A, %swap3A_17], %broadcast_in_dim3A {strides = array<i32>} : memref<4096x1xf32, #tpu.memory_space<vmem>>, vector<4096x1xf32>,
    return
  }
  func.func @transform_0(%arg0: i32) -> (i32, i32) {
    %c0_i32 = arith.constant 0 : i32
    %c0_i32_0 = arith.constant 0 : i32
    return %arg0, %c0_i32 : i32, i32
  }
  func.func @transform_1(%arg0: i32) -> (i32, i32) {
    %c0_i32 = arith.constant 0 : i32
    %c0_i32_0 = arith.constant 0 : i32
    %c0_i32_1 = arith.constant 0 : i32
    return %c0_i32, %c0_i32_0 : i32, i32
  }
  func.func @transform_2(%arg0: i32) -> (i32, i32) {
    %c0_i32 = arith.constant 0 : i32
    %c0_i32_0 = arith.constant 0 : i32
    %c0_i32_1 = arith.constant 0 : i32
    return %c0_i32, %c0_i32_0 : i32, i32
  }
  func.func @transform_3(%arg0: i32) -> (i32, i32) {
    %c0_i32 = arith.constant 0 : i32
    %c0_i32_0 = arith.constant 0 : i32
    %c0_i32_1 = arith.constant 0 : i32
    return %c0_i32, %c0_i32_0 : i32, i32
  }
  func.func @transform_4(%arg0: i32) -> (i32, i32) {
    %c0_i32 = arith.constant 0 : i32
    %c0_i32_0 = arith.constant 0 : i32
    return %arg0, %c0_i32 : i32, i32
  }
}

</mosaic_0001>

<sc_bundles>
// kernel: kernel.4.cloned.1.call-start
scs
__scs_entry_jumppad:
0x0: {  	(pc) =	sbr.rel $0x88, $3  }
0x1: {  	(tag) =	ssettag $0x0;
	lr =	simm.s32 $0x1  }
0x2: {  	[smem:$0x3F9B] =	sst lr;
	_ =	strace $0xD0000000  }
0x3: {  	_ = 	snop  }
0x4: {  	_ = 	snop  }
0x5: {  	_ = 	snop  }
0x6: {  	_ = 	snop  }
0x7: {  	_ = 	snop  }
__scs_overlays_trampoline_lowered:
0x8: {  	[smem:$0x3FAA] =	sst s0  }
0x9: {  	[smem:$0x3FAB] =	sst s1  }
0xa: {  	[smem:$0x3FAC] =	sst s2  }
0xb: {  	[smem:$0x3FAD] =	sst s3  }
0xc: {  	[smem:$0x3FAE] =	sst s4  }
0xd: {  	[smem:$0x3FAF] =	sst s5  }
0xe: {  	[smem:$0x3FB0] =	sst s6  }
0xf: {  	[smem:$0x3FB1] =	sst s7  }
0x10: {  	[smem:$0x3FB2] =	sst s8  }
0x11: {  	[smem:$0x3FB3] =	sst s9;
	s0 =	simm.s32 @!p0 $0x0  }
0x12: {  	s1 =	sld [smem:$0x3F99];
	s0 =	simm.s32 @p0 $0x1  }
0x13: {  	[smem:$0x3FB4] =	sst s0;
	s0 =	simm.s32 @!p1 $0x0  }
0x14: {  	s2 =	sld [smem:$0x3F98];
	s0 =	simm.s32 @p1 $0x1  }
0x15: {  	[smem:$0x3FB5] =	sst s0;
	s0 =	simm.s32 @!p2 $0x0  }
0x16: {  	s3 =	sld [smem:$0x3FDB];
	s0 =	simm.s32 @p2 $0x1  }
0x17: {  	s4 =	simm.s32 $0x1BF5;
	[smem:$0x3FB7] =	sst s0  }
0x18: {  	s0 =	sld [smem:$0x3F9A];
	_ =	swait.ge [sflag:s4], $0x0  }
0x19: {  	s7 =	sld [smem:$0x3F9B]  }
0x1a: {  	s8 =	sadd.s32 $0xFFFFE003, lr  }
0x1b: {  	s9 =	sadd.s32 $0xFFFFFEF7, lr;
	s5 =	simm.s32 $0xFFFFFFFF;
	p2 =	slt.u32 s8, $0xFFFFF086  }
0x1c: {  	p1 =	slt.u32 s9, $0xF7A;
	s5 =	simm.s32 @!p2 $0x0  }
0x1d: {  	s5 =	simm.s32 @p1 $0x1;
	p0 =	seq.s32 s7, s2  }
0x1e: {  	s7 =	smul.u32 @!p0 $0xF7A, s2;
	p2 =	seq.s32 @!p0 s5, $0x0  }
0x1f: {  	s9 =	smul.u32 $0xF7A, s1;
	s8 =	simm.s32 @!p0 $0x1BF5;
	p2 =	por !p2, p0  }
0x20: {  	[sflag:s8] =	ssyncset.s32 @!p0 $0xFFFFF086;
	s6 =	sadd.s32 @!p0 s3, s7;
	s7 =	simm.s32 @!p0 $0x108  }
0x21: {  	s3 =	sadd.s32 s3, s9;
	s6 =	sadd.s32 @!p0 $0x88, s6;
	s7 =	simm.s32 @p2 $0x1082  }
0x22: {  	[simem:s7], [sflag:s8] =	dma.local @!p0 [hbm:s6], $0xF7A  }
0x23: {  	s9 =	sor.u32 $0xD0000000, s2;
	s6 =	simm.s32 $0x108;
	_ =	swait.ge @!p0 [sflag:s8], $0x0  }
0x24: {  	s3 =	sadd.s32 $0x88, s3;
	s6 =	simm.s32 @!p1 $0x1082;
	[sflag:s4] =	ssyncset.s32 $0xFFFFF086  }
0x25: {  	[simem:s6], [sflag:s4] =	dma.local [hbm:s3], $0xF7A  }
0x26: {  	[smem:$0x3F9B] =	sst s1;
	(tag) =	ssettag s2;
	_ =	strace s9  }
0x27: {  	s1 =	sld [smem:$0x3FAB]  }
0x28: {  	s2 =	sld [smem:$0x3FAC]  }
0x29: {  	s4 =	sld [smem:$0x3FAE]  }
0x2a: {  	p0 =	seq.s32 s5, $0x0;
	s5 =	sld [smem:$0x3FAF]  }
0x2b: {  	s6 =	sld [smem:$0x3FB0]  }
0x2c: {  	s7 =	sld [smem:$0x3FB1]  }
0x2d: {  	s3 =	simm.s32 $0x108;
	s8 =	sld [smem:$0x3FB2]  }
0x2e: {  	s3 =	simm.s32 @!p0 $0x1082;
	s9 =	sld [smem:$0x3FB3]  }
0x2f: {  	lr =	sadd.s32 s0, s3;
	s0 =	sld [smem:$0x3FAA]  }
0x30: {  	s3 =	sld [smem:$0x3FAD]  }
0x31: {  	[smem:$0x3FB6] =	sst s10  }
0x32: {  	s10 =	sld [smem:$0x3FB4];
	_ =	sdelay $0x3  }
0x33: {  	p0 =	seq.s32 s10, $0x1;
	s10 =	sld [smem:$0x3FB6];
	_ =	sdelay $0x3  }
0x34: {  	[smem:$0x3FB6] =	sst s10  }
0x35: {  	s10 =	sld [smem:$0x3FB5];
	_ =	sdelay $0x3  }
0x36: {  	p1 =	seq.s32 s10, $0x1;
	s10 =	sld [smem:$0x3FB6];
	_ =	sdelay $0x3  }
0x37: {  	[smem:$0x3FB6] =	sst s10  }
0x38: {  	s10 =	sld [smem:$0x3FB7]  }
0x39: {  	_ = 	snop;
	(pc) =	sbr.ind lr, $3  }
0x3a: {  	_ = 	snop  }
0x3b: {  	_ = 	snop  }
0x3c: {  	p2 =	seq.s32 s10, $0x1;
	s10 =	sld [smem:$0x3FB6]  }
0x3d: {  	_ =	shalt  }
0x3e: {  	_ =	shalt  }
0x3f: {  	_ =	shalt  }
0x40: {  	_ =	shalt  }
0x41: {  	_ =	shalt  }
0x42: {  	_ =	shalt  }
0x43: {  	_ =	shalt  }
0x44: {  	_ =	shalt  }
0x45: {  	_ =	shalt  }
0x46: {  	_ =	shalt  }
0x47: {  	_ =	shalt  }
0x48: {  	_ =	shalt  }
0x49: {  	_ =	shalt  }
0x4a: {  	_ =	shalt  }
0x4b: {  	_ =	shalt  }
0x4c: {  	_ =	shalt  }
0x4d: {  	_ =	shalt  }
0x4e: {  	_ =	shalt  }
0x4f: {  	_ =	shalt  }
0x50: {  	_ =	shalt  }
0x51: {  	_ =	shalt  }
0x52: {  	_ =	shalt  }
0x53: {  	_ =	shalt  }
0x54: {  	_ =	shalt  }
0x55: {  	_ =	shalt  }
0x56: {  	_ =	shalt  }
0x57: {  	_ =	shalt  }
0x58: {  	_ =	shalt  }
0x59: {  	_ =	shalt  }
0x5a: {  	_ =	shalt  }
0x5b: {  	_ =	shalt  }
0x5c: {  	_ =	shalt  }
0x5d: {  	_ =	shalt  }
0x5e: {  	_ =	shalt  }
0x5f: {  	_ =	shalt  }
0x60: {  	_ =	shalt  }
0x61: {  	_ =	shalt  }
0x62: {  	_ =	shalt  }
0x63: {  	_ =	shalt  }
0x64: {  	_ =	shalt  }
0x65: {  	_ =	shalt  }
0x66: {  	_ =	shalt  }
0x67: {  	_ =	shalt  }
0x68: {  	_ =	shalt  }
0x69: {  	_ =	shalt  }
0x6a: {  	_ =	shalt  }
0x6b: {  	_ =	shalt  }
0x6c: {  	_ =	shalt  }
0x6d: {  	_ =	shalt  }
0x6e: {  	_ =	shalt  }
0x6f: {  	_ =	shalt  }
0x70: {  	_ =	shalt  }
0x71: {  	_ =	shalt  }
0x72: {  	_ =	shalt  }
0x73: {  	_ =	shalt  }
0x74: {  	_ =	shalt  }
0x75: {  	_ =	shalt  }
0x76: {  	_ =	shalt  }
0x77: {  	_ =	shalt  }
0x78: {  	_ =	shalt  }
0x79: {  	_ =	shalt  }
0x7a: {  	_ =	shalt  }
0x7b: {  	_ =	shalt  }
0x7c: {  	_ =	shalt  }
0x7d: {  	_ =	shalt  }
0x7e: {  	_ =	shalt  }
0x7f: {  	_ =	shalt  }
0x80: {  	_ =	shalt  }
0x81: {  	_ =	shalt  }
0x82: {  	_ =	shalt  }
0x83: {  	_ =	shalt  }
0x84: {  	_ =	shalt  }
0x85: {  	_ =	shalt  }
0x86: {  	_ =	shalt  }
0x87: {  	_ =	shalt  }
.Lfunc_end0:
.L_simem_size_0:
called_computation_lowered:
.L_overlay_start_0:
0x88: {  	s0 =	sld [smem:$0x3FD9]  }
0x89: {  	s1 =	sld [smem:$0x3FFE];
	_ =	sdelay $0x3  }
0x8a: {  	s0 =	sadd.s32 s1, s0  }
0x8b: {  	[smem:$0x3FC2] =	sst s0  }
0x8c: {  	_ = 	snop  }
0x8d: {  	s0 =	sld [smem:$0x3FD0];
	(tm) =	ssettm $0x1  }
0x8e: {  	s16 =	sld [smem:$0x3FFB];
	_ =	sdelay $0x3  }
0x8f: {  	_ =	strace s16  }
0x90: {  	s1 =	sld [smem:$0x3FFC];
	_ =	sdelay $0x3  }
0x91: {  	_ =	strace s1  }
0x92: {  	s1 =	sld [smem:$0x3FFD];
	_ =	sdelay $0x3  }
0x93: {  	_ =	strace s1  }
0x94: {  	_ =	strace $0x8FFFFFFF  }
0x95: {  	s17 =	sld [smem:$0x3FDB];
	_ =	sdelay $0x1  }
0x96: {  	s2 =	simm.s32 $_scs_section_size  }
0x97: {  	s3 =	simm.s32 $_size__tile_overlayer_lowered;
	s4 =	simm.s32 $_tile_overlayer_lowered  }
0x98: {  	s20 =	simm.s32 $0x1BFF;
	s19 =	sshll.u32 s4, $0x1;
	s1 =	sadd.s32 s2, s17  }
0x99: {  	s5 =	simm.s32 $0x0;
	s18 =	sshll.u32 s3, $0x1;
	s3 =	sadd.s32 s19, s1  }
0x9a: {  	[timem:s5], [sflag:s20] =	dma.local [hbm:s3], s18  }
0x9b: {  	_ =	swait.ge [sflag:s20], s18  }
0x9c: {  	s2 =	ssub.s32 $0x0, s18;
	[sflag:s20] =	ssyncset.done $0x0  }
0x9d: {  	[sflag:s20] =	ssyncadd.s32 s2;
	_ =	sdelay $0x1  }
0x9e: {  	s21 =	simm.s32 $0x1B8B  }
0x9f: {  	_ =	swait.ge [sflag:s21], $0x1  }
0xa0: {  	[sflag:s21] =	ssyncset.done $0x0  }
0xa1: {  	s23 =	simm.s32 $0x1B8E;
	s22 =	sld [smem:$0x3FFE];
	[sflag:s21] =	ssyncadd.s32 $0xFFFFFFFF  }
0xa2: {  	s24 =	simm.s32 $execute0_lowered;
	[smem:$0x3FD2] =	sst s23  }
0xa3: {  	s3 =	sshll.u32 s24, $0x1;
	_ =	strace $0x80000046;
	[dreg:$0x1] =	wrdreg $0xFFFFFFFF  }
0xa4: {  	s25 =	simm.s32 $_size_execute0_lowered;
	s1 =	sadd.s32 s1, s3;
	[dreg:$0x0] =	wrdreg $0x0  }
0xa5: {  	s3 =	sshll.u32 s25, $0x1;
	[dreg:$0x2] =	wrdreg s1  }
0xa6: {  	[dreg:$0x3] =	wrdreg s3  }
0xa7: {  	[dreg:$0x4] =	wrdreg $0xC0  }
0xa8: {  	_ =	task [dreg:s5], $0x5FFFF  }
0xa9: {  	[dreg:$0x1] =	wrdreg $0xFFFFFFFF  }
0xaa: {  	[dreg:$0x0] =	wrdreg $0x60  }
0xab: {  	[dreg:$0x2] =	wrdreg s22  }
0xac: {  	[dreg:$0x3] =	wrdreg s0  }
0xad: {  	[dreg:$0x4] =	wrdreg $0x7800  }
0xae: {  	[dreg:$0x5] =	wrdreg $0x9  }
0xaf: {  	_ =	task.clear_ibuf [dreg:s5], $0x6FFFF;
	_ =	strace $0x90000046  }
0xb0: {  	s26 =	simm.s32 $0x9;
	_ =	strace $0x80000048  }
0xb1: {  	_ =	swait.ge [sflag:s26], $0x1  }
0xb2: {  	[sflag:s26] =	ssyncadd.s32 $0xFFFFFFFF  }
0xb3: {  	_ =	strace $0x90000048  }
0xb4: {  	_ =	sfence  }
0xb5: {  	s28 =	sld [smem:$0x0];
	_ =	sdelay $0x1  }
0xb6: {  	s29 =	srdreg.scid  }
0xb7: {  	s30 =	sshll.u32 s29, $0xD;
	s31 =	sshrl.u32 s29, $0x2  }
0xb8: {  	s2 =	sand.u32 $0x4000, s30;
	s1 =	sand.u32 $0x1, s29;
	s0 =	sadd.s32 s31, s28  }
0xb9: {  	s1 =	sor.u32 s2, s1;
	s0 =	sshll.u32 s0, $0x11  }
0xba: {  	s0 =	sor.u32 s0, s1  }
0xbb: {  	s0 =	sadd.s32 $0x8F2B, s0  }
0xbc: {  	[sflag:s0] =	ssyncadd.remote.s32 $0x1  }
0xbd: {  	_ =	sfence.sel $0xFFFF  }
0xbe: {  	[dreg:$0x0] =	wrdreg $0xFFFFFFFF;
	(pc) =	sbr.abs _section_cstart, $3  }
0xbf: {  	[dreg:$0x1] =	wrdreg $0xFFFFFFFF  }
0xc0: {  	_ =	task.clear_ibuf [dreg:s5], $0x2FFFF;
	_ =	strace $0x9FFFFFFF  }
0xc1: {  	(tm) =	ssettm $0x7FFFFFFF  }
tec
execute0_lowered:
.L_overlay_start_1:
0x0: {  	(tag) =	ssettag $0x1  }
0x1: {  	s2 =	rddreg [dreg:$0x0]  }
0x2: {  	s1 =	rddreg [dreg:$0x1];
	s4 =	stileid.u32  }
0x3: {  	s3 =	rddreg [dreg:$0x2];
	s5 =	simm.s32 $0x0;
	s6 =	sshll.u32 s4, $0x7  }
0x4: {  	[smem:$0x7FF] =	sst s5;
	s6 =	sadd.s32 s6, s2  }
0x5: {  	s0 =	rddreg [dreg:$0x3];
	_ =	strace $0x80000047;
	s6 =	sadd.s32 $0xC00, s6  }
0x6: {  	[tilespmem:s5], [sflag:$0x1] =	stream.linear.gather [hbm4b:s6+s5], $0x400, $0x38;
	[tilespmem:$0x790] =	vst v63  }
0x7: {  	s6 =	simm.s32 $0x1  }
0x8: {  	_ =	swait.ge [sflag:s6], $0x400  }
0x9: {  	[sflag:s6] =	ssyncset.done $0x0  }
0xa: {  	s8 =	simm.s32 $0x400;
	s7 =	sadd.s32 $0xA00, s2;
	[sflag:s6] =	ssyncadd.s32 $0xFFFFFC00  }
0xb: {  	[tilespmem:s8], [sflag:$0x1] =	stream.linear.gather [hbm4b:s7+s5], $0x80, $0x38;
	[tilespmem:$0x790] =	vst v63  }
0xc: {  	_ =	swait.ge [sflag:s6], $0x80  }
0xd: {  	[sflag:s6] =	ssyncset.done $0x0  }
0xe: {  	s29 =	simm.s32 $0x480;
	s28 =	sadd.s32 $0x800, s2;
	[sflag:s6] =	ssyncadd.s32 $0xFFFFFF80  }
0xf: {  	[tilespmem:s29], [sflag:$0x1] =	stream.linear.gather [hbm4b:s28+s5], $0x80, $0x38;
	[tilespmem:$0x790] =	vst v63  }
0x10: {  	_ =	swait.ge [sflag:s6], $0x80  }
0x11: {  	[sflag:s6] =	ssyncset.done $0x0  }
0x12: {  	[sflag:s6] =	ssyncadd.s32 $0xFFFFFF80  }
0x13: {  	v1 =	vld [tilespmem:$0x400];
	_ =	sdelay $0x3  }
0x14: {  	v0 =	vld [tilespmem:$0x480]  }
0x15: {  	(v2sf) =	vpush v1, $0x0;
	_ =	sdelay $0x3  }
0x16: {  	(v2sf) =	vpush v0, $0x0;
	_ =	sdelay $0xa  }
0x17: {  	s5 =	sshll.u32 s4, $0xA;
	s30 =	spop (v2sf)  }
0x18: {  	s7 =	ssub.s32 s30, s5  }
0x19: {  	p0 =	sgt.s32 s7, $0x0  }
0x1a: {  	p1 =	slt.s32 s7, $0x1;
	s7 =	simm.s32 @!p0 $0x0  }
0x1b: {  	s31 =	spop (v2sf);
	s7 =	smin.u32 s7, $0x400  }
0x1c: {  	s8 =	ssub.s32 s31, s5;
	s9 =	sand.u32 $0xF, s7  }
0x1d: {  	p0 =	sgt.s32 s8, $0x0;
	p2 =	sne.s32 s9, $0x0  }
0x1e: {  	s8 =	simm.s32 @!p0 $0x0;
	p6 =	por !p1, !p2  }
0x1f: {  	s8 =	smin.u32 s8, $0x400;
	s9 =	simm.s32 $0x1;
	p0 =	por !p6, !p6  }
0x20: {  	s7 =	sshrl.u32 s7, $0x4;
	s8 =	sadd.s32 $0xF, s8;
	s9 =	simm.s32 @!p0 $0x0  }
0x21: {  	s8 =	sshrl.u32 s8, $0x4;
	s7 =	ssub.s32 s7, s9  }
0x22: {  	p0 =	sle.s32 s8, s7  }
.Ltmp0:
0x23: {  	_ = 	snop;
	(pc) =	sbr.rel @p0 .LBB2_7-.Ltmp0, $2  }
0x24: {  	_ =	sdelay $0x2  }
0x25: {  	v2 =	vimm.f32 $0.0e+00;
	v3 =	vimm.f32 $0.0e+00  }
0x26: {  	p0 =	sgt.s32 s8, s7;
	s9 =	smov.u32 s7  }
0x27: {  	s10 =	sadd.s32 $0x1, s7;
	s9 =	smov.u32 @p0 s8  }
0x28: {  	p1 =	slt.u32 s10, s9  }
.Ltmp1:
0x29: {  	_ = 	snop;
	(pc) =	sbr.rel @!p1 .LBB2_2-.Ltmp1, $3  }
0x2a: {  	_ =	sdelay $0x1  }
0x2b: {  	v3 =	vbroadcast v1, $0x0;
	s30 =	sshll.u32 s7, $0x6;
	s31 =	sshll.u32 s7, $0x4  }
0x2c: {  	v4 =	vbroadcast v0, $0x0;
	v5 =	vimm.f32 $0.0e+00;
	v6 =	vlaneseq.u32;
	s8 =	sshra.s32 s30, $0x2;
	s7 =	sadd.s32 s31, s5;
	p0 =	por $0x0, $0x0  }
0x2d: {  	s10 =	sadd.s32 $0x1, s10  }
0x2e: {  	v7 =	vld [tilespmem:s8+$0x0];
	p1 =	slt.u32 s10, s9  }
.Ltmp2:
0x2f: {  	_ = 	snop;
	(pc) =	sbr.rel @!p1 .LBB2_113-.Ltmp2, $4  }
0x30: {  	v8 =	vor.u32 s7, v6  }
0x31: {  	vm0 =	vge.s32 v8, v3;
	vm1 =	vlt.s32 v8, v4  }
0x32: {  	vm0 =	vmand vm0, vm1  }
0x33: {  	s8 =	sadd.s32 $0x10, s8;
	p0 =	por $0x1, $0x1;
	v8 =	vnsel vm0, $0x0, v7;
	v7 =	vimm.f32 $0.0e+00  }
0x34: {  	s11 =	smov.u32 s7  }
.LBB2_5:
0x35: {  	s10 =	sadd.s32 $0x1, s10  }
0x36: {  	v9 =	vld [tilespmem:s8+$0x0];
	v7 =	vadd.f32 v8, v7;
	s11 =	sadd.s32 $0x10, s11;
	p1 =	slt.u32 s10, s9  }
.Ltmp3:
0x37: {  	(pc) =	sbr.rel @p1 .LBB2_5-.Ltmp3, $4  }
0x38: {  	v8 =	vor.u32 s11, v6  }
0x39: {  	vm0 =	vge.s32 v8, v3;
	vm1 =	vlt.s32 v8, v4  }
0x3a: {  	vm0 =	vmand vm0, vm1  }
0x3b: {  	s8 =	sadd.s32 $0x10, s8;
	v8 =	vnsel vm0, $0x0, v9  }
.LBB2_6:
0x3c: {  	v9 =	vld [tilespmem:s8+$0x0];
	s8 =	sadd.s32 @p0 $0x10, s11  }
0x3d: {  	s7 =	smov.u32 @p0 s8  }
0x3e: {  	v6 =	vor.u32 s7, v6  }
0x3f: {  	v7 =	vadd.f32 @p0 v8, v7;
	vm0 =	vge.s32 v6, v3;
	vm1 =	vlt.s32 v6, v4  }
0x40: {  	vm0 =	vmand vm0, vm1  }
0x41: {  	v4 =	vpsel p0, v7, v5;
	v3 =	vnsel vm0, $0x0, v9  }
0x42: {  	v3 =	vadd.f32 v3, v4  }
.LBB2_7:
0x43: {  	_ = 	snop  }
0x44: {  	(v2sf) =	vpush v3, $0x0  }
0x45: {  	(v2sf) =	vpush v3, $0x1;
	_ =	sdelay $0x1  }
0x46: {  	(v2sf) =	vpush v3, $0x2;
	_ =	sdelay $0x1  }
0x47: {  	(v2sf) =	vpush v3, $0x3;
	_ =	sdelay $0x1  }
0x48: {  	(v2sf) =	vpush v3, $0x4;
	_ =	sdelay $0x1  }
0x49: {  	(v2sf) =	vpush v3, $0x5  }
0x4a: {  	(v2sf) =	vpush v3, $0x6  }
0x4b: {  	(v2sf) =	vpush v3, $0x7  }
0x4c: {  	(v2sf) =	vpush v3, $0x8  }
0x4d: {  	(v2sf) =	vpush v3, $0x9  }
0x4e: {  	(v2sf) =	vpush v3, $0xA  }
0x4f: {  	s7 =	spop (v2sf);
	(v2sf) =	vpush v3, $0xB  }
0x50: {  	s8 =	spop (v2sf);
	(v2sf) =	vpush v3, $0xC  }
0x51: {  	s7 =	sadd.f32 s8, s7;
	(v2sf) =	vpush v3, $0xD  }
0x52: {  	s18 =	spop (v2sf);
	(v2sf) =	vpush v3, $0xE  }
0x53: {  	s7 =	sadd.f32 s7, s18;
	(v2sf) =	vpush v3, $0xF  }
0x54: {  	s19 =	spop (v2sf);
	(v2sf) =	vpush v1, $0x1  }
0x55: {  	s7 =	sadd.f32 s7, s19  }
0x56: {  	s20 =	spop (v2sf)  }
0x57: {  	s7 =	sadd.f32 s7, s20  }
0x58: {  	s21 =	spop (v2sf);
	(v2sf) =	vpush v0, $0x1  }
0x59: {  	s9 =	spop (v2sf);
	s7 =	sadd.f32 s7, s21  }
0x5a: {  	s22 =	spop (v2sf)  }
0x5b: {  	s10 =	spop (v2sf);
	s7 =	sadd.f32 s7, s9  }
0x5c: {  	s23 =	spop (v2sf)  }
0x5d: {  	s11 =	spop (v2sf);
	s7 =	sadd.f32 s7, s22  }
0x5e: {  	s24 =	spop (v2sf)  }
0x5f: {  	s12 =	spop (v2sf);
	s7 =	sadd.f32 s7, s10  }
0x60: {  	s25 =	spop (v2sf)  }
0x61: {  	s13 =	spop (v2sf);
	s7 =	sadd.f32 s7, s23  }
0x62: {  	s26 =	spop (v2sf)  }
0x63: {  	s7 =	sadd.f32 s7, s11;
	s28 =	spop (v2sf)  }
0x64: {  	s11 =	ssub.s32 s28, s5  }
0x65: {  	s7 =	sadd.f32 s7, s24;
	p0 =	sgt.s32 s11, $0x0  }
0x66: {  	p1 =	slt.s32 s11, $0x1;
	s11 =	simm.s32 @!p0 $0x0  }
0x67: {  	s29 =	spop (v2sf);
	s7 =	sadd.f32 s7, s12;
	s11 =	smin.u32 s11, $0x400  }
0x68: {  	s8 =	ssub.s32 s29, s5;
	s30 =	sand.u32 $0xF, s11  }
0x69: {  	p2 =	sgt.s32 s8, $0x0;
	s7 =	sadd.f32 s7, s25;
	p6 =	sne.s32 s30, $0x0  }
0x6a: {  	s8 =	simm.s32 @!p2 $0x0;
	p0 =	por !p1, !p6  }
0x6b: {  	s8 =	smin.u32 s8, $0x400;
	s7 =	sadd.f32 s7, s13;
	p0 =	por !p0, !p0  }
0x6c: {  	s31 =	sshrl.u32 s11, $0x4;
	s8 =	sadd.s32 $0xF, s8;
	s6 =	simm.s32 @!p0 $0x0  }
0x6d: {  	s9 =	sadd.f32 s7, s26;
	s6 =	ssub.s32 s31, s6;
	s7 =	sshrl.u32 s8, $0x4  }
0x6e: {  	p0 =	sle.s32 s7, s6  }
.Ltmp4:
0x6f: {  	_ = 	snop;
	(pc) =	sbr.rel @p0 .LBB2_14-.Ltmp4, $2  }
0x70: {  	_ =	sdelay $0x2  }
0x71: {  	v4 =	vmov s9  }
0x72: {  	p0 =	sgt.s32 s7, s6;
	s8 =	smov.u32 s6  }
0x73: {  	s9 =	sadd.s32 $0x1, s6;
	s8 =	smov.u32 @p0 s7  }
0x74: {  	p1 =	slt.u32 s9, s8  }
.Ltmp5:
0x75: {  	_ = 	snop;
	(pc) =	sbr.rel @!p1 .LBB2_9-.Ltmp5, $3  }
0x76: {  	_ =	sdelay $0x1  }
0x77: {  	v2 =	vbroadcast v1, $0x1;
	s30 =	sshll.u32 s6, $0x6;
	s31 =	sshll.u32 s6, $0x4  }
0x78: {  	v3 =	vbroadcast v0, $0x1;
	v5 =	vimm.f32 $0.0e+00;
	v6 =	vlaneseq.u32;
	s7 =	sshra.s32 s30, $0x2;
	s6 =	sadd.s32 s31, s5;
	p0 =	por $0x0, $0x0  }
0x79: {  	s9 =	sadd.s32 $0x1, s9  }
0x7a: {  	v7 =	vld [tilespmem:s7+$0x0];
	p1 =	slt.u32 s9, s8  }
.Ltmp6:
0x7b: {  	_ = 	snop;
	(pc) =	sbr.rel @!p1 .LBB2_114-.Ltmp6, $4  }
0x7c: {  	v8 =	vor.u32 s6, v6  }
0x7d: {  	vm0 =	vge.s32 v8, v2;
	vm1 =	vlt.s32 v8, v3  }
0x7e: {  	vm0 =	vmand vm0, vm1  }
0x7f: {  	s7 =	sadd.s32 $0x10, s7;
	p0 =	por $0x1, $0x1;
	v8 =	vnsel vm0, $0x0, v7;
	v7 =	vimm.f32 $0.0e+00  }
0x80: {  	s10 =	smov.u32 s6  }
.LBB2_12:
0x81: {  	s9 =	sadd.s32 $0x1, s9  }
0x82: {  	v9 =	vld [tilespmem:s7+$0x0];
	v7 =	vadd.f32 v8, v7;
	s10 =	sadd.s32 $0x10, s10;
	p1 =	slt.u32 s9, s8  }
.Ltmp7:
0x83: {  	(pc) =	sbr.rel @p1 .LBB2_12-.Ltmp7, $4  }
0x84: {  	v8 =	vor.u32 s10, v6  }
0x85: {  	vm0 =	vge.s32 v8, v2;
	vm1 =	vlt.s32 v8, v3  }
0x86: {  	vm0 =	vmand vm0, vm1  }
0x87: {  	s7 =	sadd.s32 $0x10, s7;
	v8 =	vnsel vm0, $0x0, v9  }
.LBB2_13:
0x88: {  	v9 =	vld [tilespmem:s7+$0x0];
	s7 =	sadd.s32 @p0 $0x10, s10  }
0x89: {  	s6 =	smov.u32 @p0 s7  }
0x8a: {  	v6 =	vor.u32 s6, v6  }
0x8b: {  	v7 =	vadd.f32 @p0 v8, v7;
	vm0 =	vge.s32 v6, v2;
	vm1 =	vlt.s32 v6, v3  }
0x8c: {  	vm0 =	vmand vm0, vm1  }
0x8d: {  	v3 =	vpsel p0, v7, v5;
	v2 =	vnsel vm0, $0x0, v9  }
0x8e: {  	v2 =	vadd.f32 v2, v3  }
.LBB2_14:
0x8f: {  	_ = 	snop  }
0x90: {  	(v2sf) =	vpush v2, $0x0  }
0x91: {  	(v2sf) =	vpush v2, $0x1;
	_ =	sdelay $0x1  }
0x92: {  	(v2sf) =	vpush v2, $0x2;
	_ =	sdelay $0x1  }
0x93: {  	(v2sf) =	vpush v2, $0x3;
	_ =	sdelay $0x3  }
0x94: {  	(v2sf) =	vpush v2, $0x4  }
0x95: {  	(v2sf) =	vpush v2, $0x5  }
0x96: {  	(v2sf) =	vpush v2, $0x6  }
0x97: {  	(v2sf) =	vpush v2, $0x7  }
0x98: {  	(v2sf) =	vpush v2, $0x8  }
0x99: {  	(v2sf) =	vpush v2, $0x9  }
0x9a: {  	s6 =	spop (v2sf);
	(v2sf) =	vpush v2, $0xA  }
0x9b: {  	s7 =	spop (v2sf);
	(v2sf) =	vpush v2, $0xB  }
0x9c: {  	(v2sf) =	vpush v2, $0xC  }
0x9d: {  	s18 =	spop (v2sf);
	(v2sf) =	vpush v2, $0xD  }
0x9e: {  	(v2sf) =	vpush v2, $0xE  }
0x9f: {  	s19 =	spop (v2sf);
	(v2sf) =	vpush v2, $0xF  }
0xa0: {  	(v2sf) =	vpush v1, $0x2  }
0xa1: {  	s6 =	sadd.f32 s7, s6;
	_ =	sdelay $0x1  }
0xa2: {  	s6 =	sadd.f32 s6, s18;
	s20 =	spop (v2sf)  }
0xa3: {  	s21 =	spop (v2sf);
	(v2sf) =	vpush v0, $0x2  }
0xa4: {  	s6 =	sadd.f32 s6, s19;
	s22 =	spop (v2sf)  }
0xa5: {  	s8 =	spop (v2sf)  }
0xa6: {  	s6 =	sadd.f32 s6, s20;
	s23 =	spop (v2sf)  }
0xa7: {  	s9 =	spop (v2sf)  }
0xa8: {  	s6 =	sadd.f32 s6, s21;
	s24 =	spop (v2sf)  }
0xa9: {  	s10 =	spop (v2sf)  }
0xaa: {  	s6 =	sadd.f32 s6, s22;
	s25 =	spop (v2sf)  }
0xab: {  	s11 =	spop (v2sf)  }
0xac: {  	s6 =	sadd.f32 s6, s8;
	s26 =	spop (v2sf)  }
0xad: {  	s12 =	spop (v2sf)  }
0xae: {  	s6 =	sadd.f32 s6, s23;
	s28 =	spop (v2sf)  }
0xaf: {  	s8 =	ssub.s32 s28, s5  }
0xb0: {  	s6 =	sadd.f32 s6, s9;
	p0 =	sgt.s32 s8, $0x0  }
0xb1: {  	p1 =	slt.s32 s8, $0x1;
	s8 =	simm.s32 @!p0 $0x0  }
0xb2: {  	s6 =	sadd.f32 s6, s24;
	s29 =	spop (v2sf);
	s8 =	smin.u32 s8, $0x400  }
0xb3: {  	s7 =	ssub.s32 s29, s5;
	s30 =	sand.u32 $0xF, s8  }
0xb4: {  	s6 =	sadd.f32 s6, s10;
	p2 =	sgt.s32 s7, $0x0;
	p6 =	sne.s32 s30, $0x0  }
0xb5: {  	s9 =	simm.s32 $0x1;
	s7 =	simm.s32 @!p2 $0x0;
	p0 =	por !p1, !p6  }
0xb6: {  	s6 =	sadd.f32 s6, s25;
	s7 =	smin.u32 s7, $0x400;
	p0 =	por !p0, !p0  }
0xb7: {  	s8 =	sshrl.u32 s8, $0x4;
	s31 =	sadd.s32 $0xF, s7;
	s9 =	simm.s32 @!p0 $0x0  }
0xb8: {  	s6 =	sadd.f32 s6, s11;
	s7 =	ssub.s32 s8, s9;
	s8 =	sshrl.u32 s31, $0x4  }
0xb9: {  	p0 =	sle.s32 s8, s7  }
.Ltmp8:
0xba: {  	s6 =	sadd.f32 s6, s26;
	(pc) =	sbr.rel @p0 .LBB2_21-.Ltmp8, $4  }
0xbb: {  	_ = 	snop  }
0xbc: {  	v3 =	vlaneseq.u32;
	s6 =	sadd.f32 s6, s12  }
0xbd: {  	vm0 =	veq.s32 v3, $0x1  }
0xbe: {  	v5 =	vimm.f32 $0.0e+00;
	v2 =	vimm.f32 $0.0e+00;
	v4 =	vsel vm0, s6, v4;
	s6 =	simm.s32 $0x1  }
0xbf: {  	p0 =	sgt.s32 s8, s7;
	s9 =	smov.u32 s7  }
0xc0: {  	s10 =	sadd.s32 $0x1, s7;
	s9 =	smov.u32 @p0 s8  }
0xc1: {  	p1 =	slt.u32 s10, s9  }
.Ltmp9:
0xc2: {  	_ = 	snop;
	(pc) =	sbr.rel @!p1 .LBB2_16-.Ltmp9, $3  }
0xc3: {  	_ =	sdelay $0x1  }
0xc4: {  	s30 =	sshll.u32 s7, $0x6;
	s31 =	sshll.u32 s7, $0x4  }
0xc5: {  	v5 =	vbroadcast v1, $0x2;
	v6 =	vbroadcast v0, $0x2;
	v7 =	vimm.f32 $0.0e+00;
	s8 =	sshra.s32 s30, $0x2;
	s7 =	sadd.s32 s31, s5;
	p0 =	por $0x0, $0x0  }
0xc6: {  	s10 =	sadd.s32 $0x1, s10  }
0xc7: {  	v8 =	vld [tilespmem:s8+$0x0];
	p1 =	slt.u32 s10, s9  }
.Ltmp10:
0xc8: {  	_ = 	snop;
	(pc) =	sbr.rel @!p1 .LBB2_115-.Ltmp10, $4  }
0xc9: {  	v9 =	vor.u32 s7, v3  }
0xca: {  	vm0 =	vge.s32 v9, v5;
	vm1 =	vlt.s32 v9, v6  }
0xcb: {  	vm0 =	vmand vm0, vm1  }
0xcc: {  	s8 =	sadd.s32 $0x10, s8;
	p0 =	por $0x1, $0x1;
	v9 =	vnsel vm0, $0x0, v8;
	v8 =	vimm.f32 $0.0e+00  }
0xcd: {  	s11 =	smov.u32 s7  }
.LBB2_19:
0xce: {  	s10 =	sadd.s32 $0x1, s10  }
0xcf: {  	v10 =	vld [tilespmem:s8+$0x0];
	v8 =	vadd.f32 v9, v8;
	s11 =	sadd.s32 $0x10, s11;
	p1 =	slt.u32 s10, s9  }
.Ltmp11:
0xd0: {  	(pc) =	sbr.rel @p1 .LBB2_19-.Ltmp11, $4  }
0xd1: {  	v9 =	vor.u32 s11, v3  }
0xd2: {  	vm0 =	vge.s32 v9, v5;
	vm1 =	vlt.s32 v9, v6  }
0xd3: {  	vm0 =	vmand vm0, vm1  }
0xd4: {  	s8 =	sadd.s32 $0x10, s8;
	v9 =	vnsel vm0, $0x0, v10  }
.LBB2_20:
0xd5: {  	v10 =	vld [tilespmem:s8+$0x0];
	s8 =	sadd.s32 @p0 $0x10, s11  }
0xd6: {  	s7 =	smov.u32 @p0 s8  }
0xd7: {  	v11 =	vor.u32 s7, v3  }
0xd8: {  	v8 =	vadd.f32 @p0 v9, v8;
	vm0 =	vge.s32 v11, v5;
	vm1 =	vlt.s32 v11, v6  }
0xd9: {  	vm0 =	vmand vm0, vm1  }
0xda: {  	v6 =	vpsel p0, v8, v7;
	v5 =	vnsel vm0, $0x0, v10  }
0xdb: {  	v5 =	vadd.f32 v5, v6  }
.LBB2_21:
0xdc: {  	_ = 	snop  }
0xdd: {  	(v2sf) =	vpush v5, $0x0  }
0xde: {  	(v2sf) =	vpush v5, $0x1;
	_ =	sdelay $0x1  }
0xdf: {  	(v2sf) =	vpush v5, $0x2;
	_ =	sdelay $0x1  }
0xe0: {  	(v2sf) =	vpush v5, $0x3;
	_ =	sdelay $0x1  }
0xe1: {  	(v2sf) =	vpush v5, $0x4;
	_ =	sdelay $0x1  }
0xe2: {  	(v2sf) =	vpush v5, $0x5  }
0xe3: {  	(v2sf) =	vpush v5, $0x6  }
0xe4: {  	(v2sf) =	vpush v5, $0x7  }
0xe5: {  	(v2sf) =	vpush v5, $0x8  }
0xe6: {  	(v2sf) =	vpush v5, $0x9  }
0xe7: {  	(v2sf) =	vpush v5, $0xA  }
0xe8: {  	s7 =	spop (v2sf);
	(v2sf) =	vpush v5, $0xB  }
0xe9: {  	s8 =	spop (v2sf);
	(v2sf) =	vpush v5, $0xC  }
0xea: {  	s7 =	sadd.f32 s8, s7;
	(v2sf) =	vpush v5, $0xD  }
0xeb: {  	s18 =	spop (v2sf);
	(v2sf) =	vpush v5, $0xE  }
0xec: {  	s7 =	sadd.f32 s7, s18;
	(v2sf) =	vpush v5, $0xF  }
0xed: {  	s19 =	spop (v2sf);
	(v2sf) =	vpush v1, $0x3  }
0xee: {  	s7 =	sadd.f32 s7, s19  }
0xef: {  	s20 =	spop (v2sf)  }
0xf0: {  	s7 =	sadd.f32 s7, s20  }
0xf1: {  	s21 =	spop (v2sf);
	(v2sf) =	vpush v0, $0x3  }
0xf2: {  	s9 =	spop (v2sf);
	s7 =	sadd.f32 s7, s21  }
0xf3: {  	s22 =	spop (v2sf)  }
0xf4: {  	s10 =	spop (v2sf);
	s7 =	sadd.f32 s7, s9  }
0xf5: {  	s23 =	spop (v2sf)  }
0xf6: {  	s11 =	spop (v2sf);
	s7 =	sadd.f32 s7, s22  }
0xf7: {  	s24 =	spop (v2sf)  }
0xf8: {  	s12 =	spop (v2sf);
	s7 =	sadd.f32 s7, s10  }
0xf9: {  	s25 =	spop (v2sf)  }
0xfa: {  	s13 =	spop (v2sf);
	s7 =	sadd.f32 s7, s23  }
0xfb: {  	s26 =	spop (v2sf)  }
0xfc: {  	s7 =	sadd.f32 s7, s11;
	s28 =	spop (v2sf)  }
0xfd: {  	s11 =	ssub.s32 s28, s5  }
0xfe: {  	s7 =	sadd.f32 s7, s24;
	p0 =	sgt.s32 s11, $0x0  }
0xff: {  	p1 =	slt.s32 s11, $0x1;
	s11 =	simm.s32 @!p0 $0x0  }
0x100: {  	s29 =	spop (v2sf);
	s7 =	sadd.f32 s7, s12;
	s11 =	smin.u32 s11, $0x400  }
0x101: {  	s8 =	ssub.s32 s29, s5;
	s30 =	sand.u32 $0xF, s11  }
0x102: {  	p2 =	sgt.s32 s8, $0x0;
	s7 =	sadd.f32 s7, s25;
	p6 =	sne.s32 s30, $0x0  }
0x103: {  	s8 =	simm.s32 @!p2 $0x0;
	p0 =	por !p1, !p6  }
0x104: {  	s8 =	smin.u32 s8, $0x400;
	s7 =	sadd.f32 s7, s13;
	p0 =	por !p0, !p0  }
0x105: {  	s31 =	sshrl.u32 s11, $0x4;
	s8 =	sadd.s32 $0xF, s8;
	s6 =	simm.s32 @!p0 $0x0  }
0x106: {  	s9 =	sadd.f32 s7, s26;
	s6 =	ssub.s32 s31, s6;
	s7 =	sshrl.u32 s8, $0x4  }
0x107: {  	p0 =	sle.s32 s7, s6  }
.Ltmp12:
0x108: {  	_ = 	snop;
	(pc) =	sbr.rel @p0 .LBB2_28-.Ltmp12, $3  }
0x109: {  	_ =	sdelay $0x1  }
0x10a: {  	vm0 =	veq.s32 v3, $0x2  }
0x10b: {  	v4 =	vsel vm0, s9, v4  }
0x10c: {  	p0 =	sgt.s32 s7, s6;
	s8 =	smov.u32 s6  }
0x10d: {  	s9 =	sadd.s32 $0x1, s6;
	s8 =	smov.u32 @p0 s7  }
0x10e: {  	p1 =	slt.u32 s9, s8  }
.Ltmp13:
0x10f: {  	_ = 	snop;
	(pc) =	sbr.rel @!p1 .LBB2_23-.Ltmp13, $3  }
0x110: {  	_ =	sdelay $0x1  }
0x111: {  	v2 =	vbroadcast v1, $0x3;
	s30 =	sshll.u32 s6, $0x6;
	s31 =	sshll.u32 s6, $0x4  }
0x112: {  	v3 =	vbroadcast v0, $0x3;
	v5 =	vimm.f32 $0.0e+00;
	v6 =	vlaneseq.u32;
	s7 =	sshra.s32 s30, $0x2;
	s6 =	sadd.s32 s31, s5;
	p0 =	por $0x0, $0x0  }
0x113: {  	s9 =	sadd.s32 $0x1, s9  }
0x114: {  	v7 =	vld [tilespmem:s7+$0x0];
	p1 =	slt.u32 s9, s8  }
.Ltmp14:
0x115: {  	_ = 	snop;
	(pc) =	sbr.rel @!p1 .LBB2_116-.Ltmp14, $4  }
0x116: {  	v8 =	vor.u32 s6, v6  }
0x117: {  	vm0 =	vge.s32 v8, v2;
	vm1 =	vlt.s32 v8, v3  }
0x118: {  	vm0 =	vmand vm0, vm1  }
0x119: {  	s7 =	sadd.s32 $0x10, s7;
	p0 =	por $0x1, $0x1;
	v8 =	vnsel vm0, $0x0, v7;
	v7 =	vimm.f32 $0.0e+00  }
0x11a: {  	s10 =	smov.u32 s6  }
.LBB2_26:
0x11b: {  	s9 =	sadd.s32 $0x1, s9  }
0x11c: {  	v9 =	vld [tilespmem:s7+$0x0];
	v7 =	vadd.f32 v8, v7;
	s10 =	sadd.s32 $0x10, s10;
	p1 =	slt.u32 s9, s8  }
.Ltmp15:
0x11d: {  	(pc) =	sbr.rel @p1 .LBB2_26-.Ltmp15, $4  }
0x11e: {  	v8 =	vor.u32 s10, v6  }
0x11f: {  	vm0 =	vge.s32 v8, v2;
	vm1 =	vlt.s32 v8, v3  }
0x120: {  	vm0 =	vmand vm0, vm1  }
0x121: {  	s7 =	sadd.s32 $0x10, s7;
	v8 =	vnsel vm0, $0x0, v9  }
.LBB2_27:
0x122: {  	v9 =	vld [tilespmem:s7+$0x0];
	s7 =	sadd.s32 @p0 $0x10, s10  }
0x123: {  	s6 =	smov.u32 @p0 s7  }
0x124: {  	v6 =	vor.u32 s6, v6  }
0x125: {  	v7 =	vadd.f32 @p0 v8, v7;
	vm0 =	vge.s32 v6, v2;
	vm1 =	vlt.s32 v6, v3  }
0x126: {  	vm0 =	vmand vm0, vm1  }
0x127: {  	v3 =	vpsel p0, v7, v5;
	v2 =	vnsel vm0, $0x0, v9  }
0x128: {  	v2 =	vadd.f32 v2, v3  }
.LBB2_28:
0x129: {  	_ = 	snop  }
0x12a: {  	(v2sf) =	vpush v2, $0x0  }
0x12b: {  	(v2sf) =	vpush v2, $0x1;
	_ =	sdelay $0x1  }
0x12c: {  	(v2sf) =	vpush v2, $0x2;
	_ =	sdelay $0x1  }
0x12d: {  	(v2sf) =	vpush v2, $0x3;
	_ =	sdelay $0x3  }
0x12e: {  	(v2sf) =	vpush v2, $0x4  }
0x12f: {  	(v2sf) =	vpush v2, $0x5  }
0x130: {  	(v2sf) =	vpush v2, $0x6  }
0x131: {  	(v2sf) =	vpush v2, $0x7  }
0x132: {  	(v2sf) =	vpush v2, $0x8  }
0x133: {  	(v2sf) =	vpush v2, $0x9  }
0x134: {  	s6 =	spop (v2sf);
	(v2sf) =	vpush v2, $0xA  }
0x135: {  	s7 =	spop (v2sf);
	(v2sf) =	vpush v2, $0xB  }
0x136: {  	(v2sf) =	vpush v2, $0xC  }
0x137: {  	s18 =	spop (v2sf);
	(v2sf) =	vpush v2, $0xD  }
0x138: {  	(v2sf) =	vpush v2, $0xE  }
0x139: {  	s19 =	spop (v2sf);
	(v2sf) =	vpush v2, $0xF  }
0x13a: {  	(v2sf) =	vpush v1, $0x4  }
0x13b: {  	s6 =	sadd.f32 s7, s6;
	_ =	sdelay $0x1  }
0x13c: {  	s6 =	sadd.f32 s6, s18;
	s20 =	spop (v2sf)  }
0x13d: {  	s21 =	spop (v2sf);
	(v2sf) =	vpush v0, $0x4  }
0x13e: {  	s6 =	sadd.f32 s6, s19;
	s22 =	spop (v2sf)  }
0x13f: {  	s8 =	spop (v2sf)  }
0x140: {  	s6 =	sadd.f32 s6, s20;
	s23 =	spop (v2sf)  }
0x141: {  	s9 =	spop (v2sf)  }
0x142: {  	s6 =	sadd.f32 s6, s21;
	s24 =	spop (v2sf)  }
0x143: {  	s10 =	spop (v2sf)  }
0x144: {  	s6 =	sadd.f32 s6, s22;
	s25 =	spop (v2sf)  }
0x145: {  	s11 =	spop (v2sf)  }
0x146: {  	s6 =	sadd.f32 s6, s8;
	s26 =	spop (v2sf)  }
0x147: {  	s12 =	spop (v2sf)  }
0x148: {  	s6 =	sadd.f32 s6, s23;
	s28 =	spop (v2sf)  }
0x149: {  	s8 =	ssub.s32 s28, s5  }
0x14a: {  	s6 =	sadd.f32 s6, s9;
	p0 =	sgt.s32 s8, $0x0  }
0x14b: {  	p1 =	slt.s32 s8, $0x1;
	s8 =	simm.s32 @!p0 $0x0  }
0x14c: {  	s6 =	sadd.f32 s6, s24;
	s29 =	spop (v2sf);
	s8 =	smin.u32 s8, $0x400  }
0x14d: {  	s7 =	ssub.s32 s29, s5;
	s30 =	sand.u32 $0xF, s8  }
0x14e: {  	s6 =	sadd.f32 s6, s10;
	p2 =	sgt.s32 s7, $0x0;
	p6 =	sne.s32 s30, $0x0  }
0x14f: {  	s9 =	simm.s32 $0x1;
	s7 =	simm.s32 @!p2 $0x0;
	p0 =	por !p1, !p6  }
0x150: {  	s6 =	sadd.f32 s6, s25;
	s7 =	smin.u32 s7, $0x400;
	p0 =	por !p0, !p0  }
0x151: {  	s8 =	sshrl.u32 s8, $0x4;
	s31 =	sadd.s32 $0xF, s7;
	s9 =	simm.s32 @!p0 $0x0  }
0x152: {  	s6 =	sadd.f32 s6, s11;
	s7 =	ssub.s32 s8, s9;
	s8 =	sshrl.u32 s31, $0x4  }
0x153: {  	p0 =	sle.s32 s8, s7  }
.Ltmp16:
0x154: {  	s6 =	sadd.f32 s6, s26;
	(pc) =	sbr.rel @p0 .LBB2_35-.Ltmp16, $4  }
0x155: {  	_ = 	snop  }
0x156: {  	v3 =	vlaneseq.u32;
	s6 =	sadd.f32 s6, s12  }
0x157: {  	vm0 =	veq.s32 v3, $0x3  }
0x158: {  	v5 =	vimm.f32 $0.0e+00;
	v2 =	vimm.f32 $0.0e+00;
	v4 =	vsel vm0, s6, v4;
	s6 =	simm.s32 $0x1  }
0x159: {  	p0 =	sgt.s32 s8, s7;
	s9 =	smov.u32 s7  }
0x15a: {  	s10 =	sadd.s32 $0x1, s7;
	s9 =	smov.u32 @p0 s8  }
0x15b: {  	p1 =	slt.u32 s10, s9  }
.Ltmp17:
0x15c: {  	_ = 	snop;
	(pc) =	sbr.rel @!p1 .LBB2_30-.Ltmp17, $3  }
0x15d: {  	_ =	sdelay $0x1  }
0x15e: {  	s30 =	sshll.u32 s7, $0x6;
	s31 =	sshll.u32 s7, $0x4  }
0x15f: {  	v5 =	vbroadcast v1, $0x4;
	v6 =	vbroadcast v0, $0x4;
	v7 =	vimm.f32 $0.0e+00;
	s8 =	sshra.s32 s30, $0x2;
	s7 =	sadd.s32 s31, s5;
	p0 =	por $0x0, $0x0  }
0x160: {  	s10 =	sadd.s32 $0x1, s10  }
0x161: {  	v8 =	vld [tilespmem:s8+$0x0];
	p1 =	slt.u32 s10, s9  }
.Ltmp18:
0x162: {  	_ = 	snop;
	(pc) =	sbr.rel @!p1 .LBB2_117-.Ltmp18, $4  }
0x163: {  	v9 =	vor.u32 s7, v3  }
0x164: {  	vm0 =	vge.s32 v9, v5;
	vm1 =	vlt.s32 v9, v6  }
0x165: {  	vm0 =	vmand vm0, vm1  }
0x166: {  	s8 =	sadd.s32 $0x10, s8;
	p0 =	por $0x1, $0x1;
	v9 =	vnsel vm0, $0x0, v8;
	v8 =	vimm.f32 $0.0e+00  }
0x167: {  	s11 =	smov.u32 s7  }
.LBB2_33:
0x168: {  	s10 =	sadd.s32 $0x1, s10  }
0x169: {  	v10 =	vld [tilespmem:s8+$0x0];
	v8 =	vadd.f32 v9, v8;
	s11 =	sadd.s32 $0x10, s11;
	p1 =	slt.u32 s10, s9  }
.Ltmp19:
0x16a: {  	(pc) =	sbr.rel @p1 .LBB2_33-.Ltmp19, $4  }
0x16b: {  	v9 =	vor.u32 s11, v3  }
0x16c: {  	vm0 =	vge.s32 v9, v5;
	vm1 =	vlt.s32 v9, v6  }
0x16d: {  	vm0 =	vmand vm0, vm1  }
0x16e: {  	s8 =	sadd.s32 $0x10, s8;
	v9 =	vnsel vm0, $0x0, v10  }
.LBB2_34:
0x16f: {  	v10 =	vld [tilespmem:s8+$0x0];
	s8 =	sadd.s32 @p0 $0x10, s11  }
0x170: {  	s7 =	smov.u32 @p0 s8  }
0x171: {  	v11 =	vor.u32 s7, v3  }
0x172: {  	v8 =	vadd.f32 @p0 v9, v8;
	vm0 =	vge.s32 v11, v5;
	vm1 =	vlt.s32 v11, v6  }
0x173: {  	vm0 =	vmand vm0, vm1  }
0x174: {  	v6 =	vpsel p0, v8, v7;
	v5 =	vnsel vm0, $0x0, v10  }
0x175: {  	v5 =	vadd.f32 v5, v6  }
.LBB2_35:
0x176: {  	_ = 	snop  }
0x177: {  	(v2sf) =	vpush v5, $0x0  }
0x178: {  	(v2sf) =	vpush v5, $0x1;
	_ =	sdelay $0x1  }
0x179: {  	(v2sf) =	vpush v5, $0x2;
	_ =	sdelay $0x1  }
0x17a: {  	(v2sf) =	vpush v5, $0x3;
	_ =	sdelay $0x1  }
0x17b: {  	(v2sf) =	vpush v5, $0x4;
	_ =	sdelay $0x1  }
0x17c: {  	(v2sf) =	vpush v5, $0x5  }
0x17d: {  	(v2sf) =	vpush v5, $0x6  }
0x17e: {  	(v2sf) =	vpush v5, $0x7  }
0x17f: {  	(v2sf) =	vpush v5, $0x8  }
0x180: {  	(v2sf) =	vpush v5, $0x9  }
0x181: {  	(v2sf) =	vpush v5, $0xA  }
0x182: {  	s7 =	spop (v2sf);
	(v2sf) =	vpush v5, $0xB  }
0x183: {  	s8 =	spop (v2sf);
	(v2sf) =	vpush v5, $0xC  }
0x184: {  	s7 =	sadd.f32 s8, s7;
	(v2sf) =	vpush v5, $0xD  }
0x185: {  	s18 =	spop (v2sf);
	(v2sf) =	vpush v5, $0xE  }
0x186: {  	s7 =	sadd.f32 s7, s18;
	(v2sf) =	vpush v5, $0xF  }
0x187: {  	s19 =	spop (v2sf);
	(v2sf) =	vpush v1, $0x5  }
0x188: {  	s7 =	sadd.f32 s7, s19  }
0x189: {  	s20 =	spop (v2sf)  }
0x18a: {  	s7 =	sadd.f32 s7, s20  }
0x18b: {  	s21 =	spop (v2sf);
	(v2sf) =	vpush v0, $0x5  }
0x18c: {  	s9 =	spop (v2sf);
	s7 =	sadd.f32 s7, s21  }
0x18d: {  	s22 =	spop (v2sf)  }
0x18e: {  	s10 =	spop (v2sf);
	s7 =	sadd.f32 s7, s9  }
0x18f: {  	s23 =	spop (v2sf)  }
0x190: {  	s11 =	spop (v2sf);
	s7 =	sadd.f32 s7, s22  }
0x191: {  	s24 =	spop (v2sf)  }
0x192: {  	s12 =	spop (v2sf);
	s7 =	sadd.f32 s7, s10  }
0x193: {  	s25 =	spop (v2sf)  }
0x194: {  	s13 =	spop (v2sf);
	s7 =	sadd.f32 s7, s23  }
0x195: {  	s26 =	spop (v2sf)  }
0x196: {  	s7 =	sadd.f32 s7, s11;
	s28 =	spop (v2sf)  }
0x197: {  	s11 =	ssub.s32 s28, s5  }
0x198: {  	s7 =	sadd.f32 s7, s24;
	p0 =	sgt.s32 s11, $0x0  }
0x199: {  	p1 =	slt.s32 s11, $0x1;
	s11 =	simm.s32 @!p0 $0x0  }
0x19a: {  	s29 =	spop (v2sf);
	s7 =	sadd.f32 s7, s12;
	s11 =	smin.u32 s11, $0x400  }
0x19b: {  	s8 =	ssub.s32 s29, s5;
	s30 =	sand.u32 $0xF, s11  }
0x19c: {  	p2 =	sgt.s32 s8, $0x0;
	s7 =	sadd.f32 s7, s25;
	p6 =	sne.s32 s30, $0x0  }
0x19d: {  	s8 =	simm.s32 @!p2 $0x0;
	p0 =	por !p1, !p6  }
0x19e: {  	s8 =	smin.u32 s8, $0x400;
	s7 =	sadd.f32 s7, s13;
	p0 =	por !p0, !p0  }
0x19f: {  	s31 =	sshrl.u32 s11, $0x4;
	s8 =	sadd.s32 $0xF, s8;
	s6 =	simm.s32 @!p0 $0x0  }
0x1a0: {  	s9 =	sadd.f32 s7, s26;
	s6 =	ssub.s32 s31, s6;
	s7 =	sshrl.u32 s8, $0x4  }
0x1a1: {  	p0 =	sle.s32 s7, s6  }
.Ltmp20:
0x1a2: {  	_ = 	snop;
	(pc) =	sbr.rel @p0 .LBB2_42-.Ltmp20, $3  }
0x1a3: {  	_ =	sdelay $0x1  }
0x1a4: {  	vm0 =	veq.s32 v3, $0x4  }
0x1a5: {  	v4 =	vsel vm0, s9, v4  }
0x1a6: {  	p0 =	sgt.s32 s7, s6;
	s8 =	smov.u32 s6  }
0x1a7: {  	s9 =	sadd.s32 $0x1, s6;
	s8 =	smov.u32 @p0 s7  }
0x1a8: {  	p1 =	slt.u32 s9, s8  }
.Ltmp21:
0x1a9: {  	_ = 	snop;
	(pc) =	sbr.rel @!p1 .LBB2_37-.Ltmp21, $3  }
0x1aa: {  	_ =	sdelay $0x1  }
0x1ab: {  	v2 =	vbroadcast v1, $0x5;
	s30 =	sshll.u32 s6, $0x6;
	s31 =	sshll.u32 s6, $0x4  }
0x1ac: {  	v3 =	vbroadcast v0, $0x5;
	v5 =	vimm.f32 $0.0e+00;
	v6 =	vlaneseq.u32;
	s7 =	sshra.s32 s30, $0x2;
	s6 =	sadd.s32 s31, s5;
	p0 =	por $0x0, $0x0  }
0x1ad: {  	s9 =	sadd.s32 $0x1, s9  }
0x1ae: {  	v7 =	vld [tilespmem:s7+$0x0];
	p1 =	slt.u32 s9, s8  }
.Ltmp22:
0x1af: {  	_ = 	snop;
	(pc) =	sbr.rel @!p1 .LBB2_118-.Ltmp22, $4  }
0x1b0: {  	v8 =	vor.u32 s6, v6  }
0x1b1: {  	vm0 =	vge.s32 v8, v2;
	vm1 =	vlt.s32 v8, v3  }
0x1b2: {  	vm0 =	vmand vm0, vm1  }
0x1b3: {  	s7 =	sadd.s32 $0x10, s7;
	p0 =	por $0x1, $0x1;
	v8 =	vnsel vm0, $0x0, v7;
	v7 =	vimm.f32 $0.0e+00  }
0x1b4: {  	s10 =	smov.u32 s6  }
.LBB2_40:
0x1b5: {  	s9 =	sadd.s32 $0x1, s9  }
0x1b6: {  	v9 =	vld [tilespmem:s7+$0x0];
	v7 =	vadd.f32 v8, v7;
	s10 =	sadd.s32 $0x10, s10;
	p1 =	slt.u32 s9, s8  }
.Ltmp23:
0x1b7: {  	(pc) =	sbr.rel @p1 .LBB2_40-.Ltmp23, $4  }
0x1b8: {  	v8 =	vor.u32 s10, v6  }
0x1b9: {  	vm0 =	vge.s32 v8, v2;
	vm1 =	vlt.s32 v8, v3  }
0x1ba: {  	vm0 =	vmand vm0, vm1  }
0x1bb: {  	s7 =	sadd.s32 $0x10, s7;
	v8 =	vnsel vm0, $0x0, v9  }
.LBB2_41:
0x1bc: {  	v9 =	vld [tilespmem:s7+$0x0];
	s7 =	sadd.s32 @p0 $0x10, s10  }
0x1bd: {  	s6 =	smov.u32 @p0 s7  }
0x1be: {  	v6 =	vor.u32 s6, v6  }
0x1bf: {  	v7 =	vadd.f32 @p0 v8, v7;
	vm0 =	vge.s32 v6, v2;
	vm1 =	vlt.s32 v6, v3  }
0x1c0: {  	vm0 =	vmand vm0, vm1  }
0x1c1: {  	v3 =	vpsel p0, v7, v5;
	v2 =	vnsel vm0, $0x0, v9  }
0x1c2: {  	v2 =	vadd.f32 v2, v3  }
.LBB2_42:
0x1c3: {  	_ = 	snop  }
0x1c4: {  	(v2sf) =	vpush v2, $0x0  }
0x1c5: {  	(v2sf) =	vpush v2, $0x1;
	_ =	sdelay $0x1  }
0x1c6: {  	(v2sf) =	vpush v2, $0x2;
	_ =	sdelay $0x1  }
0x1c7: {  	(v2sf) =	vpush v2, $0x3;
	_ =	sdelay $0x3  }
0x1c8: {  	(v2sf) =	vpush v2, $0x4  }
0x1c9: {  	(v2sf) =	vpush v2, $0x5  }
0x1ca: {  	(v2sf) =	vpush v2, $0x6  }
0x1cb: {  	(v2sf) =	vpush v2, $0x7  }
0x1cc: {  	(v2sf) =	vpush v2, $0x8  }
0x1cd: {  	(v2sf) =	vpush v2, $0x9  }
0x1ce: {  	s6 =	spop (v2sf);
	(v2sf) =	vpush v2, $0xA  }
0x1cf: {  	s7 =	spop (v2sf);
	(v2sf) =	vpush v2, $0xB  }
0x1d0: {  	(v2sf) =	vpush v2, $0xC  }
0x1d1: {  	s18 =	spop (v2sf);
	(v2sf) =	vpush v2, $0xD  }
0x1d2: {  	(v2sf) =	vpush v2, $0xE  }
0x1d3: {  	s19 =	spop (v2sf);
	(v2sf) =	vpush v2, $0xF  }
0x1d4: {  	(v2sf) =	vpush v1, $0x6  }
0x1d5: {  	s6 =	sadd.f32 s7, s6;
	_ =	sdelay $0x1  }
0x1d6: {  	s6 =	sadd.f32 s6, s18;
	s20 =	spop (v2sf)  }
0x1d7: {  	s21 =	spop (v2sf);
	(v2sf) =	vpush v0, $0x6  }
0x1d8: {  	s6 =	sadd.f32 s6, s19;
	s22 =	spop (v2sf)  }
0x1d9: {  	s8 =	spop (v2sf)  }
0x1da: {  	s6 =	sadd.f32 s6, s20;
	s23 =	spop (v2sf)  }
0x1db: {  	s9 =	spop (v2sf)  }
0x1dc: {  	s6 =	sadd.f32 s6, s21;
	s24 =	spop (v2sf)  }
0x1dd: {  	s10 =	spop (v2sf)  }
0x1de: {  	s6 =	sadd.f32 s6, s22;
	s25 =	spop (v2sf)  }
0x1df: {  	s11 =	spop (v2sf)  }
0x1e0: {  	s6 =	sadd.f32 s6, s8;
	s26 =	spop (v2sf)  }
0x1e1: {  	s12 =	spop (v2sf)  }
0x1e2: {  	s6 =	sadd.f32 s6, s23;
	s28 =	spop (v2sf)  }
0x1e3: {  	s8 =	ssub.s32 s28, s5  }
0x1e4: {  	s6 =	sadd.f32 s6, s9;
	p0 =	sgt.s32 s8, $0x0  }
0x1e5: {  	p1 =	slt.s32 s8, $0x1;
	s8 =	simm.s32 @!p0 $0x0  }
0x1e6: {  	s6 =	sadd.f32 s6, s24;
	s29 =	spop (v2sf);
	s8 =	smin.u32 s8, $0x400  }
0x1e7: {  	s7 =	ssub.s32 s29, s5;
	s30 =	sand.u32 $0xF, s8  }
0x1e8: {  	s6 =	sadd.f32 s6, s10;
	p2 =	sgt.s32 s7, $0x0;
	p6 =	sne.s32 s30, $0x0  }
0x1e9: {  	s9 =	simm.s32 $0x1;
	s7 =	simm.s32 @!p2 $0x0;
	p0 =	por !p1, !p6  }
0x1ea: {  	s6 =	sadd.f32 s6, s25;
	s7 =	smin.u32 s7, $0x400;
	p0 =	por !p0, !p0  }
0x1eb: {  	s8 =	sshrl.u32 s8, $0x4;
	s31 =	sadd.s32 $0xF, s7;
	s9 =	simm.s32 @!p0 $0x0  }
0x1ec: {  	s6 =	sadd.f32 s6, s11;
	s7 =	ssub.s32 s8, s9;
	s8 =	sshrl.u32 s31, $0x4  }
0x1ed: {  	p0 =	sle.s32 s8, s7  }
.Ltmp24:
0x1ee: {  	s6 =	sadd.f32 s6, s26;
	(pc) =	sbr.rel @p0 .LBB2_49-.Ltmp24, $4  }
0x1ef: {  	_ = 	snop  }
0x1f0: {  	v3 =	vlaneseq.u32;
	s6 =	sadd.f32 s6, s12  }
0x1f1: {  	vm0 =	veq.s32 v3, $0x5  }
0x1f2: {  	v5 =	vimm.f32 $0.0e+00;
	v2 =	vimm.f32 $0.0e+00;
	v4 =	vsel vm0, s6, v4;
	s6 =	simm.s32 $0x1  }
0x1f3: {  	p0 =	sgt.s32 s8, s7;
	s9 =	smov.u32 s7  }
0x1f4: {  	s10 =	sadd.s32 $0x1, s7;
	s9 =	smov.u32 @p0 s8  }
0x1f5: {  	p1 =	slt.u32 s10, s9  }
.Ltmp25:
0x1f6: {  	_ = 	snop;
	(pc) =	sbr.rel @!p1 .LBB2_44-.Ltmp25, $3  }
0x1f7: {  	_ =	sdelay $0x1  }
0x1f8: {  	s30 =	sshll.u32 s7, $0x6;
	s31 =	sshll.u32 s7, $0x4  }
0x1f9: {  	v5 =	vbroadcast v1, $0x6;
	v6 =	vbroadcast v0, $0x6;
	v7 =	vimm.f32 $0.0e+00;
	s8 =	sshra.s32 s30, $0x2;
	s7 =	sadd.s32 s31, s5;
	p0 =	por $0x0, $0x0  }
0x1fa: {  	s10 =	sadd.s32 $0x1, s10  }
0x1fb: {  	v8 =	vld [tilespmem:s8+$0x0];
	p1 =	slt.u32 s10, s9  }
.Ltmp26:
0x1fc: {  	_ = 	snop;
	(pc) =	sbr.rel @!p1 .LBB2_119-.Ltmp26, $4  }
0x1fd: {  	v9 =	vor.u32 s7, v3  }
0x1fe: {  	vm0 =	vge.s32 v9, v5;
	vm1 =	vlt.s32 v9, v6  }
0x1ff: {  	vm0 =	vmand vm0, vm1  }
0x200: {  	s8 =	sadd.s32 $0x10, s8;
	p0 =	por $0x1, $0x1;
	v9 =	vnsel vm0, $0x0, v8;
	v8 =	vimm.f32 $0.0e+00  }
0x201: {  	s11 =	smov.u32 s7  }
.LBB2_47:
0x202: {  	s10 =	sadd.s32 $0x1, s10  }
0x203: {  	v10 =	vld [tilespmem:s8+$0x0];
	v8 =	vadd.f32 v9, v8;
	s11 =	sadd.s32 $0x10, s11;
	p1 =	slt.u32 s10, s9  }
.Ltmp27:
0x204: {  	(pc) =	sbr.rel @p1 .LBB2_47-.Ltmp27, $4  }
0x205: {  	v9 =	vor.u32 s11, v3  }
0x206: {  	vm0 =	vge.s32 v9, v5;
	vm1 =	vlt.s32 v9, v6  }
0x207: {  	vm0 =	vmand vm0, vm1  }
0x208: {  	s8 =	sadd.s32 $0x10, s8;
	v9 =	vnsel vm0, $0x0, v10  }
.LBB2_48:
0x209: {  	v10 =	vld [tilespmem:s8+$0x0];
	s8 =	sadd.s32 @p0 $0x10, s11  }
0x20a: {  	s7 =	smov.u32 @p0 s8  }
0x20b: {  	v11 =	vor.u32 s7, v3  }
0x20c: {  	v8 =	vadd.f32 @p0 v9, v8;
	vm0 =	vge.s32 v11, v5;
	vm1 =	vlt.s32 v11, v6  }
0x20d: {  	vm0 =	vmand vm0, vm1  }
0x20e: {  	v6 =	vpsel p0, v8, v7;
	v5 =	vnsel vm0, $0x0, v10  }
0x20f: {  	v5 =	vadd.f32 v5, v6  }
.LBB2_49:
0x210: {  	_ = 	snop  }
0x211: {  	(v2sf) =	vpush v5, $0x0  }
0x212: {  	(v2sf) =	vpush v5, $0x1;
	_ =	sdelay $0x1  }
0x213: {  	(v2sf) =	vpush v5, $0x2;
	_ =	sdelay $0x1  }
0x214: {  	(v2sf) =	vpush v5, $0x3;
	_ =	sdelay $0x1  }
0x215: {  	(v2sf) =	vpush v5, $0x4;
	_ =	sdelay $0x1  }
0x216: {  	(v2sf) =	vpush v5, $0x5  }
0x217: {  	(v2sf) =	vpush v5, $0x6  }
0x218: {  	(v2sf) =	vpush v5, $0x7  }
0x219: {  	(v2sf) =	vpush v5, $0x8  }
0x21a: {  	(v2sf) =	vpush v5, $0x9  }
0x21b: {  	(v2sf) =	vpush v5, $0xA  }
0x21c: {  	s7 =	spop (v2sf);
	(v2sf) =	vpush v5, $0xB  }
0x21d: {  	s8 =	spop (v2sf);
	(v2sf) =	vpush v5, $0xC  }
0x21e: {  	s7 =	sadd.f32 s8, s7;
	(v2sf) =	vpush v5, $0xD  }
0x21f: {  	s18 =	spop (v2sf);
	(v2sf) =	vpush v5, $0xE  }
0x220: {  	s7 =	sadd.f32 s7, s18;
	(v2sf) =	vpush v5, $0xF  }
0x221: {  	s19 =	spop (v2sf);
	(v2sf) =	vpush v1, $0x7  }
0x222: {  	s7 =	sadd.f32 s7, s19  }
0x223: {  	s20 =	spop (v2sf)  }
0x224: {  	s7 =	sadd.f32 s7, s20  }
0x225: {  	s21 =	spop (v2sf);
	(v2sf) =	vpush v0, $0x7  }
0x226: {  	s9 =	spop (v2sf);
	s7 =	sadd.f32 s7, s21  }
0x227: {  	s22 =	spop (v2sf)  }
0x228: {  	s10 =	spop (v2sf);
	s7 =	sadd.f32 s7, s9  }
0x229: {  	s23 =	spop (v2sf)  }
0x22a: {  	s11 =	spop (v2sf);
	s7 =	sadd.f32 s7, s22  }
0x22b: {  	s24 =	spop (v2sf)  }
0x22c: {  	s12 =	spop (v2sf);
	s7 =	sadd.f32 s7, s10  }
0x22d: {  	s25 =	spop (v2sf)  }
0x22e: {  	s13 =	spop (v2sf);
	s7 =	sadd.f32 s7, s23  }
0x22f: {  	s26 =	spop (v2sf)  }
0x230: {  	s7 =	sadd.f32 s7, s11;
	s28 =	spop (v2sf)  }
0x231: {  	s11 =	ssub.s32 s28, s5  }
0x232: {  	s7 =	sadd.f32 s7, s24;
	p0 =	sgt.s32 s11, $0x0  }
0x233: {  	p1 =	slt.s32 s11, $0x1;
	s11 =	simm.s32 @!p0 $0x0  }
0x234: {  	s29 =	spop (v2sf);
	s7 =	sadd.f32 s7, s12;
	s11 =	smin.u32 s11, $0x400  }
0x235: {  	s8 =	ssub.s32 s29, s5;
	s30 =	sand.u32 $0xF, s11  }
0x236: {  	p2 =	sgt.s32 s8, $0x0;
	s7 =	sadd.f32 s7, s25;
	p6 =	sne.s32 s30, $0x0  }
0x237: {  	s8 =	simm.s32 @!p2 $0x0;
	p0 =	por !p1, !p6  }
0x238: {  	s8 =	smin.u32 s8, $0x400;
	s7 =	sadd.f32 s7, s13;
	p0 =	por !p0, !p0  }
0x239: {  	s31 =	sshrl.u32 s11, $0x4;
	s8 =	sadd.s32 $0xF, s8;
	s6 =	simm.s32 @!p0 $0x0  }
0x23a: {  	s9 =	sadd.f32 s7, s26;
	s6 =	ssub.s32 s31, s6;
	s7 =	sshrl.u32 s8, $0x4  }
0x23b: {  	p0 =	sle.s32 s7, s6  }
.Ltmp28:
0x23c: {  	_ = 	snop;
	(pc) =	sbr.rel @p0 .LBB2_56-.Ltmp28, $3  }
0x23d: {  	_ =	sdelay $0x1  }
0x23e: {  	vm0 =	veq.s32 v3, $0x6  }
0x23f: {  	v4 =	vsel vm0, s9, v4  }
0x240: {  	p0 =	sgt.s32 s7, s6;
	s8 =	smov.u32 s6  }
0x241: {  	s9 =	sadd.s32 $0x1, s6;
	s8 =	smov.u32 @p0 s7  }
0x242: {  	p1 =	slt.u32 s9, s8  }
.Ltmp29:
0x243: {  	_ = 	snop;
	(pc) =	sbr.rel @!p1 .LBB2_51-.Ltmp29, $3  }
0x244: {  	_ =	sdelay $0x1  }
0x245: {  	v2 =	vbroadcast v1, $0x7;
	s30 =	sshll.u32 s6, $0x6;
	s31 =	sshll.u32 s6, $0x4  }
0x246: {  	v3 =	vbroadcast v0, $0x7;
	v5 =	vimm.f32 $0.0e+00;
	v6 =	vlaneseq.u32;
	s7 =	sshra.s32 s30, $0x2;
	s6 =	sadd.s32 s31, s5;
	p0 =	por $0x0, $0x0  }
0x247: {  	s9 =	sadd.s32 $0x1, s9  }
0x248: {  	v7 =	vld [tilespmem:s7+$0x0];
	p1 =	slt.u32 s9, s8  }
.Ltmp30:
0x249: {  	_ = 	snop;
	(pc) =	sbr.rel @!p1 .LBB2_120-.Ltmp30, $4  }
0x24a: {  	v8 =	vor.u32 s6, v6  }
0x24b: {  	vm0 =	vge.s32 v8, v2;
	vm1 =	vlt.s32 v8, v3  }
0x24c: {  	vm0 =	vmand vm0, vm1  }
0x24d: {  	s7 =	sadd.s32 $0x10, s7;
	p0 =	por $0x1, $0x1;
	v8 =	vnsel vm0, $0x0, v7;
	v7 =	vimm.f32 $0.0e+00  }
0x24e: {  	s10 =	smov.u32 s6  }
.LBB2_54:
0x24f: {  	s9 =	sadd.s32 $0x1, s9  }
0x250: {  	v9 =	vld [tilespmem:s7+$0x0];
	v7 =	vadd.f32 v8, v7;
	s10 =	sadd.s32 $0x10, s10;
	p1 =	slt.u32 s9, s8  }
.Ltmp31:
0x251: {  	(pc) =	sbr.rel @p1 .LBB2_54-.Ltmp31, $4  }
0x252: {  	v8 =	vor.u32 s10, v6  }
0x253: {  	vm0 =	vge.s32 v8, v2;
	vm1 =	vlt.s32 v8, v3  }
0x254: {  	vm0 =	vmand vm0, vm1  }
0x255: {  	s7 =	sadd.s32 $0x10, s7;
	v8 =	vnsel vm0, $0x0, v9  }
.LBB2_55:
0x256: {  	v9 =	vld [tilespmem:s7+$0x0];
	s7 =	sadd.s32 @p0 $0x10, s10  }
0x257: {  	s6 =	smov.u32 @p0 s7  }
0x258: {  	v6 =	vor.u32 s6, v6  }
0x259: {  	v7 =	vadd.f32 @p0 v8, v7;
	vm0 =	vge.s32 v6, v2;
	vm1 =	vlt.s32 v6, v3  }
0x25a: {  	vm0 =	vmand vm0, vm1  }
0x25b: {  	v3 =	vpsel p0, v7, v5;
	v2 =	vnsel vm0, $0x0, v9  }
0x25c: {  	v2 =	vadd.f32 v2, v3  }
.LBB2_56:
0x25d: {  	_ = 	snop  }
0x25e: {  	(v2sf) =	vpush v2, $0x0  }
0x25f: {  	(v2sf) =	vpush v2, $0x1;
	_ =	sdelay $0x1  }
0x260: {  	(v2sf) =	vpush v2, $0x2;
	_ =	sdelay $0x1  }
0x261: {  	(v2sf) =	vpush v2, $0x3;
	_ =	sdelay $0x3  }
0x262: {  	(v2sf) =	vpush v2, $0x4  }
0x263: {  	(v2sf) =	vpush v2, $0x5  }
0x264: {  	(v2sf) =	vpush v2, $0x6  }
0x265: {  	(v2sf) =	vpush v2, $0x7  }
0x266: {  	(v2sf) =	vpush v2, $0x8  }
0x267: {  	(v2sf) =	vpush v2, $0x9  }
0x268: {  	s6 =	spop (v2sf);
	(v2sf) =	vpush v2, $0xA  }
0x269: {  	s7 =	spop (v2sf);
	(v2sf) =	vpush v2, $0xB  }
0x26a: {  	(v2sf) =	vpush v2, $0xC  }
0x26b: {  	s18 =	spop (v2sf);
	(v2sf) =	vpush v2, $0xD  }
0x26c: {  	(v2sf) =	vpush v2, $0xE  }
0x26d: {  	s19 =	spop (v2sf);
	(v2sf) =	vpush v2, $0xF  }
0x26e: {  	(v2sf) =	vpush v1, $0x8  }
0x26f: {  	s6 =	sadd.f32 s7, s6;
	_ =	sdelay $0x1  }
0x270: {  	s6 =	sadd.f32 s6, s18;
	s20 =	spop (v2sf)  }
0x271: {  	s21 =	spop (v2sf);
	(v2sf) =	vpush v0, $0x8  }
0x272: {  	s6 =	sadd.f32 s6, s19;
	s22 =	spop (v2sf)  }
0x273: {  	s8 =	spop (v2sf)  }
0x274: {  	s6 =	sadd.f32 s6, s20;
	s23 =	spop (v2sf)  }
0x275: {  	s9 =	spop (v2sf)  }
0x276: {  	s6 =	sadd.f32 s6, s21;
	s24 =	spop (v2sf)  }
0x277: {  	s10 =	spop (v2sf)  }
0x278: {  	s6 =	sadd.f32 s6, s22;
	s25 =	spop (v2sf)  }
0x279: {  	s11 =	spop (v2sf)  }
0x27a: {  	s6 =	sadd.f32 s6, s8;
	s26 =	spop (v2sf)  }
0x27b: {  	s12 =	spop (v2sf)  }
0x27c: {  	s6 =	sadd.f32 s6, s23;
	s28 =	spop (v2sf)  }
0x27d: {  	s8 =	ssub.s32 s28, s5  }
0x27e: {  	s6 =	sadd.f32 s6, s9;
	p0 =	sgt.s32 s8, $0x0  }
0x27f: {  	p1 =	slt.s32 s8, $0x1;
	s8 =	simm.s32 @!p0 $0x0  }
0x280: {  	s6 =	sadd.f32 s6, s24;
	s29 =	spop (v2sf);
	s8 =	smin.u32 s8, $0x400  }
0x281: {  	s7 =	ssub.s32 s29, s5;
	s30 =	sand.u32 $0xF, s8  }
0x282: {  	s6 =	sadd.f32 s6, s10;
	p2 =	sgt.s32 s7, $0x0;
	p6 =	sne.s32 s30, $0x0  }
0x283: {  	s9 =	simm.s32 $0x1;
	s7 =	simm.s32 @!p2 $0x0;
	p0 =	por !p1, !p6  }
0x284: {  	s6 =	sadd.f32 s6, s25;
	s7 =	smin.u32 s7, $0x400;
	p0 =	por !p0, !p0  }
0x285: {  	s8 =	sshrl.u32 s8, $0x4;
	s31 =	sadd.s32 $0xF, s7;
	s9 =	simm.s32 @!p0 $0x0  }
0x286: {  	s6 =	sadd.f32 s6, s11;
	s7 =	ssub.s32 s8, s9;
	s8 =	sshrl.u32 s31, $0x4  }
0x287: {  	p0 =	sle.s32 s8, s7  }
.Ltmp32:
0x288: {  	s6 =	sadd.f32 s6, s26;
	(pc) =	sbr.rel @p0 .LBB2_63-.Ltmp32, $4  }
0x289: {  	_ = 	snop  }
0x28a: {  	v3 =	vlaneseq.u32;
	s6 =	sadd.f32 s6, s12  }
0x28b: {  	vm0 =	veq.s32 v3, $0x7  }
0x28c: {  	v5 =	vimm.f32 $0.0e+00;
	v2 =	vimm.f32 $0.0e+00;
	v4 =	vsel vm0, s6, v4;
	s6 =	simm.s32 $0x1  }
0x28d: {  	p0 =	sgt.s32 s8, s7;
	s9 =	smov.u32 s7  }
0x28e: {  	s10 =	sadd.s32 $0x1, s7;
	s9 =	smov.u32 @p0 s8  }
0x28f: {  	p1 =	slt.u32 s10, s9  }
.Ltmp33:
0x290: {  	_ = 	snop;
	(pc) =	sbr.rel @!p1 .LBB2_58-.Ltmp33, $3  }
0x291: {  	_ =	sdelay $0x1  }
0x292: {  	s30 =	sshll.u32 s7, $0x6;
	s31 =	sshll.u32 s7, $0x4  }
0x293: {  	v5 =	vbroadcast v1, $0x8;
	v6 =	vbroadcast v0, $0x8;
	v7 =	vimm.f32 $0.0e+00;
	s8 =	sshra.s32 s30, $0x2;
	s7 =	sadd.s32 s31, s5;
	p0 =	por $0x0, $0x0  }
0x294: {  	s10 =	sadd.s32 $0x1, s10  }
0x295: {  	v8 =	vld [tilespmem:s8+$0x0];
	p1 =	slt.u32 s10, s9  }
.Ltmp34:
0x296: {  	_ = 	snop;
	(pc) =	sbr.rel @!p1 .LBB2_121-.Ltmp34, $4  }
0x297: {  	v9 =	vor.u32 s7, v3  }
0x298: {  	vm0 =	vge.s32 v9, v5;
	vm1 =	vlt.s32 v9, v6  }
0x299: {  	vm0 =	vmand vm0, vm1  }
0x29a: {  	s8 =	sadd.s32 $0x10, s8;
	p0 =	por $0x1, $0x1;
	v9 =	vnsel vm0, $0x0, v8;
	v8 =	vimm.f32 $0.0e+00  }
0x29b: {  	s11 =	smov.u32 s7  }
.LBB2_61:
0x29c: {  	s10 =	sadd.s32 $0x1, s10  }
0x29d: {  	v10 =	vld [tilespmem:s8+$0x0];
	v8 =	vadd.f32 v9, v8;
	s11 =	sadd.s32 $0x10, s11;
	p1 =	slt.u32 s10, s9  }
.Ltmp35:
0x29e: {  	(pc) =	sbr.rel @p1 .LBB2_61-.Ltmp35, $4  }
0x29f: {  	v9 =	vor.u32 s11, v3  }
0x2a0: {  	vm0 =	vge.s32 v9, v5;
	vm1 =	vlt.s32 v9, v6  }
0x2a1: {  	vm0 =	vmand vm0, vm1  }
0x2a2: {  	s8 =	sadd.s32 $0x10, s8;
	v9 =	vnsel vm0, $0x0, v10  }
.LBB2_62:
0x2a3: {  	v10 =	vld [tilespmem:s8+$0x0];
	s8 =	sadd.s32 @p0 $0x10, s11  }
0x2a4: {  	s7 =	smov.u32 @p0 s8  }
0x2a5: {  	v11 =	vor.u32 s7, v3  }
0x2a6: {  	v8 =	vadd.f32 @p0 v9, v8;
	vm0 =	vge.s32 v11, v5;
	vm1 =	vlt.s32 v11, v6  }
0x2a7: {  	vm0 =	vmand vm0, vm1  }
0x2a8: {  	v6 =	vpsel p0, v8, v7;
	v5 =	vnsel vm0, $0x0, v10  }
0x2a9: {  	v5 =	vadd.f32 v5, v6  }
.LBB2_63:
0x2aa: {  	_ = 	snop  }
0x2ab: {  	(v2sf) =	vpush v5, $0x0  }
0x2ac: {  	(v2sf) =	vpush v5, $0x1;
	_ =	sdelay $0x1  }
0x2ad: {  	(v2sf) =	vpush v5, $0x2;
	_ =	sdelay $0x1  }
0x2ae: {  	(v2sf) =	vpush v5, $0x3;
	_ =	sdelay $0x1  }
0x2af: {  	(v2sf) =	vpush v5, $0x4;
	_ =	sdelay $0x1  }
0x2b0: {  	(v2sf) =	vpush v5, $0x5  }
0x2b1: {  	(v2sf) =	vpush v5, $0x6  }
0x2b2: {  	(v2sf) =	vpush v5, $0x7  }
0x2b3: {  	(v2sf) =	vpush v5, $0x8  }
0x2b4: {  	(v2sf) =	vpush v5, $0x9  }
0x2b5: {  	(v2sf) =	vpush v5, $0xA  }
0x2b6: {  	s7 =	spop (v2sf);
	(v2sf) =	vpush v5, $0xB  }
0x2b7: {  	s8 =	spop (v2sf);
	(v2sf) =	vpush v5, $0xC  }
0x2b8: {  	s7 =	sadd.f32 s8, s7;
	(v2sf) =	vpush v5, $0xD  }
0x2b9: {  	s18 =	spop (v2sf);
	(v2sf) =	vpush v5, $0xE  }
0x2ba: {  	s7 =	sadd.f32 s7, s18;
	(v2sf) =	vpush v5, $0xF  }
0x2bb: {  	s19 =	spop (v2sf);
	(v2sf) =	vpush v1, $0x9  }
0x2bc: {  	s7 =	sadd.f32 s7, s19  }
0x2bd: {  	s20 =	spop (v2sf)  }
0x2be: {  	s7 =	sadd.f32 s7, s20  }
0x2bf: {  	s21 =	spop (v2sf);
	(v2sf) =	vpush v0, $0x9  }
0x2c0: {  	s9 =	spop (v2sf);
	s7 =	sadd.f32 s7, s21  }
0x2c1: {  	s22 =	spop (v2sf)  }
0x2c2: {  	s10 =	spop (v2sf);
	s7 =	sadd.f32 s7, s9  }
0x2c3: {  	s23 =	spop (v2sf)  }
0x2c4: {  	s11 =	spop (v2sf);
	s7 =	sadd.f32 s7, s22  }
0x2c5: {  	s24 =	spop (v2sf)  }
0x2c6: {  	s12 =	spop (v2sf);
	s7 =	sadd.f32 s7, s10  }
0x2c7: {  	s25 =	spop (v2sf)  }
0x2c8: {  	s13 =	spop (v2sf);
	s7 =	sadd.f32 s7, s23  }
0x2c9: {  	s26 =	spop (v2sf)  }
0x2ca: {  	s7 =	sadd.f32 s7, s11;
	s28 =	spop (v2sf)  }
0x2cb: {  	s11 =	ssub.s32 s28, s5  }
0x2cc: {  	s7 =	sadd.f32 s7, s24;
	p0 =	sgt.s32 s11, $0x0  }
0x2cd: {  	p1 =	slt.s32 s11, $0x1;
	s11 =	simm.s32 @!p0 $0x0  }
0x2ce: {  	s29 =	spop (v2sf);
	s7 =	sadd.f32 s7, s12;
	s11 =	smin.u32 s11, $0x400  }
0x2cf: {  	s8 =	ssub.s32 s29, s5;
	s30 =	sand.u32 $0xF, s11  }
0x2d0: {  	p2 =	sgt.s32 s8, $0x0;
	s7 =	sadd.f32 s7, s25;
	p6 =	sne.s32 s30, $0x0  }
0x2d1: {  	s8 =	simm.s32 @!p2 $0x0;
	p0 =	por !p1, !p6  }
0x2d2: {  	s8 =	smin.u32 s8, $0x400;
	s7 =	sadd.f32 s7, s13;
	p0 =	por !p0, !p0  }
0x2d3: {  	s31 =	sshrl.u32 s11, $0x4;
	s8 =	sadd.s32 $0xF, s8;
	s6 =	simm.s32 @!p0 $0x0  }
0x2d4: {  	s9 =	sadd.f32 s7, s26;
	s6 =	ssub.s32 s31, s6;
	s7 =	sshrl.u32 s8, $0x4  }
0x2d5: {  	p0 =	sle.s32 s7, s6  }
.Ltmp36:
0x2d6: {  	_ = 	snop;
	(pc) =	sbr.rel @p0 .LBB2_70-.Ltmp36, $3  }
0x2d7: {  	_ =	sdelay $0x1  }
0x2d8: {  	vm0 =	veq.s32 v3, $0x8  }
0x2d9: {  	v4 =	vsel vm0, s9, v4  }
0x2da: {  	p0 =	sgt.s32 s7, s6;
	s8 =	smov.u32 s6  }
0x2db: {  	s9 =	sadd.s32 $0x1, s6;
	s8 =	smov.u32 @p0 s7  }
0x2dc: {  	p1 =	slt.u32 s9, s8  }
.Ltmp37:
0x2dd: {  	_ = 	snop;
	(pc) =	sbr.rel @!p1 .LBB2_65-.Ltmp37, $3  }
0x2de: {  	_ =	sdelay $0x1  }
0x2df: {  	v2 =	vbroadcast v1, $0x9;
	s30 =	sshll.u32 s6, $0x6;
	s31 =	sshll.u32 s6, $0x4  }
0x2e0: {  	v3 =	vbroadcast v0, $0x9;
	v5 =	vimm.f32 $0.0e+00;
	v6 =	vlaneseq.u32;
	s7 =	sshra.s32 s30, $0x2;
	s6 =	sadd.s32 s31, s5;
	p0 =	por $0x0, $0x0  }
0x2e1: {  	s9 =	sadd.s32 $0x1, s9  }
0x2e2: {  	v7 =	vld [tilespmem:s7+$0x0];
	p1 =	slt.u32 s9, s8  }
.Ltmp38:
0x2e3: {  	_ = 	snop;
	(pc) =	sbr.rel @!p1 .LBB2_122-.Ltmp38, $4  }
0x2e4: {  	v8 =	vor.u32 s6, v6  }
0x2e5: {  	vm0 =	vge.s32 v8, v2;
	vm1 =	vlt.s32 v8, v3  }
0x2e6: {  	vm0 =	vmand vm0, vm1  }
0x2e7: {  	s7 =	sadd.s32 $0x10, s7;
	p0 =	por $0x1, $0x1;
	v8 =	vnsel vm0, $0x0, v7;
	v7 =	vimm.f32 $0.0e+00  }
0x2e8: {  	s10 =	smov.u32 s6  }
.LBB2_68:
0x2e9: {  	s9 =	sadd.s32 $0x1, s9  }
0x2ea: {  	v9 =	vld [tilespmem:s7+$0x0];
	v7 =	vadd.f32 v8, v7;
	s10 =	sadd.s32 $0x10, s10;
	p1 =	slt.u32 s9, s8  }
.Ltmp39:
0x2eb: {  	(pc) =	sbr.rel @p1 .LBB2_68-.Ltmp39, $4  }
0x2ec: {  	v8 =	vor.u32 s10, v6  }
0x2ed: {  	vm0 =	vge.s32 v8, v2;
	vm1 =	vlt.s32 v8, v3  }
0x2ee: {  	vm0 =	vmand vm0, vm1  }
0x2ef: {  	s7 =	sadd.s32 $0x10, s7;
	v8 =	vnsel vm0, $0x0, v9  }
.LBB2_69:
0x2f0: {  	v9 =	vld [tilespmem:s7+$0x0];
	s7 =	sadd.s32 @p0 $0x10, s10  }
0x2f1: {  	s6 =	smov.u32 @p0 s7  }
0x2f2: {  	v6 =	vor.u32 s6, v6  }
0x2f3: {  	v7 =	vadd.f32 @p0 v8, v7;
	vm0 =	vge.s32 v6, v2;
	vm1 =	vlt.s32 v6, v3  }
0x2f4: {  	vm0 =	vmand vm0, vm1  }
0x2f5: {  	v3 =	vpsel p0, v7, v5;
	v2 =	vnsel vm0, $0x0, v9  }
0x2f6: {  	v2 =	vadd.f32 v2, v3  }
.LBB2_70:
0x2f7: {  	_ = 	snop  }
0x2f8: {  	(v2sf) =	vpush v2, $0x0  }
0x2f9: {  	(v2sf) =	vpush v2, $0x1;
	_ =	sdelay $0x1  }
0x2fa: {  	(v2sf) =	vpush v2, $0x2;
	_ =	sdelay $0x1  }
0x2fb: {  	(v2sf) =	vpush v2, $0x3;
	_ =	sdelay $0x3  }
0x2fc: {  	(v2sf) =	vpush v2, $0x4  }
0x2fd: {  	(v2sf) =	vpush v2, $0x5  }
0x2fe: {  	(v2sf) =	vpush v2, $0x6  }
0x2ff: {  	(v2sf) =	vpush v2, $0x7  }
0x300: {  	(v2sf) =	vpush v2, $0x8  }
0x301: {  	(v2sf) =	vpush v2, $0x9  }
0x302: {  	s6 =	spop (v2sf);
	(v2sf) =	vpush v2, $0xA  }
0x303: {  	s7 =	spop (v2sf);
	(v2sf) =	vpush v2, $0xB  }
0x304: {  	(v2sf) =	vpush v2, $0xC  }
0x305: {  	s18 =	spop (v2sf);
	(v2sf) =	vpush v2, $0xD  }
0x306: {  	(v2sf) =	vpush v2, $0xE  }
0x307: {  	s19 =	spop (v2sf);
	(v2sf) =	vpush v2, $0xF  }
0x308: {  	(v2sf) =	vpush v1, $0xA  }
0x309: {  	s6 =	sadd.f32 s7, s6;
	_ =	sdelay $0x1  }
0x30a: {  	s6 =	sadd.f32 s6, s18;
	s20 =	spop (v2sf)  }
0x30b: {  	s21 =	spop (v2sf);
	(v2sf) =	vpush v0, $0xA  }
0x30c: {  	s6 =	sadd.f32 s6, s19;
	s22 =	spop (v2sf)  }
0x30d: {  	s8 =	spop (v2sf)  }
0x30e: {  	s6 =	sadd.f32 s6, s20;
	s23 =	spop (v2sf)  }
0x30f: {  	s9 =	spop (v2sf)  }
0x310: {  	s6 =	sadd.f32 s6, s21;
	s24 =	spop (v2sf)  }
0x311: {  	s10 =	spop (v2sf)  }
0x312: {  	s6 =	sadd.f32 s6, s22;
	s25 =	spop (v2sf)  }
0x313: {  	s11 =	spop (v2sf)  }
0x314: {  	s6 =	sadd.f32 s6, s8;
	s26 =	spop (v2sf)  }
0x315: {  	s12 =	spop (v2sf)  }
0x316: {  	s6 =	sadd.f32 s6, s23;
	s28 =	spop (v2sf)  }
0x317: {  	s8 =	ssub.s32 s28, s5  }
0x318: {  	s6 =	sadd.f32 s6, s9;
	p0 =	sgt.s32 s8, $0x0  }
0x319: {  	p1 =	slt.s32 s8, $0x1;
	s8 =	simm.s32 @!p0 $0x0  }
0x31a: {  	s6 =	sadd.f32 s6, s24;
	s29 =	spop (v2sf);
	s8 =	smin.u32 s8, $0x400  }
0x31b: {  	s7 =	ssub.s32 s29, s5;
	s30 =	sand.u32 $0xF, s8  }
0x31c: {  	s6 =	sadd.f32 s6, s10;
	p2 =	sgt.s32 s7, $0x0;
	p6 =	sne.s32 s30, $0x0  }
0x31d: {  	s9 =	simm.s32 $0x1;
	s7 =	simm.s32 @!p2 $0x0;
	p0 =	por !p1, !p6  }
0x31e: {  	s6 =	sadd.f32 s6, s25;
	s7 =	smin.u32 s7, $0x400;
	p0 =	por !p0, !p0  }
0x31f: {  	s8 =	sshrl.u32 s8, $0x4;
	s31 =	sadd.s32 $0xF, s7;
	s9 =	simm.s32 @!p0 $0x0  }
0x320: {  	s6 =	sadd.f32 s6, s11;
	s7 =	ssub.s32 s8, s9;
	s8 =	sshrl.u32 s31, $0x4  }
0x321: {  	p0 =	sle.s32 s8, s7  }
.Ltmp40:
0x322: {  	s6 =	sadd.f32 s6, s26;
	(pc) =	sbr.rel @p0 .LBB2_77-.Ltmp40, $4  }
0x323: {  	_ = 	snop  }
0x324: {  	v3 =	vlaneseq.u32;
	s6 =	sadd.f32 s6, s12  }
0x325: {  	vm0 =	veq.s32 v3, $0x9  }
0x326: {  	v5 =	vimm.f32 $0.0e+00;
	v2 =	vimm.f32 $0.0e+00;
	v4 =	vsel vm0, s6, v4;
	s6 =	simm.s32 $0x1  }
0x327: {  	p0 =	sgt.s32 s8, s7;
	s9 =	smov.u32 s7  }
0x328: {  	s10 =	sadd.s32 $0x1, s7;
	s9 =	smov.u32 @p0 s8  }
0x329: {  	p1 =	slt.u32 s10, s9  }
.Ltmp41:
0x32a: {  	_ = 	snop;
	(pc) =	sbr.rel @!p1 .LBB2_72-.Ltmp41, $3  }
0x32b: {  	_ =	sdelay $0x1  }
0x32c: {  	s30 =	sshll.u32 s7, $0x6;
	s31 =	sshll.u32 s7, $0x4  }
0x32d: {  	v5 =	vbroadcast v1, $0xA;
	v6 =	vbroadcast v0, $0xA;
	v7 =	vimm.f32 $0.0e+00;
	s8 =	sshra.s32 s30, $0x2;
	s7 =	sadd.s32 s31, s5;
	p0 =	por $0x0, $0x0  }
0x32e: {  	s10 =	sadd.s32 $0x1, s10  }
0x32f: {  	v8 =	vld [tilespmem:s8+$0x0];
	p1 =	slt.u32 s10, s9  }
.Ltmp42:
0x330: {  	_ = 	snop;
	(pc) =	sbr.rel @!p1 .LBB2_123-.Ltmp42, $4  }
0x331: {  	v9 =	vor.u32 s7, v3  }
0x332: {  	vm0 =	vge.s32 v9, v5;
	vm1 =	vlt.s32 v9, v6  }
0x333: {  	vm0 =	vmand vm0, vm1  }
0x334: {  	s8 =	sadd.s32 $0x10, s8;
	p0 =	por $0x1, $0x1;
	v9 =	vnsel vm0, $0x0, v8;
	v8 =	vimm.f32 $0.0e+00  }
0x335: {  	s11 =	smov.u32 s7  }
.LBB2_75:
0x336: {  	s10 =	sadd.s32 $0x1, s10  }
0x337: {  	v10 =	vld [tilespmem:s8+$0x0];
	v8 =	vadd.f32 v9, v8;
	s11 =	sadd.s32 $0x10, s11;
	p1 =	slt.u32 s10, s9  }
.Ltmp43:
0x338: {  	(pc) =	sbr.rel @p1 .LBB2_75-.Ltmp43, $4  }
0x339: {  	v9 =	vor.u32 s11, v3  }
0x33a: {  	vm0 =	vge.s32 v9, v5;
	vm1 =	vlt.s32 v9, v6  }
0x33b: {  	vm0 =	vmand vm0, vm1  }
0x33c: {  	s8 =	sadd.s32 $0x10, s8;
	v9 =	vnsel vm0, $0x0, v10  }
.LBB2_76:
0x33d: {  	v10 =	vld [tilespmem:s8+$0x0];
	s8 =	sadd.s32 @p0 $0x10, s11  }
0x33e: {  	s7 =	smov.u32 @p0 s8  }
0x33f: {  	v11 =	vor.u32 s7, v3  }
0x340: {  	v8 =	vadd.f32 @p0 v9, v8;
	vm0 =	vge.s32 v11, v5;
	vm1 =	vlt.s32 v11, v6  }
0x341: {  	vm0 =	vmand vm0, vm1  }
0x342: {  	v6 =	vpsel p0, v8, v7;
	v5 =	vnsel vm0, $0x0, v10  }
0x343: {  	v5 =	vadd.f32 v5, v6  }
.LBB2_77:
0x344: {  	_ = 	snop  }
0x345: {  	(v2sf) =	vpush v5, $0x0  }
0x346: {  	(v2sf) =	vpush v5, $0x1;
	_ =	sdelay $0x1  }
0x347: {  	(v2sf) =	vpush v5, $0x2;
	_ =	sdelay $0x1  }
0x348: {  	(v2sf) =	vpush v5, $0x3;
	_ =	sdelay $0x1  }
0x349: {  	(v2sf) =	vpush v5, $0x4;
	_ =	sdelay $0x1  }
0x34a: {  	(v2sf) =	vpush v5, $0x5  }
0x34b: {  	(v2sf) =	vpush v5, $0x6  }
0x34c: {  	(v2sf) =	vpush v5, $0x7  }
0x34d: {  	(v2sf) =	vpush v5, $0x8  }
0x34e: {  	(v2sf) =	vpush v5, $0x9  }
0x34f: {  	(v2sf) =	vpush v5, $0xA  }
0x350: {  	s7 =	spop (v2sf);
	(v2sf) =	vpush v5, $0xB  }
0x351: {  	s8 =	spop (v2sf);
	(v2sf) =	vpush v5, $0xC  }
0x352: {  	s7 =	sadd.f32 s8, s7;
	(v2sf) =	vpush v5, $0xD  }
0x353: {  	s18 =	spop (v2sf);
	(v2sf) =	vpush v5, $0xE  }
0x354: {  	s7 =	sadd.f32 s7, s18;
	(v2sf) =	vpush v5, $0xF  }
0x355: {  	s19 =	spop (v2sf);
	(v2sf) =	vpush v1, $0xB  }
0x356: {  	s7 =	sadd.f32 s7, s19  }
0x357: {  	s20 =	spop (v2sf)  }
0x358: {  	s7 =	sadd.f32 s7, s20  }
0x359: {  	s21 =	spop (v2sf);
	(v2sf) =	vpush v0, $0xB  }
0x35a: {  	s9 =	spop (v2sf);
	s7 =	sadd.f32 s7, s21  }
0x35b: {  	s22 =	spop (v2sf)  }
0x35c: {  	s10 =	spop (v2sf);
	s7 =	sadd.f32 s7, s9  }
0x35d: {  	s23 =	spop (v2sf)  }
0x35e: {  	s11 =	spop (v2sf);
	s7 =	sadd.f32 s7, s22  }
0x35f: {  	s24 =	spop (v2sf)  }
0x360: {  	s12 =	spop (v2sf);
	s7 =	sadd.f32 s7, s10  }
0x361: {  	s25 =	spop (v2sf)  }
0x362: {  	s13 =	spop (v2sf);
	s7 =	sadd.f32 s7, s23  }
0x363: {  	s26 =	spop (v2sf)  }
0x364: {  	s7 =	sadd.f32 s7, s11;
	s28 =	spop (v2sf)  }
0x365: {  	s11 =	ssub.s32 s28, s5  }
0x366: {  	s7 =	sadd.f32 s7, s24;
	p0 =	sgt.s32 s11, $0x0  }
0x367: {  	p1 =	slt.s32 s11, $0x1;
	s11 =	simm.s32 @!p0 $0x0  }
0x368: {  	s29 =	spop (v2sf);
	s7 =	sadd.f32 s7, s12;
	s11 =	smin.u32 s11, $0x400  }
0x369: {  	s8 =	ssub.s32 s29, s5;
	s30 =	sand.u32 $0xF, s11  }
0x36a: {  	p2 =	sgt.s32 s8, $0x0;
	s7 =	sadd.f32 s7, s25;
	p6 =	sne.s32 s30, $0x0  }
0x36b: {  	s8 =	simm.s32 @!p2 $0x0;
	p0 =	por !p1, !p6  }
0x36c: {  	s8 =	smin.u32 s8, $0x400;
	s7 =	sadd.f32 s7, s13;
	p0 =	por !p0, !p0  }
0x36d: {  	s31 =	sshrl.u32 s11, $0x4;
	s8 =	sadd.s32 $0xF, s8;
	s6 =	simm.s32 @!p0 $0x0  }
0x36e: {  	s9 =	sadd.f32 s7, s26;
	s6 =	ssub.s32 s31, s6;
	s7 =	sshrl.u32 s8, $0x4  }
0x36f: {  	p0 =	sle.s32 s7, s6  }
.Ltmp44:
0x370: {  	_ = 	snop;
	(pc) =	sbr.rel @p0 .LBB2_84-.Ltmp44, $3  }
0x371: {  	_ =	sdelay $0x1  }
0x372: {  	vm0 =	veq.s32 v3, $0xA  }
0x373: {  	v4 =	vsel vm0, s9, v4  }
0x374: {  	p0 =	sgt.s32 s7, s6;
	s8 =	smov.u32 s6  }
0x375: {  	s9 =	sadd.s32 $0x1, s6;
	s8 =	smov.u32 @p0 s7  }
0x376: {  	p1 =	slt.u32 s9, s8  }
.Ltmp45:
0x377: {  	_ = 	snop;
	(pc) =	sbr.rel @!p1 .LBB2_79-.Ltmp45, $3  }
0x378: {  	_ =	sdelay $0x1  }
0x379: {  	v2 =	vbroadcast v1, $0xB;
	s30 =	sshll.u32 s6, $0x6;
	s31 =	sshll.u32 s6, $0x4  }
0x37a: {  	v3 =	vbroadcast v0, $0xB;
	v5 =	vimm.f32 $0.0e+00;
	v6 =	vlaneseq.u32;
	s7 =	sshra.s32 s30, $0x2;
	s6 =	sadd.s32 s31, s5;
	p0 =	por $0x0, $0x0  }
0x37b: {  	s9 =	sadd.s32 $0x1, s9  }
0x37c: {  	v7 =	vld [tilespmem:s7+$0x0];
	p1 =	slt.u32 s9, s8  }
.Ltmp46:
0x37d: {  	_ = 	snop;
	(pc) =	sbr.rel @!p1 .LBB2_124-.Ltmp46, $4  }
0x37e: {  	v8 =	vor.u32 s6, v6  }
0x37f: {  	vm0 =	vge.s32 v8, v2;
	vm1 =	vlt.s32 v8, v3  }
0x380: {  	vm0 =	vmand vm0, vm1  }
0x381: {  	s7 =	sadd.s32 $0x10, s7;
	p0 =	por $0x1, $0x1;
	v8 =	vnsel vm0, $0x0, v7;
	v7 =	vimm.f32 $0.0e+00  }
0x382: {  	s10 =	smov.u32 s6  }
.LBB2_82:
0x383: {  	s9 =	sadd.s32 $0x1, s9  }
0x384: {  	v9 =	vld [tilespmem:s7+$0x0];
	v7 =	vadd.f32 v8, v7;
	s10 =	sadd.s32 $0x10, s10;
	p1 =	slt.u32 s9, s8  }
.Ltmp47:
0x385: {  	(pc) =	sbr.rel @p1 .LBB2_82-.Ltmp47, $4  }
0x386: {  	v8 =	vor.u32 s10, v6  }
0x387: {  	vm0 =	vge.s32 v8, v2;
	vm1 =	vlt.s32 v8, v3  }
0x388: {  	vm0 =	vmand vm0, vm1  }
0x389: {  	s7 =	sadd.s32 $0x10, s7;
	v8 =	vnsel vm0, $0x0, v9  }
.LBB2_83:
0x38a: {  	v9 =	vld [tilespmem:s7+$0x0];
	s7 =	sadd.s32 @p0 $0x10, s10  }
0x38b: {  	s6 =	smov.u32 @p0 s7  }
0x38c: {  	v6 =	vor.u32 s6, v6  }
0x38d: {  	v7 =	vadd.f32 @p0 v8, v7;
	vm0 =	vge.s32 v6, v2;
	vm1 =	vlt.s32 v6, v3  }
0x38e: {  	vm0 =	vmand vm0, vm1  }
0x38f: {  	v3 =	vpsel p0, v7, v5;
	v2 =	vnsel vm0, $0x0, v9  }
0x390: {  	v2 =	vadd.f32 v2, v3  }
.LBB2_84:
0x391: {  	_ = 	snop  }
0x392: {  	(v2sf) =	vpush v2, $0x0  }
0x393: {  	(v2sf) =	vpush v2, $0x1;
	_ =	sdelay $0x1  }
0x394: {  	(v2sf) =	vpush v2, $0x2;
	_ =	sdelay $0x1  }
0x395: {  	(v2sf) =	vpush v2, $0x3;
	_ =	sdelay $0x3  }
0x396: {  	(v2sf) =	vpush v2, $0x4  }
0x397: {  	(v2sf) =	vpush v2, $0x5  }
0x398: {  	(v2sf) =	vpush v2, $0x6  }
0x399: {  	(v2sf) =	vpush v2, $0x7  }
0x39a: {  	(v2sf) =	vpush v2, $0x8  }
0x39b: {  	(v2sf) =	vpush v2, $0x9  }
0x39c: {  	s6 =	spop (v2sf);
	(v2sf) =	vpush v2, $0xA  }
0x39d: {  	s7 =	spop (v2sf);
	(v2sf) =	vpush v2, $0xB  }
0x39e: {  	(v2sf) =	vpush v2, $0xC  }
0x39f: {  	s18 =	spop (v2sf);
	(v2sf) =	vpush v2, $0xD  }
0x3a0: {  	(v2sf) =	vpush v2, $0xE  }
0x3a1: {  	s19 =	spop (v2sf);
	(v2sf) =	vpush v2, $0xF  }
0x3a2: {  	(v2sf) =	vpush v1, $0xC  }
0x3a3: {  	s6 =	sadd.f32 s7, s6;
	_ =	sdelay $0x1  }
0x3a4: {  	s6 =	sadd.f32 s6, s18;
	s20 =	spop (v2sf)  }
0x3a5: {  	s21 =	spop (v2sf);
	(v2sf) =	vpush v0, $0xC  }
0x3a6: {  	s6 =	sadd.f32 s6, s19;
	s22 =	spop (v2sf)  }
0x3a7: {  	s8 =	spop (v2sf)  }
0x3a8: {  	s6 =	sadd.f32 s6, s20;
	s23 =	spop (v2sf)  }
0x3a9: {  	s9 =	spop (v2sf)  }
0x3aa: {  	s6 =	sadd.f32 s6, s21;
	s24 =	spop (v2sf)  }
0x3ab: {  	s10 =	spop (v2sf)  }
0x3ac: {  	s6 =	sadd.f32 s6, s22;
	s25 =	spop (v2sf)  }
0x3ad: {  	s11 =	spop (v2sf)  }
0x3ae: {  	s6 =	sadd.f32 s6, s8;
	s26 =	spop (v2sf)  }
0x3af: {  	s12 =	spop (v2sf)  }
0x3b0: {  	s6 =	sadd.f32 s6, s23;
	s28 =	spop (v2sf)  }
0x3b1: {  	s8 =	ssub.s32 s28, s5  }
0x3b2: {  	s6 =	sadd.f32 s6, s9;
	p0 =	sgt.s32 s8, $0x0  }
0x3b3: {  	p1 =	slt.s32 s8, $0x1;
	s8 =	simm.s32 @!p0 $0x0  }
0x3b4: {  	s6 =	sadd.f32 s6, s24;
	s29 =	spop (v2sf);
	s8 =	smin.u32 s8, $0x400  }
0x3b5: {  	s7 =	ssub.s32 s29, s5;
	s30 =	sand.u32 $0xF, s8  }
0x3b6: {  	s6 =	sadd.f32 s6, s10;
	p2 =	sgt.s32 s7, $0x0;
	p6 =	sne.s32 s30, $0x0  }
0x3b7: {  	s9 =	simm.s32 $0x1;
	s7 =	simm.s32 @!p2 $0x0;
	p0 =	por !p1, !p6  }
0x3b8: {  	s6 =	sadd.f32 s6, s25;
	s7 =	smin.u32 s7, $0x400;
	p0 =	por !p0, !p0  }
0x3b9: {  	s8 =	sshrl.u32 s8, $0x4;
	s31 =	sadd.s32 $0xF, s7;
	s9 =	simm.s32 @!p0 $0x0  }
0x3ba: {  	s6 =	sadd.f32 s6, s11;
	s7 =	ssub.s32 s8, s9;
	s8 =	sshrl.u32 s31, $0x4  }
0x3bb: {  	p0 =	sle.s32 s8, s7  }
.Ltmp48:
0x3bc: {  	s6 =	sadd.f32 s6, s26;
	(pc) =	sbr.rel @p0 .LBB2_91-.Ltmp48, $4  }
0x3bd: {  	_ = 	snop  }
0x3be: {  	v3 =	vlaneseq.u32;
	s6 =	sadd.f32 s6, s12  }
0x3bf: {  	vm0 =	veq.s32 v3, $0xB  }
0x3c0: {  	v5 =	vimm.f32 $0.0e+00;
	v2 =	vimm.f32 $0.0e+00;
	v4 =	vsel vm0, s6, v4;
	s6 =	simm.s32 $0x1  }
0x3c1: {  	p0 =	sgt.s32 s8, s7;
	s9 =	smov.u32 s7  }
0x3c2: {  	s10 =	sadd.s32 $0x1, s7;
	s9 =	smov.u32 @p0 s8  }
0x3c3: {  	p1 =	slt.u32 s10, s9  }
.Ltmp49:
0x3c4: {  	_ = 	snop;
	(pc) =	sbr.rel @!p1 .LBB2_86-.Ltmp49, $3  }
0x3c5: {  	_ =	sdelay $0x1  }
0x3c6: {  	s30 =	sshll.u32 s7, $0x6;
	s31 =	sshll.u32 s7, $0x4  }
0x3c7: {  	v5 =	vbroadcast v1, $0xC;
	v6 =	vbroadcast v0, $0xC;
	v7 =	vimm.f32 $0.0e+00;
	s8 =	sshra.s32 s30, $0x2;
	s7 =	sadd.s32 s31, s5;
	p0 =	por $0x0, $0x0  }
0x3c8: {  	s10 =	sadd.s32 $0x1, s10  }
0x3c9: {  	v8 =	vld [tilespmem:s8+$0x0];
	p1 =	slt.u32 s10, s9  }
.Ltmp50:
0x3ca: {  	_ = 	snop;
	(pc) =	sbr.rel @!p1 .LBB2_125-.Ltmp50, $4  }
0x3cb: {  	v9 =	vor.u32 s7, v3  }
0x3cc: {  	vm0 =	vge.s32 v9, v5;
	vm1 =	vlt.s32 v9, v6  }
0x3cd: {  	vm0 =	vmand vm0, vm1  }
0x3ce: {  	s8 =	sadd.s32 $0x10, s8;
	p0 =	por $0x1, $0x1;
	v9 =	vnsel vm0, $0x0, v8;
	v8 =	vimm.f32 $0.0e+00  }
0x3cf: {  	s11 =	smov.u32 s7  }
.LBB2_89:
0x3d0: {  	s10 =	sadd.s32 $0x1, s10  }
0x3d1: {  	v10 =	vld [tilespmem:s8+$0x0];
	v8 =	vadd.f32 v9, v8;
	s11 =	sadd.s32 $0x10, s11;
	p1 =	slt.u32 s10, s9  }
.Ltmp51:
0x3d2: {  	(pc) =	sbr.rel @p1 .LBB2_89-.Ltmp51, $4  }
0x3d3: {  	v9 =	vor.u32 s11, v3  }
0x3d4: {  	vm0 =	vge.s32 v9, v5;
	vm1 =	vlt.s32 v9, v6  }
0x3d5: {  	vm0 =	vmand vm0, vm1  }
0x3d6: {  	s8 =	sadd.s32 $0x10, s8;
	v9 =	vnsel vm0, $0x0, v10  }
.LBB2_90:
0x3d7: {  	v10 =	vld [tilespmem:s8+$0x0];
	s8 =	sadd.s32 @p0 $0x10, s11  }
0x3d8: {  	s7 =	smov.u32 @p0 s8  }
0x3d9: {  	v11 =	vor.u32 s7, v3  }
0x3da: {  	v8 =	vadd.f32 @p0 v9, v8;
	vm0 =	vge.s32 v11, v5;
	vm1 =	vlt.s32 v11, v6  }
0x3db: {  	vm0 =	vmand vm0, vm1  }
0x3dc: {  	v6 =	vpsel p0, v8, v7;
	v5 =	vnsel vm0, $0x0, v10  }
0x3dd: {  	v5 =	vadd.f32 v5, v6  }
.LBB2_91:
0x3de: {  	_ = 	snop  }
0x3df: {  	(v2sf) =	vpush v5, $0x0  }
0x3e0: {  	(v2sf) =	vpush v5, $0x1;
	_ =	sdelay $0x1  }
0x3e1: {  	(v2sf) =	vpush v5, $0x2;
	_ =	sdelay $0x1  }
0x3e2: {  	(v2sf) =	vpush v5, $0x3;
	_ =	sdelay $0x1  }
0x3e3: {  	(v2sf) =	vpush v5, $0x4;
	_ =	sdelay $0x1  }
0x3e4: {  	(v2sf) =	vpush v5, $0x5  }
0x3e5: {  	(v2sf) =	vpush v5, $0x6  }
0x3e6: {  	(v2sf) =	vpush v5, $0x7  }
0x3e7: {  	(v2sf) =	vpush v5, $0x8  }
0x3e8: {  	(v2sf) =	vpush v5, $0x9  }
0x3e9: {  	(v2sf) =	vpush v5, $0xA  }
0x3ea: {  	s7 =	spop (v2sf);
	(v2sf) =	vpush v5, $0xB  }
0x3eb: {  	s8 =	spop (v2sf);
	(v2sf) =	vpush v5, $0xC  }
0x3ec: {  	s7 =	sadd.f32 s8, s7;
	(v2sf) =	vpush v5, $0xD  }
0x3ed: {  	s18 =	spop (v2sf);
	(v2sf) =	vpush v5, $0xE  }
0x3ee: {  	s7 =	sadd.f32 s7, s18;
	(v2sf) =	vpush v5, $0xF  }
0x3ef: {  	s19 =	spop (v2sf);
	(v2sf) =	vpush v1, $0xD  }
0x3f0: {  	s7 =	sadd.f32 s7, s19  }
0x3f1: {  	s20 =	spop (v2sf)  }
0x3f2: {  	s7 =	sadd.f32 s7, s20  }
0x3f3: {  	s21 =	spop (v2sf);
	(v2sf) =	vpush v0, $0xD  }
0x3f4: {  	s9 =	spop (v2sf);
	s7 =	sadd.f32 s7, s21  }
0x3f5: {  	s22 =	spop (v2sf)  }
0x3f6: {  	s10 =	spop (v2sf);
	s7 =	sadd.f32 s7, s9  }
0x3f7: {  	s23 =	spop (v2sf)  }
0x3f8: {  	s11 =	spop (v2sf);
	s7 =	sadd.f32 s7, s22  }
0x3f9: {  	s24 =	spop (v2sf)  }
0x3fa: {  	s12 =	spop (v2sf);
	s7 =	sadd.f32 s7, s10  }
0x3fb: {  	s25 =	spop (v2sf)  }
0x3fc: {  	s13 =	spop (v2sf);
	s7 =	sadd.f32 s7, s23  }
0x3fd: {  	s26 =	spop (v2sf)  }
0x3fe: {  	s7 =	sadd.f32 s7, s11;
	s28 =	spop (v2sf)  }
0x3ff: {  	s11 =	ssub.s32 s28, s5  }
0x400: {  	s7 =	sadd.f32 s7, s24;
	p0 =	sgt.s32 s11, $0x0  }
0x401: {  	p1 =	slt.s32 s11, $0x1;
	s11 =	simm.s32 @!p0 $0x0  }
0x402: {  	s29 =	spop (v2sf);
	s7 =	sadd.f32 s7, s12;
	s11 =	smin.u32 s11, $0x400  }
0x403: {  	s8 =	ssub.s32 s29, s5;
	s30 =	sand.u32 $0xF, s11  }
0x404: {  	p2 =	sgt.s32 s8, $0x0;
	s7 =	sadd.f32 s7, s25;
	p6 =	sne.s32 s30, $0x0  }
0x405: {  	s8 =	simm.s32 @!p2 $0x0;
	p0 =	por !p1, !p6  }
0x406: {  	s8 =	smin.u32 s8, $0x400;
	s7 =	sadd.f32 s7, s13;
	p0 =	por !p0, !p0  }
0x407: {  	s31 =	sshrl.u32 s11, $0x4;
	s8 =	sadd.s32 $0xF, s8;
	s6 =	simm.s32 @!p0 $0x0  }
0x408: {  	s9 =	sadd.f32 s7, s26;
	s6 =	ssub.s32 s31, s6;
	s7 =	sshrl.u32 s8, $0x4  }
0x409: {  	p0 =	sle.s32 s7, s6  }
.Ltmp52:
0x40a: {  	_ = 	snop;
	(pc) =	sbr.rel @p0 .LBB2_98-.Ltmp52, $3  }
0x40b: {  	_ =	sdelay $0x1  }
0x40c: {  	vm0 =	veq.s32 v3, $0xC  }
0x40d: {  	v4 =	vsel vm0, s9, v4  }
0x40e: {  	p0 =	sgt.s32 s7, s6;
	s8 =	smov.u32 s6  }
0x40f: {  	s9 =	sadd.s32 $0x1, s6;
	s8 =	smov.u32 @p0 s7  }
0x410: {  	p1 =	slt.u32 s9, s8  }
.Ltmp53:
0x411: {  	_ = 	snop;
	(pc) =	sbr.rel @!p1 .LBB2_93-.Ltmp53, $3  }
0x412: {  	_ =	sdelay $0x1  }
0x413: {  	v2 =	vbroadcast v1, $0xD;
	s30 =	sshll.u32 s6, $0x6;
	s31 =	sshll.u32 s6, $0x4  }
0x414: {  	v3 =	vbroadcast v0, $0xD;
	v5 =	vimm.f32 $0.0e+00;
	v6 =	vlaneseq.u32;
	s7 =	sshra.s32 s30, $0x2;
	s6 =	sadd.s32 s31, s5;
	p0 =	por $0x0, $0x0  }
0x415: {  	s9 =	sadd.s32 $0x1, s9  }
0x416: {  	v7 =	vld [tilespmem:s7+$0x0];
	p1 =	slt.u32 s9, s8  }
.Ltmp54:
0x417: {  	_ = 	snop;
	(pc) =	sbr.rel @!p1 .LBB2_126-.Ltmp54, $4  }
0x418: {  	v8 =	vor.u32 s6, v6  }
0x419: {  	vm0 =	vge.s32 v8, v2;
	vm1 =	vlt.s32 v8, v3  }
0x41a: {  	vm0 =	vmand vm0, vm1  }
0x41b: {  	s7 =	sadd.s32 $0x10, s7;
	p0 =	por $0x1, $0x1;
	v8 =	vnsel vm0, $0x0, v7;
	v7 =	vimm.f32 $0.0e+00  }
0x41c: {  	s10 =	smov.u32 s6  }
.LBB2_96:
0x41d: {  	s9 =	sadd.s32 $0x1, s9  }
0x41e: {  	v9 =	vld [tilespmem:s7+$0x0];
	v7 =	vadd.f32 v8, v7;
	s10 =	sadd.s32 $0x10, s10;
	p1 =	slt.u32 s9, s8  }
.Ltmp55:
0x41f: {  	(pc) =	sbr.rel @p1 .LBB2_96-.Ltmp55, $4  }
0x420: {  	v8 =	vor.u32 s10, v6  }
0x421: {  	vm0 =	vge.s32 v8, v2;
	vm1 =	vlt.s32 v8, v3  }
0x422: {  	vm0 =	vmand vm0, vm1  }
0x423: {  	s7 =	sadd.s32 $0x10, s7;
	v8 =	vnsel vm0, $0x0, v9  }
.LBB2_97:
0x424: {  	v9 =	vld [tilespmem:s7+$0x0];
	s7 =	sadd.s32 @p0 $0x10, s10  }
0x425: {  	s6 =	smov.u32 @p0 s7  }
0x426: {  	v6 =	vor.u32 s6, v6  }
0x427: {  	v7 =	vadd.f32 @p0 v8, v7;
	vm0 =	vge.s32 v6, v2;
	vm1 =	vlt.s32 v6, v3  }
0x428: {  	vm0 =	vmand vm0, vm1  }
0x429: {  	v3 =	vpsel p0, v7, v5;
	v2 =	vnsel vm0, $0x0, v9  }
0x42a: {  	v2 =	vadd.f32 v2, v3  }
.LBB2_98:
0x42b: {  	_ = 	snop  }
0x42c: {  	(v2sf) =	vpush v2, $0x0  }
0x42d: {  	(v2sf) =	vpush v2, $0x1;
	_ =	sdelay $0x1  }
0x42e: {  	(v2sf) =	vpush v2, $0x2;
	_ =	sdelay $0x1  }
0x42f: {  	(v2sf) =	vpush v2, $0x3;
	_ =	sdelay $0x3  }
0x430: {  	(v2sf) =	vpush v2, $0x4  }
0x431: {  	(v2sf) =	vpush v2, $0x5  }
0x432: {  	(v2sf) =	vpush v2, $0x6  }
0x433: {  	(v2sf) =	vpush v2, $0x7  }
0x434: {  	(v2sf) =	vpush v2, $0x8  }
0x435: {  	(v2sf) =	vpush v2, $0x9  }
0x436: {  	s6 =	spop (v2sf);
	(v2sf) =	vpush v2, $0xA  }
0x437: {  	s7 =	spop (v2sf);
	(v2sf) =	vpush v2, $0xB  }
0x438: {  	(v2sf) =	vpush v2, $0xC  }
0x439: {  	s18 =	spop (v2sf);
	(v2sf) =	vpush v2, $0xD  }
0x43a: {  	(v2sf) =	vpush v2, $0xE  }
0x43b: {  	s19 =	spop (v2sf);
	(v2sf) =	vpush v2, $0xF  }
0x43c: {  	(v2sf) =	vpush v1, $0xE  }
0x43d: {  	s6 =	sadd.f32 s7, s6;
	_ =	sdelay $0x1  }
0x43e: {  	s6 =	sadd.f32 s6, s18;
	s20 =	spop (v2sf)  }
0x43f: {  	s21 =	spop (v2sf);
	(v2sf) =	vpush v0, $0xE  }
0x440: {  	s6 =	sadd.f32 s6, s19;
	s22 =	spop (v2sf)  }
0x441: {  	s8 =	spop (v2sf)  }
0x442: {  	s6 =	sadd.f32 s6, s20;
	s23 =	spop (v2sf)  }
0x443: {  	s9 =	spop (v2sf)  }
0x444: {  	s6 =	sadd.f32 s6, s21;
	s24 =	spop (v2sf)  }
0x445: {  	s10 =	spop (v2sf)  }
0x446: {  	s6 =	sadd.f32 s6, s22;
	s25 =	spop (v2sf)  }
0x447: {  	s11 =	spop (v2sf)  }
0x448: {  	s6 =	sadd.f32 s6, s8;
	s26 =	spop (v2sf)  }
0x449: {  	s12 =	spop (v2sf)  }
0x44a: {  	s6 =	sadd.f32 s6, s23;
	s28 =	spop (v2sf)  }
0x44b: {  	s8 =	ssub.s32 s28, s5  }
0x44c: {  	s6 =	sadd.f32 s6, s9;
	p0 =	sgt.s32 s8, $0x0  }
0x44d: {  	p1 =	slt.s32 s8, $0x1;
	s8 =	simm.s32 @!p0 $0x0  }
0x44e: {  	s6 =	sadd.f32 s6, s24;
	s29 =	spop (v2sf);
	s8 =	smin.u32 s8, $0x400  }
0x44f: {  	s7 =	ssub.s32 s29, s5;
	s30 =	sand.u32 $0xF, s8  }
0x450: {  	s6 =	sadd.f32 s6, s10;
	p2 =	sgt.s32 s7, $0x0;
	p6 =	sne.s32 s30, $0x0  }
0x451: {  	s9 =	simm.s32 $0x1;
	s7 =	simm.s32 @!p2 $0x0;
	p0 =	por !p1, !p6  }
0x452: {  	s6 =	sadd.f32 s6, s25;
	s7 =	smin.u32 s7, $0x400;
	p0 =	por !p0, !p0  }
0x453: {  	s8 =	sshrl.u32 s8, $0x4;
	s7 =	sadd.s32 $0xF, s7;
	s9 =	simm.s32 @!p0 $0x0  }
0x454: {  	s6 =	sadd.f32 s6, s11;
	s8 =	ssub.s32 s8, s9;
	s9 =	sshrl.u32 s7, $0x4  }
0x455: {  	p0 =	sle.s32 s9, s8  }
.Ltmp56:
0x456: {  	s6 =	sadd.f32 s6, s26;
	(pc) =	sbr.rel @p0 .LBB2_105-.Ltmp56, $4  }
0x457: {  	_ = 	snop  }
0x458: {  	v3 =	vlaneseq.u32;
	s31 =	sadd.f32 s6, s12  }
0x459: {  	vm0 =	veq.s32 v3, $0xD  }
0x45a: {  	v5 =	vimm.f32 $0.0e+00;
	v2 =	vimm.f32 $0.0e+00;
	s6 =	sshll.u32 s4, $0x4;
	s7 =	simm.s32 $0x1;
	v4 =	vsel vm0, s31, v4  }
0x45b: {  	p0 =	sgt.s32 s9, s8;
	s10 =	smov.u32 s8  }
0x45c: {  	s11 =	sadd.s32 $0x1, s8;
	s10 =	smov.u32 @p0 s9  }
0x45d: {  	p1 =	slt.u32 s11, s10  }
.Ltmp57:
0x45e: {  	_ = 	snop;
	(pc) =	sbr.rel @!p1 .LBB2_100-.Ltmp57, $3  }
0x45f: {  	_ =	sdelay $0x1  }
0x460: {  	s30 =	sshll.u32 s8, $0x6;
	s31 =	sshll.u32 s8, $0x4  }
0x461: {  	v5 =	vbroadcast v1, $0xE;
	v6 =	vbroadcast v0, $0xE;
	v7 =	vimm.f32 $0.0e+00;
	s9 =	sshra.s32 s30, $0x2;
	s8 =	sadd.s32 s31, s5;
	p0 =	por $0x0, $0x0  }
0x462: {  	s11 =	sadd.s32 $0x1, s11  }
0x463: {  	v8 =	vld [tilespmem:s9+$0x0];
	p1 =	slt.u32 s11, s10  }
.Ltmp58:
0x464: {  	_ = 	snop;
	(pc) =	sbr.rel @!p1 .LBB2_127-.Ltmp58, $4  }
0x465: {  	v9 =	vor.u32 s8, v3  }
0x466: {  	vm0 =	vge.s32 v9, v5;
	vm1 =	vlt.s32 v9, v6  }
0x467: {  	vm0 =	vmand vm0, vm1  }
0x468: {  	s9 =	sadd.s32 $0x10, s9;
	p0 =	por $0x1, $0x1;
	v9 =	vnsel vm0, $0x0, v8;
	v8 =	vimm.f32 $0.0e+00  }
0x469: {  	s12 =	smov.u32 s8  }
.LBB2_103:
0x46a: {  	s11 =	sadd.s32 $0x1, s11  }
0x46b: {  	v10 =	vld [tilespmem:s9+$0x0];
	v8 =	vadd.f32 v9, v8;
	s12 =	sadd.s32 $0x10, s12;
	p1 =	slt.u32 s11, s10  }
.Ltmp59:
0x46c: {  	(pc) =	sbr.rel @p1 .LBB2_103-.Ltmp59, $4  }
0x46d: {  	v9 =	vor.u32 s12, v3  }
0x46e: {  	vm0 =	vge.s32 v9, v5;
	vm1 =	vlt.s32 v9, v6  }
0x46f: {  	vm0 =	vmand vm0, vm1  }
0x470: {  	s9 =	sadd.s32 $0x10, s9;
	v9 =	vnsel vm0, $0x0, v10  }
.LBB2_104:
0x471: {  	v10 =	vld [tilespmem:s9+$0x0];
	s9 =	sadd.s32 @p0 $0x10, s12  }
0x472: {  	s8 =	smov.u32 @p0 s9  }
0x473: {  	v11 =	vor.u32 s8, v3  }
0x474: {  	v8 =	vadd.f32 @p0 v9, v8;
	vm0 =	vge.s32 v11, v5;
	vm1 =	vlt.s32 v11, v6  }
0x475: {  	vm0 =	vmand vm0, vm1  }
0x476: {  	v6 =	vpsel p0, v8, v7;
	v5 =	vnsel vm0, $0x0, v10  }
0x477: {  	v5 =	vadd.f32 v5, v6  }
.LBB2_105:
0x478: {  	_ = 	snop  }
0x479: {  	(v2sf) =	vpush v5, $0x0  }
0x47a: {  	(v2sf) =	vpush v5, $0x1;
	_ =	sdelay $0x1  }
0x47b: {  	(v2sf) =	vpush v5, $0x2;
	_ =	sdelay $0x1  }
0x47c: {  	(v2sf) =	vpush v5, $0x3;
	_ =	sdelay $0x2  }
0x47d: {  	(v2sf) =	vpush v5, $0x4  }
0x47e: {  	(v2sf) =	vpush v5, $0x5  }
0x47f: {  	(v2sf) =	vpush v5, $0x6  }
0x480: {  	(v2sf) =	vpush v5, $0x7  }
0x481: {  	(v2sf) =	vpush v5, $0x8  }
0x482: {  	(v2sf) =	vpush v5, $0x9  }
0x483: {  	(v2sf) =	vpush v5, $0xA  }
0x484: {  	s8 =	spop (v2sf);
	(v2sf) =	vpush v5, $0xB  }
0x485: {  	s9 =	spop (v2sf);
	(v2sf) =	vpush v5, $0xC  }
0x486: {  	(v2sf) =	vpush v5, $0xD  }
0x487: {  	s8 =	sadd.f32 s9, s8;
	s18 =	spop (v2sf);
	(v2sf) =	vpush v5, $0xE  }
0x488: {  	(v2sf) =	vpush v5, $0xF  }
0x489: {  	s19 =	spop (v2sf);
	s8 =	sadd.f32 s8, s18;
	(v2sf) =	vpush v1, $0xF  }
0x48a: {  	_ = 	snop  }
0x48b: {  	s8 =	sadd.f32 s8, s19  }
0x48c: {  	s20 =	spop (v2sf)  }
0x48d: {  	s21 =	spop (v2sf);
	(v2sf) =	vpush v0, $0xF;
	s8 =	sadd.f32 s8, s20  }
0x48e: {  	s10 =	spop (v2sf)  }
0x48f: {  	s22 =	spop (v2sf);
	s8 =	sadd.f32 s8, s21  }
0x490: {  	s11 =	spop (v2sf)  }
0x491: {  	s23 =	spop (v2sf);
	s8 =	sadd.f32 s8, s10  }
0x492: {  	s12 =	spop (v2sf)  }
0x493: {  	s8 =	sadd.f32 s8, s22;
	s24 =	spop (v2sf)  }
0x494: {  	s13 =	spop (v2sf)  }
0x495: {  	s8 =	sadd.f32 s8, s11;
	s25 =	spop (v2sf)  }
0x496: {  	s14 =	spop (v2sf)  }
0x497: {  	s8 =	sadd.f32 s8, s23;
	s26 =	spop (v2sf)  }
0x498: {  	s28 =	spop (v2sf)  }
0x499: {  	s8 =	sadd.f32 s8, s12;
	s12 =	ssub.s32 s28, s5  }
0x49a: {  	p0 =	sgt.s32 s12, $0x0  }
0x49b: {  	p1 =	slt.s32 s12, $0x1;
	s12 =	simm.s32 @!p0 $0x0  }
0x49c: {  	s29 =	spop (v2sf);
	s12 =	smin.u32 s12, $0x400  }
0x49d: {  	s9 =	ssub.s32 s29, s5;
	s30 =	sand.u32 $0xF, s12  }
0x49e: {  	s8 =	sadd.f32 s8, s24;
	p2 =	sgt.s32 s9, $0x0;
	p6 =	sne.s32 s30, $0x0  }
0x49f: {  	s9 =	simm.s32 @!p2 $0x0;
	p0 =	por !p1, !p6  }
0x4a0: {  	s8 =	sadd.f32 s8, s13;
	s9 =	smin.u32 s9, $0x400;
	p0 =	por !p0, !p0  }
0x4a1: {  	s31 =	sshrl.u32 s12, $0x4;
	s9 =	sadd.s32 $0xF, s9;
	s7 =	simm.s32 @!p0 $0x0  }
0x4a2: {  	s8 =	sadd.f32 s8, s25;
	s9 =	sshrl.u32 s9, $0x4;
	s7 =	ssub.s32 s31, s7  }
0x4a3: {  	p0 =	sle.s32 s9, s7  }
.Ltmp60:
0x4a4: {  	s8 =	sadd.f32 s8, s14;
	(pc) =	sbr.rel @p0 .LBB2_112-.Ltmp60, $4  }
0x4a5: {  	_ = 	snop  }
0x4a6: {  	s8 =	sadd.f32 s8, s26  }
0x4a7: {  	vm0 =	veq.s32 v3, $0xE  }
0x4a8: {  	s6 =	sadd.s32 s6, s3;
	v3 =	vsel vm0, s8, v4  }
0x4a9: {  	p0 =	sgt.s32 s9, s7;
	s8 =	smov.u32 s7  }
0x4aa: {  	s8 =	smov.u32 @p0 s9;
	s9 =	sadd.s32 $0x1, s7  }
0x4ab: {  	p1 =	slt.u32 s9, s8  }
.Ltmp61:
0x4ac: {  	_ = 	snop;
	(pc) =	sbr.rel @!p1 .LBB2_107-.Ltmp61, $3  }
0x4ad: {  	_ =	sdelay $0x1  }
0x4ae: {  	v1 =	vbroadcast v1, $0xF;
	s10 =	sshll.u32 s7, $0x6;
	s11 =	sshll.u32 s7, $0x4  }
0x4af: {  	v0 =	vbroadcast v0, $0xF;
	v2 =	vimm.f32 $0.0e+00;
	v4 =	vlaneseq.u32;
	s7 =	sshra.s32 s10, $0x2;
	s5 =	sadd.s32 s11, s5;
	p0 =	por $0x0, $0x0  }
0x4b0: {  	s9 =	sadd.s32 $0x1, s9  }
0x4b1: {  	v5 =	vld [tilespmem:s7+$0x0];
	p1 =	slt.u32 s9, s8  }
.Ltmp62:
0x4b2: {  	_ = 	snop;
	(pc) =	sbr.rel @!p1 .LBB2_128-.Ltmp62, $4  }
0x4b3: {  	v6 =	vor.u32 s5, v4  }
0x4b4: {  	vm0 =	vge.s32 v6, v1;
	vm1 =	vlt.s32 v6, v0  }
0x4b5: {  	vm0 =	vmand vm0, vm1  }
0x4b6: {  	s7 =	sadd.s32 $0x10, s7;
	p0 =	por $0x1, $0x1;
	v6 =	vnsel vm0, $0x0, v5;
	v5 =	vimm.f32 $0.0e+00  }
0x4b7: {  	s10 =	smov.u32 s5  }
.LBB2_110:
0x4b8: {  	s9 =	sadd.s32 $0x1, s9  }
0x4b9: {  	v7 =	vld [tilespmem:s7+$0x0];
	v5 =	vadd.f32 v6, v5;
	s10 =	sadd.s32 $0x10, s10;
	p1 =	slt.u32 s9, s8  }
.Ltmp63:
0x4ba: {  	(pc) =	sbr.rel @p1 .LBB2_110-.Ltmp63, $4  }
0x4bb: {  	v6 =	vor.u32 s10, v4  }
0x4bc: {  	vm0 =	vge.s32 v6, v1;
	vm1 =	vlt.s32 v6, v0  }
0x4bd: {  	vm0 =	vmand vm0, vm1  }
0x4be: {  	s7 =	sadd.s32 $0x10, s7;
	v6 =	vnsel vm0, $0x0, v7  }
.LBB2_111:
0x4bf: {  	v7 =	vld [tilespmem:s7+$0x0];
	s7 =	sadd.s32 @p0 $0x10, s10  }
0x4c0: {  	s5 =	smov.u32 @p0 s7  }
0x4c1: {  	v4 =	vor.u32 s5, v4  }
0x4c2: {  	v5 =	vadd.f32 @p0 v6, v5;
	vm0 =	vge.s32 v4, v1;
	vm1 =	vlt.s32 v4, v0  }
0x4c3: {  	vm0 =	vmand vm0, vm1  }
0x4c4: {  	v1 =	vpsel p0, v5, v2;
	v0 =	vnsel vm0, $0x0, v7  }
0x4c5: {  	v2 =	vadd.f32 v0, v1  }
.LBB2_112:
0x4c6: {  	_ = 	snop  }
0x4c7: {  	(v2sf) =	vpush v2, $0x0  }
0x4c8: {  	(v2sf) =	vpush v2, $0x1;
	_ =	sdelay $0x1  }
0x4c9: {  	(v2sf) =	vpush v2, $0x2;
	_ =	sdelay $0x1  }
0x4ca: {  	(v2sf) =	vpush v2, $0x3;
	_ =	sdelay $0x1  }
0x4cb: {  	(v2sf) =	vpush v2, $0x4;
	_ =	sdelay $0x1  }
0x4cc: {  	(v2sf) =	vpush v2, $0x5;
	_ =	sdelay $0x1  }
0x4cd: {  	(v2sf) =	vpush v2, $0x6;
	_ =	sdelay $0x1  }
0x4ce: {  	(v2sf) =	vpush v2, $0x7;
	_ =	sdelay $0x1  }
0x4cf: {  	s5 =	spop (v2sf);
	(v2sf) =	vpush v2, $0x8  }
0x4d0: {  	s7 =	spop (v2sf)  }
0x4d1: {  	(v2sf) =	vpush v2, $0x9;
	s5 =	sadd.f32 s7, s5  }
0x4d2: {  	s16 =	spop (v2sf)  }
0x4d3: {  	(v2sf) =	vpush v2, $0xA;
	s5 =	sadd.f32 s5, s16  }
0x4d4: {  	s17 =	spop (v2sf)  }
0x4d5: {  	(v2sf) =	vpush v2, $0xB;
	s5 =	sadd.f32 s5, s17  }
0x4d6: {  	s18 =	spop (v2sf)  }
0x4d7: {  	(v2sf) =	vpush v2, $0xC;
	s5 =	sadd.f32 s5, s18  }
0x4d8: {  	s19 =	spop (v2sf)  }
0x4d9: {  	(v2sf) =	vpush v2, $0xD;
	s5 =	sadd.f32 s5, s19  }
0x4da: {  	s20 =	spop (v2sf)  }
0x4db: {  	(v2sf) =	vpush v2, $0xE;
	s5 =	sadd.f32 s5, s20  }
0x4dc: {  	s21 =	spop (v2sf)  }
0x4dd: {  	(v2sf) =	vpush v2, $0xF;
	s5 =	sadd.f32 s5, s21  }
0x4de: {  	s22 =	spop (v2sf)  }
0x4df: {  	s5 =	sadd.f32 s5, s22  }
0x4e0: {  	s23 =	spop (v2sf)  }
0x4e1: {  	s5 =	sadd.f32 s5, s23  }
0x4e2: {  	s24 =	spop (v2sf)  }
0x4e3: {  	s5 =	sadd.f32 s5, s24  }
0x4e4: {  	s25 =	spop (v2sf)  }
0x4e5: {  	s5 =	sadd.f32 s5, s25  }
0x4e6: {  	s26 =	spop (v2sf)  }
0x4e7: {  	s5 =	sadd.f32 s5, s26  }
0x4e8: {  	s28 =	spop (v2sf)  }
0x4e9: {  	s5 =	sadd.f32 s5, s28  }
0x4ea: {  	s29 =	spop (v2sf)  }
0x4eb: {  	s5 =	sadd.f32 s5, s29  }
0x4ec: {  	s30 =	spop (v2sf)  }
0x4ed: {  	v0 =	vlaneseq.u32;
	s5 =	sadd.f32 s5, s30  }
0x4ee: {  	vm0 =	veq.s32 v0, $0xF  }
0x4ef: {  	v0 =	vsel vm0, s5, v3  }
0x4f0: {  	s31 =	simm.s32 $0x580;
	s5 =	simm.s32 $0x1;
	[tilespmem:$0x580] =	vst v0  }
0x4f1: {  	[spmem:s6] =	stream.linear.scatter [tilespmem:s31], [sflag:$0x1], $0x10, $0x38;
	[tilespmem:$0x790] =	vst v63  }
0x4f2: {  	_ =	swait.ge [sflag:s5], $0x10  }
0x4f3: {  	[sflag:s5] =	ssyncset.done $0x0  }
0x4f4: {  	[sflag:s5] =	ssyncadd.s32 $0xFFFFFFF0  }
0x4f5: {  	p0 =	sne.s32 s4, $0x0;
	[bflag:$0x0] =	sbarrier.arrive $0xFFFF  }
0x4f6: {  	_ =	sfence.sel @p0 $0x180000  }
0x4f7: {  	[bflag:$0x0] =	sbarrier.arrive @p0 $0xFFFF  }
0x4f8: {  	_ =	strace @p0 $0x90000047  }
0x4f9: {  	[bflag:$0x2] =	sbarrier.arrive @p0 $0xFFFF  }
0x4fa: {  	_ =	shalt @p0  }
.Ltmp64:
0x4fb: {  	_ = 	snop;
	(pc) =	sbr.rel .LBB2_129-.Ltmp64, $4  }
0x4fc: {  	_ = 	snop  }
0x4fd: {  	_ = 	snop  }
0x4fe: {  	_ = 	snop  }
0x4ff: {  	_ = 	snop  }
.LBB2_129:
0x500: {  	s4 =	simm.s32 $0x600  }
0x501: {  	[tilespmem:s4], [sflag:$0x1] =	stream.linear.gather [spmem:s3], $0x100, $0x38;
	[tilespmem:$0x790] =	vst v63  }
0x502: {  	_ =	swait.ge [sflag:s5], $0x100  }
0x503: {  	s2 =	sadd.s32 $0x1400, s2;
	[sflag:s5] =	ssyncset.done $0x0  }
0x504: {  	s29 =	simm.s32 $0x0;
	s30 =	simm.s32 $0x500;
	[sflag:s5] =	ssyncadd.s32 $0xFFFFFF00  }
0x505: {  	[tilespmem:s30], [sflag:$0x1] =	stream.linear.gather [hbm4b:s2+s29], $0x80, $0x38;
	[tilespmem:$0x790] =	vst v63  }
0x506: {  	_ =	swait.ge [sflag:s5], $0x80  }
0x507: {  	[sflag:s5] =	ssyncset.done $0x0  }
0x508: {  	[sflag:s5] =	ssyncadd.s32 $0xFFFFFF80  }
0x509: {  	v0 =	vld [tilespmem:$0x600];
	_ =	sdelay $0x1  }
0x50a: {  	v1 =	vld [tilespmem:$0x610];
	_ =	sdelay $0x1  }
0x50b: {  	v2 =	vld [tilespmem:$0x620]  }
0x50c: {  	v0 =	vadd.f32 $0.0e+00, v0  }
0x50d: {  	v3 =	vld [tilespmem:$0x630]  }
0x50e: {  	v0 =	vadd.f32 v1, v0  }
0x50f: {  	v50 =	vld [tilespmem:$0x640]  }
0x510: {  	v0 =	vadd.f32 v2, v0  }
0x511: {  	v51 =	vld [tilespmem:$0x650]  }
0x512: {  	v0 =	vadd.f32 v3, v0  }
0x513: {  	v52 =	vld [tilespmem:$0x660]  }
0x514: {  	v0 =	vadd.f32 v50, v0  }
0x515: {  	v53 =	vld [tilespmem:$0x670]  }
0x516: {  	v54 =	vld [tilespmem:$0x680];
	v0 =	vadd.f32 v51, v0  }
0x517: {  	v4 =	vld [tilespmem:$0x690]  }
0x518: {  	v55 =	vld [tilespmem:$0x480];
	v0 =	vadd.f32 v52, v0  }
0x519: {  	v5 =	vld [tilespmem:$0x400]  }
0x51a: {  	v0 =	vadd.f32 v53, v0  }
0x51b: {  	v56 =	vld [tilespmem:$0x6A0]  }
0x51c: {  	v0 =	vadd.f32 v54, v0  }
0x51d: {  	v57 =	vld [tilespmem:$0x6B0]  }
0x51e: {  	v3 =	vsub.s32 v55, v5;
	v0 =	vadd.f32 v4, v0  }
0x51f: {  	v58 =	vld [tilespmem:$0x6C0];
	v3 =	vcvt.s32.f32 v3  }
0x520: {  	v0 =	vadd.f32 v56, v0  }
0x521: {  	v59 =	vld [tilespmem:$0x6D0];
	v3 =	vmax.f32 v3, $1.000000000e+00  }
0x522: {  	(erf) = vrcp.f32 v3;
	v0 =	vadd.f32 v57, v0  }
0x523: {  	v60 =	vld [tilespmem:$0x6E0]  }
0x524: {  	v0 =	vadd.f32 v58, v0  }
0x525: {  	v61 =	vld [tilespmem:$0x6F0]  }
0x526: {  	v0 =	vadd.f32 v59, v0;
	_ =	sdelay $0x1  }
0x527: {  	v0 =	vadd.f32 v60, v0  }
0x528: {  	v62 =	vld [tilespmem:$0x500]  }
0x529: {  	v0 =	vadd.f32 v61, v0  }
0x52a: {  	v63 =	vpop (erf)  }
0x52b: {  	v0 =	vmul.f32 v63, v0;
	_ =	sdelay $0x1  }
0x52c: {  	v0 =	vadd.f32 v0, v62;
	_ =	sdelay $0x1  }
0x52d: {  	s31 =	simm.s32 $0x700;
	[tilespmem:$0x700] =	vst v0  }
0x52e: {  	[hbm4b:s1+s29] =	stream.linear.scatter [tilespmem:s31], [sflag:$0x1], $0x80, $0x38;
	[tilespmem:$0x790] =	vst v63  }
0x52f: {  	_ =	swait.ge [sflag:s5], $0x80  }
0x530: {  	[sflag:s5] =	ssyncset.done $0x0  }
0x531: {  	[sflag:s5] =	ssyncadd.s32 $0xFFFFFF80  }
0x532: {  	_ =	sfence.sel $0x180000  }
0x533: {  	[bflag:$0x0] =	sbarrier.arrive $0xFFFF  }
0x534: {  	_ =	strace $0x90000047  }
0x535: {  	s0 =	sadd.s32 $0x100000, s0;
	[bflag:$0x2] =	sbarrier.arrive $0xFFFF  }
0x536: {  	[sflag:s0] =	ssyncadd.tile.s32 $0x1;
	_ =	shalt  }
.LBB2_2:
.Ltmp65:
0x537: {  	(pc) =	sbr.rel .LBB2_6-.Ltmp65, $2  }
0x538: {  	_ =	sdelay $0x2  }
0x539: {  	v7 =	vimm.f32 $0.0e+00;
	s11 =	smov.u32 s7  }
.LBB2_9:
.Ltmp66:
0x53a: {  	(pc) =	sbr.rel .LBB2_13-.Ltmp66, $2  }
0x53b: {  	_ =	sdelay $0x2  }
0x53c: {  	v7 =	vimm.f32 $0.0e+00;
	s10 =	smov.u32 s6  }
.LBB2_16:
.Ltmp67:
0x53d: {  	(pc) =	sbr.rel .LBB2_20-.Ltmp67, $2  }
0x53e: {  	_ =	sdelay $0x2  }
0x53f: {  	v8 =	vimm.f32 $0.0e+00;
	s11 =	smov.u32 s7  }
.LBB2_23:
.Ltmp68:
0x540: {  	(pc) =	sbr.rel .LBB2_27-.Ltmp68, $2  }
0x541: {  	_ =	sdelay $0x2  }
0x542: {  	v7 =	vimm.f32 $0.0e+00;
	s10 =	smov.u32 s6  }
.LBB2_30:
.Ltmp69:
0x543: {  	(pc) =	sbr.rel .LBB2_34-.Ltmp69, $2  }
0x544: {  	_ =	sdelay $0x2  }
0x545: {  	v8 =	vimm.f32 $0.0e+00;
	s11 =	smov.u32 s7  }
.LBB2_37:
.Ltmp70:
0x546: {  	(pc) =	sbr.rel .LBB2_41-.Ltmp70, $2  }
0x547: {  	_ =	sdelay $0x2  }
0x548: {  	v7 =	vimm.f32 $0.0e+00;
	s10 =	smov.u32 s6  }
.LBB2_44:
.Ltmp71:
0x549: {  	(pc) =	sbr.rel .LBB2_48-.Ltmp71, $2  }
0x54a: {  	_ =	sdelay $0x2  }
0x54b: {  	v8 =	vimm.f32 $0.0e+00;
	s11 =	smov.u32 s7  }
.LBB2_51:
.Ltmp72:
0x54c: {  	(pc) =	sbr.rel .LBB2_55-.Ltmp72, $2  }
0x54d: {  	_ =	sdelay $0x2  }
0x54e: {  	v7 =	vimm.f32 $0.0e+00;
	s10 =	smov.u32 s6  }
.LBB2_58:
.Ltmp73:
0x54f: {  	(pc) =	sbr.rel .LBB2_62-.Ltmp73, $2  }
0x550: {  	_ =	sdelay $0x2  }
0x551: {  	v8 =	vimm.f32 $0.0e+00;
	s11 =	smov.u32 s7  }
.LBB2_65:
.Ltmp74:
0x552: {  	(pc) =	sbr.rel .LBB2_69-.Ltmp74, $2  }
0x553: {  	_ =	sdelay $0x2  }
0x554: {  	v7 =	vimm.f32 $0.0e+00;
	s10 =	smov.u32 s6  }
.LBB2_72:
.Ltmp75:
0x555: {  	(pc) =	sbr.rel .LBB2_76-.Ltmp75, $2  }
0x556: {  	_ =	sdelay $0x2  }
0x557: {  	v8 =	vimm.f32 $0.0e+00;
	s11 =	smov.u32 s7  }
.LBB2_79:
.Ltmp76:
0x558: {  	(pc) =	sbr.rel .LBB2_83-.Ltmp76, $2  }
0x559: {  	_ =	sdelay $0x2  }
0x55a: {  	v7 =	vimm.f32 $0.0e+00;
	s10 =	smov.u32 s6  }
.LBB2_86:
.Ltmp77:
0x55b: {  	(pc) =	sbr.rel .LBB2_90-.Ltmp77, $2  }
0x55c: {  	_ =	sdelay $0x2  }
0x55d: {  	v8 =	vimm.f32 $0.0e+00;
	s11 =	smov.u32 s7  }
.LBB2_93:
.Ltmp78:
0x55e: {  	(pc) =	sbr.rel .LBB2_97-.Ltmp78, $2  }
0x55f: {  	_ =	sdelay $0x2  }
0x560: {  	v7 =	vimm.f32 $0.0e+00;
	s10 =	smov.u32 s6  }
.LBB2_100:
.Ltmp79:
0x561: {  	(pc) =	sbr.rel .LBB2_104-.Ltmp79, $2  }
0x562: {  	_ =	sdelay $0x2  }
0x563: {  	v8 =	vimm.f32 $0.0e+00;
	s12 =	smov.u32 s8  }
.LBB2_107:
.Ltmp80:
0x564: {  	(pc) =	sbr.rel .LBB2_111-.Ltmp80, $2  }
0x565: {  	_ =	sdelay $0x2  }
0x566: {  	v5 =	vimm.f32 $0.0e+00;
	s10 =	smov.u32 s5  }
.LBB2_113:
.Ltmp81:
0x567: {  	(pc) =	sbr.rel .LBB2_6-.Ltmp81, $2  }
0x568: {  	_ =	sdelay $0x2  }
0x569: {  	v7 =	vimm.f32 $0.0e+00;
	s11 =	smov.u32 s7  }
.LBB2_114:
.Ltmp82:
0x56a: {  	(pc) =	sbr.rel .LBB2_13-.Ltmp82, $2  }
0x56b: {  	_ =	sdelay $0x2  }
0x56c: {  	v7 =	vimm.f32 $0.0e+00;
	s10 =	smov.u32 s6  }
.LBB2_115:
.Ltmp83:
0x56d: {  	(pc) =	sbr.rel .LBB2_20-.Ltmp83, $2  }
0x56e: {  	_ =	sdelay $0x2  }
0x56f: {  	v8 =	vimm.f32 $0.0e+00;
	s11 =	smov.u32 s7  }
.LBB2_116:
.Ltmp84:
0x570: {  	(pc) =	sbr.rel .LBB2_27-.Ltmp84, $2  }
0x571: {  	_ =	sdelay $0x2  }
0x572: {  	v7 =	vimm.f32 $0.0e+00;
	s10 =	smov.u32 s6  }
.LBB2_117:
.Ltmp85:
0x573: {  	(pc) =	sbr.rel .LBB2_34-.Ltmp85, $2  }
0x574: {  	_ =	sdelay $0x2  }
0x575: {  	v8 =	vimm.f32 $0.0e+00;
	s11 =	smov.u32 s7  }
.LBB2_118:
.Ltmp86:
0x576: {  	(pc) =	sbr.rel .LBB2_41-.Ltmp86, $2  }
0x577: {  	_ =	sdelay $0x2  }
0x578: {  	v7 =	vimm.f32 $0.0e+00;
	s10 =	smov.u32 s6  }
.LBB2_119:
.Ltmp87:
0x579: {  	(pc) =	sbr.rel .LBB2_48-.Ltmp87, $2  }
0x57a: {  	_ =	sdelay $0x2  }
0x57b: {  	v8 =	vimm.f32 $0.0e+00;
	s11 =	smov.u32 s7  }
.LBB2_120:
.Ltmp88:
0x57c: {  	(pc) =	sbr.rel .LBB2_55-.Ltmp88, $2  }
0x57d: {  	_ =	sdelay $0x2  }
0x57e: {  	v7 =	vimm.f32 $0.0e+00;
	s10 =	smov.u32 s6  }
.LBB2_121:
.Ltmp89:
0x57f: {  	(pc) =	sbr.rel .LBB2_62-.Ltmp89, $2  }
0x580: {  	_ =	sdelay $0x2  }
0x581: {  	v8 =	vimm.f32 $0.0e+00;
	s11 =	smov.u32 s7  }
.LBB2_122:
.Ltmp90:
0x582: {  	(pc) =	sbr.rel .LBB2_69-.Ltmp90, $2  }
0x583: {  	_ =	sdelay $0x2  }
0x584: {  	v7 =	vimm.f32 $0.0e+00;
	s10 =	smov.u32 s6  }
.LBB2_123:
.Ltmp91:
0x585: {  	(pc) =	sbr.rel .LBB2_76-.Ltmp91, $2  }
0x586: {  	_ =	sdelay $0x2  }
0x587: {  	v8 =	vimm.f32 $0.0e+00;
	s11 =	smov.u32 s7  }
.LBB2_124:
.Ltmp92:
0x588: {  	(pc) =	sbr.rel .LBB2_83-.Ltmp92, $2  }
0x589: {  	_ =	sdelay $0x2  }
0x58a: {  	v7 =	vimm.f32 $0.0e+00;
	s10 =	smov.u32 s6  }
.LBB2_125:
.Ltmp93:
0x58b: {  	(pc) =	sbr.rel .LBB2_90-.Ltmp93, $2  }
0x58c: {  	_ =	sdelay $0x2  }
0x58d: {  	v8 =	vimm.f32 $0.0e+00;
	s11 =	smov.u32 s7  }
.LBB2_126:
.Ltmp94:
0x58e: {  	(pc) =	sbr.rel .LBB2_97-.Ltmp94, $2  }
0x58f: {  	_ =	sdelay $0x2  }
0x590: {  	v7 =	vimm.f32 $0.0e+00;
	s10 =	smov.u32 s6  }
.LBB2_127:
.Ltmp95:
0x591: {  	(pc) =	sbr.rel .LBB2_104-.Ltmp95, $2  }
0x592: {  	_ =	sdelay $0x2  }
0x593: {  	v8 =	vimm.f32 $0.0e+00;
	s12 =	smov.u32 s8  }
.LBB2_128:
.Ltmp96:
0x594: {  	(pc) =	sbr.rel .LBB2_111-.Ltmp96, $2  }
0x595: {  	_ =	sdelay $0x2  }
0x596: {  	v5 =	vimm.f32 $0.0e+00;
	s10 =	smov.u32 s5  }
.Lfunc_end2:
_tile_overlayer_lowered:
.L_overlay_start_2:
0x597: {  	(tag) =	ssettag $0x2  }
0x598: {  	s0 =	rddreg [dreg:$0x0];
	s2 =	stileid.u32  }
0x599: {  	s1 =	rddreg [dreg:$0x1];
	p0 =	sne.s32 s2, $0x0  }
0x59a: {  	s3 =	rddreg [dreg:$0x2];
	[bflag:$0x3] =	sbarrier.arrive $0xFFFF;
	s2 =	simm.s32 @!p0 $0x1C01  }
0x59b: {  	[timem:s3], [sflag:s2] =	dma.local @!p0 [hbm:s0], s1  }
0x59c: {  	s0 =	simm.s32 @!p0 $0x1  }
0x59d: {  	_ =	swait.ge @!p0 [sflag:s0], s1  }
0x59e: {  	s1 =	ssub.s32 @!p0 $0x0, s1;
	[sflag:s0] =	ssyncset.done @!p0 $0x0  }
0x59f: {  	[sflag:s0] =	ssyncadd.s32 @!p0 s1  }
0x5a0: {  	[bflag:$0x3] =	sbarrier.arrive $0xFFFF  }
0x5a1: {  	_ =	shalt  }

</sc_bundles>
